<compile_context>
chip_gen: v7x
topology: tpu7x:2x2x1
jax: 0.10.2.dev20260603
libtpu: 0.0.44.dev20260713+nightly
codegen_flags: <defaults>
</compile_context>

<pallas_src>
import functools

import jax
import jax.numpy as jnp
from jax import lax
from jax.experimental import pallas as pl
from jax.experimental.pallas import tpu as pltpu
from jax.experimental.pallas import tpu_sc as plsc

VOCAB = 1000
EMB = 16
N = 50

_NC, _NS = 2, 16
_NW = _NC * _NS
_L = 16
_GATHER_CHUNK = 128

B_SC = 1024
BATCH_BLK = 64


def _argmax_body(x_ref, tok_ref):
    xb = x_ref[...]
    m = jnp.max(xb, axis=-1, keepdims=True)
    col = lax.broadcasted_iota(jnp.int32, xb.shape, 2)
    masked = jnp.where(xb == m, col, VOCAB)
    tok_ref[...] = jnp.min(masked, axis=-1)


def _argmax_tokens_tc(x, b_lo):
    b, n, vocab = x.shape
    ntc = b - b_lo
    grid = ntc // BATCH_BLK
    off = b_lo // BATCH_BLK
    return pl.pallas_call(
        _argmax_body,
        grid=(grid,),
        in_specs=[pl.BlockSpec((BATCH_BLK, n, vocab), lambda i: (i + off, 0, 0))],
        out_specs=pl.BlockSpec((BATCH_BLK, n), lambda i: (i, 0)),
        out_shape=jax.ShapeDtypeStruct((ntc, n), jnp.int32),
        compiler_params=pltpu.CompilerParams(
            dimension_semantics=("arbitrary",)
        ),
    )(x)


def _make_sc_argmax(b, n, vocab):
    rpt = B_SC // _NW
    nfull = vocab // _L - (0 if vocab % _L else 1)
    mesh = plsc.VectorSubcoreMesh(core_axis_name="c", subcore_axis_name="s")

    @functools.partial(
        pl.kernel,
        mesh=mesh,
        out_type=jax.ShapeDtypeStruct((B_SC * n,), jnp.int32),
        scratch_types=[
            pltpu.VMEM((2, n, vocab), jnp.float32),
            pltpu.VMEM((rpt * n,), jnp.int32),
            pltpu.SemaphoreType.DMA,
            pltpu.SemaphoreType.DMA,
        ],
        compiler_params=pltpu.CompilerParams(needs_layout_passes=False),
    )
    def sc_argmax(x_hbm, tok_hbm, bufs, toks, sem0, sem1):
        wid = lax.axis_index("s") * _NC + lax.axis_index("c")
        b0 = wid * rpt
        sems = (sem0, sem1)
        ii = lax.iota(jnp.int32, _L)
        neginf = jnp.full((_L,), -jnp.inf, jnp.float32)

        offs = [c * _L for c in range(nfull)] + [vocab - _L]

        def row_argmax(buf_k, bi):
            def body(nn, _):
                nacc = 4
                vms = [neginf] * nacc
                vis = [ii] * nacc
                for a, off in enumerate(offs):
                    k = a % nacc
                    v = buf_k[nn, pl.ds(off, _L)]
                    gt = v > vms[k]
                    vms[k] = jnp.where(gt, v, vms[k])
                    vis[k] = jnp.where(gt, ii + off, vis[k])
                while len(vms) > 1:
                    va, vb = vms.pop(), vms.pop()
                    ia, ib = vis.pop(), vis.pop()
                    takea = (va > vb) | ((va == vb) & (ia < ib))
                    vms.append(jnp.where(takea, va, vb))
                    vis.append(jnp.where(takea, ia, ib))
                vm, vi = vms[0], vis[0]
                maxv = jnp.max(vm)
                sel = jnp.where(vm == maxv, vi, vocab)
                tok = jnp.min(sel)
                plsc.store_scatter(
                    toks,
                    [jnp.full((_L,), bi * n + nn, jnp.int32)],
                    jnp.full((_L,), tok, jnp.int32),
                    mask=ii == 0,
                )
                return 0

            lax.fori_loop(0, n, body, 0)

        pltpu.async_copy(x_hbm.at[b0], bufs.at[0], sems[0])
        pltpu.async_copy(x_hbm.at[b0 + 1], bufs.at[1], sems[1])

        def outer(i2, _):
            for k in range(2):
                bi = i2 * 2 + k
                pltpu.make_async_copy(x_hbm.at[b0], bufs.at[k], sems[k]).wait()
                row_argmax(bufs.at[k], bi)
                nxt = bi + 2

                @pl.when(nxt < rpt)
                def _():
                    pltpu.async_copy(x_hbm.at[b0 + nxt], bufs.at[k], sems[k])

            return 0

        lax.fori_loop(0, rpt // 2, outer, 0)
        pltpu.sync_copy(toks, tok_hbm.at[pl.ds(b0 * n, rpt * n)])

    return sc_argmax


def _make_sc_gather(nrows):
    b_per_w = nrows // _NW
    n_full, tail = divmod(b_per_w, _GATHER_CHUNK)
    chunks = [_GATHER_CHUNK] * n_full + ([tail] if tail else [])
    w_split = B_SC * N // b_per_w
    tc_rows = b_per_w // N
    mesh = plsc.VectorSubcoreMesh(core_axis_name="c", subcore_axis_name="s")

    @functools.partial(
        pl.kernel,
        mesh=mesh,
        out_type=jax.ShapeDtypeStruct((nrows, EMB), jnp.float32),
        scratch_types=[
            pltpu.VMEM((b_per_w,), jnp.int32),
            pltpu.VMEM((tc_rows, N), jnp.int32),
            pltpu.VMEM((b_per_w, EMB), jnp.float32),
            pltpu.SemaphoreType.DMA,
        ],
        compiler_params=pltpu.CompilerParams(use_tc_tiling_on_sc=False),
    )
    def gather(table_hbm, idx_sc_hbm, idx_tc_hbm, out_hbm, idx_v, idx2_v,
               rows_v, sem):
        wid = lax.axis_index("s") * _NC + lax.axis_index("c")
        base = wid * b_per_w

        @pl.when(wid < w_split)
        def _():
            pltpu.sync_copy(idx_sc_hbm.at[pl.ds(base, b_per_w)], idx_v)
            handles = []
            off = 0
            for sz in chunks:
                handles.append(
                    pltpu.async_copy(
                        table_hbm.at[idx_v.at[pl.ds(off, sz)]],
                        rows_v.at[pl.ds(off, sz)],
                        sem,
                    )
                )
                off += sz
            for h in handles:
                h.wait()

        @pl.when(wid >= w_split)
        def _():
            pltpu.sync_copy(
                idx_tc_hbm.at[pl.ds((wid - w_split) * tc_rows, tc_rows)],
                idx2_v,
            )
            handles = []
            for r in range(tc_rows):
                handles.append(
                    pltpu.async_copy(
                        table_hbm.at[idx2_v.at[r]],
                        rows_v.at[pl.ds(r * N, N)],
                        sem,
                    )
                )
            for h in handles:
                h.wait()

        pltpu.sync_copy(rows_v, out_hbm.at[pl.ds(base, b_per_w)])

    return gather


def kernel(x, table):
    b, n, vocab = x.shape
    nrows = b * n
    tok_sc = _make_sc_argmax(b, n, vocab)(x)
    if B_SC < b:
        tok_tc = _argmax_tokens_tc(x, B_SC)
    else:
        tok_tc = jnp.zeros((b, n), jnp.int32)
    out = _make_sc_gather(nrows)(table, tok_sc, tok_tc)
    return out.reshape(b, n, EMB)

# --- scband reference (transcript-rebuilt; emitter-appended) ---
"""Pipeline reference for scband-one-hot-dictionary-29102698398243 (READ-ONLY COPY).

The authoritative reference and input builder live on the scoring server;
editing this copy changes nothing except your own understanding.
"""

import jax, jax.numpy as jnp
import numpy as np

VOCAB_SIZE = 1000
EMB_SIZE = 16
B, N = 1024, 50

def setup_inputs(seed: int = 0) -> dict:
    key = jax.random.key(seed)
    k1, k2 = jax.random.split(key)
    x = jax.random.normal(k1, (B, N, VOCAB_SIZE), dtype=jnp.float32)
    # Embedding table (keras layers.Embedding default: uniform init)
    table = jax.random.uniform(k2, (VOCAB_SIZE, EMB_SIZE), dtype=jnp.float32, minval=-0.05, maxval=0.05)
    return {"x": x, "table": table}

def reference(x, table):
    # tokens = argmax over vocab dim
    tokens = jnp.argmax(x, axis=-1)  # [B, N] int
    # embedding lookup (gather)
    token_embs = jnp.take(table, tokens, axis=0)  # [B, N, EMB_SIZE]
    return token_embs

if __name__ == "__main__":
    import jax
    _d = setup_inputs()
    print(jax.jit(kernel)(*tuple(_d.values())))

</pallas_src>

<mosaic_0001>
#map = affine_map<(d0, d1) -> (0, 0, 0)>
#map1 = affine_map<(d0, d1) -> (0)>
module attributes {stable_mosaic.version = 14 : i64} {
  func.func @sc_argmax(%arg0: i32, %arg1: i32, %arg2: memref<1024x50x1000xf32, #tpu.memory_space<hbm>>, %arg3: memref<51200xi32, #tpu.memory_space<hbm>>, %arg4: memref<2x50x1000xf32, #tpu.memory_space<vmem>>, %arg5: memref<1600xi32, #tpu.memory_space<vmem>>, %arg6: memref<!tpu.dma_semaphore, #tpu.memory_space<semaphore_mem>>, %arg7: memref<!tpu.dma_semaphore, #tpu.memory_space<semaphore_mem>>) attributes {dimension_semantics = [#tpu.dimension_semantics<core_parallel>, #tpu.dimension_semantics<subcore_parallel>], iteration_bounds = array<i64: 2, 16>, scalar_prefetch = 0 : i64, scratch_operands = 4 : i64, tpu.core_type = #tpu.core_type<sc_vector_subcore>, window_params = [{transform_indices = #map}, {transform_indices = #map1}]} {
    %mul3A = arith.constant 2 : i32
    %mul3A_0 = arith.muli %arg1, %mul3A : i32
    %add3A = arith.addi %mul3A_0, %arg0 : i32
    %mul3A_1 = arith.constant 32 : i32
    %mul3A_2 = arith.muli %add3A, %mul3A_1 : i32
    %iota3A = tpu.iota {dimensions = array<i32: 0>} : vector<16xi32>
    %broadcast_in_dim3A = arith.constant 0xFF800000 : f32
    %broadcast_in_dim3A_3 = vector.broadcast %broadcast_in_dim3A : f32 to vector<16xf32>
    %dma_start3A = arith.constant 0 : i32
    %dma_start3A_4 = arith.constant 0 : i32
    %dma_start3A_5 = arith.constant 0 : i32
    %dma_start3A_6 = tpu.memref_slice %arg4[%dma_start3A, %dma_start3A_4, %dma_start3A_5] : memref<2x50x1000xf32, #tpu.memory_space<vmem>> -> memref<1x50x1000xf32, #tpu.memory_space<vmem>>
    %dma_start3A_7 = tpu.memref_squeeze %dma_start3A_6 : memref<1x50x1000xf32, #tpu.memory_space<vmem>> -> memref<50x1000xf32, #tpu.memory_space<vmem>>
    %dma_start3A_8 = arith.constant 0 : i32
    %dma_start3A_9 = arith.constant 0 : i32
    %dma_start3A_10 = tpu.memref_slice %arg2[%mul3A_2, %dma_start3A_8, %dma_start3A_9] : memref<1024x50x1000xf32, #tpu.memory_space<hbm>> -> memref<1x50x1000xf32, #tpu.memory_space<hbm>>
    %dma_start3A_11 = tpu.memref_squeeze %dma_start3A_10 : memref<1x50x1000xf32, #tpu.memory_space<hbm>> -> memref<50x1000xf32, #tpu.memory_space<hbm>>
    %dma_start3A_12 = arith.constant 0 : i32
    %dma_start3A_13 = arith.constant 0 : i32
    %dma_start3A_14 = tpu.memref_slice %arg4[%dma_start3A, %dma_start3A_12, %dma_start3A_13] : memref<2x50x1000xf32, #tpu.memory_space<vmem>> -> memref<1x50x1000xf32, #tpu.memory_space<vmem>>
    %dma_start3A_15 = tpu.memref_squeeze %dma_start3A_14 : memref<1x50x1000xf32, #tpu.memory_space<vmem>> -> memref<50x1000xf32, #tpu.memory_space<vmem>>
    %dma_start3A_16 = arith.constant 0 : i32
    %dma_start3A_17 = arith.constant 0 : i32
    %dma_start3A_18 = tpu.memref_slice %arg2[%mul3A_2, %dma_start3A_16, %dma_start3A_17] : memref<1024x50x1000xf32, #tpu.memory_space<hbm>> -> memref<1x50x1000xf32, #tpu.memory_space<hbm>>
    %dma_start3A_19 = tpu.memref_squeeze %dma_start3A_18 : memref<1x50x1000xf32, #tpu.memory_space<hbm>> -> memref<50x1000xf32, #tpu.memory_space<hbm>>
    tpu.enqueue_dma source(%dma_start3A_19 : memref<50x1000xf32, #tpu.memory_space<hbm>>) target(%dma_start3A_15 : memref<50x1000xf32, #tpu.memory_space<vmem>>) target_semaphore(%arg6 : memref<!tpu.dma_semaphore, #tpu.memory_space<semaphore_mem>>)
    %add3A_20 = arith.constant 1 : i32
    %add3A_21 = arith.addi %mul3A_2, %add3A_20 : i32
    %dma_start3A_22 = arith.constant 1 : i32
    %dma_start3A_23 = arith.constant 0 : i32
    %dma_start3A_24 = arith.constant 0 : i32
    %dma_start3A_25 = tpu.memref_slice %arg4[%dma_start3A_22, %dma_start3A_23, %dma_start3A_24] : memref<2x50x1000xf32, #tpu.memory_space<vmem>> -> memref<1x50x1000xf32, #tpu.memory_space<vmem>>
    %dma_start3A_26 = tpu.memref_squeeze %dma_start3A_25 : memref<1x50x1000xf32, #tpu.memory_space<vmem>> -> memref<50x1000xf32, #tpu.memory_space<vmem>>
    %dma_start3A_27 = arith.constant 0 : i32
    %dma_start3A_28 = arith.constant 0 : i32
    %dma_start3A_29 = tpu.memref_slice %arg2[%add3A_21, %dma_start3A_27, %dma_start3A_28] : memref<1024x50x1000xf32, #tpu.memory_space<hbm>> -> memref<1x50x1000xf32, #tpu.memory_space<hbm>>
    %dma_start3A_30 = tpu.memref_squeeze %dma_start3A_29 : memref<1x50x1000xf32, #tpu.memory_space<hbm>> -> memref<50x1000xf32, #tpu.memory_space<hbm>>
    %dma_start3A_31 = arith.constant 0 : i32
    %dma_start3A_32 = arith.constant 0 : i32
    %dma_start3A_33 = tpu.memref_slice %arg4[%dma_start3A_22, %dma_start3A_31, %dma_start3A_32] : memref<2x50x1000xf32, #tpu.memory_space<vmem>> -> memref<1x50x1000xf32, #tpu.memory_space<vmem>>
    %dma_start3A_34 = tpu.memref_squeeze %dma_start3A_33 : memref<1x50x1000xf32, #tpu.memory_space<vmem>> -> memref<50x1000xf32, #tpu.memory_space<vmem>>
    %dma_start3A_35 = arith.constant 0 : i32
    %dma_start3A_36 = arith.constant 0 : i32
    %dma_start3A_37 = tpu.memref_slice %arg2[%add3A_21, %dma_start3A_35, %dma_start3A_36] : memref<1024x50x1000xf32, #tpu.memory_space<hbm>> -> memref<1x50x1000xf32, #tpu.memory_space<hbm>>
    %dma_start3A_38 = tpu.memref_squeeze %dma_start3A_37 : memref<1x50x1000xf32, #tpu.memory_space<hbm>> -> memref<50x1000xf32, #tpu.memory_space<hbm>>
    tpu.enqueue_dma source(%dma_start3A_38 : memref<50x1000xf32, #tpu.memory_space<hbm>>) target(%dma_start3A_34 : memref<50x1000xf32, #tpu.memory_space<vmem>>) target_semaphore(%arg7 : memref<!tpu.dma_semaphore, #tpu.memory_space<semaphore_mem>>)
    %scan3A = arith.constant 0 : i32
    %scan3A_39 = arith.constant 0 : i32
    %scan3A_40 = arith.constant 16 : i32
    %scan3A_41 = arith.addi %scan3A_39, %scan3A_40 : i32
    %scan3A_42 = arith.constant 1 : i32
    %scan3A_43 = scf.for %scan3A_47 = %scan3A_39 to %scan3A_41 step %scan3A_42 iter_args(%scan3A_48 = %scan3A) -> (i32)  : i32 {
      %mul3A_49 = arith.constant 2 : i32
      %mul3A_50 = arith.muli %scan3A_47, %mul3A_49 : i32
      %add3A_51 = arith.constant 0 : i32
      %add3A_52 = arith.addi %mul3A_50, %add3A_51 : i32
      %dma_wait3A = arith.constant 0 : i32
      %dma_wait3A_53 = arith.constant 0 : i32
      %dma_wait3A_54 = arith.constant 0 : i32
      %dma_wait3A_55 = tpu.memref_slice %arg4[%dma_wait3A, %dma_wait3A_53, %dma_wait3A_54] : memref<2x50x1000xf32, #tpu.memory_space<vmem>> -> memref<1x50x1000xf32, #tpu.memory_space<vmem>>
      %dma_wait3A_56 = tpu.memref_squeeze %dma_wait3A_55 : memref<1x50x1000xf32, #tpu.memory_space<vmem>> -> memref<50x1000xf32, #tpu.memory_space<vmem>>
      %dma_wait3A_57 = arith.constant 0 : i32
      %dma_wait3A_58 = arith.constant 0 : i32
      %dma_wait3A_59 = tpu.memref_slice %arg2[%mul3A_2, %dma_wait3A_57, %dma_wait3A_58] : memref<1024x50x1000xf32, #tpu.memory_space<hbm>> -> memref<1x50x1000xf32, #tpu.memory_space<hbm>>
      %dma_wait3A_60 = tpu.memref_squeeze %dma_wait3A_59 : memref<1x50x1000xf32, #tpu.memory_space<hbm>> -> memref<50x1000xf32, #tpu.memory_space<hbm>>
      %dma_wait3A_61 = arith.constant 0 : i32
      %dma_wait3A_62 = arith.constant 0 : i32
      %dma_wait3A_63 = tpu.memref_slice %arg4[%dma_wait3A, %dma_wait3A_61, %dma_wait3A_62] : memref<2x50x1000xf32, #tpu.memory_space<vmem>> -> memref<1x50x1000xf32, #tpu.memory_space<vmem>>
      %dma_wait3A_64 = tpu.memref_squeeze %dma_wait3A_63 : memref<1x50x1000xf32, #tpu.memory_space<vmem>> -> memref<50x1000xf32, #tpu.memory_space<vmem>>
      %dma_wait3A_65 = arith.constant 0 : i32
      %dma_wait3A_66 = arith.constant 0 : i32
      %dma_wait3A_67 = tpu.memref_slice %arg2[%mul3A_2, %dma_wait3A_65, %dma_wait3A_66] : memref<1024x50x1000xf32, #tpu.memory_space<hbm>> -> memref<1x50x1000xf32, #tpu.memory_space<hbm>>
      %dma_wait3A_68 = tpu.memref_squeeze %dma_wait3A_67 : memref<1x50x1000xf32, #tpu.memory_space<hbm>> -> memref<50x1000xf32, #tpu.memory_space<hbm>>
      tpu.wait_dma2 semaphore(%arg6 : memref<!tpu.dma_semaphore, #tpu.memory_space<semaphore_mem>>) src(%dma_wait3A_68 : memref<50x1000xf32, #tpu.memory_space<hbm>>) dst(%dma_wait3A_64 : memref<50x1000xf32, #tpu.memory_space<vmem>>)
      %scan3A_69 = arith.constant 0 : i32
      %scan3A_70 = arith.constant 0 : i32
      %scan3A_71 = arith.constant 0 : i32
      %scan3A_72 = arith.constant 50 : i32
      %scan3A_73 = arith.addi %scan3A_71, %scan3A_72 : i32
      %scan3A_74 = arith.constant 1 : i32
      %scan3A_75 = scf.for %scan3A_118 = %scan3A_71 to %scan3A_73 step %scan3A_74 iter_args(%scan3A_119 = %scan3A_70) -> (i32)  : i32 {
        %get3A = arith.constant 0 : i32
        %get3A_120 = arith.constant 0 : i32
        %get3A_121 = tpu.memref_slice %arg4[%scan3A_69, %get3A, %get3A_120] : memref<2x50x1000xf32, #tpu.memory_space<vmem>> -> memref<1x50x1000xf32, #tpu.memory_space<vmem>>
        %get3A_122 = tpu.memref_squeeze %get3A_121 : memref<1x50x1000xf32, #tpu.memory_space<vmem>> -> memref<50x1000xf32, #tpu.memory_space<vmem>>
        %get3A_123 = arith.index_cast %scan3A_118 : i32 to index
        %get3A_124 = arith.constant 0 : index
        %get3A_125 = tpu.vector_load %get3A_122[%get3A_123, %get3A_124] {strides = array<i32>} : memref<50x1000xf32, #tpu.memory_space<vmem>>, vector<16xf32>,
        %gt3A = arith.cmpf ogt, %get3A_125, %broadcast_in_dim3A_3 : vector<16xf32>
        %select_n3A = arith.select %gt3A, %get3A_125, %broadcast_in_dim3A_3 : vector<16xi1>, vector<16xf32>
        %add3A_126 = arith.constant 0 : i32
        %add3A_127 = vector.broadcast %add3A_126 : i32 to vector<16xi32>
        %add3A_128 = arith.addi %iota3A, %add3A_127 : vector<16xi32>
        %select_n3A_129 = arith.select %gt3A, %add3A_128, %iota3A : vector<16xi1>, vector<16xi32>
        %get3A_130 = arith.constant 0 : i32
        %get3A_131 = arith.constant 0 : i32
        %get3A_132 = tpu.memref_slice %arg4[%scan3A_69, %get3A_130, %get3A_131] : memref<2x50x1000xf32, #tpu.memory_space<vmem>> -> memref<1x50x1000xf32, #tpu.memory_space<vmem>>
        %get3A_133 = tpu.memref_squeeze %get3A_132 : memref<1x50x1000xf32, #tpu.memory_space<vmem>> -> memref<50x1000xf32, #tpu.memory_space<vmem>>
        %get3A_134 = arith.index_cast %scan3A_118 : i32 to index
        %get3A_135 = arith.constant 16 : index
        %get3A_136 = tpu.vector_load %get3A_133[%get3A_134, %get3A_135] {strides = array<i32>} : memref<50x1000xf32, #tpu.memory_space<vmem>>, vector<16xf32>,
        %gt3A_137 = arith.cmpf ogt, %get3A_136, %broadcast_in_dim3A_3 : vector<16xf32>
        %select_n3A_138 = arith.select %gt3A_137, %get3A_136, %broadcast_in_dim3A_3 : vector<16xi1>, vector<16xf32>
        %add3A_139 = arith.constant 16 : i32
        %add3A_140 = vector.broadcast %add3A_139 : i32 to vector<16xi32>
        %add3A_141 = arith.addi %iota3A, %add3A_140 : vector<16xi32>
        %select_n3A_142 = arith.select %gt3A_137, %add3A_141, %iota3A : vector<16xi1>, vector<16xi32>
        %get3A_143 = arith.constant 0 : i32
        %get3A_144 = arith.constant 0 : i32
        %get3A_145 = tpu.memref_slice %arg4[%scan3A_69, %get3A_143, %get3A_144] : memref<2x50x1000xf32, #tpu.memory_space<vmem>> -> memref<1x50x1000xf32, #tpu.memory_space<vmem>>
        %get3A_146 = tpu.memref_squeeze %get3A_145 : memref<1x50x1000xf32, #tpu.memory_space<vmem>> -> memref<50x1000xf32, #tpu.memory_space<vmem>>
        %get3A_147 = arith.index_cast %scan3A_118 : i32 to index
        %get3A_148 = arith.constant 32 : index
        %get3A_149 = tpu.vector_load %get3A_146[%get3A_147, %get3A_148] {strides = array<i32>} : memref<50x1000xf32, #tpu.memory_space<vmem>>, vector<16xf32>,
        %gt3A_150 = arith.cmpf ogt, %get3A_149, %broadcast_in_dim3A_3 : vector<16xf32>
        %select_n3A_151 = arith.select %gt3A_150, %get3A_149, %broadcast_in_dim3A_3 : vector<16xi1>, vector<16xf32>
        %add3A_152 = arith.constant 32 : i32
        %add3A_153 = vector.broadcast %add3A_152 : i32 to vector<16xi32>
        %add3A_154 = arith.addi %iota3A, %add3A_153 : vector<16xi32>
        %select_n3A_155 = arith.select %gt3A_150, %add3A_154, %iota3A : vector<16xi1>, vector<16xi32>
        %get3A_156 = arith.constant 0 : i32
        %get3A_157 = arith.constant 0 : i32
        %get3A_158 = tpu.memref_slice %arg4[%scan3A_69, %get3A_156, %get3A_157] : memref<2x50x1000xf32, #tpu.memory_space<vmem>> -> memref<1x50x1000xf32, #tpu.memory_space<vmem>>
        %get3A_159 = tpu.memref_squeeze %get3A_158 : memref<1x50x1000xf32, #tpu.memory_space<vmem>> -> memref<50x1000xf32, #tpu.memory_space<vmem>>
        %get3A_160 = arith.index_cast %scan3A_118 : i32 to index
        %get3A_161 = arith.constant 48 : index
        %get3A_162 = tpu.vector_load %get3A_159[%get3A_160, %get3A_161] {strides = array<i32>} : memref<50x1000xf32, #tpu.memory_space<vmem>>, vector<16xf32>,
        %gt3A_163 = arith.cmpf ogt, %get3A_162, %broadcast_in_dim3A_3 : vector<16xf32>
        %select_n3A_164 = arith.select %gt3A_163, %get3A_162, %broadcast_in_dim3A_3 : vector<16xi1>, vector<16xf32>
        %add3A_165 = arith.constant 48 : i32
        %add3A_166 = vector.broadcast %add3A_165 : i32 to vector<16xi32>
        %add3A_167 = arith.addi %iota3A, %add3A_166 : vector<16xi32>
        %select_n3A_168 = arith.select %gt3A_163, %add3A_167, %iota3A : vector<16xi1>, vector<16xi32>
        %get3A_169 = arith.constant 0 : i32
        %get3A_170 = arith.constant 0 : i32
        %get3A_171 = tpu.memref_slice %arg4[%scan3A_69, %get3A_169, %get3A_170] : memref<2x50x1000xf32, #tpu.memory_space<vmem>> -> memref<1x50x1000xf32, #tpu.memory_space<vmem>>
        %get3A_172 = tpu.memref_squeeze %get3A_171 : memref<1x50x1000xf32, #tpu.memory_space<vmem>> -> memref<50x1000xf32, #tpu.memory_space<vmem>>
        %get3A_173 = arith.index_cast %scan3A_118 : i32 to index
        %get3A_174 = arith.constant 64 : index
        %get3A_175 = tpu.vector_load %get3A_172[%get3A_173, %get3A_174] {strides = array<i32>} : memref<50x1000xf32, #tpu.memory_space<vmem>>, vector<16xf32>,
        %gt3A_176 = arith.cmpf ogt, %get3A_175, %select_n3A : vector<16xf32>
        %select_n3A_177 = arith.select %gt3A_176, %get3A_175, %select_n3A : vector<16xi1>, vector<16xf32>
        %add3A_178 = arith.constant 64 : i32
        %add3A_179 = vector.broadcast %add3A_178 : i32 to vector<16xi32>
        %add3A_180 = arith.addi %iota3A, %add3A_179 : vector<16xi32>
        %select_n3A_181 = arith.select %gt3A_176, %add3A_180, %select_n3A_129 : vector<16xi1>, vector<16xi32>
        %get3A_182 = arith.constant 0 : i32
        %get3A_183 = arith.constant 0 : i32
        %get3A_184 = tpu.memref_slice %arg4[%scan3A_69, %get3A_182, %get3A_183] : memref<2x50x1000xf32, #tpu.memory_space<vmem>> -> memref<1x50x1000xf32, #tpu.memory_space<vmem>>
        %get3A_185 = tpu.memref_squeeze %get3A_184 : memref<1x50x1000xf32, #tpu.memory_space<vmem>> -> memref<50x1000xf32, #tpu.memory_space<vmem>>
        %get3A_186 = arith.index_cast %scan3A_118 : i32 to index
        %get3A_187 = arith.constant 80 : index
        %get3A_188 = tpu.vector_load %get3A_185[%get3A_186, %get3A_187] {strides = array<i32>} : memref<50x1000xf32, #tpu.memory_space<vmem>>, vector<16xf32>,
        %gt3A_189 = arith.cmpf ogt, %get3A_188, %select_n3A_138 : vector<16xf32>
        %select_n3A_190 = arith.select %gt3A_189, %get3A_188, %select_n3A_138 : vector<16xi1>, vector<16xf32>
        %add3A_191 = arith.constant 80 : i32
        %add3A_192 = vector.broadcast %add3A_191 : i32 to vector<16xi32>
        %add3A_193 = arith.addi %iota3A, %add3A_192 : vector<16xi32>
        %select_n3A_194 = arith.select %gt3A_189, %add3A_193, %select_n3A_142 : vector<16xi1>, vector<16xi32>
        %get3A_195 = arith.constant 0 : i32
        %get3A_196 = arith.constant 0 : i32
        %get3A_197 = tpu.memref_slice %arg4[%scan3A_69, %get3A_195, %get3A_196] : memref<2x50x1000xf32, #tpu.memory_space<vmem>> -> memref<1x50x1000xf32, #tpu.memory_space<vmem>>
        %get3A_198 = tpu.memref_squeeze %get3A_197 : memref<1x50x1000xf32, #tpu.memory_space<vmem>> -> memref<50x1000xf32, #tpu.memory_space<vmem>>
        %get3A_199 = arith.index_cast %scan3A_118 : i32 to index
        %get3A_200 = arith.constant 96 : index
        %get3A_201 = tpu.vector_load %get3A_198[%get3A_199, %get3A_200] {strides = array<i32>} : memref<50x1000xf32, #tpu.memory_space<vmem>>, vector<16xf32>,
        %gt3A_202 = arith.cmpf ogt, %get3A_201, %select_n3A_151 : vector<16xf32>
        %select_n3A_203 = arith.select %gt3A_202, %get3A_201, %select_n3A_151 : vector<16xi1>, vector<16xf32>
        %add3A_204 = arith.constant 96 : i32
        %add3A_205 = vector.broadcast %add3A_204 : i32 to vector<16xi32>
        %add3A_206 = arith.addi %iota3A, %add3A_205 : vector<16xi32>
        %select_n3A_207 = arith.select %gt3A_202, %add3A_206, %select_n3A_155 : vector<16xi1>, vector<16xi32>
        %get3A_208 = arith.constant 0 : i32
        %get3A_209 = arith.constant 0 : i32
        %get3A_210 = tpu.memref_slice %arg4[%scan3A_69, %get3A_208, %get3A_209] : memref<2x50x1000xf32, #tpu.memory_space<vmem>> -> memref<1x50x1000xf32, #tpu.memory_space<vmem>>
        %get3A_211 = tpu.memref_squeeze %get3A_210 : memref<1x50x1000xf32, #tpu.memory_space<vmem>> -> memref<50x1000xf32, #tpu.memory_space<vmem>>
        %get3A_212 = arith.index_cast %scan3A_118 : i32 to index
        %get3A_213 = arith.constant 112 : index
        %get3A_214 = tpu.vector_load %get3A_211[%get3A_212, %get3A_213] {strides = array<i32>} : memref<50x1000xf32, #tpu.memory_space<vmem>>, vector<16xf32>,
        %gt3A_215 = arith.cmpf ogt, %get3A_214, %select_n3A_164 : vector<16xf32>
        %select_n3A_216 = arith.select %gt3A_215, %get3A_214, %select_n3A_164 : vector<16xi1>, vector<16xf32>
        %add3A_217 = arith.constant 112 : i32
        %add3A_218 = vector.broadcast %add3A_217 : i32 to vector<16xi32>
        %add3A_219 = arith.addi %iota3A, %add3A_218 : vector<16xi32>
        %select_n3A_220 = arith.select %gt3A_215, %add3A_219, %select_n3A_168 : vector<16xi1>, vector<16xi32>
        %get3A_221 = arith.constant 0 : i32
        %get3A_222 = arith.constant 0 : i32
        %get3A_223 = tpu.memref_slice %arg4[%scan3A_69, %get3A_221, %get3A_222] : memref<2x50x1000xf32, #tpu.memory_space<vmem>> -> memref<1x50x1000xf32, #tpu.memory_space<vmem>>
        %get3A_224 = tpu.memref_squeeze %get3A_223 : memref<1x50x1000xf32, #tpu.memory_space<vmem>> -> memref<50x1000xf32, #tpu.memory_space<vmem>>
        %get3A_225 = arith.index_cast %scan3A_118 : i32 to index
        %get3A_226 = arith.constant 128 : index
        %get3A_227 = tpu.vector_load %get3A_224[%get3A_225, %get3A_226] {strides = array<i32>} : memref<50x1000xf32, #tpu.memory_space<vmem>>, vector<16xf32>,
        %gt3A_228 = arith.cmpf ogt, %get3A_227, %select_n3A_177 : vector<16xf32>
        %select_n3A_229 = arith.select %gt3A_228, %get3A_227, %select_n3A_177 : vector<16xi1>, vector<16xf32>
        %add3A_230 = arith.constant 128 : i32
        %add3A_231 = vector.broadcast %add3A_230 : i32 to vector<16xi32>
        %add3A_232 = arith.addi %iota3A, %add3A_231 : vector<16xi32>
        %select_n3A_233 = arith.select %gt3A_228, %add3A_232, %select_n3A_181 : vector<16xi1>, vector<16xi32>
        %get3A_234 = arith.constant 0 : i32
        %get3A_235 = arith.constant 0 : i32
        %get3A_236 = tpu.memref_slice %arg4[%scan3A_69, %get3A_234, %get3A_235] : memref<2x50x1000xf32, #tpu.memory_space<vmem>> -> memref<1x50x1000xf32, #tpu.memory_space<vmem>>
        %get3A_237 = tpu.memref_squeeze %get3A_236 : memref<1x50x1000xf32, #tpu.memory_space<vmem>> -> memref<50x1000xf32, #tpu.memory_space<vmem>>
        %get3A_238 = arith.index_cast %scan3A_118 : i32 to index
        %get3A_239 = arith.constant 144 : index
        %get3A_240 = tpu.vector_load %get3A_237[%get3A_238, %get3A_239] {strides = array<i32>} : memref<50x1000xf32, #tpu.memory_space<vmem>>, vector<16xf32>,
        %gt3A_241 = arith.cmpf ogt, %get3A_240, %select_n3A_190 : vector<16xf32>
        %select_n3A_242 = arith.select %gt3A_241, %get3A_240, %select_n3A_190 : vector<16xi1>, vector<16xf32>
        %add3A_243 = arith.constant 144 : i32
        %add3A_244 = vector.broadcast %add3A_243 : i32 to vector<16xi32>
        %add3A_245 = arith.addi %iota3A, %add3A_244 : vector<16xi32>
        %select_n3A_246 = arith.select %gt3A_241, %add3A_245, %select_n3A_194 : vector<16xi1>, vector<16xi32>
        %get3A_247 = arith.constant 0 : i32
        %get3A_248 = arith.constant 0 : i32
        %get3A_249 = tpu.memref_slice %arg4[%scan3A_69, %get3A_247, %get3A_248] : memref<2x50x1000xf32, #tpu.memory_space<vmem>> -> memref<1x50x1000xf32, #tpu.memory_space<vmem>>
        %get3A_250 = tpu.memref_squeeze %get3A_249 : memref<1x50x1000xf32, #tpu.memory_space<vmem>> -> memref<50x1000xf32, #tpu.memory_space<vmem>>
        %get3A_251 = arith.index_cast %scan3A_118 : i32 to index
        %get3A_252 = arith.constant 160 : index
        %get3A_253 = tpu.vector_load %get3A_250[%get3A_251, %get3A_252] {strides = array<i32>} : memref<50x1000xf32, #tpu.memory_space<vmem>>, vector<16xf32>,
        %gt3A_254 = arith.cmpf ogt, %get3A_253, %select_n3A_203 : vector<16xf32>
        %select_n3A_255 = arith.select %gt3A_254, %get3A_253, %select_n3A_203 : vector<16xi1>, vector<16xf32>
        %add3A_256 = arith.constant 160 : i32
        %add3A_257 = vector.broadcast %add3A_256 : i32 to vector<16xi32>
        %add3A_258 = arith.addi %iota3A, %add3A_257 : vector<16xi32>
        %select_n3A_259 = arith.select %gt3A_254, %add3A_258, %select_n3A_207 : vector<16xi1>, vector<16xi32>
        %get3A_260 = arith.constant 0 : i32
        %get3A_261 = arith.constant 0 : i32
        %get3A_262 = tpu.memref_slice %arg4[%scan3A_69, %get3A_260, %get3A_261] : memref<2x50x1000xf32, #tpu.memory_space<vmem>> -> memref<1x50x1000xf32, #tpu.memory_space<vmem>>
        %get3A_263 = tpu.memref_squeeze %get3A_262 : memref<1x50x1000xf32, #tpu.memory_space<vmem>> -> memref<50x1000xf32, #tpu.memory_space<vmem>>
        %get3A_264 = arith.index_cast %scan3A_118 : i32 to index
        %get3A_265 = arith.constant 176 : index
        %get3A_266 = tpu.vector_load %get3A_263[%get3A_264, %get3A_265] {strides = array<i32>} : memref<50x1000xf32, #tpu.memory_space<vmem>>, vector<16xf32>,
        %gt3A_267 = arith.cmpf ogt, %get3A_266, %select_n3A_216 : vector<16xf32>
        %select_n3A_268 = arith.select %gt3A_267, %get3A_266, %select_n3A_216 : vector<16xi1>, vector<16xf32>
        %add3A_269 = arith.constant 176 : i32
        %add3A_270 = vector.broadcast %add3A_269 : i32 to vector<16xi32>
        %add3A_271 = arith.addi %iota3A, %add3A_270 : vector<16xi32>
        %select_n3A_272 = arith.select %gt3A_267, %add3A_271, %select_n3A_220 : vector<16xi1>, vector<16xi32>
        %get3A_273 = arith.constant 0 : i32
        %get3A_274 = arith.constant 0 : i32
        %get3A_275 = tpu.memref_slice %arg4[%scan3A_69, %get3A_273, %get3A_274] : memref<2x50x1000xf32, #tpu.memory_space<vmem>> -> memref<1x50x1000xf32, #tpu.memory_space<vmem>>
        %get3A_276 = tpu.memref_squeeze %get3A_275 : memref<1x50x1000xf32, #tpu.memory_space<vmem>> -> memref<50x1000xf32, #tpu.memory_space<vmem>>
        %get3A_277 = arith.index_cast %scan3A_118 : i32 to index
        %get3A_278 = arith.constant 192 : index
        %get3A_279 = tpu.vector_load %get3A_276[%get3A_277, %get3A_278] {strides = array<i32>} : memref<50x1000xf32, #tpu.memory_space<vmem>>, vector<16xf32>,
        %gt3A_280 = arith.cmpf ogt, %get3A_279, %select_n3A_229 : vector<16xf32>
        %select_n3A_281 = arith.select %gt3A_280, %get3A_279, %select_n3A_229 : vector<16xi1>, vector<16xf32>
        %add3A_282 = arith.constant 192 : i32
        %add3A_283 = vector.broadcast %add3A_282 : i32 to vector<16xi32>
        %add3A_284 = arith.addi %iota3A, %add3A_283 : vector<16xi32>
        %select_n3A_285 = arith.select %gt3A_280, %add3A_284, %select_n3A_233 : vector<16xi1>, vector<16xi32>
        %get3A_286 = arith.constant 0 : i32
        %get3A_287 = arith.constant 0 : i32
        %get3A_288 = tpu.memref_slice %arg4[%scan3A_69, %get3A_286, %get3A_287] : memref<2x50x1000xf32, #tpu.memory_space<vmem>> -> memref<1x50x1000xf32, #tpu.memory_space<vmem>>
        %get3A_289 = tpu.memref_squeeze %get3A_288 : memref<1x50x1000xf32, #tpu.memory_space<vmem>> -> memref<50x1000xf32, #tpu.memory_space<vmem>>
        %get3A_290 = arith.index_cast %scan3A_118 : i32 to index
        %get3A_291 = arith.constant 208 : index
        %get3A_292 = tpu.vector_load %get3A_289[%get3A_290, %get3A_291] {strides = array<i32>} : memref<50x1000xf32, #tpu.memory_space<vmem>>, vector<16xf32>,
        %gt3A_293 = arith.cmpf ogt, %get3A_292, %select_n3A_242 : vector<16xf32>
        %select_n3A_294 = arith.select %gt3A_293, %get3A_292, %select_n3A_242 : vector<16xi1>, vector<16xf32>
        %add3A_295 = arith.constant 208 : i32
        %add3A_296 = vector.broadcast %add3A_295 : i32 to vector<16xi32>
        %add3A_297 = arith.addi %iota3A, %add3A_296 : vector<16xi32>
        %select_n3A_298 = arith.select %gt3A_293, %add3A_297, %select_n3A_246 : vector<16xi1>, vector<16xi32>
        %get3A_299 = arith.constant 0 : i32
        %get3A_300 = arith.constant 0 : i32
        %get3A_301 = tpu.memref_slice %arg4[%scan3A_69, %get3A_299, %get3A_300] : memref<2x50x1000xf32, #tpu.memory_space<vmem>> -> memref<1x50x1000xf32, #tpu.memory_space<vmem>>
        %get3A_302 = tpu.memref_squeeze %get3A_301 : memref<1x50x1000xf32, #tpu.memory_space<vmem>> -> memref<50x1000xf32, #tpu.memory_space<vmem>>
        %get3A_303 = arith.index_cast %scan3A_118 : i32 to index
        %get3A_304 = arith.constant 224 : index
        %get3A_305 = tpu.vector_load %get3A_302[%get3A_303, %get3A_304] {strides = array<i32>} : memref<50x1000xf32, #tpu.memory_space<vmem>>, vector<16xf32>,
        %gt3A_306 = arith.cmpf ogt, %get3A_305, %select_n3A_255 : vector<16xf32>
        %select_n3A_307 = arith.select %gt3A_306, %get3A_305, %select_n3A_255 : vector<16xi1>, vector<16xf32>
        %add3A_308 = arith.constant 224 : i32
        %add3A_309 = vector.broadcast %add3A_308 : i32 to vector<16xi32>
        %add3A_310 = arith.addi %iota3A, %add3A_309 : vector<16xi32>
        %select_n3A_311 = arith.select %gt3A_306, %add3A_310, %select_n3A_259 : vector<16xi1>, vector<16xi32>
        %get3A_312 = arith.constant 0 : i32
        %get3A_313 = arith.constant 0 : i32
        %get3A_314 = tpu.memref_slice %arg4[%scan3A_69, %get3A_312, %get3A_313] : memref<2x50x1000xf32, #tpu.memory_space<vmem>> -> memref<1x50x1000xf32, #tpu.memory_space<vmem>>
        %get3A_315 = tpu.memref_squeeze %get3A_314 : memref<1x50x1000xf32, #tpu.memory_space<vmem>> -> memref<50x1000xf32, #tpu.memory_space<vmem>>
        %get3A_316 = arith.index_cast %scan3A_118 : i32 to index
        %get3A_317 = arith.constant 240 : index
        %get3A_318 = tpu.vector_load %get3A_315[%get3A_316, %get3A_317] {strides = array<i32>} : memref<50x1000xf32, #tpu.memory_space<vmem>>, vector<16xf32>,
        %gt3A_319 = arith.cmpf ogt, %get3A_318, %select_n3A_268 : vector<16xf32>
        %select_n3A_320 = arith.select %gt3A_319, %get3A_318, %select_n3A_268 : vector<16xi1>, vector<16xf32>
        %add3A_321 = arith.constant 240 : i32
        %add3A_322 = vector.broadcast %add3A_321 : i32 to vector<16xi32>
        %add3A_323 = arith.addi %iota3A, %add3A_322 : vector<16xi32>
        %select_n3A_324 = arith.select %gt3A_319, %add3A_323, %select_n3A_272 : vector<16xi1>, vector<16xi32>
        %get3A_325 = arith.constant 0 : i32
        %get3A_326 = arith.constant 0 : i32
        %get3A_327 = tpu.memref_slice %arg4[%scan3A_69, %get3A_325, %get3A_326] : memref<2x50x1000xf32, #tpu.memory_space<vmem>> -> memref<1x50x1000xf32, #tpu.memory_space<vmem>>
        %get3A_328 = tpu.memref_squeeze %get3A_327 : memref<1x50x1000xf32, #tpu.memory_space<vmem>> -> memref<50x1000xf32, #tpu.memory_space<vmem>>
        %get3A_329 = arith.index_cast %scan3A_118 : i32 to index
        %get3A_330 = arith.constant 256 : index
        %get3A_331 = tpu.vector_load %get3A_328[%get3A_329, %get3A_330] {strides = array<i32>} : memref<50x1000xf32, #tpu.memory_space<vmem>>, vector<16xf32>,
        %gt3A_332 = arith.cmpf ogt, %get3A_331, %select_n3A_281 : vector<16xf32>
        %select_n3A_333 = arith.select %gt3A_332, %get3A_331, %select_n3A_281 : vector<16xi1>, vector<16xf32>
        %add3A_334 = arith.constant 256 : i32
        %add3A_335 = vector.broadcast %add3A_334 : i32 to vector<16xi32>
        %add3A_336 = arith.addi %iota3A, %add3A_335 : vector<16xi32>
        %select_n3A_337 = arith.select %gt3A_332, %add3A_336, %select_n3A_285 : vector<16xi1>, vector<16xi32>
        %get3A_338 = arith.constant 0 : i32
        %get3A_339 = arith.constant 0 : i32
        %get3A_340 = tpu.memref_slice %arg4[%scan3A_69, %get3A_338, %get3A_339] : memref<2x50x1000xf32, #tpu.memory_space<vmem>> -> memref<1x50x1000xf32, #tpu.memory_space<vmem>>
        %get3A_341 = tpu.memref_squeeze %get3A_340 : memref<1x50x1000xf32, #tpu.memory_space<vmem>> -> memref<50x1000xf32, #tpu.memory_space<vmem>>
        %get3A_342 = arith.index_cast %scan3A_118 : i32 to index
        %get3A_343 = arith.constant 272 : index
        %get3A_344 = tpu.vector_load %get3A_341[%get3A_342, %get3A_343] {strides = array<i32>} : memref<50x1000xf32, #tpu.memory_space<vmem>>, vector<16xf32>,
        %gt3A_345 = arith.cmpf ogt, %get3A_344, %select_n3A_294 : vector<16xf32>
        %select_n3A_346 = arith.select %gt3A_345, %get3A_344, %select_n3A_294 : vector<16xi1>, vector<16xf32>
        %add3A_347 = arith.constant 272 : i32
        %add3A_348 = vector.broadcast %add3A_347 : i32 to vector<16xi32>
        %add3A_349 = arith.addi %iota3A, %add3A_348 : vector<16xi32>
        %select_n3A_350 = arith.select %gt3A_345, %add3A_349, %select_n3A_298 : vector<16xi1>, vector<16xi32>
        %get3A_351 = arith.constant 0 : i32
        %get3A_352 = arith.constant 0 : i32
        %get3A_353 = tpu.memref_slice %arg4[%scan3A_69, %get3A_351, %get3A_352] : memref<2x50x1000xf32, #tpu.memory_space<vmem>> -> memref<1x50x1000xf32, #tpu.memory_space<vmem>>
        %get3A_354 = tpu.memref_squeeze %get3A_353 : memref<1x50x1000xf32, #tpu.memory_space<vmem>> -> memref<50x1000xf32, #tpu.memory_space<vmem>>
        %get3A_355 = arith.index_cast %scan3A_118 : i32 to index
        %get3A_356 = arith.constant 288 : index
        %get3A_357 = tpu.vector_load %get3A_354[%get3A_355, %get3A_356] {strides = array<i32>} : memref<50x1000xf32, #tpu.memory_space<vmem>>, vector<16xf32>,
        %gt3A_358 = arith.cmpf ogt, %get3A_357, %select_n3A_307 : vector<16xf32>
        %select_n3A_359 = arith.select %gt3A_358, %get3A_357, %select_n3A_307 : vector<16xi1>, vector<16xf32>
        %add3A_360 = arith.constant 288 : i32
        %add3A_361 = vector.broadcast %add3A_360 : i32 to vector<16xi32>
        %add3A_362 = arith.addi %iota3A, %add3A_361 : vector<16xi32>
        %select_n3A_363 = arith.select %gt3A_358, %add3A_362, %select_n3A_311 : vector<16xi1>, vector<16xi32>
        %get3A_364 = arith.constant 0 : i32
        %get3A_365 = arith.constant 0 : i32
        %get3A_366 = tpu.memref_slice %arg4[%scan3A_69, %get3A_364, %get3A_365] : memref<2x50x1000xf32, #tpu.memory_space<vmem>> -> memref<1x50x1000xf32, #tpu.memory_space<vmem>>
        %get3A_367 = tpu.memref_squeeze %get3A_366 : memref<1x50x1000xf32, #tpu.memory_space<vmem>> -> memref<50x1000xf32, #tpu.memory_space<vmem>>
        %get3A_368 = arith.index_cast %scan3A_118 : i32 to index
        %get3A_369 = arith.constant 304 : index
        %get3A_370 = tpu.vector_load %get3A_367[%get3A_368, %get3A_369] {strides = array<i32>} : memref<50x1000xf32, #tpu.memory_space<vmem>>, vector<16xf32>,
        %gt3A_371 = arith.cmpf ogt, %get3A_370, %select_n3A_320 : vector<16xf32>
        %select_n3A_372 = arith.select %gt3A_371, %get3A_370, %select_n3A_320 : vector<16xi1>, vector<16xf32>
        %add3A_373 = arith.constant 304 : i32
        %add3A_374 = vector.broadcast %add3A_373 : i32 to vector<16xi32>
        %add3A_375 = arith.addi %iota3A, %add3A_374 : vector<16xi32>
        %select_n3A_376 = arith.select %gt3A_371, %add3A_375, %select_n3A_324 : vector<16xi1>, vector<16xi32>
        %get3A_377 = arith.constant 0 : i32
        %get3A_378 = arith.constant 0 : i32
        %get3A_379 = tpu.memref_slice %arg4[%scan3A_69, %get3A_377, %get3A_378] : memref<2x50x1000xf32, #tpu.memory_space<vmem>> -> memref<1x50x1000xf32, #tpu.memory_space<vmem>>
        %get3A_380 = tpu.memref_squeeze %get3A_379 : memref<1x50x1000xf32, #tpu.memory_space<vmem>> -> memref<50x1000xf32, #tpu.memory_space<vmem>>
        %get3A_381 = arith.index_cast %scan3A_118 : i32 to index
        %get3A_382 = arith.constant 320 : index
        %get3A_383 = tpu.vector_load %get3A_380[%get3A_381, %get3A_382] {strides = array<i32>} : memref<50x1000xf32, #tpu.memory_space<vmem>>, vector<16xf32>,
        %gt3A_384 = arith.cmpf ogt, %get3A_383, %select_n3A_333 : vector<16xf32>
        %select_n3A_385 = arith.select %gt3A_384, %get3A_383, %select_n3A_333 : vector<16xi1>, vector<16xf32>
        %add3A_386 = arith.constant 320 : i32
        %add3A_387 = vector.broadcast %add3A_386 : i32 to vector<16xi32>
        %add3A_388 = arith.addi %iota3A, %add3A_387 : vector<16xi32>
        %select_n3A_389 = arith.select %gt3A_384, %add3A_388, %select_n3A_337 : vector<16xi1>, vector<16xi32>
        %get3A_390 = arith.constant 0 : i32
        %get3A_391 = arith.constant 0 : i32
        %get3A_392 = tpu.memref_slice %arg4[%scan3A_69, %get3A_390, %get3A_391] : memref<2x50x1000xf32, #tpu.memory_space<vmem>> -> memref<1x50x1000xf32, #tpu.memory_space<vmem>>
        %get3A_393 = tpu.memref_squeeze %get3A_392 : memref<1x50x1000xf32, #tpu.memory_space<vmem>> -> memref<50x1000xf32, #tpu.memory_space<vmem>>
        %get3A_394 = arith.index_cast %scan3A_118 : i32 to index
        %get3A_395 = arith.constant 336 : index
        %get3A_396 = tpu.vector_load %get3A_393[%get3A_394, %get3A_395] {strides = array<i32>} : memref<50x1000xf32, #tpu.memory_space<vmem>>, vector<16xf32>,
        %gt3A_397 = arith.cmpf ogt, %get3A_396, %select_n3A_346 : vector<16xf32>
        %select_n3A_398 = arith.select %gt3A_397, %get3A_396, %select_n3A_346 : vector<16xi1>, vector<16xf32>
        %add3A_399 = arith.constant 336 : i32
        %add3A_400 = vector.broadcast %add3A_399 : i32 to vector<16xi32>
        %add3A_401 = arith.addi %iota3A, %add3A_400 : vector<16xi32>
        %select_n3A_402 = arith.select %gt3A_397, %add3A_401, %select_n3A_350 : vector<16xi1>, vector<16xi32>
        %get3A_403 = arith.constant 0 : i32
        %get3A_404 = arith.constant 0 : i32
        %get3A_405 = tpu.memref_slice %arg4[%scan3A_69, %get3A_403, %get3A_404] : memref<2x50x1000xf32, #tpu.memory_space<vmem>> -> memref<1x50x1000xf32, #tpu.memory_space<vmem>>
        %get3A_406 = tpu.memref_squeeze %get3A_405 : memref<1x50x1000xf32, #tpu.memory_space<vmem>> -> memref<50x1000xf32, #tpu.memory_space<vmem>>
        %get3A_407 = arith.index_cast %scan3A_118 : i32 to index
        %get3A_408 = arith.constant 352 : index
        %get3A_409 = tpu.vector_load %get3A_406[%get3A_407, %get3A_408] {strides = array<i32>} : memref<50x1000xf32, #tpu.memory_space<vmem>>, vector<16xf32>,
        %gt3A_410 = arith.cmpf ogt, %get3A_409, %select_n3A_359 : vector<16xf32>
        %select_n3A_411 = arith.select %gt3A_410, %get3A_409, %select_n3A_359 : vector<16xi1>, vector<16xf32>
        %add3A_412 = arith.constant 352 : i32
        %add3A_413 = vector.broadcast %add3A_412 : i32 to vector<16xi32>
        %add3A_414 = arith.addi %iota3A, %add3A_413 : vector<16xi32>
        %select_n3A_415 = arith.select %gt3A_410, %add3A_414, %select_n3A_363 : vector<16xi1>, vector<16xi32>
        %get3A_416 = arith.constant 0 : i32
        %get3A_417 = arith.constant 0 : i32
        %get3A_418 = tpu.memref_slice %arg4[%scan3A_69, %get3A_416, %get3A_417] : memref<2x50x1000xf32, #tpu.memory_space<vmem>> -> memref<1x50x1000xf32, #tpu.memory_space<vmem>>
        %get3A_419 = tpu.memref_squeeze %get3A_418 : memref<1x50x1000xf32, #tpu.memory_space<vmem>> -> memref<50x1000xf32, #tpu.memory_space<vmem>>
        %get3A_420 = arith.index_cast %scan3A_118 : i32 to index
        %get3A_421 = arith.constant 368 : index
        %get3A_422 = tpu.vector_load %get3A_419[%get3A_420, %get3A_421] {strides = array<i32>} : memref<50x1000xf32, #tpu.memory_space<vmem>>, vector<16xf32>,
        %gt3A_423 = arith.cmpf ogt, %get3A_422, %select_n3A_372 : vector<16xf32>
        %select_n3A_424 = arith.select %gt3A_423, %get3A_422, %select_n3A_372 : vector<16xi1>, vector<16xf32>
        %add3A_425 = arith.constant 368 : i32
        %add3A_426 = vector.broadcast %add3A_425 : i32 to vector<16xi32>
        %add3A_427 = arith.addi %iota3A, %add3A_426 : vector<16xi32>
        %select_n3A_428 = arith.select %gt3A_423, %add3A_427, %select_n3A_376 : vector<16xi1>, vector<16xi32>
        %get3A_429 = arith.constant 0 : i32
        %get3A_430 = arith.constant 0 : i32
        %get3A_431 = tpu.memref_slice %arg4[%scan3A_69, %get3A_429, %get3A_430] : memref<2x50x1000xf32, #tpu.memory_space<vmem>> -> memref<1x50x1000xf32, #tpu.memory_space<vmem>>
        %get3A_432 = tpu.memref_squeeze %get3A_431 : memref<1x50x1000xf32, #tpu.memory_space<vmem>> -> memref<50x1000xf32, #tpu.memory_space<vmem>>
        %get3A_433 = arith.index_cast %scan3A_118 : i32 to index
        %get3A_434 = arith.constant 384 : index
        %get3A_435 = tpu.vector_load %get3A_432[%get3A_433, %get3A_434] {strides = array<i32>} : memref<50x1000xf32, #tpu.memory_space<vmem>>, vector<16xf32>,
        %gt3A_436 = arith.cmpf ogt, %get3A_435, %select_n3A_385 : vector<16xf32>
        %select_n3A_437 = arith.select %gt3A_436, %get3A_435, %select_n3A_385 : vector<16xi1>, vector<16xf32>
        %add3A_438 = arith.constant 384 : i32
        %add3A_439 = vector.broadcast %add3A_438 : i32 to vector<16xi32>
        %add3A_440 = arith.addi %iota3A, %add3A_439 : vector<16xi32>
        %select_n3A_441 = arith.select %gt3A_436, %add3A_440, %select_n3A_389 : vector<16xi1>, vector<16xi32>
        %get3A_442 = arith.constant 0 : i32
        %get3A_443 = arith.constant 0 : i32
        %get3A_444 = tpu.memref_slice %arg4[%scan3A_69, %get3A_442, %get3A_443] : memref<2x50x1000xf32, #tpu.memory_space<vmem>> -> memref<1x50x1000xf32, #tpu.memory_space<vmem>>
        %get3A_445 = tpu.memref_squeeze %get3A_444 : memref<1x50x1000xf32, #tpu.memory_space<vmem>> -> memref<50x1000xf32, #tpu.memory_space<vmem>>
        %get3A_446 = arith.index_cast %scan3A_118 : i32 to index
        %get3A_447 = arith.constant 400 : index
        %get3A_448 = tpu.vector_load %get3A_445[%get3A_446, %get3A_447] {strides = array<i32>} : memref<50x1000xf32, #tpu.memory_space<vmem>>, vector<16xf32>,
        %gt3A_449 = arith.cmpf ogt, %get3A_448, %select_n3A_398 : vector<16xf32>
        %select_n3A_450 = arith.select %gt3A_449, %get3A_448, %select_n3A_398 : vector<16xi1>, vector<16xf32>
        %add3A_451 = arith.constant 400 : i32
        %add3A_452 = vector.broadcast %add3A_451 : i32 to vector<16xi32>
        %add3A_453 = arith.addi %iota3A, %add3A_452 : vector<16xi32>
        %select_n3A_454 = arith.select %gt3A_449, %add3A_453, %select_n3A_402 : vector<16xi1>, vector<16xi32>
        %get3A_455 = arith.constant 0 : i32
        %get3A_456 = arith.constant 0 : i32
        %get3A_457 = tpu.memref_slice %arg4[%scan3A_69, %get3A_455, %get3A_456] : memref<2x50x1000xf32, #tpu.memory_space<vmem>> -> memref<1x50x1000xf32, #tpu.memory_space<vmem>>
        %get3A_458 = tpu.memref_squeeze %get3A_457 : memref<1x50x1000xf32, #tpu.memory_space<vmem>> -> memref<50x1000xf32, #tpu.memory_space<vmem>>
        %get3A_459 = arith.index_cast %scan3A_118 : i32 to index
        %get3A_460 = arith.constant 416 : index
        %get3A_461 = tpu.vector_load %get3A_458[%get3A_459, %get3A_460] {strides = array<i32>} : memref<50x1000xf32, #tpu.memory_space<vmem>>, vector<16xf32>,
        %gt3A_462 = arith.cmpf ogt, %get3A_461, %select_n3A_411 : vector<16xf32>
        %select_n3A_463 = arith.select %gt3A_462, %get3A_461, %select_n3A_411 : vector<16xi1>, vector<16xf32>
        %add3A_464 = arith.constant 416 : i32
        %add3A_465 = vector.broadcast %add3A_464 : i32 to vector<16xi32>
        %add3A_466 = arith.addi %iota3A, %add3A_465 : vector<16xi32>
        %select_n3A_467 = arith.select %gt3A_462, %add3A_466, %select_n3A_415 : vector<16xi1>, vector<16xi32>
        %get3A_468 = arith.constant 0 : i32
        %get3A_469 = arith.constant 0 : i32
        %get3A_470 = tpu.memref_slice %arg4[%scan3A_69, %get3A_468, %get3A_469] : memref<2x50x1000xf32, #tpu.memory_space<vmem>> -> memref<1x50x1000xf32, #tpu.memory_space<vmem>>
        %get3A_471 = tpu.memref_squeeze %get3A_470 : memref<1x50x1000xf32, #tpu.memory_space<vmem>> -> memref<50x1000xf32, #tpu.memory_space<vmem>>
        %get3A_472 = arith.index_cast %scan3A_118 : i32 to index
        %get3A_473 = arith.constant 432 : index
        %get3A_474 = tpu.vector_load %get3A_471[%get3A_472, %get3A_473] {strides = array<i32>} : memref<50x1000xf32, #tpu.memory_space<vmem>>, vector<16xf32>,
        %gt3A_475 = arith.cmpf ogt, %get3A_474, %select_n3A_424 : vector<16xf32>
        %select_n3A_476 = arith.select %gt3A_475, %get3A_474, %select_n3A_424 : vector<16xi1>, vector<16xf32>
        %add3A_477 = arith.constant 432 : i32
        %add3A_478 = vector.broadcast %add3A_477 : i32 to vector<16xi32>
        %add3A_479 = arith.addi %iota3A, %add3A_478 : vector<16xi32>
        %select_n3A_480 = arith.select %gt3A_475, %add3A_479, %select_n3A_428 : vector<16xi1>, vector<16xi32>
        %get3A_481 = arith.constant 0 : i32
        %get3A_482 = arith.constant 0 : i32
        %get3A_483 = tpu.memref_slice %arg4[%scan3A_69, %get3A_481, %get3A_482] : memref<2x50x1000xf32, #tpu.memory_space<vmem>> -> memref<1x50x1000xf32, #tpu.memory_space<vmem>>
        %get3A_484 = tpu.memref_squeeze %get3A_483 : memref<1x50x1000xf32, #tpu.memory_space<vmem>> -> memref<50x1000xf32, #tpu.memory_space<vmem>>
        %get3A_485 = arith.index_cast %scan3A_118 : i32 to index
        %get3A_486 = arith.constant 448 : index
        %get3A_487 = tpu.vector_load %get3A_484[%get3A_485, %get3A_486] {strides = array<i32>} : memref<50x1000xf32, #tpu.memory_space<vmem>>, vector<16xf32>,
        %gt3A_488 = arith.cmpf ogt, %get3A_487, %select_n3A_437 : vector<16xf32>
        %select_n3A_489 = arith.select %gt3A_488, %get3A_487, %select_n3A_437 : vector<16xi1>, vector<16xf32>
        %add3A_490 = arith.constant 448 : i32
        %add3A_491 = vector.broadcast %add3A_490 : i32 to vector<16xi32>
        %add3A_492 = arith.addi %iota3A, %add3A_491 : vector<16xi32>
        %select_n3A_493 = arith.select %gt3A_488, %add3A_492, %select_n3A_441 : vector<16xi1>, vector<16xi32>
        %get3A_494 = arith.constant 0 : i32
        %get3A_495 = arith.constant 0 : i32
        %get3A_496 = tpu.memref_slice %arg4[%scan3A_69, %get3A_494, %get3A_495] : memref<2x50x1000xf32, #tpu.memory_space<vmem>> -> memref<1x50x1000xf32, #tpu.memory_space<vmem>>
        %get3A_497 = tpu.memref_squeeze %get3A_496 : memref<1x50x1000xf32, #tpu.memory_space<vmem>> -> memref<50x1000xf32, #tpu.memory_space<vmem>>
        %get3A_498 = arith.index_cast %scan3A_118 : i32 to index
        %get3A_499 = arith.constant 464 : index
        %get3A_500 = tpu.vector_load %get3A_497[%get3A_498, %get3A_499] {strides = array<i32>} : memref<50x1000xf32, #tpu.memory_space<vmem>>, vector<16xf32>,
        %gt3A_501 = arith.cmpf ogt, %get3A_500, %select_n3A_450 : vector<16xf32>
        %select_n3A_502 = arith.select %gt3A_501, %get3A_500, %select_n3A_450 : vector<16xi1>, vector<16xf32>
        %add3A_503 = arith.constant 464 : i32
        %add3A_504 = vector.broadcast %add3A_503 : i32 to vector<16xi32>
        %add3A_505 = arith.addi %iota3A, %add3A_504 : vector<16xi32>
        %select_n3A_506 = arith.select %gt3A_501, %add3A_505, %select_n3A_454 : vector<16xi1>, vector<16xi32>
        %get3A_507 = arith.constant 0 : i32
        %get3A_508 = arith.constant 0 : i32
        %get3A_509 = tpu.memref_slice %arg4[%scan3A_69, %get3A_507, %get3A_508] : memref<2x50x1000xf32, #tpu.memory_space<vmem>> -> memref<1x50x1000xf32, #tpu.memory_space<vmem>>
        %get3A_510 = tpu.memref_squeeze %get3A_509 : memref<1x50x1000xf32, #tpu.memory_space<vmem>> -> memref<50x1000xf32, #tpu.memory_space<vmem>>
        %get3A_511 = arith.index_cast %scan3A_118 : i32 to index
        %get3A_512 = arith.constant 480 : index
        %get3A_513 = tpu.vector_load %get3A_510[%get3A_511, %get3A_512] {strides = array<i32>} : memref<50x1000xf32, #tpu.memory_space<vmem>>, vector<16xf32>,
        %gt3A_514 = arith.cmpf ogt, %get3A_513, %select_n3A_463 : vector<16xf32>
        %select_n3A_515 = arith.select %gt3A_514, %get3A_513, %select_n3A_463 : vector<16xi1>, vector<16xf32>
        %add3A_516 = arith.constant 480 : i32
        %add3A_517 = vector.broadcast %add3A_516 : i32 to vector<16xi32>
        %add3A_518 = arith.addi %iota3A, %add3A_517 : vector<16xi32>
        %select_n3A_519 = arith.select %gt3A_514, %add3A_518, %select_n3A_467 : vector<16xi1>, vector<16xi32>
        %get3A_520 = arith.constant 0 : i32
        %get3A_521 = arith.constant 0 : i32
        %get3A_522 = tpu.memref_slice %arg4[%scan3A_69, %get3A_520, %get3A_521] : memref<2x50x1000xf32, #tpu.memory_space<vmem>> -> memref<1x50x1000xf32, #tpu.memory_space<vmem>>
        %get3A_523 = tpu.memref_squeeze %get3A_522 : memref<1x50x1000xf32, #tpu.memory_space<vmem>> -> memref<50x1000xf32, #tpu.memory_space<vmem>>
        %get3A_524 = arith.index_cast %scan3A_118 : i32 to index
        %get3A_525 = arith.constant 496 : index
        %get3A_526 = tpu.vector_load %get3A_523[%get3A_524, %get3A_525] {strides = array<i32>} : memref<50x1000xf32, #tpu.memory_space<vmem>>, vector<16xf32>,
        %gt3A_527 = arith.cmpf ogt, %get3A_526, %select_n3A_476 : vector<16xf32>
        %select_n3A_528 = arith.select %gt3A_527, %get3A_526, %select_n3A_476 : vector<16xi1>, vector<16xf32>
        %add3A_529 = arith.constant 496 : i32
        %add3A_530 = vector.broadcast %add3A_529 : i32 to vector<16xi32>
        %add3A_531 = arith.addi %iota3A, %add3A_530 : vector<16xi32>
        %select_n3A_532 = arith.select %gt3A_527, %add3A_531, %select_n3A_480 : vector<16xi1>, vector<16xi32>
        %get3A_533 = arith.constant 0 : i32
        %get3A_534 = arith.constant 0 : i32
        %get3A_535 = tpu.memref_slice %arg4[%scan3A_69, %get3A_533, %get3A_534] : memref<2x50x1000xf32, #tpu.memory_space<vmem>> -> memref<1x50x1000xf32, #tpu.memory_space<vmem>>
        %get3A_536 = tpu.memref_squeeze %get3A_535 : memref<1x50x1000xf32, #tpu.memory_space<vmem>> -> memref<50x1000xf32, #tpu.memory_space<vmem>>
        %get3A_537 = arith.index_cast %scan3A_118 : i32 to index
        %get3A_538 = arith.constant 512 : index
        %get3A_539 = tpu.vector_load %get3A_536[%get3A_537, %get3A_538] {strides = array<i32>} : memref<50x1000xf32, #tpu.memory_space<vmem>>, vector<16xf32>,
        %gt3A_540 = arith.cmpf ogt, %get3A_539, %select_n3A_489 : vector<16xf32>
        %select_n3A_541 = arith.select %gt3A_540, %get3A_539, %select_n3A_489 : vector<16xi1>, vector<16xf32>
        %add3A_542 = arith.constant 512 : i32
        %add3A_543 = vector.broadcast %add3A_542 : i32 to vector<16xi32>
        %add3A_544 = arith.addi %iota3A, %add3A_543 : vector<16xi32>
        %select_n3A_545 = arith.select %gt3A_540, %add3A_544, %select_n3A_493 : vector<16xi1>, vector<16xi32>
        %get3A_546 = arith.constant 0 : i32
        %get3A_547 = arith.constant 0 : i32
        %get3A_548 = tpu.memref_slice %arg4[%scan3A_69, %get3A_546, %get3A_547] : memref<2x50x1000xf32, #tpu.memory_space<vmem>> -> memref<1x50x1000xf32, #tpu.memory_space<vmem>>
        %get3A_549 = tpu.memref_squeeze %get3A_548 : memref<1x50x1000xf32, #tpu.memory_space<vmem>> -> memref<50x1000xf32, #tpu.memory_space<vmem>>
        %get3A_550 = arith.index_cast %scan3A_118 : i32 to index
        %get3A_551 = arith.constant 528 : index
        %get3A_552 = tpu.vector_load %get3A_549[%get3A_550, %get3A_551] {strides = array<i32>} : memref<50x1000xf32, #tpu.memory_space<vmem>>, vector<16xf32>,
        %gt3A_553 = arith.cmpf ogt, %get3A_552, %select_n3A_502 : vector<16xf32>
        %select_n3A_554 = arith.select %gt3A_553, %get3A_552, %select_n3A_502 : vector<16xi1>, vector<16xf32>
        %add3A_555 = arith.constant 528 : i32
        %add3A_556 = vector.broadcast %add3A_555 : i32 to vector<16xi32>
        %add3A_557 = arith.addi %iota3A, %add3A_556 : vector<16xi32>
        %select_n3A_558 = arith.select %gt3A_553, %add3A_557, %select_n3A_506 : vector<16xi1>, vector<16xi32>
        %get3A_559 = arith.constant 0 : i32
        %get3A_560 = arith.constant 0 : i32
        %get3A_561 = tpu.memref_slice %arg4[%scan3A_69, %get3A_559, %get3A_560] : memref<2x50x1000xf32, #tpu.memory_space<vmem>> -> memref<1x50x1000xf32, #tpu.memory_space<vmem>>
        %get3A_562 = tpu.memref_squeeze %get3A_561 : memref<1x50x1000xf32, #tpu.memory_space<vmem>> -> memref<50x1000xf32, #tpu.memory_space<vmem>>
        %get3A_563 = arith.index_cast %scan3A_118 : i32 to index
        %get3A_564 = arith.constant 544 : index
        %get3A_565 = tpu.vector_load %get3A_562[%get3A_563, %get3A_564] {strides = array<i32>} : memref<50x1000xf32, #tpu.memory_space<vmem>>, vector<16xf32>,
        %gt3A_566 = arith.cmpf ogt, %get3A_565, %select_n3A_515 : vector<16xf32>
        %select_n3A_567 = arith.select %gt3A_566, %get3A_565, %select_n3A_515 : vector<16xi1>, vector<16xf32>
        %add3A_568 = arith.constant 544 : i32
        %add3A_569 = vector.broadcast %add3A_568 : i32 to vector<16xi32>
        %add3A_570 = arith.addi %iota3A, %add3A_569 : vector<16xi32>
        %select_n3A_571 = arith.select %gt3A_566, %add3A_570, %select_n3A_519 : vector<16xi1>, vector<16xi32>
        %get3A_572 = arith.constant 0 : i32
        %get3A_573 = arith.constant 0 : i32
        %get3A_574 = tpu.memref_slice %arg4[%scan3A_69, %get3A_572, %get3A_573] : memref<2x50x1000xf32, #tpu.memory_space<vmem>> -> memref<1x50x1000xf32, #tpu.memory_space<vmem>>
        %get3A_575 = tpu.memref_squeeze %get3A_574 : memref<1x50x1000xf32, #tpu.memory_space<vmem>> -> memref<50x1000xf32, #tpu.memory_space<vmem>>
        %get3A_576 = arith.index_cast %scan3A_118 : i32 to index
        %get3A_577 = arith.constant 560 : index
        %get3A_578 = tpu.vector_load %get3A_575[%get3A_576, %get3A_577] {strides = array<i32>} : memref<50x1000xf32, #tpu.memory_space<vmem>>, vector<16xf32>,
        %gt3A_579 = arith.cmpf ogt, %get3A_578, %select_n3A_528 : vector<16xf32>
        %select_n3A_580 = arith.select %gt3A_579, %get3A_578, %select_n3A_528 : vector<16xi1>, vector<16xf32>
        %add3A_581 = arith.constant 560 : i32
        %add3A_582 = vector.broadcast %add3A_581 : i32 to vector<16xi32>
        %add3A_583 = arith.addi %iota3A, %add3A_582 : vector<16xi32>
        %select_n3A_584 = arith.select %gt3A_579, %add3A_583, %select_n3A_532 : vector<16xi1>, vector<16xi32>
        %get3A_585 = arith.constant 0 : i32
        %get3A_586 = arith.constant 0 : i32
        %get3A_587 = tpu.memref_slice %arg4[%scan3A_69, %get3A_585, %get3A_586] : memref<2x50x1000xf32, #tpu.memory_space<vmem>> -> memref<1x50x1000xf32, #tpu.memory_space<vmem>>
        %get3A_588 = tpu.memref_squeeze %get3A_587 : memref<1x50x1000xf32, #tpu.memory_space<vmem>> -> memref<50x1000xf32, #tpu.memory_space<vmem>>
        %get3A_589 = arith.index_cast %scan3A_118 : i32 to index
        %get3A_590 = arith.constant 576 : index
        %get3A_591 = tpu.vector_load %get3A_588[%get3A_589, %get3A_590] {strides = array<i32>} : memref<50x1000xf32, #tpu.memory_space<vmem>>, vector<16xf32>,
        %gt3A_592 = arith.cmpf ogt, %get3A_591, %select_n3A_541 : vector<16xf32>
        %select_n3A_593 = arith.select %gt3A_592, %get3A_591, %select_n3A_541 : vector<16xi1>, vector<16xf32>
        %add3A_594 = arith.constant 576 : i32
        %add3A_595 = vector.broadcast %add3A_594 : i32 to vector<16xi32>
        %add3A_596 = arith.addi %iota3A, %add3A_595 : vector<16xi32>
        %select_n3A_597 = arith.select %gt3A_592, %add3A_596, %select_n3A_545 : vector<16xi1>, vector<16xi32>
        %get3A_598 = arith.constant 0 : i32
        %get3A_599 = arith.constant 0 : i32
        %get3A_600 = tpu.memref_slice %arg4[%scan3A_69, %get3A_598, %get3A_599] : memref<2x50x1000xf32, #tpu.memory_space<vmem>> -> memref<1x50x1000xf32, #tpu.memory_space<vmem>>
        %get3A_601 = tpu.memref_squeeze %get3A_600 : memref<1x50x1000xf32, #tpu.memory_space<vmem>> -> memref<50x1000xf32, #tpu.memory_space<vmem>>
        %get3A_602 = arith.index_cast %scan3A_118 : i32 to index
        %get3A_603 = arith.constant 592 : index
        %get3A_604 = tpu.vector_load %get3A_601[%get3A_602, %get3A_603] {strides = array<i32>} : memref<50x1000xf32, #tpu.memory_space<vmem>>, vector<16xf32>,
        %gt3A_605 = arith.cmpf ogt, %get3A_604, %select_n3A_554 : vector<16xf32>
        %select_n3A_606 = arith.select %gt3A_605, %get3A_604, %select_n3A_554 : vector<16xi1>, vector<16xf32>
        %add3A_607 = arith.constant 592 : i32
        %add3A_608 = vector.broadcast %add3A_607 : i32 to vector<16xi32>
        %add3A_609 = arith.addi %iota3A, %add3A_608 : vector<16xi32>
        %select_n3A_610 = arith.select %gt3A_605, %add3A_609, %select_n3A_558 : vector<16xi1>, vector<16xi32>
        %get3A_611 = arith.constant 0 : i32
        %get3A_612 = arith.constant 0 : i32
        %get3A_613 = tpu.memref_slice %arg4[%scan3A_69, %get3A_611, %get3A_612] : memref<2x50x1000xf32, #tpu.memory_space<vmem>> -> memref<1x50x1000xf32, #tpu.memory_space<vmem>>
        %get3A_614 = tpu.memref_squeeze %get3A_613 : memref<1x50x1000xf32, #tpu.memory_space<vmem>> -> memref<50x1000xf32, #tpu.memory_space<vmem>>
        %get3A_615 = arith.index_cast %scan3A_118 : i32 to index
        %get3A_616 = arith.constant 608 : index
        %get3A_617 = tpu.vector_load %get3A_614[%get3A_615, %get3A_616] {strides = array<i32>} : memref<50x1000xf32, #tpu.memory_space<vmem>>, vector<16xf32>,
        %gt3A_618 = arith.cmpf ogt, %get3A_617, %select_n3A_567 : vector<16xf32>
        %select_n3A_619 = arith.select %gt3A_618, %get3A_617, %select_n3A_567 : vector<16xi1>, vector<16xf32>
        %add3A_620 = arith.constant 608 : i32
        %add3A_621 = vector.broadcast %add3A_620 : i32 to vector<16xi32>
        %add3A_622 = arith.addi %iota3A, %add3A_621 : vector<16xi32>
        %select_n3A_623 = arith.select %gt3A_618, %add3A_622, %select_n3A_571 : vector<16xi1>, vector<16xi32>
        %get3A_624 = arith.constant 0 : i32
        %get3A_625 = arith.constant 0 : i32
        %get3A_626 = tpu.memref_slice %arg4[%scan3A_69, %get3A_624, %get3A_625] : memref<2x50x1000xf32, #tpu.memory_space<vmem>> -> memref<1x50x1000xf32, #tpu.memory_space<vmem>>
        %get3A_627 = tpu.memref_squeeze %get3A_626 : memref<1x50x1000xf32, #tpu.memory_space<vmem>> -> memref<50x1000xf32, #tpu.memory_space<vmem>>
        %get3A_628 = arith.index_cast %scan3A_118 : i32 to index
        %get3A_629 = arith.constant 624 : index
        %get3A_630 = tpu.vector_load %get3A_627[%get3A_628, %get3A_629] {strides = array<i32>} : memref<50x1000xf32, #tpu.memory_space<vmem>>, vector<16xf32>,
        %gt3A_631 = arith.cmpf ogt, %get3A_630, %select_n3A_580 : vector<16xf32>
        %select_n3A_632 = arith.select %gt3A_631, %get3A_630, %select_n3A_580 : vector<16xi1>, vector<16xf32>
        %add3A_633 = arith.constant 624 : i32
        %add3A_634 = vector.broadcast %add3A_633 : i32 to vector<16xi32>
        %add3A_635 = arith.addi %iota3A, %add3A_634 : vector<16xi32>
        %select_n3A_636 = arith.select %gt3A_631, %add3A_635, %select_n3A_584 : vector<16xi1>, vector<16xi32>
        %get3A_637 = arith.constant 0 : i32
        %get3A_638 = arith.constant 0 : i32
        %get3A_639 = tpu.memref_slice %arg4[%scan3A_69, %get3A_637, %get3A_638] : memref<2x50x1000xf32, #tpu.memory_space<vmem>> -> memref<1x50x1000xf32, #tpu.memory_space<vmem>>
        %get3A_640 = tpu.memref_squeeze %get3A_639 : memref<1x50x1000xf32, #tpu.memory_space<vmem>> -> memref<50x1000xf32, #tpu.memory_space<vmem>>
        %get3A_641 = arith.index_cast %scan3A_118 : i32 to index
        %get3A_642 = arith.constant 640 : index
        %get3A_643 = tpu.vector_load %get3A_640[%get3A_641, %get3A_642] {strides = array<i32>} : memref<50x1000xf32, #tpu.memory_space<vmem>>, vector<16xf32>,
        %gt3A_644 = arith.cmpf ogt, %get3A_643, %select_n3A_593 : vector<16xf32>
        %select_n3A_645 = arith.select %gt3A_644, %get3A_643, %select_n3A_593 : vector<16xi1>, vector<16xf32>
        %add3A_646 = arith.constant 640 : i32
        %add3A_647 = vector.broadcast %add3A_646 : i32 to vector<16xi32>
        %add3A_648 = arith.addi %iota3A, %add3A_647 : vector<16xi32>
        %select_n3A_649 = arith.select %gt3A_644, %add3A_648, %select_n3A_597 : vector<16xi1>, vector<16xi32>
        %get3A_650 = arith.constant 0 : i32
        %get3A_651 = arith.constant 0 : i32
        %get3A_652 = tpu.memref_slice %arg4[%scan3A_69, %get3A_650, %get3A_651] : memref<2x50x1000xf32, #tpu.memory_space<vmem>> -> memref<1x50x1000xf32, #tpu.memory_space<vmem>>
        %get3A_653 = tpu.memref_squeeze %get3A_652 : memref<1x50x1000xf32, #tpu.memory_space<vmem>> -> memref<50x1000xf32, #tpu.memory_space<vmem>>
        %get3A_654 = arith.index_cast %scan3A_118 : i32 to index
        %get3A_655 = arith.constant 656 : index
        %get3A_656 = tpu.vector_load %get3A_653[%get3A_654, %get3A_655] {strides = array<i32>} : memref<50x1000xf32, #tpu.memory_space<vmem>>, vector<16xf32>,
        %gt3A_657 = arith.cmpf ogt, %get3A_656, %select_n3A_606 : vector<16xf32>
        %select_n3A_658 = arith.select %gt3A_657, %get3A_656, %select_n3A_606 : vector<16xi1>, vector<16xf32>
        %add3A_659 = arith.constant 656 : i32
        %add3A_660 = vector.broadcast %add3A_659 : i32 to vector<16xi32>
        %add3A_661 = arith.addi %iota3A, %add3A_660 : vector<16xi32>
        %select_n3A_662 = arith.select %gt3A_657, %add3A_661, %select_n3A_610 : vector<16xi1>, vector<16xi32>
        %get3A_663 = arith.constant 0 : i32
        %get3A_664 = arith.constant 0 : i32
        %get3A_665 = tpu.memref_slice %arg4[%scan3A_69, %get3A_663, %get3A_664] : memref<2x50x1000xf32, #tpu.memory_space<vmem>> -> memref<1x50x1000xf32, #tpu.memory_space<vmem>>
        %get3A_666 = tpu.memref_squeeze %get3A_665 : memref<1x50x1000xf32, #tpu.memory_space<vmem>> -> memref<50x1000xf32, #tpu.memory_space<vmem>>
        %get3A_667 = arith.index_cast %scan3A_118 : i32 to index
        %get3A_668 = arith.constant 672 : index
        %get3A_669 = tpu.vector_load %get3A_666[%get3A_667, %get3A_668] {strides = array<i32>} : memref<50x1000xf32, #tpu.memory_space<vmem>>, vector<16xf32>,
        %gt3A_670 = arith.cmpf ogt, %get3A_669, %select_n3A_619 : vector<16xf32>
        %select_n3A_671 = arith.select %gt3A_670, %get3A_669, %select_n3A_619 : vector<16xi1>, vector<16xf32>
        %add3A_672 = arith.constant 672 : i32
        %add3A_673 = vector.broadcast %add3A_672 : i32 to vector<16xi32>
        %add3A_674 = arith.addi %iota3A, %add3A_673 : vector<16xi32>
        %select_n3A_675 = arith.select %gt3A_670, %add3A_674, %select_n3A_623 : vector<16xi1>, vector<16xi32>
        %get3A_676 = arith.constant 0 : i32
        %get3A_677 = arith.constant 0 : i32
        %get3A_678 = tpu.memref_slice %arg4[%scan3A_69, %get3A_676, %get3A_677] : memref<2x50x1000xf32, #tpu.memory_space<vmem>> -> memref<1x50x1000xf32, #tpu.memory_space<vmem>>
        %get3A_679 = tpu.memref_squeeze %get3A_678 : memref<1x50x1000xf32, #tpu.memory_space<vmem>> -> memref<50x1000xf32, #tpu.memory_space<vmem>>
        %get3A_680 = arith.index_cast %scan3A_118 : i32 to index
        %get3A_681 = arith.constant 688 : index
        %get3A_682 = tpu.vector_load %get3A_679[%get3A_680, %get3A_681] {strides = array<i32>} : memref<50x1000xf32, #tpu.memory_space<vmem>>, vector<16xf32>,
        %gt3A_683 = arith.cmpf ogt, %get3A_682, %select_n3A_632 : vector<16xf32>
        %select_n3A_684 = arith.select %gt3A_683, %get3A_682, %select_n3A_632 : vector<16xi1>, vector<16xf32>
        %add3A_685 = arith.constant 688 : i32
        %add3A_686 = vector.broadcast %add3A_685 : i32 to vector<16xi32>
        %add3A_687 = arith.addi %iota3A, %add3A_686 : vector<16xi32>
        %select_n3A_688 = arith.select %gt3A_683, %add3A_687, %select_n3A_636 : vector<16xi1>, vector<16xi32>
        %get3A_689 = arith.constant 0 : i32
        %get3A_690 = arith.constant 0 : i32
        %get3A_691 = tpu.memref_slice %arg4[%scan3A_69, %get3A_689, %get3A_690] : memref<2x50x1000xf32, #tpu.memory_space<vmem>> -> memref<1x50x1000xf32, #tpu.memory_space<vmem>>
        %get3A_692 = tpu.memref_squeeze %get3A_691 : memref<1x50x1000xf32, #tpu.memory_space<vmem>> -> memref<50x1000xf32, #tpu.memory_space<vmem>>
        %get3A_693 = arith.index_cast %scan3A_118 : i32 to index
        %get3A_694 = arith.constant 704 : index
        %get3A_695 = tpu.vector_load %get3A_692[%get3A_693, %get3A_694] {strides = array<i32>} : memref<50x1000xf32, #tpu.memory_space<vmem>>, vector<16xf32>,
        %gt3A_696 = arith.cmpf ogt, %get3A_695, %select_n3A_645 : vector<16xf32>
        %select_n3A_697 = arith.select %gt3A_696, %get3A_695, %select_n3A_645 : vector<16xi1>, vector<16xf32>
        %add3A_698 = arith.constant 704 : i32
        %add3A_699 = vector.broadcast %add3A_698 : i32 to vector<16xi32>
        %add3A_700 = arith.addi %iota3A, %add3A_699 : vector<16xi32>
        %select_n3A_701 = arith.select %gt3A_696, %add3A_700, %select_n3A_649 : vector<16xi1>, vector<16xi32>
        %get3A_702 = arith.constant 0 : i32
        %get3A_703 = arith.constant 0 : i32
        %get3A_704 = tpu.memref_slice %arg4[%scan3A_69, %get3A_702, %get3A_703] : memref<2x50x1000xf32, #tpu.memory_space<vmem>> -> memref<1x50x1000xf32, #tpu.memory_space<vmem>>
        %get3A_705 = tpu.memref_squeeze %get3A_704 : memref<1x50x1000xf32, #tpu.memory_space<vmem>> -> memref<50x1000xf32, #tpu.memory_space<vmem>>
        %get3A_706 = arith.index_cast %scan3A_118 : i32 to index
        %get3A_707 = arith.constant 720 : index
        %get3A_708 = tpu.vector_load %get3A_705[%get3A_706, %get3A_707] {strides = array<i32>} : memref<50x1000xf32, #tpu.memory_space<vmem>>, vector<16xf32>,
        %gt3A_709 = arith.cmpf ogt, %get3A_708, %select_n3A_658 : vector<16xf32>
        %select_n3A_710 = arith.select %gt3A_709, %get3A_708, %select_n3A_658 : vector<16xi1>, vector<16xf32>
        %add3A_711 = arith.constant 720 : i32
        %add3A_712 = vector.broadcast %add3A_711 : i32 to vector<16xi32>
        %add3A_713 = arith.addi %iota3A, %add3A_712 : vector<16xi32>
        %select_n3A_714 = arith.select %gt3A_709, %add3A_713, %select_n3A_662 : vector<16xi1>, vector<16xi32>
        %get3A_715 = arith.constant 0 : i32
        %get3A_716 = arith.constant 0 : i32
        %get3A_717 = tpu.memref_slice %arg4[%scan3A_69, %get3A_715, %get3A_716] : memref<2x50x1000xf32, #tpu.memory_space<vmem>> -> memref<1x50x1000xf32, #tpu.memory_space<vmem>>
        %get3A_718 = tpu.memref_squeeze %get3A_717 : memref<1x50x1000xf32, #tpu.memory_space<vmem>> -> memref<50x1000xf32, #tpu.memory_space<vmem>>
        %get3A_719 = arith.index_cast %scan3A_118 : i32 to index
        %get3A_720 = arith.constant 736 : index
        %get3A_721 = tpu.vector_load %get3A_718[%get3A_719, %get3A_720] {strides = array<i32>} : memref<50x1000xf32, #tpu.memory_space<vmem>>, vector<16xf32>,
        %gt3A_722 = arith.cmpf ogt, %get3A_721, %select_n3A_671 : vector<16xf32>
        %select_n3A_723 = arith.select %gt3A_722, %get3A_721, %select_n3A_671 : vector<16xi1>, vector<16xf32>
        %add3A_724 = arith.constant 736 : i32
        %add3A_725 = vector.broadcast %add3A_724 : i32 to vector<16xi32>
        %add3A_726 = arith.addi %iota3A, %add3A_725 : vector<16xi32>
        %select_n3A_727 = arith.select %gt3A_722, %add3A_726, %select_n3A_675 : vector<16xi1>, vector<16xi32>
        %get3A_728 = arith.constant 0 : i32
        %get3A_729 = arith.constant 0 : i32
        %get3A_730 = tpu.memref_slice %arg4[%scan3A_69, %get3A_728, %get3A_729] : memref<2x50x1000xf32, #tpu.memory_space<vmem>> -> memref<1x50x1000xf32, #tpu.memory_space<vmem>>
        %get3A_731 = tpu.memref_squeeze %get3A_730 : memref<1x50x1000xf32, #tpu.memory_space<vmem>> -> memref<50x1000xf32, #tpu.memory_space<vmem>>
        %get3A_732 = arith.index_cast %scan3A_118 : i32 to index
        %get3A_733 = arith.constant 752 : index
        %get3A_734 = tpu.vector_load %get3A_731[%get3A_732, %get3A_733] {strides = array<i32>} : memref<50x1000xf32, #tpu.memory_space<vmem>>, vector<16xf32>,
        %gt3A_735 = arith.cmpf ogt, %get3A_734, %select_n3A_684 : vector<16xf32>
        %select_n3A_736 = arith.select %gt3A_735, %get3A_734, %select_n3A_684 : vector<16xi1>, vector<16xf32>
        %add3A_737 = arith.constant 752 : i32
        %add3A_738 = vector.broadcast %add3A_737 : i32 to vector<16xi32>
        %add3A_739 = arith.addi %iota3A, %add3A_738 : vector<16xi32>
        %select_n3A_740 = arith.select %gt3A_735, %add3A_739, %select_n3A_688 : vector<16xi1>, vector<16xi32>
        %get3A_741 = arith.constant 0 : i32
        %get3A_742 = arith.constant 0 : i32
        %get3A_743 = tpu.memref_slice %arg4[%scan3A_69, %get3A_741, %get3A_742] : memref<2x50x1000xf32, #tpu.memory_space<vmem>> -> memref<1x50x1000xf32, #tpu.memory_space<vmem>>
        %get3A_744 = tpu.memref_squeeze %get3A_743 : memref<1x50x1000xf32, #tpu.memory_space<vmem>> -> memref<50x1000xf32, #tpu.memory_space<vmem>>
        %get3A_745 = arith.index_cast %scan3A_118 : i32 to index
        %get3A_746 = arith.constant 768 : index
        %get3A_747 = tpu.vector_load %get3A_744[%get3A_745, %get3A_746] {strides = array<i32>} : memref<50x1000xf32, #tpu.memory_space<vmem>>, vector<16xf32>,
        %gt3A_748 = arith.cmpf ogt, %get3A_747, %select_n3A_697 : vector<16xf32>
        %select_n3A_749 = arith.select %gt3A_748, %get3A_747, %select_n3A_697 : vector<16xi1>, vector<16xf32>
        %add3A_750 = arith.constant 768 : i32
        %add3A_751 = vector.broadcast %add3A_750 : i32 to vector<16xi32>
        %add3A_752 = arith.addi %iota3A, %add3A_751 : vector<16xi32>
        %select_n3A_753 = arith.select %gt3A_748, %add3A_752, %select_n3A_701 : vector<16xi1>, vector<16xi32>
        %get3A_754 = arith.constant 0 : i32
        %get3A_755 = arith.constant 0 : i32
        %get3A_756 = tpu.memref_slice %arg4[%scan3A_69, %get3A_754, %get3A_755] : memref<2x50x1000xf32, #tpu.memory_space<vmem>> -> memref<1x50x1000xf32, #tpu.memory_space<vmem>>
        %get3A_757 = tpu.memref_squeeze %get3A_756 : memref<1x50x1000xf32, #tpu.memory_space<vmem>> -> memref<50x1000xf32, #tpu.memory_space<vmem>>
        %get3A_758 = arith.index_cast %scan3A_118 : i32 to index
        %get3A_759 = arith.constant 784 : index
        %get3A_760 = tpu.vector_load %get3A_757[%get3A_758, %get3A_759] {strides = array<i32>} : memref<50x1000xf32, #tpu.memory_space<vmem>>, vector<16xf32>,
        %gt3A_761 = arith.cmpf ogt, %get3A_760, %select_n3A_710 : vector<16xf32>
        %select_n3A_762 = arith.select %gt3A_761, %get3A_760, %select_n3A_710 : vector<16xi1>, vector<16xf32>
        %add3A_763 = arith.constant 784 : i32
        %add3A_764 = vector.broadcast %add3A_763 : i32 to vector<16xi32>
        %add3A_765 = arith.addi %iota3A, %add3A_764 : vector<16xi32>
        %select_n3A_766 = arith.select %gt3A_761, %add3A_765, %select_n3A_714 : vector<16xi1>, vector<16xi32>
        %get3A_767 = arith.constant 0 : i32
        %get3A_768 = arith.constant 0 : i32
        %get3A_769 = tpu.memref_slice %arg4[%scan3A_69, %get3A_767, %get3A_768] : memref<2x50x1000xf32, #tpu.memory_space<vmem>> -> memref<1x50x1000xf32, #tpu.memory_space<vmem>>
        %get3A_770 = tpu.memref_squeeze %get3A_769 : memref<1x50x1000xf32, #tpu.memory_space<vmem>> -> memref<50x1000xf32, #tpu.memory_space<vmem>>
        %get3A_771 = arith.index_cast %scan3A_118 : i32 to index
        %get3A_772 = arith.constant 800 : index
        %get3A_773 = tpu.vector_load %get3A_770[%get3A_771, %get3A_772] {strides = array<i32>} : memref<50x1000xf32, #tpu.memory_space<vmem>>, vector<16xf32>,
        %gt3A_774 = arith.cmpf ogt, %get3A_773, %select_n3A_723 : vector<16xf32>
        %select_n3A_775 = arith.select %gt3A_774, %get3A_773, %select_n3A_723 : vector<16xi1>, vector<16xf32>
        %add3A_776 = arith.constant 800 : i32
        %add3A_777 = vector.broadcast %add3A_776 : i32 to vector<16xi32>
        %add3A_778 = arith.addi %iota3A, %add3A_777 : vector<16xi32>
        %select_n3A_779 = arith.select %gt3A_774, %add3A_778, %select_n3A_727 : vector<16xi1>, vector<16xi32>
        %get3A_780 = arith.constant 0 : i32
        %get3A_781 = arith.constant 0 : i32
        %get3A_782 = tpu.memref_slice %arg4[%scan3A_69, %get3A_780, %get3A_781] : memref<2x50x1000xf32, #tpu.memory_space<vmem>> -> memref<1x50x1000xf32, #tpu.memory_space<vmem>>
        %get3A_783 = tpu.memref_squeeze %get3A_782 : memref<1x50x1000xf32, #tpu.memory_space<vmem>> -> memref<50x1000xf32, #tpu.memory_space<vmem>>
        %get3A_784 = arith.index_cast %scan3A_118 : i32 to index
        %get3A_785 = arith.constant 816 : index
        %get3A_786 = tpu.vector_load %get3A_783[%get3A_784, %get3A_785] {strides = array<i32>} : memref<50x1000xf32, #tpu.memory_space<vmem>>, vector<16xf32>,
        %gt3A_787 = arith.cmpf ogt, %get3A_786, %select_n3A_736 : vector<16xf32>
        %select_n3A_788 = arith.select %gt3A_787, %get3A_786, %select_n3A_736 : vector<16xi1>, vector<16xf32>
        %add3A_789 = arith.constant 816 : i32
        %add3A_790 = vector.broadcast %add3A_789 : i32 to vector<16xi32>
        %add3A_791 = arith.addi %iota3A, %add3A_790 : vector<16xi32>
        %select_n3A_792 = arith.select %gt3A_787, %add3A_791, %select_n3A_740 : vector<16xi1>, vector<16xi32>
        %get3A_793 = arith.constant 0 : i32
        %get3A_794 = arith.constant 0 : i32
        %get3A_795 = tpu.memref_slice %arg4[%scan3A_69, %get3A_793, %get3A_794] : memref<2x50x1000xf32, #tpu.memory_space<vmem>> -> memref<1x50x1000xf32, #tpu.memory_space<vmem>>
        %get3A_796 = tpu.memref_squeeze %get3A_795 : memref<1x50x1000xf32, #tpu.memory_space<vmem>> -> memref<50x1000xf32, #tpu.memory_space<vmem>>
        %get3A_797 = arith.index_cast %scan3A_118 : i32 to index
        %get3A_798 = arith.constant 832 : index
        %get3A_799 = tpu.vector_load %get3A_796[%get3A_797, %get3A_798] {strides = array<i32>} : memref<50x1000xf32, #tpu.memory_space<vmem>>, vector<16xf32>,
        %gt3A_800 = arith.cmpf ogt, %get3A_799, %select_n3A_749 : vector<16xf32>
        %select_n3A_801 = arith.select %gt3A_800, %get3A_799, %select_n3A_749 : vector<16xi1>, vector<16xf32>
        %add3A_802 = arith.constant 832 : i32
        %add3A_803 = vector.broadcast %add3A_802 : i32 to vector<16xi32>
        %add3A_804 = arith.addi %iota3A, %add3A_803 : vector<16xi32>
        %select_n3A_805 = arith.select %gt3A_800, %add3A_804, %select_n3A_753 : vector<16xi1>, vector<16xi32>
        %get3A_806 = arith.constant 0 : i32
        %get3A_807 = arith.constant 0 : i32
        %get3A_808 = tpu.memref_slice %arg4[%scan3A_69, %get3A_806, %get3A_807] : memref<2x50x1000xf32, #tpu.memory_space<vmem>> -> memref<1x50x1000xf32, #tpu.memory_space<vmem>>
        %get3A_809 = tpu.memref_squeeze %get3A_808 : memref<1x50x1000xf32, #tpu.memory_space<vmem>> -> memref<50x1000xf32, #tpu.memory_space<vmem>>
        %get3A_810 = arith.index_cast %scan3A_118 : i32 to index
        %get3A_811 = arith.constant 848 : index
        %get3A_812 = tpu.vector_load %get3A_809[%get3A_810, %get3A_811] {strides = array<i32>} : memref<50x1000xf32, #tpu.memory_space<vmem>>, vector<16xf32>,
        %gt3A_813 = arith.cmpf ogt, %get3A_812, %select_n3A_762 : vector<16xf32>
        %select_n3A_814 = arith.select %gt3A_813, %get3A_812, %select_n3A_762 : vector<16xi1>, vector<16xf32>
        %add3A_815 = arith.constant 848 : i32
        %add3A_816 = vector.broadcast %add3A_815 : i32 to vector<16xi32>
        %add3A_817 = arith.addi %iota3A, %add3A_816 : vector<16xi32>
        %select_n3A_818 = arith.select %gt3A_813, %add3A_817, %select_n3A_766 : vector<16xi1>, vector<16xi32>
        %get3A_819 = arith.constant 0 : i32
        %get3A_820 = arith.constant 0 : i32
        %get3A_821 = tpu.memref_slice %arg4[%scan3A_69, %get3A_819, %get3A_820] : memref<2x50x1000xf32, #tpu.memory_space<vmem>> -> memref<1x50x1000xf32, #tpu.memory_space<vmem>>
        %get3A_822 = tpu.memref_squeeze %get3A_821 : memref<1x50x1000xf32, #tpu.memory_space<vmem>> -> memref<50x1000xf32, #tpu.memory_space<vmem>>
        %get3A_823 = arith.index_cast %scan3A_118 : i32 to index
        %get3A_824 = arith.constant 864 : index
        %get3A_825 = tpu.vector_load %get3A_822[%get3A_823, %get3A_824] {strides = array<i32>} : memref<50x1000xf32, #tpu.memory_space<vmem>>, vector<16xf32>,
        %gt3A_826 = arith.cmpf ogt, %get3A_825, %select_n3A_775 : vector<16xf32>
        %select_n3A_827 = arith.select %gt3A_826, %get3A_825, %select_n3A_775 : vector<16xi1>, vector<16xf32>
        %add3A_828 = arith.constant 864 : i32
        %add3A_829 = vector.broadcast %add3A_828 : i32 to vector<16xi32>
        %add3A_830 = arith.addi %iota3A, %add3A_829 : vector<16xi32>
        %select_n3A_831 = arith.select %gt3A_826, %add3A_830, %select_n3A_779 : vector<16xi1>, vector<16xi32>
        %get3A_832 = arith.constant 0 : i32
        %get3A_833 = arith.constant 0 : i32
        %get3A_834 = tpu.memref_slice %arg4[%scan3A_69, %get3A_832, %get3A_833] : memref<2x50x1000xf32, #tpu.memory_space<vmem>> -> memref<1x50x1000xf32, #tpu.memory_space<vmem>>
        %get3A_835 = tpu.memref_squeeze %get3A_834 : memref<1x50x1000xf32, #tpu.memory_space<vmem>> -> memref<50x1000xf32, #tpu.memory_space<vmem>>
        %get3A_836 = arith.index_cast %scan3A_118 : i32 to index
        %get3A_837 = arith.constant 880 : index
        %get3A_838 = tpu.vector_load %get3A_835[%get3A_836, %get3A_837] {strides = array<i32>} : memref<50x1000xf32, #tpu.memory_space<vmem>>, vector<16xf32>,
        %gt3A_839 = arith.cmpf ogt, %get3A_838, %select_n3A_788 : vector<16xf32>
        %select_n3A_840 = arith.select %gt3A_839, %get3A_838, %select_n3A_788 : vector<16xi1>, vector<16xf32>
        %add3A_841 = arith.constant 880 : i32
        %add3A_842 = vector.broadcast %add3A_841 : i32 to vector<16xi32>
        %add3A_843 = arith.addi %iota3A, %add3A_842 : vector<16xi32>
        %select_n3A_844 = arith.select %gt3A_839, %add3A_843, %select_n3A_792 : vector<16xi1>, vector<16xi32>
        %get3A_845 = arith.constant 0 : i32
        %get3A_846 = arith.constant 0 : i32
        %get3A_847 = tpu.memref_slice %arg4[%scan3A_69, %get3A_845, %get3A_846] : memref<2x50x1000xf32, #tpu.memory_space<vmem>> -> memref<1x50x1000xf32, #tpu.memory_space<vmem>>
        %get3A_848 = tpu.memref_squeeze %get3A_847 : memref<1x50x1000xf32, #tpu.memory_space<vmem>> -> memref<50x1000xf32, #tpu.memory_space<vmem>>
        %get3A_849 = arith.index_cast %scan3A_118 : i32 to index
        %get3A_850 = arith.constant 896 : index
        %get3A_851 = tpu.vector_load %get3A_848[%get3A_849, %get3A_850] {strides = array<i32>} : memref<50x1000xf32, #tpu.memory_space<vmem>>, vector<16xf32>,
        %gt3A_852 = arith.cmpf ogt, %get3A_851, %select_n3A_801 : vector<16xf32>
        %select_n3A_853 = arith.select %gt3A_852, %get3A_851, %select_n3A_801 : vector<16xi1>, vector<16xf32>
        %add3A_854 = arith.constant 896 : i32
        %add3A_855 = vector.broadcast %add3A_854 : i32 to vector<16xi32>
        %add3A_856 = arith.addi %iota3A, %add3A_855 : vector<16xi32>
        %select_n3A_857 = arith.select %gt3A_852, %add3A_856, %select_n3A_805 : vector<16xi1>, vector<16xi32>
        %get3A_858 = arith.constant 0 : i32
        %get3A_859 = arith.constant 0 : i32
        %get3A_860 = tpu.memref_slice %arg4[%scan3A_69, %get3A_858, %get3A_859] : memref<2x50x1000xf32, #tpu.memory_space<vmem>> -> memref<1x50x1000xf32, #tpu.memory_space<vmem>>
        %get3A_861 = tpu.memref_squeeze %get3A_860 : memref<1x50x1000xf32, #tpu.memory_space<vmem>> -> memref<50x1000xf32, #tpu.memory_space<vmem>>
        %get3A_862 = arith.index_cast %scan3A_118 : i32 to index
        %get3A_863 = arith.constant 912 : index
        %get3A_864 = tpu.vector_load %get3A_861[%get3A_862, %get3A_863] {strides = array<i32>} : memref<50x1000xf32, #tpu.memory_space<vmem>>, vector<16xf32>,
        %gt3A_865 = arith.cmpf ogt, %get3A_864, %select_n3A_814 : vector<16xf32>
        %select_n3A_866 = arith.select %gt3A_865, %get3A_864, %select_n3A_814 : vector<16xi1>, vector<16xf32>
        %add3A_867 = arith.constant 912 : i32
        %add3A_868 = vector.broadcast %add3A_867 : i32 to vector<16xi32>
        %add3A_869 = arith.addi %iota3A, %add3A_868 : vector<16xi32>
        %select_n3A_870 = arith.select %gt3A_865, %add3A_869, %select_n3A_818 : vector<16xi1>, vector<16xi32>
        %get3A_871 = arith.constant 0 : i32
        %get3A_872 = arith.constant 0 : i32
        %get3A_873 = tpu.memref_slice %arg4[%scan3A_69, %get3A_871, %get3A_872] : memref<2x50x1000xf32, #tpu.memory_space<vmem>> -> memref<1x50x1000xf32, #tpu.memory_space<vmem>>
        %get3A_874 = tpu.memref_squeeze %get3A_873 : memref<1x50x1000xf32, #tpu.memory_space<vmem>> -> memref<50x1000xf32, #tpu.memory_space<vmem>>
        %get3A_875 = arith.index_cast %scan3A_118 : i32 to index
        %get3A_876 = arith.constant 928 : index
        %get3A_877 = tpu.vector_load %get3A_874[%get3A_875, %get3A_876] {strides = array<i32>} : memref<50x1000xf32, #tpu.memory_space<vmem>>, vector<16xf32>,
        %gt3A_878 = arith.cmpf ogt, %get3A_877, %select_n3A_827 : vector<16xf32>
        %select_n3A_879 = arith.select %gt3A_878, %get3A_877, %select_n3A_827 : vector<16xi1>, vector<16xf32>
        %add3A_880 = arith.constant 928 : i32
        %add3A_881 = vector.broadcast %add3A_880 : i32 to vector<16xi32>
        %add3A_882 = arith.addi %iota3A, %add3A_881 : vector<16xi32>
        %select_n3A_883 = arith.select %gt3A_878, %add3A_882, %select_n3A_831 : vector<16xi1>, vector<16xi32>
        %get3A_884 = arith.constant 0 : i32
        %get3A_885 = arith.constant 0 : i32
        %get3A_886 = tpu.memref_slice %arg4[%scan3A_69, %get3A_884, %get3A_885] : memref<2x50x1000xf32, #tpu.memory_space<vmem>> -> memref<1x50x1000xf32, #tpu.memory_space<vmem>>
        %get3A_887 = tpu.memref_squeeze %get3A_886 : memref<1x50x1000xf32, #tpu.memory_space<vmem>> -> memref<50x1000xf32, #tpu.memory_space<vmem>>
        %get3A_888 = arith.index_cast %scan3A_118 : i32 to index
        %get3A_889 = arith.constant 944 : index
        %get3A_890 = tpu.vector_load %get3A_887[%get3A_888, %get3A_889] {strides = array<i32>} : memref<50x1000xf32, #tpu.memory_space<vmem>>, vector<16xf32>,
        %gt3A_891 = arith.cmpf ogt, %get3A_890, %select_n3A_840 : vector<16xf32>
        %select_n3A_892 = arith.select %gt3A_891, %get3A_890, %select_n3A_840 : vector<16xi1>, vector<16xf32>
        %add3A_893 = arith.constant 944 : i32
        %add3A_894 = vector.broadcast %add3A_893 : i32 to vector<16xi32>
        %add3A_895 = arith.addi %iota3A, %add3A_894 : vector<16xi32>
        %select_n3A_896 = arith.select %gt3A_891, %add3A_895, %select_n3A_844 : vector<16xi1>, vector<16xi32>
        %get3A_897 = arith.constant 0 : i32
        %get3A_898 = arith.constant 0 : i32
        %get3A_899 = tpu.memref_slice %arg4[%scan3A_69, %get3A_897, %get3A_898] : memref<2x50x1000xf32, #tpu.memory_space<vmem>> -> memref<1x50x1000xf32, #tpu.memory_space<vmem>>
        %get3A_900 = tpu.memref_squeeze %get3A_899 : memref<1x50x1000xf32, #tpu.memory_space<vmem>> -> memref<50x1000xf32, #tpu.memory_space<vmem>>
        %get3A_901 = arith.index_cast %scan3A_118 : i32 to index
        %get3A_902 = arith.constant 960 : index
        %get3A_903 = tpu.vector_load %get3A_900[%get3A_901, %get3A_902] {strides = array<i32>} : memref<50x1000xf32, #tpu.memory_space<vmem>>, vector<16xf32>,
        %gt3A_904 = arith.cmpf ogt, %get3A_903, %select_n3A_853 : vector<16xf32>
        %select_n3A_905 = arith.select %gt3A_904, %get3A_903, %select_n3A_853 : vector<16xi1>, vector<16xf32>
        %add3A_906 = arith.constant 960 : i32
        %add3A_907 = vector.broadcast %add3A_906 : i32 to vector<16xi32>
        %add3A_908 = arith.addi %iota3A, %add3A_907 : vector<16xi32>
        %select_n3A_909 = arith.select %gt3A_904, %add3A_908, %select_n3A_857 : vector<16xi1>, vector<16xi32>
        %get3A_910 = arith.constant 0 : i32
        %get3A_911 = arith.constant 0 : i32
        %get3A_912 = tpu.memref_slice %arg4[%scan3A_69, %get3A_910, %get3A_911] : memref<2x50x1000xf32, #tpu.memory_space<vmem>> -> memref<1x50x1000xf32, #tpu.memory_space<vmem>>
        %get3A_913 = tpu.memref_squeeze %get3A_912 : memref<1x50x1000xf32, #tpu.memory_space<vmem>> -> memref<50x1000xf32, #tpu.memory_space<vmem>>
        %get3A_914 = arith.index_cast %scan3A_118 : i32 to index
        %get3A_915 = arith.constant 976 : index
        %get3A_916 = tpu.vector_load %get3A_913[%get3A_914, %get3A_915] {strides = array<i32>} : memref<50x1000xf32, #tpu.memory_space<vmem>>, vector<16xf32>,
        %gt3A_917 = arith.cmpf ogt, %get3A_916, %select_n3A_866 : vector<16xf32>
        %select_n3A_918 = arith.select %gt3A_917, %get3A_916, %select_n3A_866 : vector<16xi1>, vector<16xf32>
        %add3A_919 = arith.constant 976 : i32
        %add3A_920 = vector.broadcast %add3A_919 : i32 to vector<16xi32>
        %add3A_921 = arith.addi %iota3A, %add3A_920 : vector<16xi32>
        %select_n3A_922 = arith.select %gt3A_917, %add3A_921, %select_n3A_870 : vector<16xi1>, vector<16xi32>
        %get3A_923 = arith.constant 0 : i32
        %get3A_924 = arith.constant 0 : i32
        %get3A_925 = tpu.memref_slice %arg4[%scan3A_69, %get3A_923, %get3A_924] : memref<2x50x1000xf32, #tpu.memory_space<vmem>> -> memref<1x50x1000xf32, #tpu.memory_space<vmem>>
        %get3A_926 = tpu.memref_squeeze %get3A_925 : memref<1x50x1000xf32, #tpu.memory_space<vmem>> -> memref<50x1000xf32, #tpu.memory_space<vmem>>
        %get3A_927 = arith.index_cast %scan3A_118 : i32 to index
        %get3A_928 = arith.constant 984 : index
        %get3A_929 = tpu.vector_load %get3A_926[%get3A_927, %get3A_928] {strides = array<i32>} : memref<50x1000xf32, #tpu.memory_space<vmem>>, vector<16xf32>,
        %gt3A_930 = arith.cmpf ogt, %get3A_929, %select_n3A_879 : vector<16xf32>
        %select_n3A_931 = arith.select %gt3A_930, %get3A_929, %select_n3A_879 : vector<16xi1>, vector<16xf32>
        %add3A_932 = arith.constant 984 : i32
        %add3A_933 = vector.broadcast %add3A_932 : i32 to vector<16xi32>
        %add3A_934 = arith.addi %iota3A, %add3A_933 : vector<16xi32>
        %select_n3A_935 = arith.select %gt3A_930, %add3A_934, %select_n3A_883 : vector<16xi1>, vector<16xi32>
        %gt3A_936 = arith.cmpf ogt, %select_n3A_892, %select_n3A_931 : vector<16xf32>
        %eq3A = arith.cmpf oeq, %select_n3A_892, %select_n3A_931 : vector<16xf32>
        %lt3A_937 = arith.cmpi slt, %select_n3A_896, %select_n3A_935 : vector<16xi32>
        %and3A = arith.andi %eq3A, %lt3A_937 : vector<16xi1>
        %or3A = arith.ori %gt3A_936, %and3A : vector<16xi1>
        %select_n3A_938 = arith.select %or3A, %select_n3A_892, %select_n3A_931 : vector<16xi1>, vector<16xf32>
        %select_n3A_939 = arith.select %or3A, %select_n3A_896, %select_n3A_935 : vector<16xi1>, vector<16xi32>
        %gt3A_940 = arith.cmpf ogt, %select_n3A_938, %select_n3A_918 : vector<16xf32>
        %eq3A_941 = arith.cmpf oeq, %select_n3A_938, %select_n3A_918 : vector<16xf32>
        %lt3A_942 = arith.cmpi slt, %select_n3A_939, %select_n3A_922 : vector<16xi32>
        %and3A_943 = arith.andi %eq3A_941, %lt3A_942 : vector<16xi1>
        %or3A_944 = arith.ori %gt3A_940, %and3A_943 : vector<16xi1>
        %select_n3A_945 = arith.select %or3A_944, %select_n3A_938, %select_n3A_918 : vector<16xi1>, vector<16xf32>
        %select_n3A_946 = arith.select %or3A_944, %select_n3A_939, %select_n3A_922 : vector<16xi1>, vector<16xi32>
        %gt3A_947 = arith.cmpf ogt, %select_n3A_945, %select_n3A_905 : vector<16xf32>
        %eq3A_948 = arith.cmpf oeq, %select_n3A_945, %select_n3A_905 : vector<16xf32>
        %lt3A_949 = arith.cmpi slt, %select_n3A_946, %select_n3A_909 : vector<16xi32>
        %and3A_950 = arith.andi %eq3A_948, %lt3A_949 : vector<16xi1>
        %or3A_951 = arith.ori %gt3A_947, %and3A_950 : vector<16xi1>
        %select_n3A_952 = arith.select %or3A_951, %select_n3A_945, %select_n3A_905 : vector<16xi1>, vector<16xf32>
        %select_n3A_953 = arith.select %or3A_951, %select_n3A_946, %select_n3A_909 : vector<16xi1>, vector<16xi32>
        %reduce_max3A = arith.constant true
        %reduce_max3A_954 = vector.broadcast %reduce_max3A : i1 to vector<16xi1>
        %reduce_max3A_955 = tpu.scan <max>, %select_n3A_952 masked %reduce_max3A_954 : vector<16xf32>, vector<16xi1> -> vector<16xf32>
        %reduce_max3A_956 = vector.extract %reduce_max3A_955[15] : f32 from vector<16xf32>
        %eq3A_957 = vector.broadcast %reduce_max3A_956 : f32 to vector<16xf32>
        %eq3A_958 = arith.cmpf oeq, %select_n3A_952, %eq3A_957 : vector<16xf32>
        %jit3A = arith.constant 1000 : i32
        %broadcast_in_dim3A_959 = vector.broadcast %jit3A : i32 to vector<16xi32>
        %select_n3A_960 = arith.select %eq3A_958, %select_n3A_953, %broadcast_in_dim3A_959 : vector<16xi1>, vector<16xi32>
        %reduce_min3A = arith.constant true
        %reduce_min3A_961 = vector.broadcast %reduce_min3A : i1 to vector<16xi1>
        %reduce_min3A_962 = arith.constant -2147483648 : i32
        %reduce_min3A_963 = vector.broadcast %reduce_min3A_962 : i32 to vector<16xi32>
        %reduce_min3A_964 = arith.xori %select_n3A_960, %reduce_min3A_963 : vector<16xi32>
        %reduce_min3A_965 = tpu.scan <min>, %reduce_min3A_964 masked %reduce_min3A_961 : vector<16xi32>, vector<16xi1> -> vector<16xi32>
        %reduce_min3A_966 = arith.xori %reduce_min3A_965, %reduce_min3A_963 : vector<16xi32>
        %reduce_min3A_967 = vector.extract %reduce_min3A_966[15] : i32 from vector<16xi32>
        %mul3A_968 = arith.constant 50 : i32
        %mul3A_969 = arith.muli %add3A_52, %mul3A_968 : i32
        %add3A_970 = arith.addi %mul3A_969, %scan3A_118 : i32
        %broadcast_in_dim3A_971 = vector.broadcast %add3A_970 : i32 to vector<16xi32>
        %broadcast_in_dim3A_972 = vector.broadcast %reduce_min3A_967 : i32 to vector<16xi32>
        %eq3A_973 = arith.constant 0 : i32
        %eq3A_974 = vector.broadcast %eq3A_973 : i32 to vector<16xi32>
        %eq3A_975 = arith.cmpi eq, %iota3A, %eq3A_974 : vector<16xi32>
        tpu.vector_store_idx %arg5[%broadcast_in_dim3A_971], %broadcast_in_dim3A_972 masked %eq3A_975 : memref<1600xi32, #tpu.memory_space<vmem>>[vector<16xi32>], vector<16xi32>, vector<16xi1>
        %scan3A_976 = arith.constant 0 : i32
        scf.yield %scan3A_976 : i32
      }
      %scan3A_76 = arith.constant 50 : i32
      %add3A_77 = arith.constant 2 : i32
      %add3A_78 = arith.addi %add3A_52, %add3A_77 : i32
      %lt3A = arith.constant 32 : i32
      %lt3A_79 = arith.cmpi slt, %add3A_78, %lt3A : i32
      %convert_element_type3A = arith.extui %lt3A_79 : i1 to i32
      %cond3A = arith.constant 0 : i32
      %cond3A_80 = arith.cmpi ne, %convert_element_type3A, %cond3A : i32
      scf.if %cond3A_80 {
        %add3A_118 = arith.addi %mul3A_2, %add3A_78 : i32
        %dma_start3A_119 = arith.constant 0 : i32
        %dma_start3A_120 = arith.constant 0 : i32
        %dma_start3A_121 = arith.constant 0 : i32
        %dma_start3A_122 = tpu.memref_slice %arg4[%dma_start3A_119, %dma_start3A_120, %dma_start3A_121] : memref<2x50x1000xf32, #tpu.memory_space<vmem>> -> memref<1x50x1000xf32, #tpu.memory_space<vmem>>
        %dma_start3A_123 = tpu.memref_squeeze %dma_start3A_122 : memref<1x50x1000xf32, #tpu.memory_space<vmem>> -> memref<50x1000xf32, #tpu.memory_space<vmem>>
        %dma_start3A_124 = arith.constant 0 : i32
        %dma_start3A_125 = arith.constant 0 : i32
        %dma_start3A_126 = tpu.memref_slice %arg2[%add3A_118, %dma_start3A_124, %dma_start3A_125] : memref<1024x50x1000xf32, #tpu.memory_space<hbm>> -> memref<1x50x1000xf32, #tpu.memory_space<hbm>>
        %dma_start3A_127 = tpu.memref_squeeze %dma_start3A_126 : memref<1x50x1000xf32, #tpu.memory_space<hbm>> -> memref<50x1000xf32, #tpu.memory_space<hbm>>
        %dma_start3A_128 = arith.constant 0 : i32
        %dma_start3A_129 = arith.constant 0 : i32
        %dma_start3A_130 = tpu.memref_slice %arg4[%dma_start3A_119, %dma_start3A_128, %dma_start3A_129] : memref<2x50x1000xf32, #tpu.memory_space<vmem>> -> memref<1x50x1000xf32, #tpu.memory_space<vmem>>
        %dma_start3A_131 = tpu.memref_squeeze %dma_start3A_130 : memref<1x50x1000xf32, #tpu.memory_space<vmem>> -> memref<50x1000xf32, #tpu.memory_space<vmem>>
        %dma_start3A_132 = arith.constant 0 : i32
        %dma_start3A_133 = arith.constant 0 : i32
        %dma_start3A_134 = tpu.memref_slice %arg2[%add3A_118, %dma_start3A_132, %dma_start3A_133] : memref<1024x50x1000xf32, #tpu.memory_space<hbm>> -> memref<1x50x1000xf32, #tpu.memory_space<hbm>>
        %dma_start3A_135 = tpu.memref_squeeze %dma_start3A_134 : memref<1x50x1000xf32, #tpu.memory_space<hbm>> -> memref<50x1000xf32, #tpu.memory_space<hbm>>
        tpu.enqueue_dma source(%dma_start3A_135 : memref<50x1000xf32, #tpu.memory_space<hbm>>) target(%dma_start3A_131 : memref<50x1000xf32, #tpu.memory_space<vmem>>) target_semaphore(%arg6 : memref<!tpu.dma_semaphore, #tpu.memory_space<semaphore_mem>>)
      } else {
      }
      %mul3A_81 = arith.constant 2 : i32
      %mul3A_82 = arith.muli %scan3A_47, %mul3A_81 : i32
      %add3A_83 = arith.constant 1 : i32
      %add3A_84 = arith.addi %mul3A_82, %add3A_83 : i32
      %dma_wait3A_85 = arith.constant 1 : i32
      %dma_wait3A_86 = arith.constant 0 : i32
      %dma_wait3A_87 = arith.constant 0 : i32
      %dma_wait3A_88 = tpu.memref_slice %arg4[%dma_wait3A_85, %dma_wait3A_86, %dma_wait3A_87] : memref<2x50x1000xf32, #tpu.memory_space<vmem>> -> memref<1x50x1000xf32, #tpu.memory_space<vmem>>
      %dma_wait3A_89 = tpu.memref_squeeze %dma_wait3A_88 : memref<1x50x1000xf32, #tpu.memory_space<vmem>> -> memref<50x1000xf32, #tpu.memory_space<vmem>>
      %dma_wait3A_90 = arith.constant 0 : i32
      %dma_wait3A_91 = arith.constant 0 : i32
      %dma_wait3A_92 = tpu.memref_slice %arg2[%mul3A_2, %dma_wait3A_90, %dma_wait3A_91] : memref<1024x50x1000xf32, #tpu.memory_space<hbm>> -> memref<1x50x1000xf32, #tpu.memory_space<hbm>>
      %dma_wait3A_93 = tpu.memref_squeeze %dma_wait3A_92 : memref<1x50x1000xf32, #tpu.memory_space<hbm>> -> memref<50x1000xf32, #tpu.memory_space<hbm>>
      %dma_wait3A_94 = arith.constant 0 : i32
      %dma_wait3A_95 = arith.constant 0 : i32
      %dma_wait3A_96 = tpu.memref_slice %arg4[%dma_wait3A_85, %dma_wait3A_94, %dma_wait3A_95] : memref<2x50x1000xf32, #tpu.memory_space<vmem>> -> memref<1x50x1000xf32, #tpu.memory_space<vmem>>
      %dma_wait3A_97 = tpu.memref_squeeze %dma_wait3A_96 : memref<1x50x1000xf32, #tpu.memory_space<vmem>> -> memref<50x1000xf32, #tpu.memory_space<vmem>>
      %dma_wait3A_98 = arith.constant 0 : i32
      %dma_wait3A_99 = arith.constant 0 : i32
      %dma_wait3A_100 = tpu.memref_slice %arg2[%mul3A_2, %dma_wait3A_98, %dma_wait3A_99] : memref<1024x50x1000xf32, #tpu.memory_space<hbm>> -> memref<1x50x1000xf32, #tpu.memory_space<hbm>>
      %dma_wait3A_101 = tpu.memref_squeeze %dma_wait3A_100 : memref<1x50x1000xf32, #tpu.memory_space<hbm>> -> memref<50x1000xf32, #tpu.memory_space<hbm>>
      tpu.wait_dma2 semaphore(%arg7 : memref<!tpu.dma_semaphore, #tpu.memory_space<semaphore_mem>>) src(%dma_wait3A_101 : memref<50x1000xf32, #tpu.memory_space<hbm>>) dst(%dma_wait3A_97 : memref<50x1000xf32, #tpu.memory_space<vmem>>)
      %scan3A_102 = arith.constant 1 : i32
      %scan3A_103 = arith.constant 0 : i32
      %scan3A_104 = arith.constant 0 : i32
      %scan3A_105 = arith.constant 50 : i32
      %scan3A_106 = arith.addi %scan3A_104, %scan3A_105 : i32
      %scan3A_107 = arith.constant 1 : i32
      %scan3A_108 = scf.for %scan3A_118 = %scan3A_104 to %scan3A_106 step %scan3A_107 iter_args(%scan3A_119 = %scan3A_103) -> (i32)  : i32 {
        %get3A = arith.constant 0 : i32
        %get3A_120 = arith.constant 0 : i32
        %get3A_121 = tpu.memref_slice %arg4[%scan3A_102, %get3A, %get3A_120] : memref<2x50x1000xf32, #tpu.memory_space<vmem>> -> memref<1x50x1000xf32, #tpu.memory_space<vmem>>
        %get3A_122 = tpu.memref_squeeze %get3A_121 : memref<1x50x1000xf32, #tpu.memory_space<vmem>> -> memref<50x1000xf32, #tpu.memory_space<vmem>>
        %get3A_123 = arith.index_cast %scan3A_118 : i32 to index
        %get3A_124 = arith.constant 0 : index
        %get3A_125 = tpu.vector_load %get3A_122[%get3A_123, %get3A_124] {strides = array<i32>} : memref<50x1000xf32, #tpu.memory_space<vmem>>, vector<16xf32>,
        %gt3A = arith.cmpf ogt, %get3A_125, %broadcast_in_dim3A_3 : vector<16xf32>
        %select_n3A = arith.select %gt3A, %get3A_125, %broadcast_in_dim3A_3 : vector<16xi1>, vector<16xf32>
        %add3A_126 = arith.constant 0 : i32
        %add3A_127 = vector.broadcast %add3A_126 : i32 to vector<16xi32>
        %add3A_128 = arith.addi %iota3A, %add3A_127 : vector<16xi32>
        %select_n3A_129 = arith.select %gt3A, %add3A_128, %iota3A : vector<16xi1>, vector<16xi32>
        %get3A_130 = arith.constant 0 : i32
        %get3A_131 = arith.constant 0 : i32
        %get3A_132 = tpu.memref_slice %arg4[%scan3A_102, %get3A_130, %get3A_131] : memref<2x50x1000xf32, #tpu.memory_space<vmem>> -> memref<1x50x1000xf32, #tpu.memory_space<vmem>>
        %get3A_133 = tpu.memref_squeeze %get3A_132 : memref<1x50x1000xf32, #tpu.memory_space<vmem>> -> memref<50x1000xf32, #tpu.memory_space<vmem>>
        %get3A_134 = arith.index_cast %scan3A_118 : i32 to index
        %get3A_135 = arith.constant 16 : index
        %get3A_136 = tpu.vector_load %get3A_133[%get3A_134, %get3A_135] {strides = array<i32>} : memref<50x1000xf32, #tpu.memory_space<vmem>>, vector<16xf32>,
        %gt3A_137 = arith.cmpf ogt, %get3A_136, %broadcast_in_dim3A_3 : vector<16xf32>
        %select_n3A_138 = arith.select %gt3A_137, %get3A_136, %broadcast_in_dim3A_3 : vector<16xi1>, vector<16xf32>
        %add3A_139 = arith.constant 16 : i32
        %add3A_140 = vector.broadcast %add3A_139 : i32 to vector<16xi32>
        %add3A_141 = arith.addi %iota3A, %add3A_140 : vector<16xi32>
        %select_n3A_142 = arith.select %gt3A_137, %add3A_141, %iota3A : vector<16xi1>, vector<16xi32>
        %get3A_143 = arith.constant 0 : i32
        %get3A_144 = arith.constant 0 : i32
        %get3A_145 = tpu.memref_slice %arg4[%scan3A_102, %get3A_143, %get3A_144] : memref<2x50x1000xf32, #tpu.memory_space<vmem>> -> memref<1x50x1000xf32, #tpu.memory_space<vmem>>
        %get3A_146 = tpu.memref_squeeze %get3A_145 : memref<1x50x1000xf32, #tpu.memory_space<vmem>> -> memref<50x1000xf32, #tpu.memory_space<vmem>>
        %get3A_147 = arith.index_cast %scan3A_118 : i32 to index
        %get3A_148 = arith.constant 32 : index
        %get3A_149 = tpu.vector_load %get3A_146[%get3A_147, %get3A_148] {strides = array<i32>} : memref<50x1000xf32, #tpu.memory_space<vmem>>, vector<16xf32>,
        %gt3A_150 = arith.cmpf ogt, %get3A_149, %broadcast_in_dim3A_3 : vector<16xf32>
        %select_n3A_151 = arith.select %gt3A_150, %get3A_149, %broadcast_in_dim3A_3 : vector<16xi1>, vector<16xf32>
        %add3A_152 = arith.constant 32 : i32
        %add3A_153 = vector.broadcast %add3A_152 : i32 to vector<16xi32>
        %add3A_154 = arith.addi %iota3A, %add3A_153 : vector<16xi32>
        %select_n3A_155 = arith.select %gt3A_150, %add3A_154, %iota3A : vector<16xi1>, vector<16xi32>
        %get3A_156 = arith.constant 0 : i32
        %get3A_157 = arith.constant 0 : i32
        %get3A_158 = tpu.memref_slice %arg4[%scan3A_102, %get3A_156, %get3A_157] : memref<2x50x1000xf32, #tpu.memory_space<vmem>> -> memref<1x50x1000xf32, #tpu.memory_space<vmem>>
        %get3A_159 = tpu.memref_squeeze %get3A_158 : memref<1x50x1000xf32, #tpu.memory_space<vmem>> -> memref<50x1000xf32, #tpu.memory_space<vmem>>
        %get3A_160 = arith.index_cast %scan3A_118 : i32 to index
        %get3A_161 = arith.constant 48 : index
        %get3A_162 = tpu.vector_load %get3A_159[%get3A_160, %get3A_161] {strides = array<i32>} : memref<50x1000xf32, #tpu.memory_space<vmem>>, vector<16xf32>,
        %gt3A_163 = arith.cmpf ogt, %get3A_162, %broadcast_in_dim3A_3 : vector<16xf32>
        %select_n3A_164 = arith.select %gt3A_163, %get3A_162, %broadcast_in_dim3A_3 : vector<16xi1>, vector<16xf32>
        %add3A_165 = arith.constant 48 : i32
        %add3A_166 = vector.broadcast %add3A_165 : i32 to vector<16xi32>
        %add3A_167 = arith.addi %iota3A, %add3A_166 : vector<16xi32>
        %select_n3A_168 = arith.select %gt3A_163, %add3A_167, %iota3A : vector<16xi1>, vector<16xi32>
        %get3A_169 = arith.constant 0 : i32
        %get3A_170 = arith.constant 0 : i32
        %get3A_171 = tpu.memref_slice %arg4[%scan3A_102, %get3A_169, %get3A_170] : memref<2x50x1000xf32, #tpu.memory_space<vmem>> -> memref<1x50x1000xf32, #tpu.memory_space<vmem>>
        %get3A_172 = tpu.memref_squeeze %get3A_171 : memref<1x50x1000xf32, #tpu.memory_space<vmem>> -> memref<50x1000xf32, #tpu.memory_space<vmem>>
        %get3A_173 = arith.index_cast %scan3A_118 : i32 to index
        %get3A_174 = arith.constant 64 : index
        %get3A_175 = tpu.vector_load %get3A_172[%get3A_173, %get3A_174] {strides = array<i32>} : memref<50x1000xf32, #tpu.memory_space<vmem>>, vector<16xf32>,
        %gt3A_176 = arith.cmpf ogt, %get3A_175, %select_n3A : vector<16xf32>
        %select_n3A_177 = arith.select %gt3A_176, %get3A_175, %select_n3A : vector<16xi1>, vector<16xf32>
        %add3A_178 = arith.constant 64 : i32
        %add3A_179 = vector.broadcast %add3A_178 : i32 to vector<16xi32>
        %add3A_180 = arith.addi %iota3A, %add3A_179 : vector<16xi32>
        %select_n3A_181 = arith.select %gt3A_176, %add3A_180, %select_n3A_129 : vector<16xi1>, vector<16xi32>
        %get3A_182 = arith.constant 0 : i32
        %get3A_183 = arith.constant 0 : i32
        %get3A_184 = tpu.memref_slice %arg4[%scan3A_102, %get3A_182, %get3A_183] : memref<2x50x1000xf32, #tpu.memory_space<vmem>> -> memref<1x50x1000xf32, #tpu.memory_space<vmem>>
        %get3A_185 = tpu.memref_squeeze %get3A_184 : memref<1x50x1000xf32, #tpu.memory_space<vmem>> -> memref<50x1000xf32, #tpu.memory_space<vmem>>
        %get3A_186 = arith.index_cast %scan3A_118 : i32 to index
        %get3A_187 = arith.constant 80 : index
        %get3A_188 = tpu.vector_load %get3A_185[%get3A_186, %get3A_187] {strides = array<i32>} : memref<50x1000xf32, #tpu.memory_space<vmem>>, vector<16xf32>,
        %gt3A_189 = arith.cmpf ogt, %get3A_188, %select_n3A_138 : vector<16xf32>
        %select_n3A_190 = arith.select %gt3A_189, %get3A_188, %select_n3A_138 : vector<16xi1>, vector<16xf32>
        %add3A_191 = arith.constant 80 : i32
        %add3A_192 = vector.broadcast %add3A_191 : i32 to vector<16xi32>
        %add3A_193 = arith.addi %iota3A, %add3A_192 : vector<16xi32>
        %select_n3A_194 = arith.select %gt3A_189, %add3A_193, %select_n3A_142 : vector<16xi1>, vector<16xi32>
        %get3A_195 = arith.constant 0 : i32
        %get3A_196 = arith.constant 0 : i32
        %get3A_197 = tpu.memref_slice %arg4[%scan3A_102, %get3A_195, %get3A_196] : memref<2x50x1000xf32, #tpu.memory_space<vmem>> -> memref<1x50x1000xf32, #tpu.memory_space<vmem>>
        %get3A_198 = tpu.memref_squeeze %get3A_197 : memref<1x50x1000xf32, #tpu.memory_space<vmem>> -> memref<50x1000xf32, #tpu.memory_space<vmem>>
        %get3A_199 = arith.index_cast %scan3A_118 : i32 to index
        %get3A_200 = arith.constant 96 : index
        %get3A_201 = tpu.vector_load %get3A_198[%get3A_199, %get3A_200] {strides = array<i32>} : memref<50x1000xf32, #tpu.memory_space<vmem>>, vector<16xf32>,
        %gt3A_202 = arith.cmpf ogt, %get3A_201, %select_n3A_151 : vector<16xf32>
        %select_n3A_203 = arith.select %gt3A_202, %get3A_201, %select_n3A_151 : vector<16xi1>, vector<16xf32>
        %add3A_204 = arith.constant 96 : i32
        %add3A_205 = vector.broadcast %add3A_204 : i32 to vector<16xi32>
        %add3A_206 = arith.addi %iota3A, %add3A_205 : vector<16xi32>
        %select_n3A_207 = arith.select %gt3A_202, %add3A_206, %select_n3A_155 : vector<16xi1>, vector<16xi32>
        %get3A_208 = arith.constant 0 : i32
        %get3A_209 = arith.constant 0 : i32
        %get3A_210 = tpu.memref_slice %arg4[%scan3A_102, %get3A_208, %get3A_209] : memref<2x50x1000xf32, #tpu.memory_space<vmem>> -> memref<1x50x1000xf32, #tpu.memory_space<vmem>>
        %get3A_211 = tpu.memref_squeeze %get3A_210 : memref<1x50x1000xf32, #tpu.memory_space<vmem>> -> memref<50x1000xf32, #tpu.memory_space<vmem>>
        %get3A_212 = arith.index_cast %scan3A_118 : i32 to index
        %get3A_213 = arith.constant 112 : index
        %get3A_214 = tpu.vector_load %get3A_211[%get3A_212, %get3A_213] {strides = array<i32>} : memref<50x1000xf32, #tpu.memory_space<vmem>>, vector<16xf32>,
        %gt3A_215 = arith.cmpf ogt, %get3A_214, %select_n3A_164 : vector<16xf32>
        %select_n3A_216 = arith.select %gt3A_215, %get3A_214, %select_n3A_164 : vector<16xi1>, vector<16xf32>
        %add3A_217 = arith.constant 112 : i32
        %add3A_218 = vector.broadcast %add3A_217 : i32 to vector<16xi32>
        %add3A_219 = arith.addi %iota3A, %add3A_218 : vector<16xi32>
        %select_n3A_220 = arith.select %gt3A_215, %add3A_219, %select_n3A_168 : vector<16xi1>, vector<16xi32>
        %get3A_221 = arith.constant 0 : i32
        %get3A_222 = arith.constant 0 : i32
        %get3A_223 = tpu.memref_slice %arg4[%scan3A_102, %get3A_221, %get3A_222] : memref<2x50x1000xf32, #tpu.memory_space<vmem>> -> memref<1x50x1000xf32, #tpu.memory_space<vmem>>
        %get3A_224 = tpu.memref_squeeze %get3A_223 : memref<1x50x1000xf32, #tpu.memory_space<vmem>> -> memref<50x1000xf32, #tpu.memory_space<vmem>>
        %get3A_225 = arith.index_cast %scan3A_118 : i32 to index
        %get3A_226 = arith.constant 128 : index
        %get3A_227 = tpu.vector_load %get3A_224[%get3A_225, %get3A_226] {strides = array<i32>} : memref<50x1000xf32, #tpu.memory_space<vmem>>, vector<16xf32>,
        %gt3A_228 = arith.cmpf ogt, %get3A_227, %select_n3A_177 : vector<16xf32>
        %select_n3A_229 = arith.select %gt3A_228, %get3A_227, %select_n3A_177 : vector<16xi1>, vector<16xf32>
        %add3A_230 = arith.constant 128 : i32
        %add3A_231 = vector.broadcast %add3A_230 : i32 to vector<16xi32>
        %add3A_232 = arith.addi %iota3A, %add3A_231 : vector<16xi32>
        %select_n3A_233 = arith.select %gt3A_228, %add3A_232, %select_n3A_181 : vector<16xi1>, vector<16xi32>
        %get3A_234 = arith.constant 0 : i32
        %get3A_235 = arith.constant 0 : i32
        %get3A_236 = tpu.memref_slice %arg4[%scan3A_102, %get3A_234, %get3A_235] : memref<2x50x1000xf32, #tpu.memory_space<vmem>> -> memref<1x50x1000xf32, #tpu.memory_space<vmem>>
        %get3A_237 = tpu.memref_squeeze %get3A_236 : memref<1x50x1000xf32, #tpu.memory_space<vmem>> -> memref<50x1000xf32, #tpu.memory_space<vmem>>
        %get3A_238 = arith.index_cast %scan3A_118 : i32 to index
        %get3A_239 = arith.constant 144 : index
        %get3A_240 = tpu.vector_load %get3A_237[%get3A_238, %get3A_239] {strides = array<i32>} : memref<50x1000xf32, #tpu.memory_space<vmem>>, vector<16xf32>,
        %gt3A_241 = arith.cmpf ogt, %get3A_240, %select_n3A_190 : vector<16xf32>
        %select_n3A_242 = arith.select %gt3A_241, %get3A_240, %select_n3A_190 : vector<16xi1>, vector<16xf32>
        %add3A_243 = arith.constant 144 : i32
        %add3A_244 = vector.broadcast %add3A_243 : i32 to vector<16xi32>
        %add3A_245 = arith.addi %iota3A, %add3A_244 : vector<16xi32>
        %select_n3A_246 = arith.select %gt3A_241, %add3A_245, %select_n3A_194 : vector<16xi1>, vector<16xi32>
        %get3A_247 = arith.constant 0 : i32
        %get3A_248 = arith.constant 0 : i32
        %get3A_249 = tpu.memref_slice %arg4[%scan3A_102, %get3A_247, %get3A_248] : memref<2x50x1000xf32, #tpu.memory_space<vmem>> -> memref<1x50x1000xf32, #tpu.memory_space<vmem>>
        %get3A_250 = tpu.memref_squeeze %get3A_249 : memref<1x50x1000xf32, #tpu.memory_space<vmem>> -> memref<50x1000xf32, #tpu.memory_space<vmem>>
        %get3A_251 = arith.index_cast %scan3A_118 : i32 to index
        %get3A_252 = arith.constant 160 : index
        %get3A_253 = tpu.vector_load %get3A_250[%get3A_251, %get3A_252] {strides = array<i32>} : memref<50x1000xf32, #tpu.memory_space<vmem>>, vector<16xf32>,
        %gt3A_254 = arith.cmpf ogt, %get3A_253, %select_n3A_203 : vector<16xf32>
        %select_n3A_255 = arith.select %gt3A_254, %get3A_253, %select_n3A_203 : vector<16xi1>, vector<16xf32>
        %add3A_256 = arith.constant 160 : i32
        %add3A_257 = vector.broadcast %add3A_256 : i32 to vector<16xi32>
        %add3A_258 = arith.addi %iota3A, %add3A_257 : vector<16xi32>
        %select_n3A_259 = arith.select %gt3A_254, %add3A_258, %select_n3A_207 : vector<16xi1>, vector<16xi32>
        %get3A_260 = arith.constant 0 : i32
        %get3A_261 = arith.constant 0 : i32
        %get3A_262 = tpu.memref_slice %arg4[%scan3A_102, %get3A_260, %get3A_261] : memref<2x50x1000xf32, #tpu.memory_space<vmem>> -> memref<1x50x1000xf32, #tpu.memory_space<vmem>>
        %get3A_263 = tpu.memref_squeeze %get3A_262 : memref<1x50x1000xf32, #tpu.memory_space<vmem>> -> memref<50x1000xf32, #tpu.memory_space<vmem>>
        %get3A_264 = arith.index_cast %scan3A_118 : i32 to index
        %get3A_265 = arith.constant 176 : index
        %get3A_266 = tpu.vector_load %get3A_263[%get3A_264, %get3A_265] {strides = array<i32>} : memref<50x1000xf32, #tpu.memory_space<vmem>>, vector<16xf32>,
        %gt3A_267 = arith.cmpf ogt, %get3A_266, %select_n3A_216 : vector<16xf32>
        %select_n3A_268 = arith.select %gt3A_267, %get3A_266, %select_n3A_216 : vector<16xi1>, vector<16xf32>
        %add3A_269 = arith.constant 176 : i32
        %add3A_270 = vector.broadcast %add3A_269 : i32 to vector<16xi32>
        %add3A_271 = arith.addi %iota3A, %add3A_270 : vector<16xi32>
        %select_n3A_272 = arith.select %gt3A_267, %add3A_271, %select_n3A_220 : vector<16xi1>, vector<16xi32>
        %get3A_273 = arith.constant 0 : i32
        %get3A_274 = arith.constant 0 : i32
        %get3A_275 = tpu.memref_slice %arg4[%scan3A_102, %get3A_273, %get3A_274] : memref<2x50x1000xf32, #tpu.memory_space<vmem>> -> memref<1x50x1000xf32, #tpu.memory_space<vmem>>
        %get3A_276 = tpu.memref_squeeze %get3A_275 : memref<1x50x1000xf32, #tpu.memory_space<vmem>> -> memref<50x1000xf32, #tpu.memory_space<vmem>>
        %get3A_277 = arith.index_cast %scan3A_118 : i32 to index
        %get3A_278 = arith.constant 192 : index
        %get3A_279 = tpu.vector_load %get3A_276[%get3A_277, %get3A_278] {strides = array<i32>} : memref<50x1000xf32, #tpu.memory_space<vmem>>, vector<16xf32>,
        %gt3A_280 = arith.cmpf ogt, %get3A_279, %select_n3A_229 : vector<16xf32>
        %select_n3A_281 = arith.select %gt3A_280, %get3A_279, %select_n3A_229 : vector<16xi1>, vector<16xf32>
        %add3A_282 = arith.constant 192 : i32
        %add3A_283 = vector.broadcast %add3A_282 : i32 to vector<16xi32>
        %add3A_284 = arith.addi %iota3A, %add3A_283 : vector<16xi32>
        %select_n3A_285 = arith.select %gt3A_280, %add3A_284, %select_n3A_233 : vector<16xi1>, vector<16xi32>
        %get3A_286 = arith.constant 0 : i32
        %get3A_287 = arith.constant 0 : i32
        %get3A_288 = tpu.memref_slice %arg4[%scan3A_102, %get3A_286, %get3A_287] : memref<2x50x1000xf32, #tpu.memory_space<vmem>> -> memref<1x50x1000xf32, #tpu.memory_space<vmem>>
        %get3A_289 = tpu.memref_squeeze %get3A_288 : memref<1x50x1000xf32, #tpu.memory_space<vmem>> -> memref<50x1000xf32, #tpu.memory_space<vmem>>
        %get3A_290 = arith.index_cast %scan3A_118 : i32 to index
        %get3A_291 = arith.constant 208 : index
        %get3A_292 = tpu.vector_load %get3A_289[%get3A_290, %get3A_291] {strides = array<i32>} : memref<50x1000xf32, #tpu.memory_space<vmem>>, vector<16xf32>,
        %gt3A_293 = arith.cmpf ogt, %get3A_292, %select_n3A_242 : vector<16xf32>
        %select_n3A_294 = arith.select %gt3A_293, %get3A_292, %select_n3A_242 : vector<16xi1>, vector<16xf32>
        %add3A_295 = arith.constant 208 : i32
        %add3A_296 = vector.broadcast %add3A_295 : i32 to vector<16xi32>
        %add3A_297 = arith.addi %iota3A, %add3A_296 : vector<16xi32>
        %select_n3A_298 = arith.select %gt3A_293, %add3A_297, %select_n3A_246 : vector<16xi1>, vector<16xi32>
        %get3A_299 = arith.constant 0 : i32
        %get3A_300 = arith.constant 0 : i32
        %get3A_301 = tpu.memref_slice %arg4[%scan3A_102, %get3A_299, %get3A_300] : memref<2x50x1000xf32, #tpu.memory_space<vmem>> -> memref<1x50x1000xf32, #tpu.memory_space<vmem>>
        %get3A_302 = tpu.memref_squeeze %get3A_301 : memref<1x50x1000xf32, #tpu.memory_space<vmem>> -> memref<50x1000xf32, #tpu.memory_space<vmem>>
        %get3A_303 = arith.index_cast %scan3A_118 : i32 to index
        %get3A_304 = arith.constant 224 : index
        %get3A_305 = tpu.vector_load %get3A_302[%get3A_303, %get3A_304] {strides = array<i32>} : memref<50x1000xf32, #tpu.memory_space<vmem>>, vector<16xf32>,
        %gt3A_306 = arith.cmpf ogt, %get3A_305, %select_n3A_255 : vector<16xf32>
        %select_n3A_307 = arith.select %gt3A_306, %get3A_305, %select_n3A_255 : vector<16xi1>, vector<16xf32>
        %add3A_308 = arith.constant 224 : i32
        %add3A_309 = vector.broadcast %add3A_308 : i32 to vector<16xi32>
        %add3A_310 = arith.addi %iota3A, %add3A_309 : vector<16xi32>
        %select_n3A_311 = arith.select %gt3A_306, %add3A_310, %select_n3A_259 : vector<16xi1>, vector<16xi32>
        %get3A_312 = arith.constant 0 : i32
        %get3A_313 = arith.constant 0 : i32
        %get3A_314 = tpu.memref_slice %arg4[%scan3A_102, %get3A_312, %get3A_313] : memref<2x50x1000xf32, #tpu.memory_space<vmem>> -> memref<1x50x1000xf32, #tpu.memory_space<vmem>>
        %get3A_315 = tpu.memref_squeeze %get3A_314 : memref<1x50x1000xf32, #tpu.memory_space<vmem>> -> memref<50x1000xf32, #tpu.memory_space<vmem>>
        %get3A_316 = arith.index_cast %scan3A_118 : i32 to index
        %get3A_317 = arith.constant 240 : index
        %get3A_318 = tpu.vector_load %get3A_315[%get3A_316, %get3A_317] {strides = array<i32>} : memref<50x1000xf32, #tpu.memory_space<vmem>>, vector<16xf32>,
        %gt3A_319 = arith.cmpf ogt, %get3A_318, %select_n3A_268 : vector<16xf32>
        %select_n3A_320 = arith.select %gt3A_319, %get3A_318, %select_n3A_268 : vector<16xi1>, vector<16xf32>
        %add3A_321 = arith.constant 240 : i32
        %add3A_322 = vector.broadcast %add3A_321 : i32 to vector<16xi32>
        %add3A_323 = arith.addi %iota3A, %add3A_322 : vector<16xi32>
        %select_n3A_324 = arith.select %gt3A_319, %add3A_323, %select_n3A_272 : vector<16xi1>, vector<16xi32>
        %get3A_325 = arith.constant 0 : i32
        %get3A_326 = arith.constant 0 : i32
        %get3A_327 = tpu.memref_slice %arg4[%scan3A_102, %get3A_325, %get3A_326] : memref<2x50x1000xf32, #tpu.memory_space<vmem>> -> memref<1x50x1000xf32, #tpu.memory_space<vmem>>
        %get3A_328 = tpu.memref_squeeze %get3A_327 : memref<1x50x1000xf32, #tpu.memory_space<vmem>> -> memref<50x1000xf32, #tpu.memory_space<vmem>>
        %get3A_329 = arith.index_cast %scan3A_118 : i32 to index
        %get3A_330 = arith.constant 256 : index
        %get3A_331 = tpu.vector_load %get3A_328[%get3A_329, %get3A_330] {strides = array<i32>} : memref<50x1000xf32, #tpu.memory_space<vmem>>, vector<16xf32>,
        %gt3A_332 = arith.cmpf ogt, %get3A_331, %select_n3A_281 : vector<16xf32>
        %select_n3A_333 = arith.select %gt3A_332, %get3A_331, %select_n3A_281 : vector<16xi1>, vector<16xf32>
        %add3A_334 = arith.constant 256 : i32
        %add3A_335 = vector.broadcast %add3A_334 : i32 to vector<16xi32>
        %add3A_336 = arith.addi %iota3A, %add3A_335 : vector<16xi32>
        %select_n3A_337 = arith.select %gt3A_332, %add3A_336, %select_n3A_285 : vector<16xi1>, vector<16xi32>
        %get3A_338 = arith.constant 0 : i32
        %get3A_339 = arith.constant 0 : i32
        %get3A_340 = tpu.memref_slice %arg4[%scan3A_102, %get3A_338, %get3A_339] : memref<2x50x1000xf32, #tpu.memory_space<vmem>> -> memref<1x50x1000xf32, #tpu.memory_space<vmem>>
        %get3A_341 = tpu.memref_squeeze %get3A_340 : memref<1x50x1000xf32, #tpu.memory_space<vmem>> -> memref<50x1000xf32, #tpu.memory_space<vmem>>
        %get3A_342 = arith.index_cast %scan3A_118 : i32 to index
        %get3A_343 = arith.constant 272 : index
        %get3A_344 = tpu.vector_load %get3A_341[%get3A_342, %get3A_343] {strides = array<i32>} : memref<50x1000xf32, #tpu.memory_space<vmem>>, vector<16xf32>,
        %gt3A_345 = arith.cmpf ogt, %get3A_344, %select_n3A_294 : vector<16xf32>
        %select_n3A_346 = arith.select %gt3A_345, %get3A_344, %select_n3A_294 : vector<16xi1>, vector<16xf32>
        %add3A_347 = arith.constant 272 : i32
        %add3A_348 = vector.broadcast %add3A_347 : i32 to vector<16xi32>
        %add3A_349 = arith.addi %iota3A, %add3A_348 : vector<16xi32>
        %select_n3A_350 = arith.select %gt3A_345, %add3A_349, %select_n3A_298 : vector<16xi1>, vector<16xi32>
        %get3A_351 = arith.constant 0 : i32
        %get3A_352 = arith.constant 0 : i32
        %get3A_353 = tpu.memref_slice %arg4[%scan3A_102, %get3A_351, %get3A_352] : memref<2x50x1000xf32, #tpu.memory_space<vmem>> -> memref<1x50x1000xf32, #tpu.memory_space<vmem>>
        %get3A_354 = tpu.memref_squeeze %get3A_353 : memref<1x50x1000xf32, #tpu.memory_space<vmem>> -> memref<50x1000xf32, #tpu.memory_space<vmem>>
        %get3A_355 = arith.index_cast %scan3A_118 : i32 to index
        %get3A_356 = arith.constant 288 : index
        %get3A_357 = tpu.vector_load %get3A_354[%get3A_355, %get3A_356] {strides = array<i32>} : memref<50x1000xf32, #tpu.memory_space<vmem>>, vector<16xf32>,
        %gt3A_358 = arith.cmpf ogt, %get3A_357, %select_n3A_307 : vector<16xf32>
        %select_n3A_359 = arith.select %gt3A_358, %get3A_357, %select_n3A_307 : vector<16xi1>, vector<16xf32>
        %add3A_360 = arith.constant 288 : i32
        %add3A_361 = vector.broadcast %add3A_360 : i32 to vector<16xi32>
        %add3A_362 = arith.addi %iota3A, %add3A_361 : vector<16xi32>
        %select_n3A_363 = arith.select %gt3A_358, %add3A_362, %select_n3A_311 : vector<16xi1>, vector<16xi32>
        %get3A_364 = arith.constant 0 : i32
        %get3A_365 = arith.constant 0 : i32
        %get3A_366 = tpu.memref_slice %arg4[%scan3A_102, %get3A_364, %get3A_365] : memref<2x50x1000xf32, #tpu.memory_space<vmem>> -> memref<1x50x1000xf32, #tpu.memory_space<vmem>>
        %get3A_367 = tpu.memref_squeeze %get3A_366 : memref<1x50x1000xf32, #tpu.memory_space<vmem>> -> memref<50x1000xf32, #tpu.memory_space<vmem>>
        %get3A_368 = arith.index_cast %scan3A_118 : i32 to index
        %get3A_369 = arith.constant 304 : index
        %get3A_370 = tpu.vector_load %get3A_367[%get3A_368, %get3A_369] {strides = array<i32>} : memref<50x1000xf32, #tpu.memory_space<vmem>>, vector<16xf32>,
        %gt3A_371 = arith.cmpf ogt, %get3A_370, %select_n3A_320 : vector<16xf32>
        %select_n3A_372 = arith.select %gt3A_371, %get3A_370, %select_n3A_320 : vector<16xi1>, vector<16xf32>
        %add3A_373 = arith.constant 304 : i32
        %add3A_374 = vector.broadcast %add3A_373 : i32 to vector<16xi32>
        %add3A_375 = arith.addi %iota3A, %add3A_374 : vector<16xi32>
        %select_n3A_376 = arith.select %gt3A_371, %add3A_375, %select_n3A_324 : vector<16xi1>, vector<16xi32>
        %get3A_377 = arith.constant 0 : i32
        %get3A_378 = arith.constant 0 : i32
        %get3A_379 = tpu.memref_slice %arg4[%scan3A_102, %get3A_377, %get3A_378] : memref<2x50x1000xf32, #tpu.memory_space<vmem>> -> memref<1x50x1000xf32, #tpu.memory_space<vmem>>
        %get3A_380 = tpu.memref_squeeze %get3A_379 : memref<1x50x1000xf32, #tpu.memory_space<vmem>> -> memref<50x1000xf32, #tpu.memory_space<vmem>>
        %get3A_381 = arith.index_cast %scan3A_118 : i32 to index
        %get3A_382 = arith.constant 320 : index
        %get3A_383 = tpu.vector_load %get3A_380[%get3A_381, %get3A_382] {strides = array<i32>} : memref<50x1000xf32, #tpu.memory_space<vmem>>, vector<16xf32>,
        %gt3A_384 = arith.cmpf ogt, %get3A_383, %select_n3A_333 : vector<16xf32>
        %select_n3A_385 = arith.select %gt3A_384, %get3A_383, %select_n3A_333 : vector<16xi1>, vector<16xf32>
        %add3A_386 = arith.constant 320 : i32
        %add3A_387 = vector.broadcast %add3A_386 : i32 to vector<16xi32>
        %add3A_388 = arith.addi %iota3A, %add3A_387 : vector<16xi32>
        %select_n3A_389 = arith.select %gt3A_384, %add3A_388, %select_n3A_337 : vector<16xi1>, vector<16xi32>
        %get3A_390 = arith.constant 0 : i32
        %get3A_391 = arith.constant 0 : i32
        %get3A_392 = tpu.memref_slice %arg4[%scan3A_102, %get3A_390, %get3A_391] : memref<2x50x1000xf32, #tpu.memory_space<vmem>> -> memref<1x50x1000xf32, #tpu.memory_space<vmem>>
        %get3A_393 = tpu.memref_squeeze %get3A_392 : memref<1x50x1000xf32, #tpu.memory_space<vmem>> -> memref<50x1000xf32, #tpu.memory_space<vmem>>
        %get3A_394 = arith.index_cast %scan3A_118 : i32 to index
        %get3A_395 = arith.constant 336 : index
        %get3A_396 = tpu.vector_load %get3A_393[%get3A_394, %get3A_395] {strides = array<i32>} : memref<50x1000xf32, #tpu.memory_space<vmem>>, vector<16xf32>,
        %gt3A_397 = arith.cmpf ogt, %get3A_396, %select_n3A_346 : vector<16xf32>
        %select_n3A_398 = arith.select %gt3A_397, %get3A_396, %select_n3A_346 : vector<16xi1>, vector<16xf32>
        %add3A_399 = arith.constant 336 : i32
        %add3A_400 = vector.broadcast %add3A_399 : i32 to vector<16xi32>
        %add3A_401 = arith.addi %iota3A, %add3A_400 : vector<16xi32>
        %select_n3A_402 = arith.select %gt3A_397, %add3A_401, %select_n3A_350 : vector<16xi1>, vector<16xi32>
        %get3A_403 = arith.constant 0 : i32
        %get3A_404 = arith.constant 0 : i32
        %get3A_405 = tpu.memref_slice %arg4[%scan3A_102, %get3A_403, %get3A_404] : memref<2x50x1000xf32, #tpu.memory_space<vmem>> -> memref<1x50x1000xf32, #tpu.memory_space<vmem>>
        %get3A_406 = tpu.memref_squeeze %get3A_405 : memref<1x50x1000xf32, #tpu.memory_space<vmem>> -> memref<50x1000xf32, #tpu.memory_space<vmem>>
        %get3A_407 = arith.index_cast %scan3A_118 : i32 to index
        %get3A_408 = arith.constant 352 : index
        %get3A_409 = tpu.vector_load %get3A_406[%get3A_407, %get3A_408] {strides = array<i32>} : memref<50x1000xf32, #tpu.memory_space<vmem>>, vector<16xf32>,
        %gt3A_410 = arith.cmpf ogt, %get3A_409, %select_n3A_359 : vector<16xf32>
        %select_n3A_411 = arith.select %gt3A_410, %get3A_409, %select_n3A_359 : vector<16xi1>, vector<16xf32>
        %add3A_412 = arith.constant 352 : i32
        %add3A_413 = vector.broadcast %add3A_412 : i32 to vector<16xi32>
        %add3A_414 = arith.addi %iota3A, %add3A_413 : vector<16xi32>
        %select_n3A_415 = arith.select %gt3A_410, %add3A_414, %select_n3A_363 : vector<16xi1>, vector<16xi32>
        %get3A_416 = arith.constant 0 : i32
        %get3A_417 = arith.constant 0 : i32
        %get3A_418 = tpu.memref_slice %arg4[%scan3A_102, %get3A_416, %get3A_417] : memref<2x50x1000xf32, #tpu.memory_space<vmem>> -> memref<1x50x1000xf32, #tpu.memory_space<vmem>>
        %get3A_419 = tpu.memref_squeeze %get3A_418 : memref<1x50x1000xf32, #tpu.memory_space<vmem>> -> memref<50x1000xf32, #tpu.memory_space<vmem>>
        %get3A_420 = arith.index_cast %scan3A_118 : i32 to index
        %get3A_421 = arith.constant 368 : index
        %get3A_422 = tpu.vector_load %get3A_419[%get3A_420, %get3A_421] {strides = array<i32>} : memref<50x1000xf32, #tpu.memory_space<vmem>>, vector<16xf32>,
        %gt3A_423 = arith.cmpf ogt, %get3A_422, %select_n3A_372 : vector<16xf32>
        %select_n3A_424 = arith.select %gt3A_423, %get3A_422, %select_n3A_372 : vector<16xi1>, vector<16xf32>
        %add3A_425 = arith.constant 368 : i32
        %add3A_426 = vector.broadcast %add3A_425 : i32 to vector<16xi32>
        %add3A_427 = arith.addi %iota3A, %add3A_426 : vector<16xi32>
        %select_n3A_428 = arith.select %gt3A_423, %add3A_427, %select_n3A_376 : vector<16xi1>, vector<16xi32>
        %get3A_429 = arith.constant 0 : i32
        %get3A_430 = arith.constant 0 : i32
        %get3A_431 = tpu.memref_slice %arg4[%scan3A_102, %get3A_429, %get3A_430] : memref<2x50x1000xf32, #tpu.memory_space<vmem>> -> memref<1x50x1000xf32, #tpu.memory_space<vmem>>
        %get3A_432 = tpu.memref_squeeze %get3A_431 : memref<1x50x1000xf32, #tpu.memory_space<vmem>> -> memref<50x1000xf32, #tpu.memory_space<vmem>>
        %get3A_433 = arith.index_cast %scan3A_118 : i32 to index
        %get3A_434 = arith.constant 384 : index
        %get3A_435 = tpu.vector_load %get3A_432[%get3A_433, %get3A_434] {strides = array<i32>} : memref<50x1000xf32, #tpu.memory_space<vmem>>, vector<16xf32>,
        %gt3A_436 = arith.cmpf ogt, %get3A_435, %select_n3A_385 : vector<16xf32>
        %select_n3A_437 = arith.select %gt3A_436, %get3A_435, %select_n3A_385 : vector<16xi1>, vector<16xf32>
        %add3A_438 = arith.constant 384 : i32
        %add3A_439 = vector.broadcast %add3A_438 : i32 to vector<16xi32>
        %add3A_440 = arith.addi %iota3A, %add3A_439 : vector<16xi32>
        %select_n3A_441 = arith.select %gt3A_436, %add3A_440, %select_n3A_389 : vector<16xi1>, vector<16xi32>
        %get3A_442 = arith.constant 0 : i32
        %get3A_443 = arith.constant 0 : i32
        %get3A_444 = tpu.memref_slice %arg4[%scan3A_102, %get3A_442, %get3A_443] : memref<2x50x1000xf32, #tpu.memory_space<vmem>> -> memref<1x50x1000xf32, #tpu.memory_space<vmem>>
        %get3A_445 = tpu.memref_squeeze %get3A_444 : memref<1x50x1000xf32, #tpu.memory_space<vmem>> -> memref<50x1000xf32, #tpu.memory_space<vmem>>
        %get3A_446 = arith.index_cast %scan3A_118 : i32 to index
        %get3A_447 = arith.constant 400 : index
        %get3A_448 = tpu.vector_load %get3A_445[%get3A_446, %get3A_447] {strides = array<i32>} : memref<50x1000xf32, #tpu.memory_space<vmem>>, vector<16xf32>,
        %gt3A_449 = arith.cmpf ogt, %get3A_448, %select_n3A_398 : vector<16xf32>
        %select_n3A_450 = arith.select %gt3A_449, %get3A_448, %select_n3A_398 : vector<16xi1>, vector<16xf32>
        %add3A_451 = arith.constant 400 : i32
        %add3A_452 = vector.broadcast %add3A_451 : i32 to vector<16xi32>
        %add3A_453 = arith.addi %iota3A, %add3A_452 : vector<16xi32>
        %select_n3A_454 = arith.select %gt3A_449, %add3A_453, %select_n3A_402 : vector<16xi1>, vector<16xi32>
        %get3A_455 = arith.constant 0 : i32
        %get3A_456 = arith.constant 0 : i32
        %get3A_457 = tpu.memref_slice %arg4[%scan3A_102, %get3A_455, %get3A_456] : memref<2x50x1000xf32, #tpu.memory_space<vmem>> -> memref<1x50x1000xf32, #tpu.memory_space<vmem>>
        %get3A_458 = tpu.memref_squeeze %get3A_457 : memref<1x50x1000xf32, #tpu.memory_space<vmem>> -> memref<50x1000xf32, #tpu.memory_space<vmem>>
        %get3A_459 = arith.index_cast %scan3A_118 : i32 to index
        %get3A_460 = arith.constant 416 : index
        %get3A_461 = tpu.vector_load %get3A_458[%get3A_459, %get3A_460] {strides = array<i32>} : memref<50x1000xf32, #tpu.memory_space<vmem>>, vector<16xf32>,
        %gt3A_462 = arith.cmpf ogt, %get3A_461, %select_n3A_411 : vector<16xf32>
        %select_n3A_463 = arith.select %gt3A_462, %get3A_461, %select_n3A_411 : vector<16xi1>, vector<16xf32>
        %add3A_464 = arith.constant 416 : i32
        %add3A_465 = vector.broadcast %add3A_464 : i32 to vector<16xi32>
        %add3A_466 = arith.addi %iota3A, %add3A_465 : vector<16xi32>
        %select_n3A_467 = arith.select %gt3A_462, %add3A_466, %select_n3A_415 : vector<16xi1>, vector<16xi32>
        %get3A_468 = arith.constant 0 : i32
        %get3A_469 = arith.constant 0 : i32
        %get3A_470 = tpu.memref_slice %arg4[%scan3A_102, %get3A_468, %get3A_469] : memref<2x50x1000xf32, #tpu.memory_space<vmem>> -> memref<1x50x1000xf32, #tpu.memory_space<vmem>>
        %get3A_471 = tpu.memref_squeeze %get3A_470 : memref<1x50x1000xf32, #tpu.memory_space<vmem>> -> memref<50x1000xf32, #tpu.memory_space<vmem>>
        %get3A_472 = arith.index_cast %scan3A_118 : i32 to index
        %get3A_473 = arith.constant 432 : index
        %get3A_474 = tpu.vector_load %get3A_471[%get3A_472, %get3A_473] {strides = array<i32>} : memref<50x1000xf32, #tpu.memory_space<vmem>>, vector<16xf32>,
        %gt3A_475 = arith.cmpf ogt, %get3A_474, %select_n3A_424 : vector<16xf32>
        %select_n3A_476 = arith.select %gt3A_475, %get3A_474, %select_n3A_424 : vector<16xi1>, vector<16xf32>
        %add3A_477 = arith.constant 432 : i32
        %add3A_478 = vector.broadcast %add3A_477 : i32 to vector<16xi32>
        %add3A_479 = arith.addi %iota3A, %add3A_478 : vector<16xi32>
        %select_n3A_480 = arith.select %gt3A_475, %add3A_479, %select_n3A_428 : vector<16xi1>, vector<16xi32>
        %get3A_481 = arith.constant 0 : i32
        %get3A_482 = arith.constant 0 : i32
        %get3A_483 = tpu.memref_slice %arg4[%scan3A_102, %get3A_481, %get3A_482] : memref<2x50x1000xf32, #tpu.memory_space<vmem>> -> memref<1x50x1000xf32, #tpu.memory_space<vmem>>
        %get3A_484 = tpu.memref_squeeze %get3A_483 : memref<1x50x1000xf32, #tpu.memory_space<vmem>> -> memref<50x1000xf32, #tpu.memory_space<vmem>>
        %get3A_485 = arith.index_cast %scan3A_118 : i32 to index
        %get3A_486 = arith.constant 448 : index
        %get3A_487 = tpu.vector_load %get3A_484[%get3A_485, %get3A_486] {strides = array<i32>} : memref<50x1000xf32, #tpu.memory_space<vmem>>, vector<16xf32>,
        %gt3A_488 = arith.cmpf ogt, %get3A_487, %select_n3A_437 : vector<16xf32>
        %select_n3A_489 = arith.select %gt3A_488, %get3A_487, %select_n3A_437 : vector<16xi1>, vector<16xf32>
        %add3A_490 = arith.constant 448 : i32
        %add3A_491 = vector.broadcast %add3A_490 : i32 to vector<16xi32>
        %add3A_492 = arith.addi %iota3A, %add3A_491 : vector<16xi32>
        %select_n3A_493 = arith.select %gt3A_488, %add3A_492, %select_n3A_441 : vector<16xi1>, vector<16xi32>
        %get3A_494 = arith.constant 0 : i32
        %get3A_495 = arith.constant 0 : i32
        %get3A_496 = tpu.memref_slice %arg4[%scan3A_102, %get3A_494, %get3A_495] : memref<2x50x1000xf32, #tpu.memory_space<vmem>> -> memref<1x50x1000xf32, #tpu.memory_space<vmem>>
        %get3A_497 = tpu.memref_squeeze %get3A_496 : memref<1x50x1000xf32, #tpu.memory_space<vmem>> -> memref<50x1000xf32, #tpu.memory_space<vmem>>
        %get3A_498 = arith.index_cast %scan3A_118 : i32 to index
        %get3A_499 = arith.constant 464 : index
        %get3A_500 = tpu.vector_load %get3A_497[%get3A_498, %get3A_499] {strides = array<i32>} : memref<50x1000xf32, #tpu.memory_space<vmem>>, vector<16xf32>,
        %gt3A_501 = arith.cmpf ogt, %get3A_500, %select_n3A_450 : vector<16xf32>
        %select_n3A_502 = arith.select %gt3A_501, %get3A_500, %select_n3A_450 : vector<16xi1>, vector<16xf32>
        %add3A_503 = arith.constant 464 : i32
        %add3A_504 = vector.broadcast %add3A_503 : i32 to vector<16xi32>
        %add3A_505 = arith.addi %iota3A, %add3A_504 : vector<16xi32>
        %select_n3A_506 = arith.select %gt3A_501, %add3A_505, %select_n3A_454 : vector<16xi1>, vector<16xi32>
        %get3A_507 = arith.constant 0 : i32
        %get3A_508 = arith.constant 0 : i32
        %get3A_509 = tpu.memref_slice %arg4[%scan3A_102, %get3A_507, %get3A_508] : memref<2x50x1000xf32, #tpu.memory_space<vmem>> -> memref<1x50x1000xf32, #tpu.memory_space<vmem>>
        %get3A_510 = tpu.memref_squeeze %get3A_509 : memref<1x50x1000xf32, #tpu.memory_space<vmem>> -> memref<50x1000xf32, #tpu.memory_space<vmem>>
        %get3A_511 = arith.index_cast %scan3A_118 : i32 to index
        %get3A_512 = arith.constant 480 : index
        %get3A_513 = tpu.vector_load %get3A_510[%get3A_511, %get3A_512] {strides = array<i32>} : memref<50x1000xf32, #tpu.memory_space<vmem>>, vector<16xf32>,
        %gt3A_514 = arith.cmpf ogt, %get3A_513, %select_n3A_463 : vector<16xf32>
        %select_n3A_515 = arith.select %gt3A_514, %get3A_513, %select_n3A_463 : vector<16xi1>, vector<16xf32>
        %add3A_516 = arith.constant 480 : i32
        %add3A_517 = vector.broadcast %add3A_516 : i32 to vector<16xi32>
        %add3A_518 = arith.addi %iota3A, %add3A_517 : vector<16xi32>
        %select_n3A_519 = arith.select %gt3A_514, %add3A_518, %select_n3A_467 : vector<16xi1>, vector<16xi32>
        %get3A_520 = arith.constant 0 : i32
        %get3A_521 = arith.constant 0 : i32
        %get3A_522 = tpu.memref_slice %arg4[%scan3A_102, %get3A_520, %get3A_521] : memref<2x50x1000xf32, #tpu.memory_space<vmem>> -> memref<1x50x1000xf32, #tpu.memory_space<vmem>>
        %get3A_523 = tpu.memref_squeeze %get3A_522 : memref<1x50x1000xf32, #tpu.memory_space<vmem>> -> memref<50x1000xf32, #tpu.memory_space<vmem>>
        %get3A_524 = arith.index_cast %scan3A_118 : i32 to index
        %get3A_525 = arith.constant 496 : index
        %get3A_526 = tpu.vector_load %get3A_523[%get3A_524, %get3A_525] {strides = array<i32>} : memref<50x1000xf32, #tpu.memory_space<vmem>>, vector<16xf32>,
        %gt3A_527 = arith.cmpf ogt, %get3A_526, %select_n3A_476 : vector<16xf32>
        %select_n3A_528 = arith.select %gt3A_527, %get3A_526, %select_n3A_476 : vector<16xi1>, vector<16xf32>
        %add3A_529 = arith.constant 496 : i32
        %add3A_530 = vector.broadcast %add3A_529 : i32 to vector<16xi32>
        %add3A_531 = arith.addi %iota3A, %add3A_530 : vector<16xi32>
        %select_n3A_532 = arith.select %gt3A_527, %add3A_531, %select_n3A_480 : vector<16xi1>, vector<16xi32>
        %get3A_533 = arith.constant 0 : i32
        %get3A_534 = arith.constant 0 : i32
        %get3A_535 = tpu.memref_slice %arg4[%scan3A_102, %get3A_533, %get3A_534] : memref<2x50x1000xf32, #tpu.memory_space<vmem>> -> memref<1x50x1000xf32, #tpu.memory_space<vmem>>
        %get3A_536 = tpu.memref_squeeze %get3A_535 : memref<1x50x1000xf32, #tpu.memory_space<vmem>> -> memref<50x1000xf32, #tpu.memory_space<vmem>>
        %get3A_537 = arith.index_cast %scan3A_118 : i32 to index
        %get3A_538 = arith.constant 512 : index
        %get3A_539 = tpu.vector_load %get3A_536[%get3A_537, %get3A_538] {strides = array<i32>} : memref<50x1000xf32, #tpu.memory_space<vmem>>, vector<16xf32>,
        %gt3A_540 = arith.cmpf ogt, %get3A_539, %select_n3A_489 : vector<16xf32>
        %select_n3A_541 = arith.select %gt3A_540, %get3A_539, %select_n3A_489 : vector<16xi1>, vector<16xf32>
        %add3A_542 = arith.constant 512 : i32
        %add3A_543 = vector.broadcast %add3A_542 : i32 to vector<16xi32>
        %add3A_544 = arith.addi %iota3A, %add3A_543 : vector<16xi32>
        %select_n3A_545 = arith.select %gt3A_540, %add3A_544, %select_n3A_493 : vector<16xi1>, vector<16xi32>
        %get3A_546 = arith.constant 0 : i32
        %get3A_547 = arith.constant 0 : i32
        %get3A_548 = tpu.memref_slice %arg4[%scan3A_102, %get3A_546, %get3A_547] : memref<2x50x1000xf32, #tpu.memory_space<vmem>> -> memref<1x50x1000xf32, #tpu.memory_space<vmem>>
        %get3A_549 = tpu.memref_squeeze %get3A_548 : memref<1x50x1000xf32, #tpu.memory_space<vmem>> -> memref<50x1000xf32, #tpu.memory_space<vmem>>
        %get3A_550 = arith.index_cast %scan3A_118 : i32 to index
        %get3A_551 = arith.constant 528 : index
        %get3A_552 = tpu.vector_load %get3A_549[%get3A_550, %get3A_551] {strides = array<i32>} : memref<50x1000xf32, #tpu.memory_space<vmem>>, vector<16xf32>,
        %gt3A_553 = arith.cmpf ogt, %get3A_552, %select_n3A_502 : vector<16xf32>
        %select_n3A_554 = arith.select %gt3A_553, %get3A_552, %select_n3A_502 : vector<16xi1>, vector<16xf32>
        %add3A_555 = arith.constant 528 : i32
        %add3A_556 = vector.broadcast %add3A_555 : i32 to vector<16xi32>
        %add3A_557 = arith.addi %iota3A, %add3A_556 : vector<16xi32>
        %select_n3A_558 = arith.select %gt3A_553, %add3A_557, %select_n3A_506 : vector<16xi1>, vector<16xi32>
        %get3A_559 = arith.constant 0 : i32
        %get3A_560 = arith.constant 0 : i32
        %get3A_561 = tpu.memref_slice %arg4[%scan3A_102, %get3A_559, %get3A_560] : memref<2x50x1000xf32, #tpu.memory_space<vmem>> -> memref<1x50x1000xf32, #tpu.memory_space<vmem>>
        %get3A_562 = tpu.memref_squeeze %get3A_561 : memref<1x50x1000xf32, #tpu.memory_space<vmem>> -> memref<50x1000xf32, #tpu.memory_space<vmem>>
        %get3A_563 = arith.index_cast %scan3A_118 : i32 to index
        %get3A_564 = arith.constant 544 : index
        %get3A_565 = tpu.vector_load %get3A_562[%get3A_563, %get3A_564] {strides = array<i32>} : memref<50x1000xf32, #tpu.memory_space<vmem>>, vector<16xf32>,
        %gt3A_566 = arith.cmpf ogt, %get3A_565, %select_n3A_515 : vector<16xf32>
        %select_n3A_567 = arith.select %gt3A_566, %get3A_565, %select_n3A_515 : vector<16xi1>, vector<16xf32>
        %add3A_568 = arith.constant 544 : i32
        %add3A_569 = vector.broadcast %add3A_568 : i32 to vector<16xi32>
        %add3A_570 = arith.addi %iota3A, %add3A_569 : vector<16xi32>
        %select_n3A_571 = arith.select %gt3A_566, %add3A_570, %select_n3A_519 : vector<16xi1>, vector<16xi32>
        %get3A_572 = arith.constant 0 : i32
        %get3A_573 = arith.constant 0 : i32
        %get3A_574 = tpu.memref_slice %arg4[%scan3A_102, %get3A_572, %get3A_573] : memref<2x50x1000xf32, #tpu.memory_space<vmem>> -> memref<1x50x1000xf32, #tpu.memory_space<vmem>>
        %get3A_575 = tpu.memref_squeeze %get3A_574 : memref<1x50x1000xf32, #tpu.memory_space<vmem>> -> memref<50x1000xf32, #tpu.memory_space<vmem>>
        %get3A_576 = arith.index_cast %scan3A_118 : i32 to index
        %get3A_577 = arith.constant 560 : index
        %get3A_578 = tpu.vector_load %get3A_575[%get3A_576, %get3A_577] {strides = array<i32>} : memref<50x1000xf32, #tpu.memory_space<vmem>>, vector<16xf32>,
        %gt3A_579 = arith.cmpf ogt, %get3A_578, %select_n3A_528 : vector<16xf32>
        %select_n3A_580 = arith.select %gt3A_579, %get3A_578, %select_n3A_528 : vector<16xi1>, vector<16xf32>
        %add3A_581 = arith.constant 560 : i32
        %add3A_582 = vector.broadcast %add3A_581 : i32 to vector<16xi32>
        %add3A_583 = arith.addi %iota3A, %add3A_582 : vector<16xi32>
        %select_n3A_584 = arith.select %gt3A_579, %add3A_583, %select_n3A_532 : vector<16xi1>, vector<16xi32>
        %get3A_585 = arith.constant 0 : i32
        %get3A_586 = arith.constant 0 : i32
        %get3A_587 = tpu.memref_slice %arg4[%scan3A_102, %get3A_585, %get3A_586] : memref<2x50x1000xf32, #tpu.memory_space<vmem>> -> memref<1x50x1000xf32, #tpu.memory_space<vmem>>
        %get3A_588 = tpu.memref_squeeze %get3A_587 : memref<1x50x1000xf32, #tpu.memory_space<vmem>> -> memref<50x1000xf32, #tpu.memory_space<vmem>>
        %get3A_589 = arith.index_cast %scan3A_118 : i32 to index
        %get3A_590 = arith.constant 576 : index
        %get3A_591 = tpu.vector_load %get3A_588[%get3A_589, %get3A_590] {strides = array<i32>} : memref<50x1000xf32, #tpu.memory_space<vmem>>, vector<16xf32>,
        %gt3A_592 = arith.cmpf ogt, %get3A_591, %select_n3A_541 : vector<16xf32>
        %select_n3A_593 = arith.select %gt3A_592, %get3A_591, %select_n3A_541 : vector<16xi1>, vector<16xf32>
        %add3A_594 = arith.constant 576 : i32
        %add3A_595 = vector.broadcast %add3A_594 : i32 to vector<16xi32>
        %add3A_596 = arith.addi %iota3A, %add3A_595 : vector<16xi32>
        %select_n3A_597 = arith.select %gt3A_592, %add3A_596, %select_n3A_545 : vector<16xi1>, vector<16xi32>
        %get3A_598 = arith.constant 0 : i32
        %get3A_599 = arith.constant 0 : i32
        %get3A_600 = tpu.memref_slice %arg4[%scan3A_102, %get3A_598, %get3A_599] : memref<2x50x1000xf32, #tpu.memory_space<vmem>> -> memref<1x50x1000xf32, #tpu.memory_space<vmem>>
        %get3A_601 = tpu.memref_squeeze %get3A_600 : memref<1x50x1000xf32, #tpu.memory_space<vmem>> -> memref<50x1000xf32, #tpu.memory_space<vmem>>
        %get3A_602 = arith.index_cast %scan3A_118 : i32 to index
        %get3A_603 = arith.constant 592 : index
        %get3A_604 = tpu.vector_load %get3A_601[%get3A_602, %get3A_603] {strides = array<i32>} : memref<50x1000xf32, #tpu.memory_space<vmem>>, vector<16xf32>,
        %gt3A_605 = arith.cmpf ogt, %get3A_604, %select_n3A_554 : vector<16xf32>
        %select_n3A_606 = arith.select %gt3A_605, %get3A_604, %select_n3A_554 : vector<16xi1>, vector<16xf32>
        %add3A_607 = arith.constant 592 : i32
        %add3A_608 = vector.broadcast %add3A_607 : i32 to vector<16xi32>
        %add3A_609 = arith.addi %iota3A, %add3A_608 : vector<16xi32>
        %select_n3A_610 = arith.select %gt3A_605, %add3A_609, %select_n3A_558 : vector<16xi1>, vector<16xi32>
        %get3A_611 = arith.constant 0 : i32
        %get3A_612 = arith.constant 0 : i32
        %get3A_613 = tpu.memref_slice %arg4[%scan3A_102, %get3A_611, %get3A_612] : memref<2x50x1000xf32, #tpu.memory_space<vmem>> -> memref<1x50x1000xf32, #tpu.memory_space<vmem>>
        %get3A_614 = tpu.memref_squeeze %get3A_613 : memref<1x50x1000xf32, #tpu.memory_space<vmem>> -> memref<50x1000xf32, #tpu.memory_space<vmem>>
        %get3A_615 = arith.index_cast %scan3A_118 : i32 to index
        %get3A_616 = arith.constant 608 : index
        %get3A_617 = tpu.vector_load %get3A_614[%get3A_615, %get3A_616] {strides = array<i32>} : memref<50x1000xf32, #tpu.memory_space<vmem>>, vector<16xf32>,
        %gt3A_618 = arith.cmpf ogt, %get3A_617, %select_n3A_567 : vector<16xf32>
        %select_n3A_619 = arith.select %gt3A_618, %get3A_617, %select_n3A_567 : vector<16xi1>, vector<16xf32>
        %add3A_620 = arith.constant 608 : i32
        %add3A_621 = vector.broadcast %add3A_620 : i32 to vector<16xi32>
        %add3A_622 = arith.addi %iota3A, %add3A_621 : vector<16xi32>
        %select_n3A_623 = arith.select %gt3A_618, %add3A_622, %select_n3A_571 : vector<16xi1>, vector<16xi32>
        %get3A_624 = arith.constant 0 : i32
        %get3A_625 = arith.constant 0 : i32
        %get3A_626 = tpu.memref_slice %arg4[%scan3A_102, %get3A_624, %get3A_625] : memref<2x50x1000xf32, #tpu.memory_space<vmem>> -> memref<1x50x1000xf32, #tpu.memory_space<vmem>>
        %get3A_627 = tpu.memref_squeeze %get3A_626 : memref<1x50x1000xf32, #tpu.memory_space<vmem>> -> memref<50x1000xf32, #tpu.memory_space<vmem>>
        %get3A_628 = arith.index_cast %scan3A_118 : i32 to index
        %get3A_629 = arith.constant 624 : index
        %get3A_630 = tpu.vector_load %get3A_627[%get3A_628, %get3A_629] {strides = array<i32>} : memref<50x1000xf32, #tpu.memory_space<vmem>>, vector<16xf32>,
        %gt3A_631 = arith.cmpf ogt, %get3A_630, %select_n3A_580 : vector<16xf32>
        %select_n3A_632 = arith.select %gt3A_631, %get3A_630, %select_n3A_580 : vector<16xi1>, vector<16xf32>
        %add3A_633 = arith.constant 624 : i32
        %add3A_634 = vector.broadcast %add3A_633 : i32 to vector<16xi32>
        %add3A_635 = arith.addi %iota3A, %add3A_634 : vector<16xi32>
        %select_n3A_636 = arith.select %gt3A_631, %add3A_635, %select_n3A_584 : vector<16xi1>, vector<16xi32>
        %get3A_637 = arith.constant 0 : i32
        %get3A_638 = arith.constant 0 : i32
        %get3A_639 = tpu.memref_slice %arg4[%scan3A_102, %get3A_637, %get3A_638] : memref<2x50x1000xf32, #tpu.memory_space<vmem>> -> memref<1x50x1000xf32, #tpu.memory_space<vmem>>
        %get3A_640 = tpu.memref_squeeze %get3A_639 : memref<1x50x1000xf32, #tpu.memory_space<vmem>> -> memref<50x1000xf32, #tpu.memory_space<vmem>>
        %get3A_641 = arith.index_cast %scan3A_118 : i32 to index
        %get3A_642 = arith.constant 640 : index
        %get3A_643 = tpu.vector_load %get3A_640[%get3A_641, %get3A_642] {strides = array<i32>} : memref<50x1000xf32, #tpu.memory_space<vmem>>, vector<16xf32>,
        %gt3A_644 = arith.cmpf ogt, %get3A_643, %select_n3A_593 : vector<16xf32>
        %select_n3A_645 = arith.select %gt3A_644, %get3A_643, %select_n3A_593 : vector<16xi1>, vector<16xf32>
        %add3A_646 = arith.constant 640 : i32
        %add3A_647 = vector.broadcast %add3A_646 : i32 to vector<16xi32>
        %add3A_648 = arith.addi %iota3A, %add3A_647 : vector<16xi32>
        %select_n3A_649 = arith.select %gt3A_644, %add3A_648, %select_n3A_597 : vector<16xi1>, vector<16xi32>
        %get3A_650 = arith.constant 0 : i32
        %get3A_651 = arith.constant 0 : i32
        %get3A_652 = tpu.memref_slice %arg4[%scan3A_102, %get3A_650, %get3A_651] : memref<2x50x1000xf32, #tpu.memory_space<vmem>> -> memref<1x50x1000xf32, #tpu.memory_space<vmem>>
        %get3A_653 = tpu.memref_squeeze %get3A_652 : memref<1x50x1000xf32, #tpu.memory_space<vmem>> -> memref<50x1000xf32, #tpu.memory_space<vmem>>
        %get3A_654 = arith.index_cast %scan3A_118 : i32 to index
        %get3A_655 = arith.constant 656 : index
        %get3A_656 = tpu.vector_load %get3A_653[%get3A_654, %get3A_655] {strides = array<i32>} : memref<50x1000xf32, #tpu.memory_space<vmem>>, vector<16xf32>,
        %gt3A_657 = arith.cmpf ogt, %get3A_656, %select_n3A_606 : vector<16xf32>
        %select_n3A_658 = arith.select %gt3A_657, %get3A_656, %select_n3A_606 : vector<16xi1>, vector<16xf32>
        %add3A_659 = arith.constant 656 : i32
        %add3A_660 = vector.broadcast %add3A_659 : i32 to vector<16xi32>
        %add3A_661 = arith.addi %iota3A, %add3A_660 : vector<16xi32>
        %select_n3A_662 = arith.select %gt3A_657, %add3A_661, %select_n3A_610 : vector<16xi1>, vector<16xi32>
        %get3A_663 = arith.constant 0 : i32
        %get3A_664 = arith.constant 0 : i32
        %get3A_665 = tpu.memref_slice %arg4[%scan3A_102, %get3A_663, %get3A_664] : memref<2x50x1000xf32, #tpu.memory_space<vmem>> -> memref<1x50x1000xf32, #tpu.memory_space<vmem>>
        %get3A_666 = tpu.memref_squeeze %get3A_665 : memref<1x50x1000xf32, #tpu.memory_space<vmem>> -> memref<50x1000xf32, #tpu.memory_space<vmem>>
        %get3A_667 = arith.index_cast %scan3A_118 : i32 to index
        %get3A_668 = arith.constant 672 : index
        %get3A_669 = tpu.vector_load %get3A_666[%get3A_667, %get3A_668] {strides = array<i32>} : memref<50x1000xf32, #tpu.memory_space<vmem>>, vector<16xf32>,
        %gt3A_670 = arith.cmpf ogt, %get3A_669, %select_n3A_619 : vector<16xf32>
        %select_n3A_671 = arith.select %gt3A_670, %get3A_669, %select_n3A_619 : vector<16xi1>, vector<16xf32>
        %add3A_672 = arith.constant 672 : i32
        %add3A_673 = vector.broadcast %add3A_672 : i32 to vector<16xi32>
        %add3A_674 = arith.addi %iota3A, %add3A_673 : vector<16xi32>
        %select_n3A_675 = arith.select %gt3A_670, %add3A_674, %select_n3A_623 : vector<16xi1>, vector<16xi32>
        %get3A_676 = arith.constant 0 : i32
        %get3A_677 = arith.constant 0 : i32
        %get3A_678 = tpu.memref_slice %arg4[%scan3A_102, %get3A_676, %get3A_677] : memref<2x50x1000xf32, #tpu.memory_space<vmem>> -> memref<1x50x1000xf32, #tpu.memory_space<vmem>>
        %get3A_679 = tpu.memref_squeeze %get3A_678 : memref<1x50x1000xf32, #tpu.memory_space<vmem>> -> memref<50x1000xf32, #tpu.memory_space<vmem>>
        %get3A_680 = arith.index_cast %scan3A_118 : i32 to index
        %get3A_681 = arith.constant 688 : index
        %get3A_682 = tpu.vector_load %get3A_679[%get3A_680, %get3A_681] {strides = array<i32>} : memref<50x1000xf32, #tpu.memory_space<vmem>>, vector<16xf32>,
        %gt3A_683 = arith.cmpf ogt, %get3A_682, %select_n3A_632 : vector<16xf32>
        %select_n3A_684 = arith.select %gt3A_683, %get3A_682, %select_n3A_632 : vector<16xi1>, vector<16xf32>
        %add3A_685 = arith.constant 688 : i32
        %add3A_686 = vector.broadcast %add3A_685 : i32 to vector<16xi32>
        %add3A_687 = arith.addi %iota3A, %add3A_686 : vector<16xi32>
        %select_n3A_688 = arith.select %gt3A_683, %add3A_687, %select_n3A_636 : vector<16xi1>, vector<16xi32>
        %get3A_689 = arith.constant 0 : i32
        %get3A_690 = arith.constant 0 : i32
        %get3A_691 = tpu.memref_slice %arg4[%scan3A_102, %get3A_689, %get3A_690] : memref<2x50x1000xf32, #tpu.memory_space<vmem>> -> memref<1x50x1000xf32, #tpu.memory_space<vmem>>
        %get3A_692 = tpu.memref_squeeze %get3A_691 : memref<1x50x1000xf32, #tpu.memory_space<vmem>> -> memref<50x1000xf32, #tpu.memory_space<vmem>>
        %get3A_693 = arith.index_cast %scan3A_118 : i32 to index
        %get3A_694 = arith.constant 704 : index
        %get3A_695 = tpu.vector_load %get3A_692[%get3A_693, %get3A_694] {strides = array<i32>} : memref<50x1000xf32, #tpu.memory_space<vmem>>, vector<16xf32>,
        %gt3A_696 = arith.cmpf ogt, %get3A_695, %select_n3A_645 : vector<16xf32>
        %select_n3A_697 = arith.select %gt3A_696, %get3A_695, %select_n3A_645 : vector<16xi1>, vector<16xf32>
        %add3A_698 = arith.constant 704 : i32
        %add3A_699 = vector.broadcast %add3A_698 : i32 to vector<16xi32>
        %add3A_700 = arith.addi %iota3A, %add3A_699 : vector<16xi32>
        %select_n3A_701 = arith.select %gt3A_696, %add3A_700, %select_n3A_649 : vector<16xi1>, vector<16xi32>
        %get3A_702 = arith.constant 0 : i32
        %get3A_703 = arith.constant 0 : i32
        %get3A_704 = tpu.memref_slice %arg4[%scan3A_102, %get3A_702, %get3A_703] : memref<2x50x1000xf32, #tpu.memory_space<vmem>> -> memref<1x50x1000xf32, #tpu.memory_space<vmem>>
        %get3A_705 = tpu.memref_squeeze %get3A_704 : memref<1x50x1000xf32, #tpu.memory_space<vmem>> -> memref<50x1000xf32, #tpu.memory_space<vmem>>
        %get3A_706 = arith.index_cast %scan3A_118 : i32 to index
        %get3A_707 = arith.constant 720 : index
        %get3A_708 = tpu.vector_load %get3A_705[%get3A_706, %get3A_707] {strides = array<i32>} : memref<50x1000xf32, #tpu.memory_space<vmem>>, vector<16xf32>,
        %gt3A_709 = arith.cmpf ogt, %get3A_708, %select_n3A_658 : vector<16xf32>
        %select_n3A_710 = arith.select %gt3A_709, %get3A_708, %select_n3A_658 : vector<16xi1>, vector<16xf32>
        %add3A_711 = arith.constant 720 : i32
        %add3A_712 = vector.broadcast %add3A_711 : i32 to vector<16xi32>
        %add3A_713 = arith.addi %iota3A, %add3A_712 : vector<16xi32>
        %select_n3A_714 = arith.select %gt3A_709, %add3A_713, %select_n3A_662 : vector<16xi1>, vector<16xi32>
        %get3A_715 = arith.constant 0 : i32
        %get3A_716 = arith.constant 0 : i32
        %get3A_717 = tpu.memref_slice %arg4[%scan3A_102, %get3A_715, %get3A_716] : memref<2x50x1000xf32, #tpu.memory_space<vmem>> -> memref<1x50x1000xf32, #tpu.memory_space<vmem>>
        %get3A_718 = tpu.memref_squeeze %get3A_717 : memref<1x50x1000xf32, #tpu.memory_space<vmem>> -> memref<50x1000xf32, #tpu.memory_space<vmem>>
        %get3A_719 = arith.index_cast %scan3A_118 : i32 to index
        %get3A_720 = arith.constant 736 : index
        %get3A_721 = tpu.vector_load %get3A_718[%get3A_719, %get3A_720] {strides = array<i32>} : memref<50x1000xf32, #tpu.memory_space<vmem>>, vector<16xf32>,
        %gt3A_722 = arith.cmpf ogt, %get3A_721, %select_n3A_671 : vector<16xf32>
        %select_n3A_723 = arith.select %gt3A_722, %get3A_721, %select_n3A_671 : vector<16xi1>, vector<16xf32>
        %add3A_724 = arith.constant 736 : i32
        %add3A_725 = vector.broadcast %add3A_724 : i32 to vector<16xi32>
        %add3A_726 = arith.addi %iota3A, %add3A_725 : vector<16xi32>
        %select_n3A_727 = arith.select %gt3A_722, %add3A_726, %select_n3A_675 : vector<16xi1>, vector<16xi32>
        %get3A_728 = arith.constant 0 : i32
        %get3A_729 = arith.constant 0 : i32
        %get3A_730 = tpu.memref_slice %arg4[%scan3A_102, %get3A_728, %get3A_729] : memref<2x50x1000xf32, #tpu.memory_space<vmem>> -> memref<1x50x1000xf32, #tpu.memory_space<vmem>>
        %get3A_731 = tpu.memref_squeeze %get3A_730 : memref<1x50x1000xf32, #tpu.memory_space<vmem>> -> memref<50x1000xf32, #tpu.memory_space<vmem>>
        %get3A_732 = arith.index_cast %scan3A_118 : i32 to index
        %get3A_733 = arith.constant 752 : index
        %get3A_734 = tpu.vector_load %get3A_731[%get3A_732, %get3A_733] {strides = array<i32>} : memref<50x1000xf32, #tpu.memory_space<vmem>>, vector<16xf32>,
        %gt3A_735 = arith.cmpf ogt, %get3A_734, %select_n3A_684 : vector<16xf32>
        %select_n3A_736 = arith.select %gt3A_735, %get3A_734, %select_n3A_684 : vector<16xi1>, vector<16xf32>
        %add3A_737 = arith.constant 752 : i32
        %add3A_738 = vector.broadcast %add3A_737 : i32 to vector<16xi32>
        %add3A_739 = arith.addi %iota3A, %add3A_738 : vector<16xi32>
        %select_n3A_740 = arith.select %gt3A_735, %add3A_739, %select_n3A_688 : vector<16xi1>, vector<16xi32>
        %get3A_741 = arith.constant 0 : i32
        %get3A_742 = arith.constant 0 : i32
        %get3A_743 = tpu.memref_slice %arg4[%scan3A_102, %get3A_741, %get3A_742] : memref<2x50x1000xf32, #tpu.memory_space<vmem>> -> memref<1x50x1000xf32, #tpu.memory_space<vmem>>
        %get3A_744 = tpu.memref_squeeze %get3A_743 : memref<1x50x1000xf32, #tpu.memory_space<vmem>> -> memref<50x1000xf32, #tpu.memory_space<vmem>>
        %get3A_745 = arith.index_cast %scan3A_118 : i32 to index
        %get3A_746 = arith.constant 768 : index
        %get3A_747 = tpu.vector_load %get3A_744[%get3A_745, %get3A_746] {strides = array<i32>} : memref<50x1000xf32, #tpu.memory_space<vmem>>, vector<16xf32>,
        %gt3A_748 = arith.cmpf ogt, %get3A_747, %select_n3A_697 : vector<16xf32>
        %select_n3A_749 = arith.select %gt3A_748, %get3A_747, %select_n3A_697 : vector<16xi1>, vector<16xf32>
        %add3A_750 = arith.constant 768 : i32
        %add3A_751 = vector.broadcast %add3A_750 : i32 to vector<16xi32>
        %add3A_752 = arith.addi %iota3A, %add3A_751 : vector<16xi32>
        %select_n3A_753 = arith.select %gt3A_748, %add3A_752, %select_n3A_701 : vector<16xi1>, vector<16xi32>
        %get3A_754 = arith.constant 0 : i32
        %get3A_755 = arith.constant 0 : i32
        %get3A_756 = tpu.memref_slice %arg4[%scan3A_102, %get3A_754, %get3A_755] : memref<2x50x1000xf32, #tpu.memory_space<vmem>> -> memref<1x50x1000xf32, #tpu.memory_space<vmem>>
        %get3A_757 = tpu.memref_squeeze %get3A_756 : memref<1x50x1000xf32, #tpu.memory_space<vmem>> -> memref<50x1000xf32, #tpu.memory_space<vmem>>
        %get3A_758 = arith.index_cast %scan3A_118 : i32 to index
        %get3A_759 = arith.constant 784 : index
        %get3A_760 = tpu.vector_load %get3A_757[%get3A_758, %get3A_759] {strides = array<i32>} : memref<50x1000xf32, #tpu.memory_space<vmem>>, vector<16xf32>,
        %gt3A_761 = arith.cmpf ogt, %get3A_760, %select_n3A_710 : vector<16xf32>
        %select_n3A_762 = arith.select %gt3A_761, %get3A_760, %select_n3A_710 : vector<16xi1>, vector<16xf32>
        %add3A_763 = arith.constant 784 : i32
        %add3A_764 = vector.broadcast %add3A_763 : i32 to vector<16xi32>
        %add3A_765 = arith.addi %iota3A, %add3A_764 : vector<16xi32>
        %select_n3A_766 = arith.select %gt3A_761, %add3A_765, %select_n3A_714 : vector<16xi1>, vector<16xi32>
        %get3A_767 = arith.constant 0 : i32
        %get3A_768 = arith.constant 0 : i32
        %get3A_769 = tpu.memref_slice %arg4[%scan3A_102, %get3A_767, %get3A_768] : memref<2x50x1000xf32, #tpu.memory_space<vmem>> -> memref<1x50x1000xf32, #tpu.memory_space<vmem>>
        %get3A_770 = tpu.memref_squeeze %get3A_769 : memref<1x50x1000xf32, #tpu.memory_space<vmem>> -> memref<50x1000xf32, #tpu.memory_space<vmem>>
        %get3A_771 = arith.index_cast %scan3A_118 : i32 to index
        %get3A_772 = arith.constant 800 : index
        %get3A_773 = tpu.vector_load %get3A_770[%get3A_771, %get3A_772] {strides = array<i32>} : memref<50x1000xf32, #tpu.memory_space<vmem>>, vector<16xf32>,
        %gt3A_774 = arith.cmpf ogt, %get3A_773, %select_n3A_723 : vector<16xf32>
        %select_n3A_775 = arith.select %gt3A_774, %get3A_773, %select_n3A_723 : vector<16xi1>, vector<16xf32>
        %add3A_776 = arith.constant 800 : i32
        %add3A_777 = vector.broadcast %add3A_776 : i32 to vector<16xi32>
        %add3A_778 = arith.addi %iota3A, %add3A_777 : vector<16xi32>
        %select_n3A_779 = arith.select %gt3A_774, %add3A_778, %select_n3A_727 : vector<16xi1>, vector<16xi32>
        %get3A_780 = arith.constant 0 : i32
        %get3A_781 = arith.constant 0 : i32
        %get3A_782 = tpu.memref_slice %arg4[%scan3A_102, %get3A_780, %get3A_781] : memref<2x50x1000xf32, #tpu.memory_space<vmem>> -> memref<1x50x1000xf32, #tpu.memory_space<vmem>>
        %get3A_783 = tpu.memref_squeeze %get3A_782 : memref<1x50x1000xf32, #tpu.memory_space<vmem>> -> memref<50x1000xf32, #tpu.memory_space<vmem>>
        %get3A_784 = arith.index_cast %scan3A_118 : i32 to index
        %get3A_785 = arith.constant 816 : index
        %get3A_786 = tpu.vector_load %get3A_783[%get3A_784, %get3A_785] {strides = array<i32>} : memref<50x1000xf32, #tpu.memory_space<vmem>>, vector<16xf32>,
        %gt3A_787 = arith.cmpf ogt, %get3A_786, %select_n3A_736 : vector<16xf32>
        %select_n3A_788 = arith.select %gt3A_787, %get3A_786, %select_n3A_736 : vector<16xi1>, vector<16xf32>
        %add3A_789 = arith.constant 816 : i32
        %add3A_790 = vector.broadcast %add3A_789 : i32 to vector<16xi32>
        %add3A_791 = arith.addi %iota3A, %add3A_790 : vector<16xi32>
        %select_n3A_792 = arith.select %gt3A_787, %add3A_791, %select_n3A_740 : vector<16xi1>, vector<16xi32>
        %get3A_793 = arith.constant 0 : i32
        %get3A_794 = arith.constant 0 : i32
        %get3A_795 = tpu.memref_slice %arg4[%scan3A_102, %get3A_793, %get3A_794] : memref<2x50x1000xf32, #tpu.memory_space<vmem>> -> memref<1x50x1000xf32, #tpu.memory_space<vmem>>
        %get3A_796 = tpu.memref_squeeze %get3A_795 : memref<1x50x1000xf32, #tpu.memory_space<vmem>> -> memref<50x1000xf32, #tpu.memory_space<vmem>>
        %get3A_797 = arith.index_cast %scan3A_118 : i32 to index
        %get3A_798 = arith.constant 832 : index
        %get3A_799 = tpu.vector_load %get3A_796[%get3A_797, %get3A_798] {strides = array<i32>} : memref<50x1000xf32, #tpu.memory_space<vmem>>, vector<16xf32>,
        %gt3A_800 = arith.cmpf ogt, %get3A_799, %select_n3A_749 : vector<16xf32>
        %select_n3A_801 = arith.select %gt3A_800, %get3A_799, %select_n3A_749 : vector<16xi1>, vector<16xf32>
        %add3A_802 = arith.constant 832 : i32
        %add3A_803 = vector.broadcast %add3A_802 : i32 to vector<16xi32>
        %add3A_804 = arith.addi %iota3A, %add3A_803 : vector<16xi32>
        %select_n3A_805 = arith.select %gt3A_800, %add3A_804, %select_n3A_753 : vector<16xi1>, vector<16xi32>
        %get3A_806 = arith.constant 0 : i32
        %get3A_807 = arith.constant 0 : i32
        %get3A_808 = tpu.memref_slice %arg4[%scan3A_102, %get3A_806, %get3A_807] : memref<2x50x1000xf32, #tpu.memory_space<vmem>> -> memref<1x50x1000xf32, #tpu.memory_space<vmem>>
        %get3A_809 = tpu.memref_squeeze %get3A_808 : memref<1x50x1000xf32, #tpu.memory_space<vmem>> -> memref<50x1000xf32, #tpu.memory_space<vmem>>
        %get3A_810 = arith.index_cast %scan3A_118 : i32 to index
        %get3A_811 = arith.constant 848 : index
        %get3A_812 = tpu.vector_load %get3A_809[%get3A_810, %get3A_811] {strides = array<i32>} : memref<50x1000xf32, #tpu.memory_space<vmem>>, vector<16xf32>,
        %gt3A_813 = arith.cmpf ogt, %get3A_812, %select_n3A_762 : vector<16xf32>
        %select_n3A_814 = arith.select %gt3A_813, %get3A_812, %select_n3A_762 : vector<16xi1>, vector<16xf32>
        %add3A_815 = arith.constant 848 : i32
        %add3A_816 = vector.broadcast %add3A_815 : i32 to vector<16xi32>
        %add3A_817 = arith.addi %iota3A, %add3A_816 : vector<16xi32>
        %select_n3A_818 = arith.select %gt3A_813, %add3A_817, %select_n3A_766 : vector<16xi1>, vector<16xi32>
        %get3A_819 = arith.constant 0 : i32
        %get3A_820 = arith.constant 0 : i32
        %get3A_821 = tpu.memref_slice %arg4[%scan3A_102, %get3A_819, %get3A_820] : memref<2x50x1000xf32, #tpu.memory_space<vmem>> -> memref<1x50x1000xf32, #tpu.memory_space<vmem>>
        %get3A_822 = tpu.memref_squeeze %get3A_821 : memref<1x50x1000xf32, #tpu.memory_space<vmem>> -> memref<50x1000xf32, #tpu.memory_space<vmem>>
        %get3A_823 = arith.index_cast %scan3A_118 : i32 to index
        %get3A_824 = arith.constant 864 : index
        %get3A_825 = tpu.vector_load %get3A_822[%get3A_823, %get3A_824] {strides = array<i32>} : memref<50x1000xf32, #tpu.memory_space<vmem>>, vector<16xf32>,
        %gt3A_826 = arith.cmpf ogt, %get3A_825, %select_n3A_775 : vector<16xf32>
        %select_n3A_827 = arith.select %gt3A_826, %get3A_825, %select_n3A_775 : vector<16xi1>, vector<16xf32>
        %add3A_828 = arith.constant 864 : i32
        %add3A_829 = vector.broadcast %add3A_828 : i32 to vector<16xi32>
        %add3A_830 = arith.addi %iota3A, %add3A_829 : vector<16xi32>
        %select_n3A_831 = arith.select %gt3A_826, %add3A_830, %select_n3A_779 : vector<16xi1>, vector<16xi32>
        %get3A_832 = arith.constant 0 : i32
        %get3A_833 = arith.constant 0 : i32
        %get3A_834 = tpu.memref_slice %arg4[%scan3A_102, %get3A_832, %get3A_833] : memref<2x50x1000xf32, #tpu.memory_space<vmem>> -> memref<1x50x1000xf32, #tpu.memory_space<vmem>>
        %get3A_835 = tpu.memref_squeeze %get3A_834 : memref<1x50x1000xf32, #tpu.memory_space<vmem>> -> memref<50x1000xf32, #tpu.memory_space<vmem>>
        %get3A_836 = arith.index_cast %scan3A_118 : i32 to index
        %get3A_837 = arith.constant 880 : index
        %get3A_838 = tpu.vector_load %get3A_835[%get3A_836, %get3A_837] {strides = array<i32>} : memref<50x1000xf32, #tpu.memory_space<vmem>>, vector<16xf32>,
        %gt3A_839 = arith.cmpf ogt, %get3A_838, %select_n3A_788 : vector<16xf32>
        %select_n3A_840 = arith.select %gt3A_839, %get3A_838, %select_n3A_788 : vector<16xi1>, vector<16xf32>
        %add3A_841 = arith.constant 880 : i32
        %add3A_842 = vector.broadcast %add3A_841 : i32 to vector<16xi32>
        %add3A_843 = arith.addi %iota3A, %add3A_842 : vector<16xi32>
        %select_n3A_844 = arith.select %gt3A_839, %add3A_843, %select_n3A_792 : vector<16xi1>, vector<16xi32>
        %get3A_845 = arith.constant 0 : i32
        %get3A_846 = arith.constant 0 : i32
        %get3A_847 = tpu.memref_slice %arg4[%scan3A_102, %get3A_845, %get3A_846] : memref<2x50x1000xf32, #tpu.memory_space<vmem>> -> memref<1x50x1000xf32, #tpu.memory_space<vmem>>
        %get3A_848 = tpu.memref_squeeze %get3A_847 : memref<1x50x1000xf32, #tpu.memory_space<vmem>> -> memref<50x1000xf32, #tpu.memory_space<vmem>>
        %get3A_849 = arith.index_cast %scan3A_118 : i32 to index
        %get3A_850 = arith.constant 896 : index
        %get3A_851 = tpu.vector_load %get3A_848[%get3A_849, %get3A_850] {strides = array<i32>} : memref<50x1000xf32, #tpu.memory_space<vmem>>, vector<16xf32>,
        %gt3A_852 = arith.cmpf ogt, %get3A_851, %select_n3A_801 : vector<16xf32>
        %select_n3A_853 = arith.select %gt3A_852, %get3A_851, %select_n3A_801 : vector<16xi1>, vector<16xf32>
        %add3A_854 = arith.constant 896 : i32
        %add3A_855 = vector.broadcast %add3A_854 : i32 to vector<16xi32>
        %add3A_856 = arith.addi %iota3A, %add3A_855 : vector<16xi32>
        %select_n3A_857 = arith.select %gt3A_852, %add3A_856, %select_n3A_805 : vector<16xi1>, vector<16xi32>
        %get3A_858 = arith.constant 0 : i32
        %get3A_859 = arith.constant 0 : i32
        %get3A_860 = tpu.memref_slice %arg4[%scan3A_102, %get3A_858, %get3A_859] : memref<2x50x1000xf32, #tpu.memory_space<vmem>> -> memref<1x50x1000xf32, #tpu.memory_space<vmem>>
        %get3A_861 = tpu.memref_squeeze %get3A_860 : memref<1x50x1000xf32, #tpu.memory_space<vmem>> -> memref<50x1000xf32, #tpu.memory_space<vmem>>
        %get3A_862 = arith.index_cast %scan3A_118 : i32 to index
        %get3A_863 = arith.constant 912 : index
        %get3A_864 = tpu.vector_load %get3A_861[%get3A_862, %get3A_863] {strides = array<i32>} : memref<50x1000xf32, #tpu.memory_space<vmem>>, vector<16xf32>,
        %gt3A_865 = arith.cmpf ogt, %get3A_864, %select_n3A_814 : vector<16xf32>
        %select_n3A_866 = arith.select %gt3A_865, %get3A_864, %select_n3A_814 : vector<16xi1>, vector<16xf32>
        %add3A_867 = arith.constant 912 : i32
        %add3A_868 = vector.broadcast %add3A_867 : i32 to vector<16xi32>
        %add3A_869 = arith.addi %iota3A, %add3A_868 : vector<16xi32>
        %select_n3A_870 = arith.select %gt3A_865, %add3A_869, %select_n3A_818 : vector<16xi1>, vector<16xi32>
        %get3A_871 = arith.constant 0 : i32
        %get3A_872 = arith.constant 0 : i32
        %get3A_873 = tpu.memref_slice %arg4[%scan3A_102, %get3A_871, %get3A_872] : memref<2x50x1000xf32, #tpu.memory_space<vmem>> -> memref<1x50x1000xf32, #tpu.memory_space<vmem>>
        %get3A_874 = tpu.memref_squeeze %get3A_873 : memref<1x50x1000xf32, #tpu.memory_space<vmem>> -> memref<50x1000xf32, #tpu.memory_space<vmem>>
        %get3A_875 = arith.index_cast %scan3A_118 : i32 to index
        %get3A_876 = arith.constant 928 : index
        %get3A_877 = tpu.vector_load %get3A_874[%get3A_875, %get3A_876] {strides = array<i32>} : memref<50x1000xf32, #tpu.memory_space<vmem>>, vector<16xf32>,
        %gt3A_878 = arith.cmpf ogt, %get3A_877, %select_n3A_827 : vector<16xf32>
        %select_n3A_879 = arith.select %gt3A_878, %get3A_877, %select_n3A_827 : vector<16xi1>, vector<16xf32>
        %add3A_880 = arith.constant 928 : i32
        %add3A_881 = vector.broadcast %add3A_880 : i32 to vector<16xi32>
        %add3A_882 = arith.addi %iota3A, %add3A_881 : vector<16xi32>
        %select_n3A_883 = arith.select %gt3A_878, %add3A_882, %select_n3A_831 : vector<16xi1>, vector<16xi32>
        %get3A_884 = arith.constant 0 : i32
        %get3A_885 = arith.constant 0 : i32
        %get3A_886 = tpu.memref_slice %arg4[%scan3A_102, %get3A_884, %get3A_885] : memref<2x50x1000xf32, #tpu.memory_space<vmem>> -> memref<1x50x1000xf32, #tpu.memory_space<vmem>>
        %get3A_887 = tpu.memref_squeeze %get3A_886 : memref<1x50x1000xf32, #tpu.memory_space<vmem>> -> memref<50x1000xf32, #tpu.memory_space<vmem>>
        %get3A_888 = arith.index_cast %scan3A_118 : i32 to index
        %get3A_889 = arith.constant 944 : index
        %get3A_890 = tpu.vector_load %get3A_887[%get3A_888, %get3A_889] {strides = array<i32>} : memref<50x1000xf32, #tpu.memory_space<vmem>>, vector<16xf32>,
        %gt3A_891 = arith.cmpf ogt, %get3A_890, %select_n3A_840 : vector<16xf32>
        %select_n3A_892 = arith.select %gt3A_891, %get3A_890, %select_n3A_840 : vector<16xi1>, vector<16xf32>
        %add3A_893 = arith.constant 944 : i32
        %add3A_894 = vector.broadcast %add3A_893 : i32 to vector<16xi32>
        %add3A_895 = arith.addi %iota3A, %add3A_894 : vector<16xi32>
        %select_n3A_896 = arith.select %gt3A_891, %add3A_895, %select_n3A_844 : vector<16xi1>, vector<16xi32>
        %get3A_897 = arith.constant 0 : i32
        %get3A_898 = arith.constant 0 : i32
        %get3A_899 = tpu.memref_slice %arg4[%scan3A_102, %get3A_897, %get3A_898] : memref<2x50x1000xf32, #tpu.memory_space<vmem>> -> memref<1x50x1000xf32, #tpu.memory_space<vmem>>
        %get3A_900 = tpu.memref_squeeze %get3A_899 : memref<1x50x1000xf32, #tpu.memory_space<vmem>> -> memref<50x1000xf32, #tpu.memory_space<vmem>>
        %get3A_901 = arith.index_cast %scan3A_118 : i32 to index
        %get3A_902 = arith.constant 960 : index
        %get3A_903 = tpu.vector_load %get3A_900[%get3A_901, %get3A_902] {strides = array<i32>} : memref<50x1000xf32, #tpu.memory_space<vmem>>, vector<16xf32>,
        %gt3A_904 = arith.cmpf ogt, %get3A_903, %select_n3A_853 : vector<16xf32>
        %select_n3A_905 = arith.select %gt3A_904, %get3A_903, %select_n3A_853 : vector<16xi1>, vector<16xf32>
        %add3A_906 = arith.constant 960 : i32
        %add3A_907 = vector.broadcast %add3A_906 : i32 to vector<16xi32>
        %add3A_908 = arith.addi %iota3A, %add3A_907 : vector<16xi32>
        %select_n3A_909 = arith.select %gt3A_904, %add3A_908, %select_n3A_857 : vector<16xi1>, vector<16xi32>
        %get3A_910 = arith.constant 0 : i32
        %get3A_911 = arith.constant 0 : i32
        %get3A_912 = tpu.memref_slice %arg4[%scan3A_102, %get3A_910, %get3A_911] : memref<2x50x1000xf32, #tpu.memory_space<vmem>> -> memref<1x50x1000xf32, #tpu.memory_space<vmem>>
        %get3A_913 = tpu.memref_squeeze %get3A_912 : memref<1x50x1000xf32, #tpu.memory_space<vmem>> -> memref<50x1000xf32, #tpu.memory_space<vmem>>
        %get3A_914 = arith.index_cast %scan3A_118 : i32 to index
        %get3A_915 = arith.constant 976 : index
        %get3A_916 = tpu.vector_load %get3A_913[%get3A_914, %get3A_915] {strides = array<i32>} : memref<50x1000xf32, #tpu.memory_space<vmem>>, vector<16xf32>,
        %gt3A_917 = arith.cmpf ogt, %get3A_916, %select_n3A_866 : vector<16xf32>
        %select_n3A_918 = arith.select %gt3A_917, %get3A_916, %select_n3A_866 : vector<16xi1>, vector<16xf32>
        %add3A_919 = arith.constant 976 : i32
        %add3A_920 = vector.broadcast %add3A_919 : i32 to vector<16xi32>
        %add3A_921 = arith.addi %iota3A, %add3A_920 : vector<16xi32>
        %select_n3A_922 = arith.select %gt3A_917, %add3A_921, %select_n3A_870 : vector<16xi1>, vector<16xi32>
        %get3A_923 = arith.constant 0 : i32
        %get3A_924 = arith.constant 0 : i32
        %get3A_925 = tpu.memref_slice %arg4[%scan3A_102, %get3A_923, %get3A_924] : memref<2x50x1000xf32, #tpu.memory_space<vmem>> -> memref<1x50x1000xf32, #tpu.memory_space<vmem>>
        %get3A_926 = tpu.memref_squeeze %get3A_925 : memref<1x50x1000xf32, #tpu.memory_space<vmem>> -> memref<50x1000xf32, #tpu.memory_space<vmem>>
        %get3A_927 = arith.index_cast %scan3A_118 : i32 to index
        %get3A_928 = arith.constant 984 : index
        %get3A_929 = tpu.vector_load %get3A_926[%get3A_927, %get3A_928] {strides = array<i32>} : memref<50x1000xf32, #tpu.memory_space<vmem>>, vector<16xf32>,
        %gt3A_930 = arith.cmpf ogt, %get3A_929, %select_n3A_879 : vector<16xf32>
        %select_n3A_931 = arith.select %gt3A_930, %get3A_929, %select_n3A_879 : vector<16xi1>, vector<16xf32>
        %add3A_932 = arith.constant 984 : i32
        %add3A_933 = vector.broadcast %add3A_932 : i32 to vector<16xi32>
        %add3A_934 = arith.addi %iota3A, %add3A_933 : vector<16xi32>
        %select_n3A_935 = arith.select %gt3A_930, %add3A_934, %select_n3A_883 : vector<16xi1>, vector<16xi32>
        %gt3A_936 = arith.cmpf ogt, %select_n3A_892, %select_n3A_931 : vector<16xf32>
        %eq3A = arith.cmpf oeq, %select_n3A_892, %select_n3A_931 : vector<16xf32>
        %lt3A_937 = arith.cmpi slt, %select_n3A_896, %select_n3A_935 : vector<16xi32>
        %and3A = arith.andi %eq3A, %lt3A_937 : vector<16xi1>
        %or3A = arith.ori %gt3A_936, %and3A : vector<16xi1>
        %select_n3A_938 = arith.select %or3A, %select_n3A_892, %select_n3A_931 : vector<16xi1>, vector<16xf32>
        %select_n3A_939 = arith.select %or3A, %select_n3A_896, %select_n3A_935 : vector<16xi1>, vector<16xi32>
        %gt3A_940 = arith.cmpf ogt, %select_n3A_938, %select_n3A_918 : vector<16xf32>
        %eq3A_941 = arith.cmpf oeq, %select_n3A_938, %select_n3A_918 : vector<16xf32>
        %lt3A_942 = arith.cmpi slt, %select_n3A_939, %select_n3A_922 : vector<16xi32>
        %and3A_943 = arith.andi %eq3A_941, %lt3A_942 : vector<16xi1>
        %or3A_944 = arith.ori %gt3A_940, %and3A_943 : vector<16xi1>
        %select_n3A_945 = arith.select %or3A_944, %select_n3A_938, %select_n3A_918 : vector<16xi1>, vector<16xf32>
        %select_n3A_946 = arith.select %or3A_944, %select_n3A_939, %select_n3A_922 : vector<16xi1>, vector<16xi32>
        %gt3A_947 = arith.cmpf ogt, %select_n3A_945, %select_n3A_905 : vector<16xf32>
        %eq3A_948 = arith.cmpf oeq, %select_n3A_945, %select_n3A_905 : vector<16xf32>
        %lt3A_949 = arith.cmpi slt, %select_n3A_946, %select_n3A_909 : vector<16xi32>
        %and3A_950 = arith.andi %eq3A_948, %lt3A_949 : vector<16xi1>
        %or3A_951 = arith.ori %gt3A_947, %and3A_950 : vector<16xi1>
        %select_n3A_952 = arith.select %or3A_951, %select_n3A_945, %select_n3A_905 : vector<16xi1>, vector<16xf32>
        %select_n3A_953 = arith.select %or3A_951, %select_n3A_946, %select_n3A_909 : vector<16xi1>, vector<16xi32>
        %reduce_max3A = arith.constant true
        %reduce_max3A_954 = vector.broadcast %reduce_max3A : i1 to vector<16xi1>
        %reduce_max3A_955 = tpu.scan <max>, %select_n3A_952 masked %reduce_max3A_954 : vector<16xf32>, vector<16xi1> -> vector<16xf32>
        %reduce_max3A_956 = vector.extract %reduce_max3A_955[15] : f32 from vector<16xf32>
        %eq3A_957 = vector.broadcast %reduce_max3A_956 : f32 to vector<16xf32>
        %eq3A_958 = arith.cmpf oeq, %select_n3A_952, %eq3A_957 : vector<16xf32>
        %jit3A = arith.constant 1000 : i32
        %broadcast_in_dim3A_959 = vector.broadcast %jit3A : i32 to vector<16xi32>
        %select_n3A_960 = arith.select %eq3A_958, %select_n3A_953, %broadcast_in_dim3A_959 : vector<16xi1>, vector<16xi32>
        %reduce_min3A = arith.constant true
        %reduce_min3A_961 = vector.broadcast %reduce_min3A : i1 to vector<16xi1>
        %reduce_min3A_962 = arith.constant -2147483648 : i32
        %reduce_min3A_963 = vector.broadcast %reduce_min3A_962 : i32 to vector<16xi32>
        %reduce_min3A_964 = arith.xori %select_n3A_960, %reduce_min3A_963 : vector<16xi32>
        %reduce_min3A_965 = tpu.scan <min>, %reduce_min3A_964 masked %reduce_min3A_961 : vector<16xi32>, vector<16xi1> -> vector<16xi32>
        %reduce_min3A_966 = arith.xori %reduce_min3A_965, %reduce_min3A_963 : vector<16xi32>
        %reduce_min3A_967 = vector.extract %reduce_min3A_966[15] : i32 from vector<16xi32>
        %mul3A_968 = arith.constant 50 : i32
        %mul3A_969 = arith.muli %add3A_84, %mul3A_968 : i32
        %add3A_970 = arith.addi %mul3A_969, %scan3A_118 : i32
        %broadcast_in_dim3A_971 = vector.broadcast %add3A_970 : i32 to vector<16xi32>
        %broadcast_in_dim3A_972 = vector.broadcast %reduce_min3A_967 : i32 to vector<16xi32>
        %eq3A_973 = arith.constant 0 : i32
        %eq3A_974 = vector.broadcast %eq3A_973 : i32 to vector<16xi32>
        %eq3A_975 = arith.cmpi eq, %iota3A, %eq3A_974 : vector<16xi32>
        tpu.vector_store_idx %arg5[%broadcast_in_dim3A_971], %broadcast_in_dim3A_972 masked %eq3A_975 : memref<1600xi32, #tpu.memory_space<vmem>>[vector<16xi32>], vector<16xi32>, vector<16xi1>
        %scan3A_976 = arith.constant 0 : i32
        scf.yield %scan3A_976 : i32
      }
      %scan3A_109 = arith.constant 50 : i32
      %add3A_110 = arith.constant 2 : i32
      %add3A_111 = arith.addi %add3A_84, %add3A_110 : i32
      %lt3A_112 = arith.constant 32 : i32
      %lt3A_113 = arith.cmpi slt, %add3A_111, %lt3A_112 : i32
      %convert_element_type3A_114 = arith.extui %lt3A_113 : i1 to i32
      %cond3A_115 = arith.constant 0 : i32
      %cond3A_116 = arith.cmpi ne, %convert_element_type3A_114, %cond3A_115 : i32
      scf.if %cond3A_116 {
        %add3A_118 = arith.addi %mul3A_2, %add3A_111 : i32
        %dma_start3A_119 = arith.constant 1 : i32
        %dma_start3A_120 = arith.constant 0 : i32
        %dma_start3A_121 = arith.constant 0 : i32
        %dma_start3A_122 = tpu.memref_slice %arg4[%dma_start3A_119, %dma_start3A_120, %dma_start3A_121] : memref<2x50x1000xf32, #tpu.memory_space<vmem>> -> memref<1x50x1000xf32, #tpu.memory_space<vmem>>
        %dma_start3A_123 = tpu.memref_squeeze %dma_start3A_122 : memref<1x50x1000xf32, #tpu.memory_space<vmem>> -> memref<50x1000xf32, #tpu.memory_space<vmem>>
        %dma_start3A_124 = arith.constant 0 : i32
        %dma_start3A_125 = arith.constant 0 : i32
        %dma_start3A_126 = tpu.memref_slice %arg2[%add3A_118, %dma_start3A_124, %dma_start3A_125] : memref<1024x50x1000xf32, #tpu.memory_space<hbm>> -> memref<1x50x1000xf32, #tpu.memory_space<hbm>>
        %dma_start3A_127 = tpu.memref_squeeze %dma_start3A_126 : memref<1x50x1000xf32, #tpu.memory_space<hbm>> -> memref<50x1000xf32, #tpu.memory_space<hbm>>
        %dma_start3A_128 = arith.constant 0 : i32
        %dma_start3A_129 = arith.constant 0 : i32
        %dma_start3A_130 = tpu.memref_slice %arg4[%dma_start3A_119, %dma_start3A_128, %dma_start3A_129] : memref<2x50x1000xf32, #tpu.memory_space<vmem>> -> memref<1x50x1000xf32, #tpu.memory_space<vmem>>
        %dma_start3A_131 = tpu.memref_squeeze %dma_start3A_130 : memref<1x50x1000xf32, #tpu.memory_space<vmem>> -> memref<50x1000xf32, #tpu.memory_space<vmem>>
        %dma_start3A_132 = arith.constant 0 : i32
        %dma_start3A_133 = arith.constant 0 : i32
        %dma_start3A_134 = tpu.memref_slice %arg2[%add3A_118, %dma_start3A_132, %dma_start3A_133] : memref<1024x50x1000xf32, #tpu.memory_space<hbm>> -> memref<1x50x1000xf32, #tpu.memory_space<hbm>>
        %dma_start3A_135 = tpu.memref_squeeze %dma_start3A_134 : memref<1x50x1000xf32, #tpu.memory_space<hbm>> -> memref<50x1000xf32, #tpu.memory_space<hbm>>
        tpu.enqueue_dma source(%dma_start3A_135 : memref<50x1000xf32, #tpu.memory_space<hbm>>) target(%dma_start3A_131 : memref<50x1000xf32, #tpu.memory_space<vmem>>) target_semaphore(%arg7 : memref<!tpu.dma_semaphore, #tpu.memory_space<semaphore_mem>>)
      } else {
      }
      %scan3A_117 = arith.constant 0 : i32
      scf.yield %scan3A_117 : i32
    }
    %scan3A_44 = arith.constant 16 : i32
    %mul3A_45 = arith.constant 50 : i32
    %mul3A_46 = arith.muli %mul3A_2, %mul3A_45 : i32
    "tpu.region"() ({
      %run_scoped3A = tpu.sem_alloc : memref<!tpu.dma_semaphore, #tpu.memory_space<semaphore_mem>>
      %dma_start3A_47 = tpu.memref_slice %arg3[%mul3A_46] : memref<51200xi32, #tpu.memory_space<hbm>> -> memref<1600xi32, #tpu.memory_space<hbm>>
      %dma_start3A_48 = tpu.memref_slice %arg3[%mul3A_46] : memref<51200xi32, #tpu.memory_space<hbm>> -> memref<1600xi32, #tpu.memory_space<hbm>>
      tpu.enqueue_dma source(%arg5 : memref<1600xi32, #tpu.memory_space<vmem>>) target(%dma_start3A_48 : memref<1600xi32, #tpu.memory_space<hbm>>) target_semaphore(%run_scoped3A : memref<!tpu.dma_semaphore, #tpu.memory_space<semaphore_mem>>)
      %dma_wait3A = tpu.memref_slice %arg3[%mul3A_46] : memref<51200xi32, #tpu.memory_space<hbm>> -> memref<1600xi32, #tpu.memory_space<hbm>>
      %dma_wait3A_49 = tpu.memref_slice %arg3[%mul3A_46] : memref<51200xi32, #tpu.memory_space<hbm>> -> memref<1600xi32, #tpu.memory_space<hbm>>
      tpu.wait_dma2 semaphore(%run_scoped3A : memref<!tpu.dma_semaphore, #tpu.memory_space<semaphore_mem>>) src(%arg5 : memref<1600xi32, #tpu.memory_space<vmem>>) dst(%dma_wait3A_49 : memref<1600xi32, #tpu.memory_space<hbm>>)
      tpu.yield
    }) : () -> ()
    return
  }
}

#map = affine_map<(d0, d1) -> (0, 0)>
#map1 = affine_map<(d0, d1) -> (0)>
module attributes {stable_mosaic.version = 14 : i64} {
  func.func @gather(%arg0: i32, %arg1: i32, %arg2: memref<1000x16xf32, #tpu.memory_space<hbm>>, %arg3: memref<51200xi32, #tpu.memory_space<hbm>>, %arg4: memref<1024x50xi32, #tpu.memory_space<hbm>>, %arg5: memref<51200x16xf32, #tpu.memory_space<hbm>>, %arg6: memref<1600xi32, #tpu.memory_space<vmem>>, %arg7: memref<32x50xi32, #tpu.memory_space<vmem>>, %arg8: memref<1600x16xf32, #tpu.memory_space<vmem>>, %arg9: memref<!tpu.dma_semaphore, #tpu.memory_space<semaphore_mem>>) attributes {dimension_semantics = [#tpu.dimension_semantics<core_parallel>, #tpu.dimension_semantics<subcore_parallel>], iteration_bounds = array<i64: 2, 16>, scalar_prefetch = 0 : i64, scratch_operands = 4 : i64, tpu.core_type = #tpu.core_type<sc_vector_subcore>, window_params = [{transform_indices = #map}, {transform_indices = #map1}, {transform_indices = #map}, {transform_indices = #map}]} {
    %mul3A = arith.constant 2 : i32
    %mul3A_0 = arith.muli %arg1, %mul3A : i32
    %add3A = arith.addi %mul3A_0, %arg0 : i32
    %mul3A_1 = arith.constant 1600 : i32
    %mul3A_2 = arith.muli %add3A, %mul3A_1 : i32
    %lt3A = arith.constant 32 : i32
    %lt3A_3 = arith.cmpi slt, %add3A, %lt3A : i32
    %convert_element_type3A = arith.extui %lt3A_3 : i1 to i32
    %cond3A = arith.constant 0 : i32
    %cond3A_4 = arith.cmpi ne, %convert_element_type3A, %cond3A : i32
    scf.if %cond3A_4 {
      "tpu.region"() ({
        %run_scoped3A = tpu.sem_alloc : memref<!tpu.dma_semaphore, #tpu.memory_space<semaphore_mem>>
        %dma_start3A_215 = tpu.memref_slice %arg3[%mul3A_2] : memref<51200xi32, #tpu.memory_space<hbm>> -> memref<1600xi32, #tpu.memory_space<hbm>>
        %dma_start3A_216 = tpu.memref_slice %arg3[%mul3A_2] : memref<51200xi32, #tpu.memory_space<hbm>> -> memref<1600xi32, #tpu.memory_space<hbm>>
        tpu.enqueue_dma source(%dma_start3A_216 : memref<1600xi32, #tpu.memory_space<hbm>>) target(%arg6 : memref<1600xi32, #tpu.memory_space<vmem>>) target_semaphore(%run_scoped3A : memref<!tpu.dma_semaphore, #tpu.memory_space<semaphore_mem>>)
        %dma_wait3A_217 = tpu.memref_slice %arg3[%mul3A_2] : memref<51200xi32, #tpu.memory_space<hbm>> -> memref<1600xi32, #tpu.memory_space<hbm>>
        %dma_wait3A_218 = tpu.memref_slice %arg3[%mul3A_2] : memref<51200xi32, #tpu.memory_space<hbm>> -> memref<1600xi32, #tpu.memory_space<hbm>>
        tpu.wait_dma2 semaphore(%run_scoped3A : memref<!tpu.dma_semaphore, #tpu.memory_space<semaphore_mem>>) src(%dma_wait3A_218 : memref<1600xi32, #tpu.memory_space<hbm>>) dst(%arg6 : memref<1600xi32, #tpu.memory_space<vmem>>)
        tpu.yield
      }) : () -> ()
      %dma_start3A = arith.constant 0 : i32
      %dma_start3A_9 = arith.constant 0 : i32
      %dma_start3A_10 = tpu.memref_slice %arg8[%dma_start3A, %dma_start3A_9] : memref<1600x16xf32, #tpu.memory_space<vmem>> -> memref<128x16xf32, #tpu.memory_space<vmem>>
      %dma_start3A_11 = arith.constant 0 : i32
      %dma_start3A_12 = tpu.memref_slice %arg6[%dma_start3A_11] : memref<1600xi32, #tpu.memory_space<vmem>> -> memref<128xi32, #tpu.memory_space<vmem>>
      %dma_start3A_13 = arith.constant 0 : i32
      %dma_start3A_14 = arith.constant 0 : i32
      %dma_start3A_15 = tpu.memref_slice %arg2[%dma_start3A_13, %dma_start3A_14] : memref<1000x16xf32, #tpu.memory_space<hbm>> -> memref<1000x16xf32, #tpu.memory_space<hbm>>
      tpu.enqueue_indirect_dma source(%dma_start3A_15 : memref<1000x16xf32, #tpu.memory_space<hbm>>) target(%dma_start3A_10 : memref<128x16xf32, #tpu.memory_space<vmem>>) offsets(%dma_start3A_12 : memref<128xi32, #tpu.memory_space<vmem>>) semaphore(%arg9 : memref<!tpu.dma_semaphore, #tpu.memory_space<semaphore_mem>>)
      %dma_start3A_16 = arith.constant 128 : i32
      %dma_start3A_17 = arith.constant 0 : i32
      %dma_start3A_18 = tpu.memref_slice %arg8[%dma_start3A_16, %dma_start3A_17] : memref<1600x16xf32, #tpu.memory_space<vmem>> -> memref<128x16xf32, #tpu.memory_space<vmem>>
      %dma_start3A_19 = arith.constant 128 : i32
      %dma_start3A_20 = tpu.memref_slice %arg6[%dma_start3A_19] : memref<1600xi32, #tpu.memory_space<vmem>> -> memref<128xi32, #tpu.memory_space<vmem>>
      %dma_start3A_21 = arith.constant 0 : i32
      %dma_start3A_22 = arith.constant 0 : i32
      %dma_start3A_23 = tpu.memref_slice %arg2[%dma_start3A_21, %dma_start3A_22] : memref<1000x16xf32, #tpu.memory_space<hbm>> -> memref<1000x16xf32, #tpu.memory_space<hbm>>
      tpu.enqueue_indirect_dma source(%dma_start3A_23 : memref<1000x16xf32, #tpu.memory_space<hbm>>) target(%dma_start3A_18 : memref<128x16xf32, #tpu.memory_space<vmem>>) offsets(%dma_start3A_20 : memref<128xi32, #tpu.memory_space<vmem>>) semaphore(%arg9 : memref<!tpu.dma_semaphore, #tpu.memory_space<semaphore_mem>>)
      %dma_start3A_24 = arith.constant 256 : i32
      %dma_start3A_25 = arith.constant 0 : i32
      %dma_start3A_26 = tpu.memref_slice %arg8[%dma_start3A_24, %dma_start3A_25] : memref<1600x16xf32, #tpu.memory_space<vmem>> -> memref<128x16xf32, #tpu.memory_space<vmem>>
      %dma_start3A_27 = arith.constant 256 : i32
      %dma_start3A_28 = tpu.memref_slice %arg6[%dma_start3A_27] : memref<1600xi32, #tpu.memory_space<vmem>> -> memref<128xi32, #tpu.memory_space<vmem>>
      %dma_start3A_29 = arith.constant 0 : i32
      %dma_start3A_30 = arith.constant 0 : i32
      %dma_start3A_31 = tpu.memref_slice %arg2[%dma_start3A_29, %dma_start3A_30] : memref<1000x16xf32, #tpu.memory_space<hbm>> -> memref<1000x16xf32, #tpu.memory_space<hbm>>
      tpu.enqueue_indirect_dma source(%dma_start3A_31 : memref<1000x16xf32, #tpu.memory_space<hbm>>) target(%dma_start3A_26 : memref<128x16xf32, #tpu.memory_space<vmem>>) offsets(%dma_start3A_28 : memref<128xi32, #tpu.memory_space<vmem>>) semaphore(%arg9 : memref<!tpu.dma_semaphore, #tpu.memory_space<semaphore_mem>>)
      %dma_start3A_32 = arith.constant 384 : i32
      %dma_start3A_33 = arith.constant 0 : i32
      %dma_start3A_34 = tpu.memref_slice %arg8[%dma_start3A_32, %dma_start3A_33] : memref<1600x16xf32, #tpu.memory_space<vmem>> -> memref<128x16xf32, #tpu.memory_space<vmem>>
      %dma_start3A_35 = arith.constant 384 : i32
      %dma_start3A_36 = tpu.memref_slice %arg6[%dma_start3A_35] : memref<1600xi32, #tpu.memory_space<vmem>> -> memref<128xi32, #tpu.memory_space<vmem>>
      %dma_start3A_37 = arith.constant 0 : i32
      %dma_start3A_38 = arith.constant 0 : i32
      %dma_start3A_39 = tpu.memref_slice %arg2[%dma_start3A_37, %dma_start3A_38] : memref<1000x16xf32, #tpu.memory_space<hbm>> -> memref<1000x16xf32, #tpu.memory_space<hbm>>
      tpu.enqueue_indirect_dma source(%dma_start3A_39 : memref<1000x16xf32, #tpu.memory_space<hbm>>) target(%dma_start3A_34 : memref<128x16xf32, #tpu.memory_space<vmem>>) offsets(%dma_start3A_36 : memref<128xi32, #tpu.memory_space<vmem>>) semaphore(%arg9 : memref<!tpu.dma_semaphore, #tpu.memory_space<semaphore_mem>>)
      %dma_start3A_40 = arith.constant 512 : i32
      %dma_start3A_41 = arith.constant 0 : i32
      %dma_start3A_42 = tpu.memref_slice %arg8[%dma_start3A_40, %dma_start3A_41] : memref<1600x16xf32, #tpu.memory_space<vmem>> -> memref<128x16xf32, #tpu.memory_space<vmem>>
      %dma_start3A_43 = arith.constant 512 : i32
      %dma_start3A_44 = tpu.memref_slice %arg6[%dma_start3A_43] : memref<1600xi32, #tpu.memory_space<vmem>> -> memref<128xi32, #tpu.memory_space<vmem>>
      %dma_start3A_45 = arith.constant 0 : i32
      %dma_start3A_46 = arith.constant 0 : i32
      %dma_start3A_47 = tpu.memref_slice %arg2[%dma_start3A_45, %dma_start3A_46] : memref<1000x16xf32, #tpu.memory_space<hbm>> -> memref<1000x16xf32, #tpu.memory_space<hbm>>
      tpu.enqueue_indirect_dma source(%dma_start3A_47 : memref<1000x16xf32, #tpu.memory_space<hbm>>) target(%dma_start3A_42 : memref<128x16xf32, #tpu.memory_space<vmem>>) offsets(%dma_start3A_44 : memref<128xi32, #tpu.memory_space<vmem>>) semaphore(%arg9 : memref<!tpu.dma_semaphore, #tpu.memory_space<semaphore_mem>>)
      %dma_start3A_48 = arith.constant 640 : i32
      %dma_start3A_49 = arith.constant 0 : i32
      %dma_start3A_50 = tpu.memref_slice %arg8[%dma_start3A_48, %dma_start3A_49] : memref<1600x16xf32, #tpu.memory_space<vmem>> -> memref<128x16xf32, #tpu.memory_space<vmem>>
      %dma_start3A_51 = arith.constant 640 : i32
      %dma_start3A_52 = tpu.memref_slice %arg6[%dma_start3A_51] : memref<1600xi32, #tpu.memory_space<vmem>> -> memref<128xi32, #tpu.memory_space<vmem>>
      %dma_start3A_53 = arith.constant 0 : i32
      %dma_start3A_54 = arith.constant 0 : i32
      %dma_start3A_55 = tpu.memref_slice %arg2[%dma_start3A_53, %dma_start3A_54] : memref<1000x16xf32, #tpu.memory_space<hbm>> -> memref<1000x16xf32, #tpu.memory_space<hbm>>
      tpu.enqueue_indirect_dma source(%dma_start3A_55 : memref<1000x16xf32, #tpu.memory_space<hbm>>) target(%dma_start3A_50 : memref<128x16xf32, #tpu.memory_space<vmem>>) offsets(%dma_start3A_52 : memref<128xi32, #tpu.memory_space<vmem>>) semaphore(%arg9 : memref<!tpu.dma_semaphore, #tpu.memory_space<semaphore_mem>>)
      %dma_start3A_56 = arith.constant 768 : i32
      %dma_start3A_57 = arith.constant 0 : i32
      %dma_start3A_58 = tpu.memref_slice %arg8[%dma_start3A_56, %dma_start3A_57] : memref<1600x16xf32, #tpu.memory_space<vmem>> -> memref<128x16xf32, #tpu.memory_space<vmem>>
      %dma_start3A_59 = arith.constant 768 : i32
      %dma_start3A_60 = tpu.memref_slice %arg6[%dma_start3A_59] : memref<1600xi32, #tpu.memory_space<vmem>> -> memref<128xi32, #tpu.memory_space<vmem>>
      %dma_start3A_61 = arith.constant 0 : i32
      %dma_start3A_62 = arith.constant 0 : i32
      %dma_start3A_63 = tpu.memref_slice %arg2[%dma_start3A_61, %dma_start3A_62] : memref<1000x16xf32, #tpu.memory_space<hbm>> -> memref<1000x16xf32, #tpu.memory_space<hbm>>
      tpu.enqueue_indirect_dma source(%dma_start3A_63 : memref<1000x16xf32, #tpu.memory_space<hbm>>) target(%dma_start3A_58 : memref<128x16xf32, #tpu.memory_space<vmem>>) offsets(%dma_start3A_60 : memref<128xi32, #tpu.memory_space<vmem>>) semaphore(%arg9 : memref<!tpu.dma_semaphore, #tpu.memory_space<semaphore_mem>>)
      %dma_start3A_64 = arith.constant 896 : i32
      %dma_start3A_65 = arith.constant 0 : i32
      %dma_start3A_66 = tpu.memref_slice %arg8[%dma_start3A_64, %dma_start3A_65] : memref<1600x16xf32, #tpu.memory_space<vmem>> -> memref<128x16xf32, #tpu.memory_space<vmem>>
      %dma_start3A_67 = arith.constant 896 : i32
      %dma_start3A_68 = tpu.memref_slice %arg6[%dma_start3A_67] : memref<1600xi32, #tpu.memory_space<vmem>> -> memref<128xi32, #tpu.memory_space<vmem>>
      %dma_start3A_69 = arith.constant 0 : i32
      %dma_start3A_70 = arith.constant 0 : i32
      %dma_start3A_71 = tpu.memref_slice %arg2[%dma_start3A_69, %dma_start3A_70] : memref<1000x16xf32, #tpu.memory_space<hbm>> -> memref<1000x16xf32, #tpu.memory_space<hbm>>
      tpu.enqueue_indirect_dma source(%dma_start3A_71 : memref<1000x16xf32, #tpu.memory_space<hbm>>) target(%dma_start3A_66 : memref<128x16xf32, #tpu.memory_space<vmem>>) offsets(%dma_start3A_68 : memref<128xi32, #tpu.memory_space<vmem>>) semaphore(%arg9 : memref<!tpu.dma_semaphore, #tpu.memory_space<semaphore_mem>>)
      %dma_start3A_72 = arith.constant 1024 : i32
      %dma_start3A_73 = arith.constant 0 : i32
      %dma_start3A_74 = tpu.memref_slice %arg8[%dma_start3A_72, %dma_start3A_73] : memref<1600x16xf32, #tpu.memory_space<vmem>> -> memref<128x16xf32, #tpu.memory_space<vmem>>
      %dma_start3A_75 = arith.constant 1024 : i32
      %dma_start3A_76 = tpu.memref_slice %arg6[%dma_start3A_75] : memref<1600xi32, #tpu.memory_space<vmem>> -> memref<128xi32, #tpu.memory_space<vmem>>
      %dma_start3A_77 = arith.constant 0 : i32
      %dma_start3A_78 = arith.constant 0 : i32
      %dma_start3A_79 = tpu.memref_slice %arg2[%dma_start3A_77, %dma_start3A_78] : memref<1000x16xf32, #tpu.memory_space<hbm>> -> memref<1000x16xf32, #tpu.memory_space<hbm>>
      tpu.enqueue_indirect_dma source(%dma_start3A_79 : memref<1000x16xf32, #tpu.memory_space<hbm>>) target(%dma_start3A_74 : memref<128x16xf32, #tpu.memory_space<vmem>>) offsets(%dma_start3A_76 : memref<128xi32, #tpu.memory_space<vmem>>) semaphore(%arg9 : memref<!tpu.dma_semaphore, #tpu.memory_space<semaphore_mem>>)
      %dma_start3A_80 = arith.constant 1152 : i32
      %dma_start3A_81 = arith.constant 0 : i32
      %dma_start3A_82 = tpu.memref_slice %arg8[%dma_start3A_80, %dma_start3A_81] : memref<1600x16xf32, #tpu.memory_space<vmem>> -> memref<128x16xf32, #tpu.memory_space<vmem>>
      %dma_start3A_83 = arith.constant 1152 : i32
      %dma_start3A_84 = tpu.memref_slice %arg6[%dma_start3A_83] : memref<1600xi32, #tpu.memory_space<vmem>> -> memref<128xi32, #tpu.memory_space<vmem>>
      %dma_start3A_85 = arith.constant 0 : i32
      %dma_start3A_86 = arith.constant 0 : i32
      %dma_start3A_87 = tpu.memref_slice %arg2[%dma_start3A_85, %dma_start3A_86] : memref<1000x16xf32, #tpu.memory_space<hbm>> -> memref<1000x16xf32, #tpu.memory_space<hbm>>
      tpu.enqueue_indirect_dma source(%dma_start3A_87 : memref<1000x16xf32, #tpu.memory_space<hbm>>) target(%dma_start3A_82 : memref<128x16xf32, #tpu.memory_space<vmem>>) offsets(%dma_start3A_84 : memref<128xi32, #tpu.memory_space<vmem>>) semaphore(%arg9 : memref<!tpu.dma_semaphore, #tpu.memory_space<semaphore_mem>>)
      %dma_start3A_88 = arith.constant 1280 : i32
      %dma_start3A_89 = arith.constant 0 : i32
      %dma_start3A_90 = tpu.memref_slice %arg8[%dma_start3A_88, %dma_start3A_89] : memref<1600x16xf32, #tpu.memory_space<vmem>> -> memref<128x16xf32, #tpu.memory_space<vmem>>
      %dma_start3A_91 = arith.constant 1280 : i32
      %dma_start3A_92 = tpu.memref_slice %arg6[%dma_start3A_91] : memref<1600xi32, #tpu.memory_space<vmem>> -> memref<128xi32, #tpu.memory_space<vmem>>
      %dma_start3A_93 = arith.constant 0 : i32
      %dma_start3A_94 = arith.constant 0 : i32
      %dma_start3A_95 = tpu.memref_slice %arg2[%dma_start3A_93, %dma_start3A_94] : memref<1000x16xf32, #tpu.memory_space<hbm>> -> memref<1000x16xf32, #tpu.memory_space<hbm>>
      tpu.enqueue_indirect_dma source(%dma_start3A_95 : memref<1000x16xf32, #tpu.memory_space<hbm>>) target(%dma_start3A_90 : memref<128x16xf32, #tpu.memory_space<vmem>>) offsets(%dma_start3A_92 : memref<128xi32, #tpu.memory_space<vmem>>) semaphore(%arg9 : memref<!tpu.dma_semaphore, #tpu.memory_space<semaphore_mem>>)
      %dma_start3A_96 = arith.constant 1408 : i32
      %dma_start3A_97 = arith.constant 0 : i32
      %dma_start3A_98 = tpu.memref_slice %arg8[%dma_start3A_96, %dma_start3A_97] : memref<1600x16xf32, #tpu.memory_space<vmem>> -> memref<128x16xf32, #tpu.memory_space<vmem>>
      %dma_start3A_99 = arith.constant 1408 : i32
      %dma_start3A_100 = tpu.memref_slice %arg6[%dma_start3A_99] : memref<1600xi32, #tpu.memory_space<vmem>> -> memref<128xi32, #tpu.memory_space<vmem>>
      %dma_start3A_101 = arith.constant 0 : i32
      %dma_start3A_102 = arith.constant 0 : i32
      %dma_start3A_103 = tpu.memref_slice %arg2[%dma_start3A_101, %dma_start3A_102] : memref<1000x16xf32, #tpu.memory_space<hbm>> -> memref<1000x16xf32, #tpu.memory_space<hbm>>
      tpu.enqueue_indirect_dma source(%dma_start3A_103 : memref<1000x16xf32, #tpu.memory_space<hbm>>) target(%dma_start3A_98 : memref<128x16xf32, #tpu.memory_space<vmem>>) offsets(%dma_start3A_100 : memref<128xi32, #tpu.memory_space<vmem>>) semaphore(%arg9 : memref<!tpu.dma_semaphore, #tpu.memory_space<semaphore_mem>>)
      %dma_start3A_104 = arith.constant 1536 : i32
      %dma_start3A_105 = arith.constant 0 : i32
      %dma_start3A_106 = tpu.memref_slice %arg8[%dma_start3A_104, %dma_start3A_105] : memref<1600x16xf32, #tpu.memory_space<vmem>> -> memref<64x16xf32, #tpu.memory_space<vmem>>
      %dma_start3A_107 = arith.constant 1536 : i32
      %dma_start3A_108 = tpu.memref_slice %arg6[%dma_start3A_107] : memref<1600xi32, #tpu.memory_space<vmem>> -> memref<64xi32, #tpu.memory_space<vmem>>
      %dma_start3A_109 = arith.constant 0 : i32
      %dma_start3A_110 = arith.constant 0 : i32
      %dma_start3A_111 = tpu.memref_slice %arg2[%dma_start3A_109, %dma_start3A_110] : memref<1000x16xf32, #tpu.memory_space<hbm>> -> memref<1000x16xf32, #tpu.memory_space<hbm>>
      tpu.enqueue_indirect_dma source(%dma_start3A_111 : memref<1000x16xf32, #tpu.memory_space<hbm>>) target(%dma_start3A_106 : memref<64x16xf32, #tpu.memory_space<vmem>>) offsets(%dma_start3A_108 : memref<64xi32, #tpu.memory_space<vmem>>) semaphore(%arg9 : memref<!tpu.dma_semaphore, #tpu.memory_space<semaphore_mem>>)
      %dma_wait3A = arith.constant 0 : i32
      %dma_wait3A_112 = arith.constant 0 : i32
      %dma_wait3A_113 = tpu.memref_slice %arg8[%dma_wait3A, %dma_wait3A_112] : memref<1600x16xf32, #tpu.memory_space<vmem>> -> memref<128x16xf32, #tpu.memory_space<vmem>>
      %dma_wait3A_114 = arith.constant 0 : i32
      %dma_wait3A_115 = tpu.memref_slice %arg6[%dma_wait3A_114] : memref<1600xi32, #tpu.memory_space<vmem>> -> memref<128xi32, #tpu.memory_space<vmem>>
      %dma_wait3A_116 = arith.constant 0 : i32
      %dma_wait3A_117 = arith.constant 0 : i32
      %dma_wait3A_118 = tpu.memref_slice %arg2[%dma_wait3A_116, %dma_wait3A_117] : memref<1000x16xf32, #tpu.memory_space<hbm>> -> memref<1000x16xf32, #tpu.memory_space<hbm>>
      tpu.wait_indirect_dma semaphore(%arg9 : memref<!tpu.dma_semaphore, #tpu.memory_space<semaphore_mem>>) src(%dma_wait3A_118 : memref<1000x16xf32, #tpu.memory_space<hbm>>) dst(%dma_wait3A_113 : memref<128x16xf32, #tpu.memory_space<vmem>>)
      %dma_wait3A_119 = arith.constant 128 : i32
      %dma_wait3A_120 = arith.constant 0 : i32
      %dma_wait3A_121 = tpu.memref_slice %arg8[%dma_wait3A_119, %dma_wait3A_120] : memref<1600x16xf32, #tpu.memory_space<vmem>> -> memref<128x16xf32, #tpu.memory_space<vmem>>
      %dma_wait3A_122 = arith.constant 128 : i32
      %dma_wait3A_123 = tpu.memref_slice %arg6[%dma_wait3A_122] : memref<1600xi32, #tpu.memory_space<vmem>> -> memref<128xi32, #tpu.memory_space<vmem>>
      %dma_wait3A_124 = arith.constant 0 : i32
      %dma_wait3A_125 = arith.constant 0 : i32
      %dma_wait3A_126 = tpu.memref_slice %arg2[%dma_wait3A_124, %dma_wait3A_125] : memref<1000x16xf32, #tpu.memory_space<hbm>> -> memref<1000x16xf32, #tpu.memory_space<hbm>>
      tpu.wait_indirect_dma semaphore(%arg9 : memref<!tpu.dma_semaphore, #tpu.memory_space<semaphore_mem>>) src(%dma_wait3A_126 : memref<1000x16xf32, #tpu.memory_space<hbm>>) dst(%dma_wait3A_121 : memref<128x16xf32, #tpu.memory_space<vmem>>)
      %dma_wait3A_127 = arith.constant 256 : i32
      %dma_wait3A_128 = arith.constant 0 : i32
      %dma_wait3A_129 = tpu.memref_slice %arg8[%dma_wait3A_127, %dma_wait3A_128] : memref<1600x16xf32, #tpu.memory_space<vmem>> -> memref<128x16xf32, #tpu.memory_space<vmem>>
      %dma_wait3A_130 = arith.constant 256 : i32
      %dma_wait3A_131 = tpu.memref_slice %arg6[%dma_wait3A_130] : memref<1600xi32, #tpu.memory_space<vmem>> -> memref<128xi32, #tpu.memory_space<vmem>>
      %dma_wait3A_132 = arith.constant 0 : i32
      %dma_wait3A_133 = arith.constant 0 : i32
      %dma_wait3A_134 = tpu.memref_slice %arg2[%dma_wait3A_132, %dma_wait3A_133] : memref<1000x16xf32, #tpu.memory_space<hbm>> -> memref<1000x16xf32, #tpu.memory_space<hbm>>
      tpu.wait_indirect_dma semaphore(%arg9 : memref<!tpu.dma_semaphore, #tpu.memory_space<semaphore_mem>>) src(%dma_wait3A_134 : memref<1000x16xf32, #tpu.memory_space<hbm>>) dst(%dma_wait3A_129 : memref<128x16xf32, #tpu.memory_space<vmem>>)
      %dma_wait3A_135 = arith.constant 384 : i32
      %dma_wait3A_136 = arith.constant 0 : i32
      %dma_wait3A_137 = tpu.memref_slice %arg8[%dma_wait3A_135, %dma_wait3A_136] : memref<1600x16xf32, #tpu.memory_space<vmem>> -> memref<128x16xf32, #tpu.memory_space<vmem>>
      %dma_wait3A_138 = arith.constant 384 : i32
      %dma_wait3A_139 = tpu.memref_slice %arg6[%dma_wait3A_138] : memref<1600xi32, #tpu.memory_space<vmem>> -> memref<128xi32, #tpu.memory_space<vmem>>
      %dma_wait3A_140 = arith.constant 0 : i32
      %dma_wait3A_141 = arith.constant 0 : i32
      %dma_wait3A_142 = tpu.memref_slice %arg2[%dma_wait3A_140, %dma_wait3A_141] : memref<1000x16xf32, #tpu.memory_space<hbm>> -> memref<1000x16xf32, #tpu.memory_space<hbm>>
      tpu.wait_indirect_dma semaphore(%arg9 : memref<!tpu.dma_semaphore, #tpu.memory_space<semaphore_mem>>) src(%dma_wait3A_142 : memref<1000x16xf32, #tpu.memory_space<hbm>>) dst(%dma_wait3A_137 : memref<128x16xf32, #tpu.memory_space<vmem>>)
      %dma_wait3A_143 = arith.constant 512 : i32
      %dma_wait3A_144 = arith.constant 0 : i32
      %dma_wait3A_145 = tpu.memref_slice %arg8[%dma_wait3A_143, %dma_wait3A_144] : memref<1600x16xf32, #tpu.memory_space<vmem>> -> memref<128x16xf32, #tpu.memory_space<vmem>>
      %dma_wait3A_146 = arith.constant 512 : i32
      %dma_wait3A_147 = tpu.memref_slice %arg6[%dma_wait3A_146] : memref<1600xi32, #tpu.memory_space<vmem>> -> memref<128xi32, #tpu.memory_space<vmem>>
      %dma_wait3A_148 = arith.constant 0 : i32
      %dma_wait3A_149 = arith.constant 0 : i32
      %dma_wait3A_150 = tpu.memref_slice %arg2[%dma_wait3A_148, %dma_wait3A_149] : memref<1000x16xf32, #tpu.memory_space<hbm>> -> memref<1000x16xf32, #tpu.memory_space<hbm>>
      tpu.wait_indirect_dma semaphore(%arg9 : memref<!tpu.dma_semaphore, #tpu.memory_space<semaphore_mem>>) src(%dma_wait3A_150 : memref<1000x16xf32, #tpu.memory_space<hbm>>) dst(%dma_wait3A_145 : memref<128x16xf32, #tpu.memory_space<vmem>>)
      %dma_wait3A_151 = arith.constant 640 : i32
      %dma_wait3A_152 = arith.constant 0 : i32
      %dma_wait3A_153 = tpu.memref_slice %arg8[%dma_wait3A_151, %dma_wait3A_152] : memref<1600x16xf32, #tpu.memory_space<vmem>> -> memref<128x16xf32, #tpu.memory_space<vmem>>
      %dma_wait3A_154 = arith.constant 640 : i32
      %dma_wait3A_155 = tpu.memref_slice %arg6[%dma_wait3A_154] : memref<1600xi32, #tpu.memory_space<vmem>> -> memref<128xi32, #tpu.memory_space<vmem>>
      %dma_wait3A_156 = arith.constant 0 : i32
      %dma_wait3A_157 = arith.constant 0 : i32
      %dma_wait3A_158 = tpu.memref_slice %arg2[%dma_wait3A_156, %dma_wait3A_157] : memref<1000x16xf32, #tpu.memory_space<hbm>> -> memref<1000x16xf32, #tpu.memory_space<hbm>>
      tpu.wait_indirect_dma semaphore(%arg9 : memref<!tpu.dma_semaphore, #tpu.memory_space<semaphore_mem>>) src(%dma_wait3A_158 : memref<1000x16xf32, #tpu.memory_space<hbm>>) dst(%dma_wait3A_153 : memref<128x16xf32, #tpu.memory_space<vmem>>)
      %dma_wait3A_159 = arith.constant 768 : i32
      %dma_wait3A_160 = arith.constant 0 : i32
      %dma_wait3A_161 = tpu.memref_slice %arg8[%dma_wait3A_159, %dma_wait3A_160] : memref<1600x16xf32, #tpu.memory_space<vmem>> -> memref<128x16xf32, #tpu.memory_space<vmem>>
      %dma_wait3A_162 = arith.constant 768 : i32
      %dma_wait3A_163 = tpu.memref_slice %arg6[%dma_wait3A_162] : memref<1600xi32, #tpu.memory_space<vmem>> -> memref<128xi32, #tpu.memory_space<vmem>>
      %dma_wait3A_164 = arith.constant 0 : i32
      %dma_wait3A_165 = arith.constant 0 : i32
      %dma_wait3A_166 = tpu.memref_slice %arg2[%dma_wait3A_164, %dma_wait3A_165] : memref<1000x16xf32, #tpu.memory_space<hbm>> -> memref<1000x16xf32, #tpu.memory_space<hbm>>
      tpu.wait_indirect_dma semaphore(%arg9 : memref<!tpu.dma_semaphore, #tpu.memory_space<semaphore_mem>>) src(%dma_wait3A_166 : memref<1000x16xf32, #tpu.memory_space<hbm>>) dst(%dma_wait3A_161 : memref<128x16xf32, #tpu.memory_space<vmem>>)
      %dma_wait3A_167 = arith.constant 896 : i32
      %dma_wait3A_168 = arith.constant 0 : i32
      %dma_wait3A_169 = tpu.memref_slice %arg8[%dma_wait3A_167, %dma_wait3A_168] : memref<1600x16xf32, #tpu.memory_space<vmem>> -> memref<128x16xf32, #tpu.memory_space<vmem>>
      %dma_wait3A_170 = arith.constant 896 : i32
      %dma_wait3A_171 = tpu.memref_slice %arg6[%dma_wait3A_170] : memref<1600xi32, #tpu.memory_space<vmem>> -> memref<128xi32, #tpu.memory_space<vmem>>
      %dma_wait3A_172 = arith.constant 0 : i32
      %dma_wait3A_173 = arith.constant 0 : i32
      %dma_wait3A_174 = tpu.memref_slice %arg2[%dma_wait3A_172, %dma_wait3A_173] : memref<1000x16xf32, #tpu.memory_space<hbm>> -> memref<1000x16xf32, #tpu.memory_space<hbm>>
      tpu.wait_indirect_dma semaphore(%arg9 : memref<!tpu.dma_semaphore, #tpu.memory_space<semaphore_mem>>) src(%dma_wait3A_174 : memref<1000x16xf32, #tpu.memory_space<hbm>>) dst(%dma_wait3A_169 : memref<128x16xf32, #tpu.memory_space<vmem>>)
      %dma_wait3A_175 = arith.constant 1024 : i32
      %dma_wait3A_176 = arith.constant 0 : i32
      %dma_wait3A_177 = tpu.memref_slice %arg8[%dma_wait3A_175, %dma_wait3A_176] : memref<1600x16xf32, #tpu.memory_space<vmem>> -> memref<128x16xf32, #tpu.memory_space<vmem>>
      %dma_wait3A_178 = arith.constant 1024 : i32
      %dma_wait3A_179 = tpu.memref_slice %arg6[%dma_wait3A_178] : memref<1600xi32, #tpu.memory_space<vmem>> -> memref<128xi32, #tpu.memory_space<vmem>>
      %dma_wait3A_180 = arith.constant 0 : i32
      %dma_wait3A_181 = arith.constant 0 : i32
      %dma_wait3A_182 = tpu.memref_slice %arg2[%dma_wait3A_180, %dma_wait3A_181] : memref<1000x16xf32, #tpu.memory_space<hbm>> -> memref<1000x16xf32, #tpu.memory_space<hbm>>
      tpu.wait_indirect_dma semaphore(%arg9 : memref<!tpu.dma_semaphore, #tpu.memory_space<semaphore_mem>>) src(%dma_wait3A_182 : memref<1000x16xf32, #tpu.memory_space<hbm>>) dst(%dma_wait3A_177 : memref<128x16xf32, #tpu.memory_space<vmem>>)
      %dma_wait3A_183 = arith.constant 1152 : i32
      %dma_wait3A_184 = arith.constant 0 : i32
      %dma_wait3A_185 = tpu.memref_slice %arg8[%dma_wait3A_183, %dma_wait3A_184] : memref<1600x16xf32, #tpu.memory_space<vmem>> -> memref<128x16xf32, #tpu.memory_space<vmem>>
      %dma_wait3A_186 = arith.constant 1152 : i32
      %dma_wait3A_187 = tpu.memref_slice %arg6[%dma_wait3A_186] : memref<1600xi32, #tpu.memory_space<vmem>> -> memref<128xi32, #tpu.memory_space<vmem>>
      %dma_wait3A_188 = arith.constant 0 : i32
      %dma_wait3A_189 = arith.constant 0 : i32
      %dma_wait3A_190 = tpu.memref_slice %arg2[%dma_wait3A_188, %dma_wait3A_189] : memref<1000x16xf32, #tpu.memory_space<hbm>> -> memref<1000x16xf32, #tpu.memory_space<hbm>>
      tpu.wait_indirect_dma semaphore(%arg9 : memref<!tpu.dma_semaphore, #tpu.memory_space<semaphore_mem>>) src(%dma_wait3A_190 : memref<1000x16xf32, #tpu.memory_space<hbm>>) dst(%dma_wait3A_185 : memref<128x16xf32, #tpu.memory_space<vmem>>)
      %dma_wait3A_191 = arith.constant 1280 : i32
      %dma_wait3A_192 = arith.constant 0 : i32
      %dma_wait3A_193 = tpu.memref_slice %arg8[%dma_wait3A_191, %dma_wait3A_192] : memref<1600x16xf32, #tpu.memory_space<vmem>> -> memref<128x16xf32, #tpu.memory_space<vmem>>
      %dma_wait3A_194 = arith.constant 1280 : i32
      %dma_wait3A_195 = tpu.memref_slice %arg6[%dma_wait3A_194] : memref<1600xi32, #tpu.memory_space<vmem>> -> memref<128xi32, #tpu.memory_space<vmem>>
      %dma_wait3A_196 = arith.constant 0 : i32
      %dma_wait3A_197 = arith.constant 0 : i32
      %dma_wait3A_198 = tpu.memref_slice %arg2[%dma_wait3A_196, %dma_wait3A_197] : memref<1000x16xf32, #tpu.memory_space<hbm>> -> memref<1000x16xf32, #tpu.memory_space<hbm>>
      tpu.wait_indirect_dma semaphore(%arg9 : memref<!tpu.dma_semaphore, #tpu.memory_space<semaphore_mem>>) src(%dma_wait3A_198 : memref<1000x16xf32, #tpu.memory_space<hbm>>) dst(%dma_wait3A_193 : memref<128x16xf32, #tpu.memory_space<vmem>>)
      %dma_wait3A_199 = arith.constant 1408 : i32
      %dma_wait3A_200 = arith.constant 0 : i32
      %dma_wait3A_201 = tpu.memref_slice %arg8[%dma_wait3A_199, %dma_wait3A_200] : memref<1600x16xf32, #tpu.memory_space<vmem>> -> memref<128x16xf32, #tpu.memory_space<vmem>>
      %dma_wait3A_202 = arith.constant 1408 : i32
      %dma_wait3A_203 = tpu.memref_slice %arg6[%dma_wait3A_202] : memref<1600xi32, #tpu.memory_space<vmem>> -> memref<128xi32, #tpu.memory_space<vmem>>
      %dma_wait3A_204 = arith.constant 0 : i32
      %dma_wait3A_205 = arith.constant 0 : i32
      %dma_wait3A_206 = tpu.memref_slice %arg2[%dma_wait3A_204, %dma_wait3A_205] : memref<1000x16xf32, #tpu.memory_space<hbm>> -> memref<1000x16xf32, #tpu.memory_space<hbm>>
      tpu.wait_indirect_dma semaphore(%arg9 : memref<!tpu.dma_semaphore, #tpu.memory_space<semaphore_mem>>) src(%dma_wait3A_206 : memref<1000x16xf32, #tpu.memory_space<hbm>>) dst(%dma_wait3A_201 : memref<128x16xf32, #tpu.memory_space<vmem>>)
      %dma_wait3A_207 = arith.constant 1536 : i32
      %dma_wait3A_208 = arith.constant 0 : i32
      %dma_wait3A_209 = tpu.memref_slice %arg8[%dma_wait3A_207, %dma_wait3A_208] : memref<1600x16xf32, #tpu.memory_space<vmem>> -> memref<64x16xf32, #tpu.memory_space<vmem>>
      %dma_wait3A_210 = arith.constant 1536 : i32
      %dma_wait3A_211 = tpu.memref_slice %arg6[%dma_wait3A_210] : memref<1600xi32, #tpu.memory_space<vmem>> -> memref<64xi32, #tpu.memory_space<vmem>>
      %dma_wait3A_212 = arith.constant 0 : i32
      %dma_wait3A_213 = arith.constant 0 : i32
      %dma_wait3A_214 = tpu.memref_slice %arg2[%dma_wait3A_212, %dma_wait3A_213] : memref<1000x16xf32, #tpu.memory_space<hbm>> -> memref<1000x16xf32, #tpu.memory_space<hbm>>
      tpu.wait_indirect_dma semaphore(%arg9 : memref<!tpu.dma_semaphore, #tpu.memory_space<semaphore_mem>>) src(%dma_wait3A_214 : memref<1000x16xf32, #tpu.memory_space<hbm>>) dst(%dma_wait3A_209 : memref<64x16xf32, #tpu.memory_space<vmem>>)
    } else {
    }
    %ge3A = arith.constant 32 : i32
    %ge3A_5 = arith.cmpi sge, %add3A, %ge3A : i32
    %convert_element_type3A_6 = arith.extui %ge3A_5 : i1 to i32
    %cond3A_7 = arith.constant 0 : i32
    %cond3A_8 = arith.cmpi ne, %convert_element_type3A_6, %cond3A_7 : i32
    scf.if %cond3A_8 {
      %sub3A = arith.constant 32 : i32
      %sub3A_9 = arith.subi %add3A, %sub3A : i32
      %mul3A_10 = arith.constant 32 : i32
      %mul3A_11 = arith.muli %sub3A_9, %mul3A_10 : i32
      "tpu.region"() ({
        %run_scoped3A = tpu.sem_alloc : memref<!tpu.dma_semaphore, #tpu.memory_space<semaphore_mem>>
        %dma_start3A_650 = arith.constant 0 : i32
        %dma_start3A_651 = tpu.memref_slice %arg4[%mul3A_11, %dma_start3A_650] : memref<1024x50xi32, #tpu.memory_space<hbm>> -> memref<32x50xi32, #tpu.memory_space<hbm>>
        %dma_start3A_652 = arith.constant 0 : i32
        %dma_start3A_653 = tpu.memref_slice %arg4[%mul3A_11, %dma_start3A_652] : memref<1024x50xi32, #tpu.memory_space<hbm>> -> memref<32x50xi32, #tpu.memory_space<hbm>>
        tpu.enqueue_dma source(%dma_start3A_653 : memref<32x50xi32, #tpu.memory_space<hbm>>) target(%arg7 : memref<32x50xi32, #tpu.memory_space<vmem>>) target_semaphore(%run_scoped3A : memref<!tpu.dma_semaphore, #tpu.memory_space<semaphore_mem>>)
        %dma_wait3A_654 = arith.constant 0 : i32
        %dma_wait3A_655 = tpu.memref_slice %arg4[%mul3A_11, %dma_wait3A_654] : memref<1024x50xi32, #tpu.memory_space<hbm>> -> memref<32x50xi32, #tpu.memory_space<hbm>>
        %dma_wait3A_656 = arith.constant 0 : i32
        %dma_wait3A_657 = tpu.memref_slice %arg4[%mul3A_11, %dma_wait3A_656] : memref<1024x50xi32, #tpu.memory_space<hbm>> -> memref<32x50xi32, #tpu.memory_space<hbm>>
        tpu.wait_dma2 semaphore(%run_scoped3A : memref<!tpu.dma_semaphore, #tpu.memory_space<semaphore_mem>>) src(%dma_wait3A_657 : memref<32x50xi32, #tpu.memory_space<hbm>>) dst(%arg7 : memref<32x50xi32, #tpu.memory_space<vmem>>)
        tpu.yield
      }) : () -> ()
      %dma_start3A = arith.constant 0 : i32
      %dma_start3A_12 = arith.constant 0 : i32
      %dma_start3A_13 = arith.constant 0 : i32
      %dma_start3A_14 = tpu.memref_slice %arg8[%dma_start3A_12, %dma_start3A_13] : memref<1600x16xf32, #tpu.memory_space<vmem>> -> memref<50x16xf32, #tpu.memory_space<vmem>>
      %dma_start3A_15 = arith.constant 0 : i32
      %dma_start3A_16 = tpu.memref_slice %arg7[%dma_start3A, %dma_start3A_15] : memref<32x50xi32, #tpu.memory_space<vmem>> -> memref<1x50xi32, #tpu.memory_space<vmem>>
      %dma_start3A_17 = tpu.memref_squeeze %dma_start3A_16 : memref<1x50xi32, #tpu.memory_space<vmem>> -> memref<50xi32, #tpu.memory_space<vmem>>
      %dma_start3A_18 = arith.constant 0 : i32
      %dma_start3A_19 = arith.constant 0 : i32
      %dma_start3A_20 = tpu.memref_slice %arg2[%dma_start3A_18, %dma_start3A_19] : memref<1000x16xf32, #tpu.memory_space<hbm>> -> memref<1000x16xf32, #tpu.memory_space<hbm>>
      tpu.enqueue_indirect_dma source(%dma_start3A_20 : memref<1000x16xf32, #tpu.memory_space<hbm>>) target(%dma_start3A_14 : memref<50x16xf32, #tpu.memory_space<vmem>>) offsets(%dma_start3A_17 : memref<50xi32, #tpu.memory_space<vmem>>) semaphore(%arg9 : memref<!tpu.dma_semaphore, #tpu.memory_space<semaphore_mem>>)
      %dma_start3A_21 = arith.constant 1 : i32
      %dma_start3A_22 = arith.constant 50 : i32
      %dma_start3A_23 = arith.constant 0 : i32
      %dma_start3A_24 = tpu.memref_slice %arg8[%dma_start3A_22, %dma_start3A_23] : memref<1600x16xf32, #tpu.memory_space<vmem>> -> memref<50x16xf32, #tpu.memory_space<vmem>>
      %dma_start3A_25 = arith.constant 0 : i32
      %dma_start3A_26 = tpu.memref_slice %arg7[%dma_start3A_21, %dma_start3A_25] : memref<32x50xi32, #tpu.memory_space<vmem>> -> memref<1x50xi32, #tpu.memory_space<vmem>>
      %dma_start3A_27 = tpu.memref_squeeze %dma_start3A_26 : memref<1x50xi32, #tpu.memory_space<vmem>> -> memref<50xi32, #tpu.memory_space<vmem>>
      %dma_start3A_28 = arith.constant 0 : i32
      %dma_start3A_29 = arith.constant 0 : i32
      %dma_start3A_30 = tpu.memref_slice %arg2[%dma_start3A_28, %dma_start3A_29] : memref<1000x16xf32, #tpu.memory_space<hbm>> -> memref<1000x16xf32, #tpu.memory_space<hbm>>
      tpu.enqueue_indirect_dma source(%dma_start3A_30 : memref<1000x16xf32, #tpu.memory_space<hbm>>) target(%dma_start3A_24 : memref<50x16xf32, #tpu.memory_space<vmem>>) offsets(%dma_start3A_27 : memref<50xi32, #tpu.memory_space<vmem>>) semaphore(%arg9 : memref<!tpu.dma_semaphore, #tpu.memory_space<semaphore_mem>>)
      %dma_start3A_31 = arith.constant 2 : i32
      %dma_start3A_32 = arith.constant 100 : i32
      %dma_start3A_33 = arith.constant 0 : i32
      %dma_start3A_34 = tpu.memref_slice %arg8[%dma_start3A_32, %dma_start3A_33] : memref<1600x16xf32, #tpu.memory_space<vmem>> -> memref<50x16xf32, #tpu.memory_space<vmem>>
      %dma_start3A_35 = arith.constant 0 : i32
      %dma_start3A_36 = tpu.memref_slice %arg7[%dma_start3A_31, %dma_start3A_35] : memref<32x50xi32, #tpu.memory_space<vmem>> -> memref<1x50xi32, #tpu.memory_space<vmem>>
      %dma_start3A_37 = tpu.memref_squeeze %dma_start3A_36 : memref<1x50xi32, #tpu.memory_space<vmem>> -> memref<50xi32, #tpu.memory_space<vmem>>
      %dma_start3A_38 = arith.constant 0 : i32
      %dma_start3A_39 = arith.constant 0 : i32
      %dma_start3A_40 = tpu.memref_slice %arg2[%dma_start3A_38, %dma_start3A_39] : memref<1000x16xf32, #tpu.memory_space<hbm>> -> memref<1000x16xf32, #tpu.memory_space<hbm>>
      tpu.enqueue_indirect_dma source(%dma_start3A_40 : memref<1000x16xf32, #tpu.memory_space<hbm>>) target(%dma_start3A_34 : memref<50x16xf32, #tpu.memory_space<vmem>>) offsets(%dma_start3A_37 : memref<50xi32, #tpu.memory_space<vmem>>) semaphore(%arg9 : memref<!tpu.dma_semaphore, #tpu.memory_space<semaphore_mem>>)
      %dma_start3A_41 = arith.constant 3 : i32
      %dma_start3A_42 = arith.constant 150 : i32
      %dma_start3A_43 = arith.constant 0 : i32
      %dma_start3A_44 = tpu.memref_slice %arg8[%dma_start3A_42, %dma_start3A_43] : memref<1600x16xf32, #tpu.memory_space<vmem>> -> memref<50x16xf32, #tpu.memory_space<vmem>>
      %dma_start3A_45 = arith.constant 0 : i32
      %dma_start3A_46 = tpu.memref_slice %arg7[%dma_start3A_41, %dma_start3A_45] : memref<32x50xi32, #tpu.memory_space<vmem>> -> memref<1x50xi32, #tpu.memory_space<vmem>>
      %dma_start3A_47 = tpu.memref_squeeze %dma_start3A_46 : memref<1x50xi32, #tpu.memory_space<vmem>> -> memref<50xi32, #tpu.memory_space<vmem>>
      %dma_start3A_48 = arith.constant 0 : i32
      %dma_start3A_49 = arith.constant 0 : i32
      %dma_start3A_50 = tpu.memref_slice %arg2[%dma_start3A_48, %dma_start3A_49] : memref<1000x16xf32, #tpu.memory_space<hbm>> -> memref<1000x16xf32, #tpu.memory_space<hbm>>
      tpu.enqueue_indirect_dma source(%dma_start3A_50 : memref<1000x16xf32, #tpu.memory_space<hbm>>) target(%dma_start3A_44 : memref<50x16xf32, #tpu.memory_space<vmem>>) offsets(%dma_start3A_47 : memref<50xi32, #tpu.memory_space<vmem>>) semaphore(%arg9 : memref<!tpu.dma_semaphore, #tpu.memory_space<semaphore_mem>>)
      %dma_start3A_51 = arith.constant 4 : i32
      %dma_start3A_52 = arith.constant 200 : i32
      %dma_start3A_53 = arith.constant 0 : i32
      %dma_start3A_54 = tpu.memref_slice %arg8[%dma_start3A_52, %dma_start3A_53] : memref<1600x16xf32, #tpu.memory_space<vmem>> -> memref<50x16xf32, #tpu.memory_space<vmem>>
      %dma_start3A_55 = arith.constant 0 : i32
      %dma_start3A_56 = tpu.memref_slice %arg7[%dma_start3A_51, %dma_start3A_55] : memref<32x50xi32, #tpu.memory_space<vmem>> -> memref<1x50xi32, #tpu.memory_space<vmem>>
      %dma_start3A_57 = tpu.memref_squeeze %dma_start3A_56 : memref<1x50xi32, #tpu.memory_space<vmem>> -> memref<50xi32, #tpu.memory_space<vmem>>
      %dma_start3A_58 = arith.constant 0 : i32
      %dma_start3A_59 = arith.constant 0 : i32
      %dma_start3A_60 = tpu.memref_slice %arg2[%dma_start3A_58, %dma_start3A_59] : memref<1000x16xf32, #tpu.memory_space<hbm>> -> memref<1000x16xf32, #tpu.memory_space<hbm>>
      tpu.enqueue_indirect_dma source(%dma_start3A_60 : memref<1000x16xf32, #tpu.memory_space<hbm>>) target(%dma_start3A_54 : memref<50x16xf32, #tpu.memory_space<vmem>>) offsets(%dma_start3A_57 : memref<50xi32, #tpu.memory_space<vmem>>) semaphore(%arg9 : memref<!tpu.dma_semaphore, #tpu.memory_space<semaphore_mem>>)
      %dma_start3A_61 = arith.constant 5 : i32
      %dma_start3A_62 = arith.constant 250 : i32
      %dma_start3A_63 = arith.constant 0 : i32
      %dma_start3A_64 = tpu.memref_slice %arg8[%dma_start3A_62, %dma_start3A_63] : memref<1600x16xf32, #tpu.memory_space<vmem>> -> memref<50x16xf32, #tpu.memory_space<vmem>>
      %dma_start3A_65 = arith.constant 0 : i32
      %dma_start3A_66 = tpu.memref_slice %arg7[%dma_start3A_61, %dma_start3A_65] : memref<32x50xi32, #tpu.memory_space<vmem>> -> memref<1x50xi32, #tpu.memory_space<vmem>>
      %dma_start3A_67 = tpu.memref_squeeze %dma_start3A_66 : memref<1x50xi32, #tpu.memory_space<vmem>> -> memref<50xi32, #tpu.memory_space<vmem>>
      %dma_start3A_68 = arith.constant 0 : i32
      %dma_start3A_69 = arith.constant 0 : i32
      %dma_start3A_70 = tpu.memref_slice %arg2[%dma_start3A_68, %dma_start3A_69] : memref<1000x16xf32, #tpu.memory_space<hbm>> -> memref<1000x16xf32, #tpu.memory_space<hbm>>
      tpu.enqueue_indirect_dma source(%dma_start3A_70 : memref<1000x16xf32, #tpu.memory_space<hbm>>) target(%dma_start3A_64 : memref<50x16xf32, #tpu.memory_space<vmem>>) offsets(%dma_start3A_67 : memref<50xi32, #tpu.memory_space<vmem>>) semaphore(%arg9 : memref<!tpu.dma_semaphore, #tpu.memory_space<semaphore_mem>>)
      %dma_start3A_71 = arith.constant 6 : i32
      %dma_start3A_72 = arith.constant 300 : i32
      %dma_start3A_73 = arith.constant 0 : i32
      %dma_start3A_74 = tpu.memref_slice %arg8[%dma_start3A_72, %dma_start3A_73] : memref<1600x16xf32, #tpu.memory_space<vmem>> -> memref<50x16xf32, #tpu.memory_space<vmem>>
      %dma_start3A_75 = arith.constant 0 : i32
      %dma_start3A_76 = tpu.memref_slice %arg7[%dma_start3A_71, %dma_start3A_75] : memref<32x50xi32, #tpu.memory_space<vmem>> -> memref<1x50xi32, #tpu.memory_space<vmem>>
      %dma_start3A_77 = tpu.memref_squeeze %dma_start3A_76 : memref<1x50xi32, #tpu.memory_space<vmem>> -> memref<50xi32, #tpu.memory_space<vmem>>
      %dma_start3A_78 = arith.constant 0 : i32
      %dma_start3A_79 = arith.constant 0 : i32
      %dma_start3A_80 = tpu.memref_slice %arg2[%dma_start3A_78, %dma_start3A_79] : memref<1000x16xf32, #tpu.memory_space<hbm>> -> memref<1000x16xf32, #tpu.memory_space<hbm>>
      tpu.enqueue_indirect_dma source(%dma_start3A_80 : memref<1000x16xf32, #tpu.memory_space<hbm>>) target(%dma_start3A_74 : memref<50x16xf32, #tpu.memory_space<vmem>>) offsets(%dma_start3A_77 : memref<50xi32, #tpu.memory_space<vmem>>) semaphore(%arg9 : memref<!tpu.dma_semaphore, #tpu.memory_space<semaphore_mem>>)
      %dma_start3A_81 = arith.constant 7 : i32
      %dma_start3A_82 = arith.constant 350 : i32
      %dma_start3A_83 = arith.constant 0 : i32
      %dma_start3A_84 = tpu.memref_slice %arg8[%dma_start3A_82, %dma_start3A_83] : memref<1600x16xf32, #tpu.memory_space<vmem>> -> memref<50x16xf32, #tpu.memory_space<vmem>>
      %dma_start3A_85 = arith.constant 0 : i32
      %dma_start3A_86 = tpu.memref_slice %arg7[%dma_start3A_81, %dma_start3A_85] : memref<32x50xi32, #tpu.memory_space<vmem>> -> memref<1x50xi32, #tpu.memory_space<vmem>>
      %dma_start3A_87 = tpu.memref_squeeze %dma_start3A_86 : memref<1x50xi32, #tpu.memory_space<vmem>> -> memref<50xi32, #tpu.memory_space<vmem>>
      %dma_start3A_88 = arith.constant 0 : i32
      %dma_start3A_89 = arith.constant 0 : i32
      %dma_start3A_90 = tpu.memref_slice %arg2[%dma_start3A_88, %dma_start3A_89] : memref<1000x16xf32, #tpu.memory_space<hbm>> -> memref<1000x16xf32, #tpu.memory_space<hbm>>
      tpu.enqueue_indirect_dma source(%dma_start3A_90 : memref<1000x16xf32, #tpu.memory_space<hbm>>) target(%dma_start3A_84 : memref<50x16xf32, #tpu.memory_space<vmem>>) offsets(%dma_start3A_87 : memref<50xi32, #tpu.memory_space<vmem>>) semaphore(%arg9 : memref<!tpu.dma_semaphore, #tpu.memory_space<semaphore_mem>>)
      %dma_start3A_91 = arith.constant 8 : i32
      %dma_start3A_92 = arith.constant 400 : i32
      %dma_start3A_93 = arith.constant 0 : i32
      %dma_start3A_94 = tpu.memref_slice %arg8[%dma_start3A_92, %dma_start3A_93] : memref<1600x16xf32, #tpu.memory_space<vmem>> -> memref<50x16xf32, #tpu.memory_space<vmem>>
      %dma_start3A_95 = arith.constant 0 : i32
      %dma_start3A_96 = tpu.memref_slice %arg7[%dma_start3A_91, %dma_start3A_95] : memref<32x50xi32, #tpu.memory_space<vmem>> -> memref<1x50xi32, #tpu.memory_space<vmem>>
      %dma_start3A_97 = tpu.memref_squeeze %dma_start3A_96 : memref<1x50xi32, #tpu.memory_space<vmem>> -> memref<50xi32, #tpu.memory_space<vmem>>
      %dma_start3A_98 = arith.constant 0 : i32
      %dma_start3A_99 = arith.constant 0 : i32
      %dma_start3A_100 = tpu.memref_slice %arg2[%dma_start3A_98, %dma_start3A_99] : memref<1000x16xf32, #tpu.memory_space<hbm>> -> memref<1000x16xf32, #tpu.memory_space<hbm>>
      tpu.enqueue_indirect_dma source(%dma_start3A_100 : memref<1000x16xf32, #tpu.memory_space<hbm>>) target(%dma_start3A_94 : memref<50x16xf32, #tpu.memory_space<vmem>>) offsets(%dma_start3A_97 : memref<50xi32, #tpu.memory_space<vmem>>) semaphore(%arg9 : memref<!tpu.dma_semaphore, #tpu.memory_space<semaphore_mem>>)
      %dma_start3A_101 = arith.constant 9 : i32
      %dma_start3A_102 = arith.constant 450 : i32
      %dma_start3A_103 = arith.constant 0 : i32
      %dma_start3A_104 = tpu.memref_slice %arg8[%dma_start3A_102, %dma_start3A_103] : memref<1600x16xf32, #tpu.memory_space<vmem>> -> memref<50x16xf32, #tpu.memory_space<vmem>>
      %dma_start3A_105 = arith.constant 0 : i32
      %dma_start3A_106 = tpu.memref_slice %arg7[%dma_start3A_101, %dma_start3A_105] : memref<32x50xi32, #tpu.memory_space<vmem>> -> memref<1x50xi32, #tpu.memory_space<vmem>>
      %dma_start3A_107 = tpu.memref_squeeze %dma_start3A_106 : memref<1x50xi32, #tpu.memory_space<vmem>> -> memref<50xi32, #tpu.memory_space<vmem>>
      %dma_start3A_108 = arith.constant 0 : i32
      %dma_start3A_109 = arith.constant 0 : i32
      %dma_start3A_110 = tpu.memref_slice %arg2[%dma_start3A_108, %dma_start3A_109] : memref<1000x16xf32, #tpu.memory_space<hbm>> -> memref<1000x16xf32, #tpu.memory_space<hbm>>
      tpu.enqueue_indirect_dma source(%dma_start3A_110 : memref<1000x16xf32, #tpu.memory_space<hbm>>) target(%dma_start3A_104 : memref<50x16xf32, #tpu.memory_space<vmem>>) offsets(%dma_start3A_107 : memref<50xi32, #tpu.memory_space<vmem>>) semaphore(%arg9 : memref<!tpu.dma_semaphore, #tpu.memory_space<semaphore_mem>>)
      %dma_start3A_111 = arith.constant 10 : i32
      %dma_start3A_112 = arith.constant 500 : i32
      %dma_start3A_113 = arith.constant 0 : i32
      %dma_start3A_114 = tpu.memref_slice %arg8[%dma_start3A_112, %dma_start3A_113] : memref<1600x16xf32, #tpu.memory_space<vmem>> -> memref<50x16xf32, #tpu.memory_space<vmem>>
      %dma_start3A_115 = arith.constant 0 : i32
      %dma_start3A_116 = tpu.memref_slice %arg7[%dma_start3A_111, %dma_start3A_115] : memref<32x50xi32, #tpu.memory_space<vmem>> -> memref<1x50xi32, #tpu.memory_space<vmem>>
      %dma_start3A_117 = tpu.memref_squeeze %dma_start3A_116 : memref<1x50xi32, #tpu.memory_space<vmem>> -> memref<50xi32, #tpu.memory_space<vmem>>
      %dma_start3A_118 = arith.constant 0 : i32
      %dma_start3A_119 = arith.constant 0 : i32
      %dma_start3A_120 = tpu.memref_slice %arg2[%dma_start3A_118, %dma_start3A_119] : memref<1000x16xf32, #tpu.memory_space<hbm>> -> memref<1000x16xf32, #tpu.memory_space<hbm>>
      tpu.enqueue_indirect_dma source(%dma_start3A_120 : memref<1000x16xf32, #tpu.memory_space<hbm>>) target(%dma_start3A_114 : memref<50x16xf32, #tpu.memory_space<vmem>>) offsets(%dma_start3A_117 : memref<50xi32, #tpu.memory_space<vmem>>) semaphore(%arg9 : memref<!tpu.dma_semaphore, #tpu.memory_space<semaphore_mem>>)
      %dma_start3A_121 = arith.constant 11 : i32
      %dma_start3A_122 = arith.constant 550 : i32
      %dma_start3A_123 = arith.constant 0 : i32
      %dma_start3A_124 = tpu.memref_slice %arg8[%dma_start3A_122, %dma_start3A_123] : memref<1600x16xf32, #tpu.memory_space<vmem>> -> memref<50x16xf32, #tpu.memory_space<vmem>>
      %dma_start3A_125 = arith.constant 0 : i32
      %dma_start3A_126 = tpu.memref_slice %arg7[%dma_start3A_121, %dma_start3A_125] : memref<32x50xi32, #tpu.memory_space<vmem>> -> memref<1x50xi32, #tpu.memory_space<vmem>>
      %dma_start3A_127 = tpu.memref_squeeze %dma_start3A_126 : memref<1x50xi32, #tpu.memory_space<vmem>> -> memref<50xi32, #tpu.memory_space<vmem>>
      %dma_start3A_128 = arith.constant 0 : i32
      %dma_start3A_129 = arith.constant 0 : i32
      %dma_start3A_130 = tpu.memref_slice %arg2[%dma_start3A_128, %dma_start3A_129] : memref<1000x16xf32, #tpu.memory_space<hbm>> -> memref<1000x16xf32, #tpu.memory_space<hbm>>
      tpu.enqueue_indirect_dma source(%dma_start3A_130 : memref<1000x16xf32, #tpu.memory_space<hbm>>) target(%dma_start3A_124 : memref<50x16xf32, #tpu.memory_space<vmem>>) offsets(%dma_start3A_127 : memref<50xi32, #tpu.memory_space<vmem>>) semaphore(%arg9 : memref<!tpu.dma_semaphore, #tpu.memory_space<semaphore_mem>>)
      %dma_start3A_131 = arith.constant 12 : i32
      %dma_start3A_132 = arith.constant 600 : i32
      %dma_start3A_133 = arith.constant 0 : i32
      %dma_start3A_134 = tpu.memref_slice %arg8[%dma_start3A_132, %dma_start3A_133] : memref<1600x16xf32, #tpu.memory_space<vmem>> -> memref<50x16xf32, #tpu.memory_space<vmem>>
      %dma_start3A_135 = arith.constant 0 : i32
      %dma_start3A_136 = tpu.memref_slice %arg7[%dma_start3A_131, %dma_start3A_135] : memref<32x50xi32, #tpu.memory_space<vmem>> -> memref<1x50xi32, #tpu.memory_space<vmem>>
      %dma_start3A_137 = tpu.memref_squeeze %dma_start3A_136 : memref<1x50xi32, #tpu.memory_space<vmem>> -> memref<50xi32, #tpu.memory_space<vmem>>
      %dma_start3A_138 = arith.constant 0 : i32
      %dma_start3A_139 = arith.constant 0 : i32
      %dma_start3A_140 = tpu.memref_slice %arg2[%dma_start3A_138, %dma_start3A_139] : memref<1000x16xf32, #tpu.memory_space<hbm>> -> memref<1000x16xf32, #tpu.memory_space<hbm>>
      tpu.enqueue_indirect_dma source(%dma_start3A_140 : memref<1000x16xf32, #tpu.memory_space<hbm>>) target(%dma_start3A_134 : memref<50x16xf32, #tpu.memory_space<vmem>>) offsets(%dma_start3A_137 : memref<50xi32, #tpu.memory_space<vmem>>) semaphore(%arg9 : memref<!tpu.dma_semaphore, #tpu.memory_space<semaphore_mem>>)
      %dma_start3A_141 = arith.constant 13 : i32
      %dma_start3A_142 = arith.constant 650 : i32
      %dma_start3A_143 = arith.constant 0 : i32
      %dma_start3A_144 = tpu.memref_slice %arg8[%dma_start3A_142, %dma_start3A_143] : memref<1600x16xf32, #tpu.memory_space<vmem>> -> memref<50x16xf32, #tpu.memory_space<vmem>>
      %dma_start3A_145 = arith.constant 0 : i32
      %dma_start3A_146 = tpu.memref_slice %arg7[%dma_start3A_141, %dma_start3A_145] : memref<32x50xi32, #tpu.memory_space<vmem>> -> memref<1x50xi32, #tpu.memory_space<vmem>>
      %dma_start3A_147 = tpu.memref_squeeze %dma_start3A_146 : memref<1x50xi32, #tpu.memory_space<vmem>> -> memref<50xi32, #tpu.memory_space<vmem>>
      %dma_start3A_148 = arith.constant 0 : i32
      %dma_start3A_149 = arith.constant 0 : i32
      %dma_start3A_150 = tpu.memref_slice %arg2[%dma_start3A_148, %dma_start3A_149] : memref<1000x16xf32, #tpu.memory_space<hbm>> -> memref<1000x16xf32, #tpu.memory_space<hbm>>
      tpu.enqueue_indirect_dma source(%dma_start3A_150 : memref<1000x16xf32, #tpu.memory_space<hbm>>) target(%dma_start3A_144 : memref<50x16xf32, #tpu.memory_space<vmem>>) offsets(%dma_start3A_147 : memref<50xi32, #tpu.memory_space<vmem>>) semaphore(%arg9 : memref<!tpu.dma_semaphore, #tpu.memory_space<semaphore_mem>>)
      %dma_start3A_151 = arith.constant 14 : i32
      %dma_start3A_152 = arith.constant 700 : i32
      %dma_start3A_153 = arith.constant 0 : i32
      %dma_start3A_154 = tpu.memref_slice %arg8[%dma_start3A_152, %dma_start3A_153] : memref<1600x16xf32, #tpu.memory_space<vmem>> -> memref<50x16xf32, #tpu.memory_space<vmem>>
      %dma_start3A_155 = arith.constant 0 : i32
      %dma_start3A_156 = tpu.memref_slice %arg7[%dma_start3A_151, %dma_start3A_155] : memref<32x50xi32, #tpu.memory_space<vmem>> -> memref<1x50xi32, #tpu.memory_space<vmem>>
      %dma_start3A_157 = tpu.memref_squeeze %dma_start3A_156 : memref<1x50xi32, #tpu.memory_space<vmem>> -> memref<50xi32, #tpu.memory_space<vmem>>
      %dma_start3A_158 = arith.constant 0 : i32
      %dma_start3A_159 = arith.constant 0 : i32
      %dma_start3A_160 = tpu.memref_slice %arg2[%dma_start3A_158, %dma_start3A_159] : memref<1000x16xf32, #tpu.memory_space<hbm>> -> memref<1000x16xf32, #tpu.memory_space<hbm>>
      tpu.enqueue_indirect_dma source(%dma_start3A_160 : memref<1000x16xf32, #tpu.memory_space<hbm>>) target(%dma_start3A_154 : memref<50x16xf32, #tpu.memory_space<vmem>>) offsets(%dma_start3A_157 : memref<50xi32, #tpu.memory_space<vmem>>) semaphore(%arg9 : memref<!tpu.dma_semaphore, #tpu.memory_space<semaphore_mem>>)
      %dma_start3A_161 = arith.constant 15 : i32
      %dma_start3A_162 = arith.constant 750 : i32
      %dma_start3A_163 = arith.constant 0 : i32
      %dma_start3A_164 = tpu.memref_slice %arg8[%dma_start3A_162, %dma_start3A_163] : memref<1600x16xf32, #tpu.memory_space<vmem>> -> memref<50x16xf32, #tpu.memory_space<vmem>>
      %dma_start3A_165 = arith.constant 0 : i32
      %dma_start3A_166 = tpu.memref_slice %arg7[%dma_start3A_161, %dma_start3A_165] : memref<32x50xi32, #tpu.memory_space<vmem>> -> memref<1x50xi32, #tpu.memory_space<vmem>>
      %dma_start3A_167 = tpu.memref_squeeze %dma_start3A_166 : memref<1x50xi32, #tpu.memory_space<vmem>> -> memref<50xi32, #tpu.memory_space<vmem>>
      %dma_start3A_168 = arith.constant 0 : i32
      %dma_start3A_169 = arith.constant 0 : i32
      %dma_start3A_170 = tpu.memref_slice %arg2[%dma_start3A_168, %dma_start3A_169] : memref<1000x16xf32, #tpu.memory_space<hbm>> -> memref<1000x16xf32, #tpu.memory_space<hbm>>
      tpu.enqueue_indirect_dma source(%dma_start3A_170 : memref<1000x16xf32, #tpu.memory_space<hbm>>) target(%dma_start3A_164 : memref<50x16xf32, #tpu.memory_space<vmem>>) offsets(%dma_start3A_167 : memref<50xi32, #tpu.memory_space<vmem>>) semaphore(%arg9 : memref<!tpu.dma_semaphore, #tpu.memory_space<semaphore_mem>>)
      %dma_start3A_171 = arith.constant 16 : i32
      %dma_start3A_172 = arith.constant 800 : i32
      %dma_start3A_173 = arith.constant 0 : i32
      %dma_start3A_174 = tpu.memref_slice %arg8[%dma_start3A_172, %dma_start3A_173] : memref<1600x16xf32, #tpu.memory_space<vmem>> -> memref<50x16xf32, #tpu.memory_space<vmem>>
      %dma_start3A_175 = arith.constant 0 : i32
      %dma_start3A_176 = tpu.memref_slice %arg7[%dma_start3A_171, %dma_start3A_175] : memref<32x50xi32, #tpu.memory_space<vmem>> -> memref<1x50xi32, #tpu.memory_space<vmem>>
      %dma_start3A_177 = tpu.memref_squeeze %dma_start3A_176 : memref<1x50xi32, #tpu.memory_space<vmem>> -> memref<50xi32, #tpu.memory_space<vmem>>
      %dma_start3A_178 = arith.constant 0 : i32
      %dma_start3A_179 = arith.constant 0 : i32
      %dma_start3A_180 = tpu.memref_slice %arg2[%dma_start3A_178, %dma_start3A_179] : memref<1000x16xf32, #tpu.memory_space<hbm>> -> memref<1000x16xf32, #tpu.memory_space<hbm>>
      tpu.enqueue_indirect_dma source(%dma_start3A_180 : memref<1000x16xf32, #tpu.memory_space<hbm>>) target(%dma_start3A_174 : memref<50x16xf32, #tpu.memory_space<vmem>>) offsets(%dma_start3A_177 : memref<50xi32, #tpu.memory_space<vmem>>) semaphore(%arg9 : memref<!tpu.dma_semaphore, #tpu.memory_space<semaphore_mem>>)
      %dma_start3A_181 = arith.constant 17 : i32
      %dma_start3A_182 = arith.constant 850 : i32
      %dma_start3A_183 = arith.constant 0 : i32
      %dma_start3A_184 = tpu.memref_slice %arg8[%dma_start3A_182, %dma_start3A_183] : memref<1600x16xf32, #tpu.memory_space<vmem>> -> memref<50x16xf32, #tpu.memory_space<vmem>>
      %dma_start3A_185 = arith.constant 0 : i32
      %dma_start3A_186 = tpu.memref_slice %arg7[%dma_start3A_181, %dma_start3A_185] : memref<32x50xi32, #tpu.memory_space<vmem>> -> memref<1x50xi32, #tpu.memory_space<vmem>>
      %dma_start3A_187 = tpu.memref_squeeze %dma_start3A_186 : memref<1x50xi32, #tpu.memory_space<vmem>> -> memref<50xi32, #tpu.memory_space<vmem>>
      %dma_start3A_188 = arith.constant 0 : i32
      %dma_start3A_189 = arith.constant 0 : i32
      %dma_start3A_190 = tpu.memref_slice %arg2[%dma_start3A_188, %dma_start3A_189] : memref<1000x16xf32, #tpu.memory_space<hbm>> -> memref<1000x16xf32, #tpu.memory_space<hbm>>
      tpu.enqueue_indirect_dma source(%dma_start3A_190 : memref<1000x16xf32, #tpu.memory_space<hbm>>) target(%dma_start3A_184 : memref<50x16xf32, #tpu.memory_space<vmem>>) offsets(%dma_start3A_187 : memref<50xi32, #tpu.memory_space<vmem>>) semaphore(%arg9 : memref<!tpu.dma_semaphore, #tpu.memory_space<semaphore_mem>>)
      %dma_start3A_191 = arith.constant 18 : i32
      %dma_start3A_192 = arith.constant 900 : i32
      %dma_start3A_193 = arith.constant 0 : i32
      %dma_start3A_194 = tpu.memref_slice %arg8[%dma_start3A_192, %dma_start3A_193] : memref<1600x16xf32, #tpu.memory_space<vmem>> -> memref<50x16xf32, #tpu.memory_space<vmem>>
      %dma_start3A_195 = arith.constant 0 : i32
      %dma_start3A_196 = tpu.memref_slice %arg7[%dma_start3A_191, %dma_start3A_195] : memref<32x50xi32, #tpu.memory_space<vmem>> -> memref<1x50xi32, #tpu.memory_space<vmem>>
      %dma_start3A_197 = tpu.memref_squeeze %dma_start3A_196 : memref<1x50xi32, #tpu.memory_space<vmem>> -> memref<50xi32, #tpu.memory_space<vmem>>
      %dma_start3A_198 = arith.constant 0 : i32
      %dma_start3A_199 = arith.constant 0 : i32
      %dma_start3A_200 = tpu.memref_slice %arg2[%dma_start3A_198, %dma_start3A_199] : memref<1000x16xf32, #tpu.memory_space<hbm>> -> memref<1000x16xf32, #tpu.memory_space<hbm>>
      tpu.enqueue_indirect_dma source(%dma_start3A_200 : memref<1000x16xf32, #tpu.memory_space<hbm>>) target(%dma_start3A_194 : memref<50x16xf32, #tpu.memory_space<vmem>>) offsets(%dma_start3A_197 : memref<50xi32, #tpu.memory_space<vmem>>) semaphore(%arg9 : memref<!tpu.dma_semaphore, #tpu.memory_space<semaphore_mem>>)
      %dma_start3A_201 = arith.constant 19 : i32
      %dma_start3A_202 = arith.constant 950 : i32
      %dma_start3A_203 = arith.constant 0 : i32
      %dma_start3A_204 = tpu.memref_slice %arg8[%dma_start3A_202, %dma_start3A_203] : memref<1600x16xf32, #tpu.memory_space<vmem>> -> memref<50x16xf32, #tpu.memory_space<vmem>>
      %dma_start3A_205 = arith.constant 0 : i32
      %dma_start3A_206 = tpu.memref_slice %arg7[%dma_start3A_201, %dma_start3A_205] : memref<32x50xi32, #tpu.memory_space<vmem>> -> memref<1x50xi32, #tpu.memory_space<vmem>>
      %dma_start3A_207 = tpu.memref_squeeze %dma_start3A_206 : memref<1x50xi32, #tpu.memory_space<vmem>> -> memref<50xi32, #tpu.memory_space<vmem>>
      %dma_start3A_208 = arith.constant 0 : i32
      %dma_start3A_209 = arith.constant 0 : i32
      %dma_start3A_210 = tpu.memref_slice %arg2[%dma_start3A_208, %dma_start3A_209] : memref<1000x16xf32, #tpu.memory_space<hbm>> -> memref<1000x16xf32, #tpu.memory_space<hbm>>
      tpu.enqueue_indirect_dma source(%dma_start3A_210 : memref<1000x16xf32, #tpu.memory_space<hbm>>) target(%dma_start3A_204 : memref<50x16xf32, #tpu.memory_space<vmem>>) offsets(%dma_start3A_207 : memref<50xi32, #tpu.memory_space<vmem>>) semaphore(%arg9 : memref<!tpu.dma_semaphore, #tpu.memory_space<semaphore_mem>>)
      %dma_start3A_211 = arith.constant 20 : i32
      %dma_start3A_212 = arith.constant 1000 : i32
      %dma_start3A_213 = arith.constant 0 : i32
      %dma_start3A_214 = tpu.memref_slice %arg8[%dma_start3A_212, %dma_start3A_213] : memref<1600x16xf32, #tpu.memory_space<vmem>> -> memref<50x16xf32, #tpu.memory_space<vmem>>
      %dma_start3A_215 = arith.constant 0 : i32
      %dma_start3A_216 = tpu.memref_slice %arg7[%dma_start3A_211, %dma_start3A_215] : memref<32x50xi32, #tpu.memory_space<vmem>> -> memref<1x50xi32, #tpu.memory_space<vmem>>
      %dma_start3A_217 = tpu.memref_squeeze %dma_start3A_216 : memref<1x50xi32, #tpu.memory_space<vmem>> -> memref<50xi32, #tpu.memory_space<vmem>>
      %dma_start3A_218 = arith.constant 0 : i32
      %dma_start3A_219 = arith.constant 0 : i32
      %dma_start3A_220 = tpu.memref_slice %arg2[%dma_start3A_218, %dma_start3A_219] : memref<1000x16xf32, #tpu.memory_space<hbm>> -> memref<1000x16xf32, #tpu.memory_space<hbm>>
      tpu.enqueue_indirect_dma source(%dma_start3A_220 : memref<1000x16xf32, #tpu.memory_space<hbm>>) target(%dma_start3A_214 : memref<50x16xf32, #tpu.memory_space<vmem>>) offsets(%dma_start3A_217 : memref<50xi32, #tpu.memory_space<vmem>>) semaphore(%arg9 : memref<!tpu.dma_semaphore, #tpu.memory_space<semaphore_mem>>)
      %dma_start3A_221 = arith.constant 21 : i32
      %dma_start3A_222 = arith.constant 1050 : i32
      %dma_start3A_223 = arith.constant 0 : i32
      %dma_start3A_224 = tpu.memref_slice %arg8[%dma_start3A_222, %dma_start3A_223] : memref<1600x16xf32, #tpu.memory_space<vmem>> -> memref<50x16xf32, #tpu.memory_space<vmem>>
      %dma_start3A_225 = arith.constant 0 : i32
      %dma_start3A_226 = tpu.memref_slice %arg7[%dma_start3A_221, %dma_start3A_225] : memref<32x50xi32, #tpu.memory_space<vmem>> -> memref<1x50xi32, #tpu.memory_space<vmem>>
      %dma_start3A_227 = tpu.memref_squeeze %dma_start3A_226 : memref<1x50xi32, #tpu.memory_space<vmem>> -> memref<50xi32, #tpu.memory_space<vmem>>
      %dma_start3A_228 = arith.constant 0 : i32
      %dma_start3A_229 = arith.constant 0 : i32
      %dma_start3A_230 = tpu.memref_slice %arg2[%dma_start3A_228, %dma_start3A_229] : memref<1000x16xf32, #tpu.memory_space<hbm>> -> memref<1000x16xf32, #tpu.memory_space<hbm>>
      tpu.enqueue_indirect_dma source(%dma_start3A_230 : memref<1000x16xf32, #tpu.memory_space<hbm>>) target(%dma_start3A_224 : memref<50x16xf32, #tpu.memory_space<vmem>>) offsets(%dma_start3A_227 : memref<50xi32, #tpu.memory_space<vmem>>) semaphore(%arg9 : memref<!tpu.dma_semaphore, #tpu.memory_space<semaphore_mem>>)
      %dma_start3A_231 = arith.constant 22 : i32
      %dma_start3A_232 = arith.constant 1100 : i32
      %dma_start3A_233 = arith.constant 0 : i32
      %dma_start3A_234 = tpu.memref_slice %arg8[%dma_start3A_232, %dma_start3A_233] : memref<1600x16xf32, #tpu.memory_space<vmem>> -> memref<50x16xf32, #tpu.memory_space<vmem>>
      %dma_start3A_235 = arith.constant 0 : i32
      %dma_start3A_236 = tpu.memref_slice %arg7[%dma_start3A_231, %dma_start3A_235] : memref<32x50xi32, #tpu.memory_space<vmem>> -> memref<1x50xi32, #tpu.memory_space<vmem>>
      %dma_start3A_237 = tpu.memref_squeeze %dma_start3A_236 : memref<1x50xi32, #tpu.memory_space<vmem>> -> memref<50xi32, #tpu.memory_space<vmem>>
      %dma_start3A_238 = arith.constant 0 : i32
      %dma_start3A_239 = arith.constant 0 : i32
      %dma_start3A_240 = tpu.memref_slice %arg2[%dma_start3A_238, %dma_start3A_239] : memref<1000x16xf32, #tpu.memory_space<hbm>> -> memref<1000x16xf32, #tpu.memory_space<hbm>>
      tpu.enqueue_indirect_dma source(%dma_start3A_240 : memref<1000x16xf32, #tpu.memory_space<hbm>>) target(%dma_start3A_234 : memref<50x16xf32, #tpu.memory_space<vmem>>) offsets(%dma_start3A_237 : memref<50xi32, #tpu.memory_space<vmem>>) semaphore(%arg9 : memref<!tpu.dma_semaphore, #tpu.memory_space<semaphore_mem>>)
      %dma_start3A_241 = arith.constant 23 : i32
      %dma_start3A_242 = arith.constant 1150 : i32
      %dma_start3A_243 = arith.constant 0 : i32
      %dma_start3A_244 = tpu.memref_slice %arg8[%dma_start3A_242, %dma_start3A_243] : memref<1600x16xf32, #tpu.memory_space<vmem>> -> memref<50x16xf32, #tpu.memory_space<vmem>>
      %dma_start3A_245 = arith.constant 0 : i32
      %dma_start3A_246 = tpu.memref_slice %arg7[%dma_start3A_241, %dma_start3A_245] : memref<32x50xi32, #tpu.memory_space<vmem>> -> memref<1x50xi32, #tpu.memory_space<vmem>>
      %dma_start3A_247 = tpu.memref_squeeze %dma_start3A_246 : memref<1x50xi32, #tpu.memory_space<vmem>> -> memref<50xi32, #tpu.memory_space<vmem>>
      %dma_start3A_248 = arith.constant 0 : i32
      %dma_start3A_249 = arith.constant 0 : i32
      %dma_start3A_250 = tpu.memref_slice %arg2[%dma_start3A_248, %dma_start3A_249] : memref<1000x16xf32, #tpu.memory_space<hbm>> -> memref<1000x16xf32, #tpu.memory_space<hbm>>
      tpu.enqueue_indirect_dma source(%dma_start3A_250 : memref<1000x16xf32, #tpu.memory_space<hbm>>) target(%dma_start3A_244 : memref<50x16xf32, #tpu.memory_space<vmem>>) offsets(%dma_start3A_247 : memref<50xi32, #tpu.memory_space<vmem>>) semaphore(%arg9 : memref<!tpu.dma_semaphore, #tpu.memory_space<semaphore_mem>>)
      %dma_start3A_251 = arith.constant 24 : i32
      %dma_start3A_252 = arith.constant 1200 : i32
      %dma_start3A_253 = arith.constant 0 : i32
      %dma_start3A_254 = tpu.memref_slice %arg8[%dma_start3A_252, %dma_start3A_253] : memref<1600x16xf32, #tpu.memory_space<vmem>> -> memref<50x16xf32, #tpu.memory_space<vmem>>
      %dma_start3A_255 = arith.constant 0 : i32
      %dma_start3A_256 = tpu.memref_slice %arg7[%dma_start3A_251, %dma_start3A_255] : memref<32x50xi32, #tpu.memory_space<vmem>> -> memref<1x50xi32, #tpu.memory_space<vmem>>
      %dma_start3A_257 = tpu.memref_squeeze %dma_start3A_256 : memref<1x50xi32, #tpu.memory_space<vmem>> -> memref<50xi32, #tpu.memory_space<vmem>>
      %dma_start3A_258 = arith.constant 0 : i32
      %dma_start3A_259 = arith.constant 0 : i32
      %dma_start3A_260 = tpu.memref_slice %arg2[%dma_start3A_258, %dma_start3A_259] : memref<1000x16xf32, #tpu.memory_space<hbm>> -> memref<1000x16xf32, #tpu.memory_space<hbm>>
      tpu.enqueue_indirect_dma source(%dma_start3A_260 : memref<1000x16xf32, #tpu.memory_space<hbm>>) target(%dma_start3A_254 : memref<50x16xf32, #tpu.memory_space<vmem>>) offsets(%dma_start3A_257 : memref<50xi32, #tpu.memory_space<vmem>>) semaphore(%arg9 : memref<!tpu.dma_semaphore, #tpu.memory_space<semaphore_mem>>)
      %dma_start3A_261 = arith.constant 25 : i32
      %dma_start3A_262 = arith.constant 1250 : i32
      %dma_start3A_263 = arith.constant 0 : i32
      %dma_start3A_264 = tpu.memref_slice %arg8[%dma_start3A_262, %dma_start3A_263] : memref<1600x16xf32, #tpu.memory_space<vmem>> -> memref<50x16xf32, #tpu.memory_space<vmem>>
      %dma_start3A_265 = arith.constant 0 : i32
      %dma_start3A_266 = tpu.memref_slice %arg7[%dma_start3A_261, %dma_start3A_265] : memref<32x50xi32, #tpu.memory_space<vmem>> -> memref<1x50xi32, #tpu.memory_space<vmem>>
      %dma_start3A_267 = tpu.memref_squeeze %dma_start3A_266 : memref<1x50xi32, #tpu.memory_space<vmem>> -> memref<50xi32, #tpu.memory_space<vmem>>
      %dma_start3A_268 = arith.constant 0 : i32
      %dma_start3A_269 = arith.constant 0 : i32
      %dma_start3A_270 = tpu.memref_slice %arg2[%dma_start3A_268, %dma_start3A_269] : memref<1000x16xf32, #tpu.memory_space<hbm>> -> memref<1000x16xf32, #tpu.memory_space<hbm>>
      tpu.enqueue_indirect_dma source(%dma_start3A_270 : memref<1000x16xf32, #tpu.memory_space<hbm>>) target(%dma_start3A_264 : memref<50x16xf32, #tpu.memory_space<vmem>>) offsets(%dma_start3A_267 : memref<50xi32, #tpu.memory_space<vmem>>) semaphore(%arg9 : memref<!tpu.dma_semaphore, #tpu.memory_space<semaphore_mem>>)
      %dma_start3A_271 = arith.constant 26 : i32
      %dma_start3A_272 = arith.constant 1300 : i32
      %dma_start3A_273 = arith.constant 0 : i32
      %dma_start3A_274 = tpu.memref_slice %arg8[%dma_start3A_272, %dma_start3A_273] : memref<1600x16xf32, #tpu.memory_space<vmem>> -> memref<50x16xf32, #tpu.memory_space<vmem>>
      %dma_start3A_275 = arith.constant 0 : i32
      %dma_start3A_276 = tpu.memref_slice %arg7[%dma_start3A_271, %dma_start3A_275] : memref<32x50xi32, #tpu.memory_space<vmem>> -> memref<1x50xi32, #tpu.memory_space<vmem>>
      %dma_start3A_277 = tpu.memref_squeeze %dma_start3A_276 : memref<1x50xi32, #tpu.memory_space<vmem>> -> memref<50xi32, #tpu.memory_space<vmem>>
      %dma_start3A_278 = arith.constant 0 : i32
      %dma_start3A_279 = arith.constant 0 : i32
      %dma_start3A_280 = tpu.memref_slice %arg2[%dma_start3A_278, %dma_start3A_279] : memref<1000x16xf32, #tpu.memory_space<hbm>> -> memref<1000x16xf32, #tpu.memory_space<hbm>>
      tpu.enqueue_indirect_dma source(%dma_start3A_280 : memref<1000x16xf32, #tpu.memory_space<hbm>>) target(%dma_start3A_274 : memref<50x16xf32, #tpu.memory_space<vmem>>) offsets(%dma_start3A_277 : memref<50xi32, #tpu.memory_space<vmem>>) semaphore(%arg9 : memref<!tpu.dma_semaphore, #tpu.memory_space<semaphore_mem>>)
      %dma_start3A_281 = arith.constant 27 : i32
      %dma_start3A_282 = arith.constant 1350 : i32
      %dma_start3A_283 = arith.constant 0 : i32
      %dma_start3A_284 = tpu.memref_slice %arg8[%dma_start3A_282, %dma_start3A_283] : memref<1600x16xf32, #tpu.memory_space<vmem>> -> memref<50x16xf32, #tpu.memory_space<vmem>>
      %dma_start3A_285 = arith.constant 0 : i32
      %dma_start3A_286 = tpu.memref_slice %arg7[%dma_start3A_281, %dma_start3A_285] : memref<32x50xi32, #tpu.memory_space<vmem>> -> memref<1x50xi32, #tpu.memory_space<vmem>>
      %dma_start3A_287 = tpu.memref_squeeze %dma_start3A_286 : memref<1x50xi32, #tpu.memory_space<vmem>> -> memref<50xi32, #tpu.memory_space<vmem>>
      %dma_start3A_288 = arith.constant 0 : i32
      %dma_start3A_289 = arith.constant 0 : i32
      %dma_start3A_290 = tpu.memref_slice %arg2[%dma_start3A_288, %dma_start3A_289] : memref<1000x16xf32, #tpu.memory_space<hbm>> -> memref<1000x16xf32, #tpu.memory_space<hbm>>
      tpu.enqueue_indirect_dma source(%dma_start3A_290 : memref<1000x16xf32, #tpu.memory_space<hbm>>) target(%dma_start3A_284 : memref<50x16xf32, #tpu.memory_space<vmem>>) offsets(%dma_start3A_287 : memref<50xi32, #tpu.memory_space<vmem>>) semaphore(%arg9 : memref<!tpu.dma_semaphore, #tpu.memory_space<semaphore_mem>>)
      %dma_start3A_291 = arith.constant 28 : i32
      %dma_start3A_292 = arith.constant 1400 : i32
      %dma_start3A_293 = arith.constant 0 : i32
      %dma_start3A_294 = tpu.memref_slice %arg8[%dma_start3A_292, %dma_start3A_293] : memref<1600x16xf32, #tpu.memory_space<vmem>> -> memref<50x16xf32, #tpu.memory_space<vmem>>
      %dma_start3A_295 = arith.constant 0 : i32
      %dma_start3A_296 = tpu.memref_slice %arg7[%dma_start3A_291, %dma_start3A_295] : memref<32x50xi32, #tpu.memory_space<vmem>> -> memref<1x50xi32, #tpu.memory_space<vmem>>
      %dma_start3A_297 = tpu.memref_squeeze %dma_start3A_296 : memref<1x50xi32, #tpu.memory_space<vmem>> -> memref<50xi32, #tpu.memory_space<vmem>>
      %dma_start3A_298 = arith.constant 0 : i32
      %dma_start3A_299 = arith.constant 0 : i32
      %dma_start3A_300 = tpu.memref_slice %arg2[%dma_start3A_298, %dma_start3A_299] : memref<1000x16xf32, #tpu.memory_space<hbm>> -> memref<1000x16xf32, #tpu.memory_space<hbm>>
      tpu.enqueue_indirect_dma source(%dma_start3A_300 : memref<1000x16xf32, #tpu.memory_space<hbm>>) target(%dma_start3A_294 : memref<50x16xf32, #tpu.memory_space<vmem>>) offsets(%dma_start3A_297 : memref<50xi32, #tpu.memory_space<vmem>>) semaphore(%arg9 : memref<!tpu.dma_semaphore, #tpu.memory_space<semaphore_mem>>)
      %dma_start3A_301 = arith.constant 29 : i32
      %dma_start3A_302 = arith.constant 1450 : i32
      %dma_start3A_303 = arith.constant 0 : i32
      %dma_start3A_304 = tpu.memref_slice %arg8[%dma_start3A_302, %dma_start3A_303] : memref<1600x16xf32, #tpu.memory_space<vmem>> -> memref<50x16xf32, #tpu.memory_space<vmem>>
      %dma_start3A_305 = arith.constant 0 : i32
      %dma_start3A_306 = tpu.memref_slice %arg7[%dma_start3A_301, %dma_start3A_305] : memref<32x50xi32, #tpu.memory_space<vmem>> -> memref<1x50xi32, #tpu.memory_space<vmem>>
      %dma_start3A_307 = tpu.memref_squeeze %dma_start3A_306 : memref<1x50xi32, #tpu.memory_space<vmem>> -> memref<50xi32, #tpu.memory_space<vmem>>
      %dma_start3A_308 = arith.constant 0 : i32
      %dma_start3A_309 = arith.constant 0 : i32
      %dma_start3A_310 = tpu.memref_slice %arg2[%dma_start3A_308, %dma_start3A_309] : memref<1000x16xf32, #tpu.memory_space<hbm>> -> memref<1000x16xf32, #tpu.memory_space<hbm>>
      tpu.enqueue_indirect_dma source(%dma_start3A_310 : memref<1000x16xf32, #tpu.memory_space<hbm>>) target(%dma_start3A_304 : memref<50x16xf32, #tpu.memory_space<vmem>>) offsets(%dma_start3A_307 : memref<50xi32, #tpu.memory_space<vmem>>) semaphore(%arg9 : memref<!tpu.dma_semaphore, #tpu.memory_space<semaphore_mem>>)
      %dma_start3A_311 = arith.constant 30 : i32
      %dma_start3A_312 = arith.constant 1500 : i32
      %dma_start3A_313 = arith.constant 0 : i32
      %dma_start3A_314 = tpu.memref_slice %arg8[%dma_start3A_312, %dma_start3A_313] : memref<1600x16xf32, #tpu.memory_space<vmem>> -> memref<50x16xf32, #tpu.memory_space<vmem>>
      %dma_start3A_315 = arith.constant 0 : i32
      %dma_start3A_316 = tpu.memref_slice %arg7[%dma_start3A_311, %dma_start3A_315] : memref<32x50xi32, #tpu.memory_space<vmem>> -> memref<1x50xi32, #tpu.memory_space<vmem>>
      %dma_start3A_317 = tpu.memref_squeeze %dma_start3A_316 : memref<1x50xi32, #tpu.memory_space<vmem>> -> memref<50xi32, #tpu.memory_space<vmem>>
      %dma_start3A_318 = arith.constant 0 : i32
      %dma_start3A_319 = arith.constant 0 : i32
      %dma_start3A_320 = tpu.memref_slice %arg2[%dma_start3A_318, %dma_start3A_319] : memref<1000x16xf32, #tpu.memory_space<hbm>> -> memref<1000x16xf32, #tpu.memory_space<hbm>>
      tpu.enqueue_indirect_dma source(%dma_start3A_320 : memref<1000x16xf32, #tpu.memory_space<hbm>>) target(%dma_start3A_314 : memref<50x16xf32, #tpu.memory_space<vmem>>) offsets(%dma_start3A_317 : memref<50xi32, #tpu.memory_space<vmem>>) semaphore(%arg9 : memref<!tpu.dma_semaphore, #tpu.memory_space<semaphore_mem>>)
      %dma_start3A_321 = arith.constant 31 : i32
      %dma_start3A_322 = arith.constant 1550 : i32
      %dma_start3A_323 = arith.constant 0 : i32
      %dma_start3A_324 = tpu.memref_slice %arg8[%dma_start3A_322, %dma_start3A_323] : memref<1600x16xf32, #tpu.memory_space<vmem>> -> memref<50x16xf32, #tpu.memory_space<vmem>>
      %dma_start3A_325 = arith.constant 0 : i32
      %dma_start3A_326 = tpu.memref_slice %arg7[%dma_start3A_321, %dma_start3A_325] : memref<32x50xi32, #tpu.memory_space<vmem>> -> memref<1x50xi32, #tpu.memory_space<vmem>>
      %dma_start3A_327 = tpu.memref_squeeze %dma_start3A_326 : memref<1x50xi32, #tpu.memory_space<vmem>> -> memref<50xi32, #tpu.memory_space<vmem>>
      %dma_start3A_328 = arith.constant 0 : i32
      %dma_start3A_329 = arith.constant 0 : i32
      %dma_start3A_330 = tpu.memref_slice %arg2[%dma_start3A_328, %dma_start3A_329] : memref<1000x16xf32, #tpu.memory_space<hbm>> -> memref<1000x16xf32, #tpu.memory_space<hbm>>
      tpu.enqueue_indirect_dma source(%dma_start3A_330 : memref<1000x16xf32, #tpu.memory_space<hbm>>) target(%dma_start3A_324 : memref<50x16xf32, #tpu.memory_space<vmem>>) offsets(%dma_start3A_327 : memref<50xi32, #tpu.memory_space<vmem>>) semaphore(%arg9 : memref<!tpu.dma_semaphore, #tpu.memory_space<semaphore_mem>>)
      %dma_wait3A = arith.constant 0 : i32
      %dma_wait3A_331 = arith.constant 0 : i32
      %dma_wait3A_332 = arith.constant 0 : i32
      %dma_wait3A_333 = tpu.memref_slice %arg8[%dma_wait3A_331, %dma_wait3A_332] : memref<1600x16xf32, #tpu.memory_space<vmem>> -> memref<50x16xf32, #tpu.memory_space<vmem>>
      %dma_wait3A_334 = arith.constant 0 : i32
      %dma_wait3A_335 = tpu.memref_slice %arg7[%dma_wait3A, %dma_wait3A_334] : memref<32x50xi32, #tpu.memory_space<vmem>> -> memref<1x50xi32, #tpu.memory_space<vmem>>
      %dma_wait3A_336 = tpu.memref_squeeze %dma_wait3A_335 : memref<1x50xi32, #tpu.memory_space<vmem>> -> memref<50xi32, #tpu.memory_space<vmem>>
      %dma_wait3A_337 = arith.constant 0 : i32
      %dma_wait3A_338 = arith.constant 0 : i32
      %dma_wait3A_339 = tpu.memref_slice %arg2[%dma_wait3A_337, %dma_wait3A_338] : memref<1000x16xf32, #tpu.memory_space<hbm>> -> memref<1000x16xf32, #tpu.memory_space<hbm>>
      tpu.wait_indirect_dma semaphore(%arg9 : memref<!tpu.dma_semaphore, #tpu.memory_space<semaphore_mem>>) src(%dma_wait3A_339 : memref<1000x16xf32, #tpu.memory_space<hbm>>) dst(%dma_wait3A_333 : memref<50x16xf32, #tpu.memory_space<vmem>>)
      %dma_wait3A_340 = arith.constant 1 : i32
      %dma_wait3A_341 = arith.constant 50 : i32
      %dma_wait3A_342 = arith.constant 0 : i32
      %dma_wait3A_343 = tpu.memref_slice %arg8[%dma_wait3A_341, %dma_wait3A_342] : memref<1600x16xf32, #tpu.memory_space<vmem>> -> memref<50x16xf32, #tpu.memory_space<vmem>>
      %dma_wait3A_344 = arith.constant 0 : i32
      %dma_wait3A_345 = tpu.memref_slice %arg7[%dma_wait3A_340, %dma_wait3A_344] : memref<32x50xi32, #tpu.memory_space<vmem>> -> memref<1x50xi32, #tpu.memory_space<vmem>>
      %dma_wait3A_346 = tpu.memref_squeeze %dma_wait3A_345 : memref<1x50xi32, #tpu.memory_space<vmem>> -> memref<50xi32, #tpu.memory_space<vmem>>
      %dma_wait3A_347 = arith.constant 0 : i32
      %dma_wait3A_348 = arith.constant 0 : i32
      %dma_wait3A_349 = tpu.memref_slice %arg2[%dma_wait3A_347, %dma_wait3A_348] : memref<1000x16xf32, #tpu.memory_space<hbm>> -> memref<1000x16xf32, #tpu.memory_space<hbm>>
      tpu.wait_indirect_dma semaphore(%arg9 : memref<!tpu.dma_semaphore, #tpu.memory_space<semaphore_mem>>) src(%dma_wait3A_349 : memref<1000x16xf32, #tpu.memory_space<hbm>>) dst(%dma_wait3A_343 : memref<50x16xf32, #tpu.memory_space<vmem>>)
      %dma_wait3A_350 = arith.constant 2 : i32
      %dma_wait3A_351 = arith.constant 100 : i32
      %dma_wait3A_352 = arith.constant 0 : i32
      %dma_wait3A_353 = tpu.memref_slice %arg8[%dma_wait3A_351, %dma_wait3A_352] : memref<1600x16xf32, #tpu.memory_space<vmem>> -> memref<50x16xf32, #tpu.memory_space<vmem>>
      %dma_wait3A_354 = arith.constant 0 : i32
      %dma_wait3A_355 = tpu.memref_slice %arg7[%dma_wait3A_350, %dma_wait3A_354] : memref<32x50xi32, #tpu.memory_space<vmem>> -> memref<1x50xi32, #tpu.memory_space<vmem>>
      %dma_wait3A_356 = tpu.memref_squeeze %dma_wait3A_355 : memref<1x50xi32, #tpu.memory_space<vmem>> -> memref<50xi32, #tpu.memory_space<vmem>>
      %dma_wait3A_357 = arith.constant 0 : i32
      %dma_wait3A_358 = arith.constant 0 : i32
      %dma_wait3A_359 = tpu.memref_slice %arg2[%dma_wait3A_357, %dma_wait3A_358] : memref<1000x16xf32, #tpu.memory_space<hbm>> -> memref<1000x16xf32, #tpu.memory_space<hbm>>
      tpu.wait_indirect_dma semaphore(%arg9 : memref<!tpu.dma_semaphore, #tpu.memory_space<semaphore_mem>>) src(%dma_wait3A_359 : memref<1000x16xf32, #tpu.memory_space<hbm>>) dst(%dma_wait3A_353 : memref<50x16xf32, #tpu.memory_space<vmem>>)
      %dma_wait3A_360 = arith.constant 3 : i32
      %dma_wait3A_361 = arith.constant 150 : i32
      %dma_wait3A_362 = arith.constant 0 : i32
      %dma_wait3A_363 = tpu.memref_slice %arg8[%dma_wait3A_361, %dma_wait3A_362] : memref<1600x16xf32, #tpu.memory_space<vmem>> -> memref<50x16xf32, #tpu.memory_space<vmem>>
      %dma_wait3A_364 = arith.constant 0 : i32
      %dma_wait3A_365 = tpu.memref_slice %arg7[%dma_wait3A_360, %dma_wait3A_364] : memref<32x50xi32, #tpu.memory_space<vmem>> -> memref<1x50xi32, #tpu.memory_space<vmem>>
      %dma_wait3A_366 = tpu.memref_squeeze %dma_wait3A_365 : memref<1x50xi32, #tpu.memory_space<vmem>> -> memref<50xi32, #tpu.memory_space<vmem>>
      %dma_wait3A_367 = arith.constant 0 : i32
      %dma_wait3A_368 = arith.constant 0 : i32
      %dma_wait3A_369 = tpu.memref_slice %arg2[%dma_wait3A_367, %dma_wait3A_368] : memref<1000x16xf32, #tpu.memory_space<hbm>> -> memref<1000x16xf32, #tpu.memory_space<hbm>>
      tpu.wait_indirect_dma semaphore(%arg9 : memref<!tpu.dma_semaphore, #tpu.memory_space<semaphore_mem>>) src(%dma_wait3A_369 : memref<1000x16xf32, #tpu.memory_space<hbm>>) dst(%dma_wait3A_363 : memref<50x16xf32, #tpu.memory_space<vmem>>)
      %dma_wait3A_370 = arith.constant 4 : i32
      %dma_wait3A_371 = arith.constant 200 : i32
      %dma_wait3A_372 = arith.constant 0 : i32
      %dma_wait3A_373 = tpu.memref_slice %arg8[%dma_wait3A_371, %dma_wait3A_372] : memref<1600x16xf32, #tpu.memory_space<vmem>> -> memref<50x16xf32, #tpu.memory_space<vmem>>
      %dma_wait3A_374 = arith.constant 0 : i32
      %dma_wait3A_375 = tpu.memref_slice %arg7[%dma_wait3A_370, %dma_wait3A_374] : memref<32x50xi32, #tpu.memory_space<vmem>> -> memref<1x50xi32, #tpu.memory_space<vmem>>
      %dma_wait3A_376 = tpu.memref_squeeze %dma_wait3A_375 : memref<1x50xi32, #tpu.memory_space<vmem>> -> memref<50xi32, #tpu.memory_space<vmem>>
      %dma_wait3A_377 = arith.constant 0 : i32
      %dma_wait3A_378 = arith.constant 0 : i32
      %dma_wait3A_379 = tpu.memref_slice %arg2[%dma_wait3A_377, %dma_wait3A_378] : memref<1000x16xf32, #tpu.memory_space<hbm>> -> memref<1000x16xf32, #tpu.memory_space<hbm>>
      tpu.wait_indirect_dma semaphore(%arg9 : memref<!tpu.dma_semaphore, #tpu.memory_space<semaphore_mem>>) src(%dma_wait3A_379 : memref<1000x16xf32, #tpu.memory_space<hbm>>) dst(%dma_wait3A_373 : memref<50x16xf32, #tpu.memory_space<vmem>>)
      %dma_wait3A_380 = arith.constant 5 : i32
      %dma_wait3A_381 = arith.constant 250 : i32
      %dma_wait3A_382 = arith.constant 0 : i32
      %dma_wait3A_383 = tpu.memref_slice %arg8[%dma_wait3A_381, %dma_wait3A_382] : memref<1600x16xf32, #tpu.memory_space<vmem>> -> memref<50x16xf32, #tpu.memory_space<vmem>>
      %dma_wait3A_384 = arith.constant 0 : i32
      %dma_wait3A_385 = tpu.memref_slice %arg7[%dma_wait3A_380, %dma_wait3A_384] : memref<32x50xi32, #tpu.memory_space<vmem>> -> memref<1x50xi32, #tpu.memory_space<vmem>>
      %dma_wait3A_386 = tpu.memref_squeeze %dma_wait3A_385 : memref<1x50xi32, #tpu.memory_space<vmem>> -> memref<50xi32, #tpu.memory_space<vmem>>
      %dma_wait3A_387 = arith.constant 0 : i32
      %dma_wait3A_388 = arith.constant 0 : i32
      %dma_wait3A_389 = tpu.memref_slice %arg2[%dma_wait3A_387, %dma_wait3A_388] : memref<1000x16xf32, #tpu.memory_space<hbm>> -> memref<1000x16xf32, #tpu.memory_space<hbm>>
      tpu.wait_indirect_dma semaphore(%arg9 : memref<!tpu.dma_semaphore, #tpu.memory_space<semaphore_mem>>) src(%dma_wait3A_389 : memref<1000x16xf32, #tpu.memory_space<hbm>>) dst(%dma_wait3A_383 : memref<50x16xf32, #tpu.memory_space<vmem>>)
      %dma_wait3A_390 = arith.constant 6 : i32
      %dma_wait3A_391 = arith.constant 300 : i32
      %dma_wait3A_392 = arith.constant 0 : i32
      %dma_wait3A_393 = tpu.memref_slice %arg8[%dma_wait3A_391, %dma_wait3A_392] : memref<1600x16xf32, #tpu.memory_space<vmem>> -> memref<50x16xf32, #tpu.memory_space<vmem>>
      %dma_wait3A_394 = arith.constant 0 : i32
      %dma_wait3A_395 = tpu.memref_slice %arg7[%dma_wait3A_390, %dma_wait3A_394] : memref<32x50xi32, #tpu.memory_space<vmem>> -> memref<1x50xi32, #tpu.memory_space<vmem>>
      %dma_wait3A_396 = tpu.memref_squeeze %dma_wait3A_395 : memref<1x50xi32, #tpu.memory_space<vmem>> -> memref<50xi32, #tpu.memory_space<vmem>>
      %dma_wait3A_397 = arith.constant 0 : i32
      %dma_wait3A_398 = arith.constant 0 : i32
      %dma_wait3A_399 = tpu.memref_slice %arg2[%dma_wait3A_397, %dma_wait3A_398] : memref<1000x16xf32, #tpu.memory_space<hbm>> -> memref<1000x16xf32, #tpu.memory_space<hbm>>
      tpu.wait_indirect_dma semaphore(%arg9 : memref<!tpu.dma_semaphore, #tpu.memory_space<semaphore_mem>>) src(%dma_wait3A_399 : memref<1000x16xf32, #tpu.memory_space<hbm>>) dst(%dma_wait3A_393 : memref<50x16xf32, #tpu.memory_space<vmem>>)
      %dma_wait3A_400 = arith.constant 7 : i32
      %dma_wait3A_401 = arith.constant 350 : i32
      %dma_wait3A_402 = arith.constant 0 : i32
      %dma_wait3A_403 = tpu.memref_slice %arg8[%dma_wait3A_401, %dma_wait3A_402] : memref<1600x16xf32, #tpu.memory_space<vmem>> -> memref<50x16xf32, #tpu.memory_space<vmem>>
      %dma_wait3A_404 = arith.constant 0 : i32
      %dma_wait3A_405 = tpu.memref_slice %arg7[%dma_wait3A_400, %dma_wait3A_404] : memref<32x50xi32, #tpu.memory_space<vmem>> -> memref<1x50xi32, #tpu.memory_space<vmem>>
      %dma_wait3A_406 = tpu.memref_squeeze %dma_wait3A_405 : memref<1x50xi32, #tpu.memory_space<vmem>> -> memref<50xi32, #tpu.memory_space<vmem>>
      %dma_wait3A_407 = arith.constant 0 : i32
      %dma_wait3A_408 = arith.constant 0 : i32
      %dma_wait3A_409 = tpu.memref_slice %arg2[%dma_wait3A_407, %dma_wait3A_408] : memref<1000x16xf32, #tpu.memory_space<hbm>> -> memref<1000x16xf32, #tpu.memory_space<hbm>>
      tpu.wait_indirect_dma semaphore(%arg9 : memref<!tpu.dma_semaphore, #tpu.memory_space<semaphore_mem>>) src(%dma_wait3A_409 : memref<1000x16xf32, #tpu.memory_space<hbm>>) dst(%dma_wait3A_403 : memref<50x16xf32, #tpu.memory_space<vmem>>)
      %dma_wait3A_410 = arith.constant 8 : i32
      %dma_wait3A_411 = arith.constant 400 : i32
      %dma_wait3A_412 = arith.constant 0 : i32
      %dma_wait3A_413 = tpu.memref_slice %arg8[%dma_wait3A_411, %dma_wait3A_412] : memref<1600x16xf32, #tpu.memory_space<vmem>> -> memref<50x16xf32, #tpu.memory_space<vmem>>
      %dma_wait3A_414 = arith.constant 0 : i32
      %dma_wait3A_415 = tpu.memref_slice %arg7[%dma_wait3A_410, %dma_wait3A_414] : memref<32x50xi32, #tpu.memory_space<vmem>> -> memref<1x50xi32, #tpu.memory_space<vmem>>
      %dma_wait3A_416 = tpu.memref_squeeze %dma_wait3A_415 : memref<1x50xi32, #tpu.memory_space<vmem>> -> memref<50xi32, #tpu.memory_space<vmem>>
      %dma_wait3A_417 = arith.constant 0 : i32
      %dma_wait3A_418 = arith.constant 0 : i32
      %dma_wait3A_419 = tpu.memref_slice %arg2[%dma_wait3A_417, %dma_wait3A_418] : memref<1000x16xf32, #tpu.memory_space<hbm>> -> memref<1000x16xf32, #tpu.memory_space<hbm>>
      tpu.wait_indirect_dma semaphore(%arg9 : memref<!tpu.dma_semaphore, #tpu.memory_space<semaphore_mem>>) src(%dma_wait3A_419 : memref<1000x16xf32, #tpu.memory_space<hbm>>) dst(%dma_wait3A_413 : memref<50x16xf32, #tpu.memory_space<vmem>>)
      %dma_wait3A_420 = arith.constant 9 : i32
      %dma_wait3A_421 = arith.constant 450 : i32
      %dma_wait3A_422 = arith.constant 0 : i32
      %dma_wait3A_423 = tpu.memref_slice %arg8[%dma_wait3A_421, %dma_wait3A_422] : memref<1600x16xf32, #tpu.memory_space<vmem>> -> memref<50x16xf32, #tpu.memory_space<vmem>>
      %dma_wait3A_424 = arith.constant 0 : i32
      %dma_wait3A_425 = tpu.memref_slice %arg7[%dma_wait3A_420, %dma_wait3A_424] : memref<32x50xi32, #tpu.memory_space<vmem>> -> memref<1x50xi32, #tpu.memory_space<vmem>>
      %dma_wait3A_426 = tpu.memref_squeeze %dma_wait3A_425 : memref<1x50xi32, #tpu.memory_space<vmem>> -> memref<50xi32, #tpu.memory_space<vmem>>
      %dma_wait3A_427 = arith.constant 0 : i32
      %dma_wait3A_428 = arith.constant 0 : i32
      %dma_wait3A_429 = tpu.memref_slice %arg2[%dma_wait3A_427, %dma_wait3A_428] : memref<1000x16xf32, #tpu.memory_space<hbm>> -> memref<1000x16xf32, #tpu.memory_space<hbm>>
      tpu.wait_indirect_dma semaphore(%arg9 : memref<!tpu.dma_semaphore, #tpu.memory_space<semaphore_mem>>) src(%dma_wait3A_429 : memref<1000x16xf32, #tpu.memory_space<hbm>>) dst(%dma_wait3A_423 : memref<50x16xf32, #tpu.memory_space<vmem>>)
      %dma_wait3A_430 = arith.constant 10 : i32
      %dma_wait3A_431 = arith.constant 500 : i32
      %dma_wait3A_432 = arith.constant 0 : i32
      %dma_wait3A_433 = tpu.memref_slice %arg8[%dma_wait3A_431, %dma_wait3A_432] : memref<1600x16xf32, #tpu.memory_space<vmem>> -> memref<50x16xf32, #tpu.memory_space<vmem>>
      %dma_wait3A_434 = arith.constant 0 : i32
      %dma_wait3A_435 = tpu.memref_slice %arg7[%dma_wait3A_430, %dma_wait3A_434] : memref<32x50xi32, #tpu.memory_space<vmem>> -> memref<1x50xi32, #tpu.memory_space<vmem>>
      %dma_wait3A_436 = tpu.memref_squeeze %dma_wait3A_435 : memref<1x50xi32, #tpu.memory_space<vmem>> -> memref<50xi32, #tpu.memory_space<vmem>>
      %dma_wait3A_437 = arith.constant 0 : i32
      %dma_wait3A_438 = arith.constant 0 : i32
      %dma_wait3A_439 = tpu.memref_slice %arg2[%dma_wait3A_437, %dma_wait3A_438] : memref<1000x16xf32, #tpu.memory_space<hbm>> -> memref<1000x16xf32, #tpu.memory_space<hbm>>
      tpu.wait_indirect_dma semaphore(%arg9 : memref<!tpu.dma_semaphore, #tpu.memory_space<semaphore_mem>>) src(%dma_wait3A_439 : memref<1000x16xf32, #tpu.memory_space<hbm>>) dst(%dma_wait3A_433 : memref<50x16xf32, #tpu.memory_space<vmem>>)
      %dma_wait3A_440 = arith.constant 11 : i32
      %dma_wait3A_441 = arith.constant 550 : i32
      %dma_wait3A_442 = arith.constant 0 : i32
      %dma_wait3A_443 = tpu.memref_slice %arg8[%dma_wait3A_441, %dma_wait3A_442] : memref<1600x16xf32, #tpu.memory_space<vmem>> -> memref<50x16xf32, #tpu.memory_space<vmem>>
      %dma_wait3A_444 = arith.constant 0 : i32
      %dma_wait3A_445 = tpu.memref_slice %arg7[%dma_wait3A_440, %dma_wait3A_444] : memref<32x50xi32, #tpu.memory_space<vmem>> -> memref<1x50xi32, #tpu.memory_space<vmem>>
      %dma_wait3A_446 = tpu.memref_squeeze %dma_wait3A_445 : memref<1x50xi32, #tpu.memory_space<vmem>> -> memref<50xi32, #tpu.memory_space<vmem>>
      %dma_wait3A_447 = arith.constant 0 : i32
      %dma_wait3A_448 = arith.constant 0 : i32
      %dma_wait3A_449 = tpu.memref_slice %arg2[%dma_wait3A_447, %dma_wait3A_448] : memref<1000x16xf32, #tpu.memory_space<hbm>> -> memref<1000x16xf32, #tpu.memory_space<hbm>>
      tpu.wait_indirect_dma semaphore(%arg9 : memref<!tpu.dma_semaphore, #tpu.memory_space<semaphore_mem>>) src(%dma_wait3A_449 : memref<1000x16xf32, #tpu.memory_space<hbm>>) dst(%dma_wait3A_443 : memref<50x16xf32, #tpu.memory_space<vmem>>)
      %dma_wait3A_450 = arith.constant 12 : i32
      %dma_wait3A_451 = arith.constant 600 : i32
      %dma_wait3A_452 = arith.constant 0 : i32
      %dma_wait3A_453 = tpu.memref_slice %arg8[%dma_wait3A_451, %dma_wait3A_452] : memref<1600x16xf32, #tpu.memory_space<vmem>> -> memref<50x16xf32, #tpu.memory_space<vmem>>
      %dma_wait3A_454 = arith.constant 0 : i32
      %dma_wait3A_455 = tpu.memref_slice %arg7[%dma_wait3A_450, %dma_wait3A_454] : memref<32x50xi32, #tpu.memory_space<vmem>> -> memref<1x50xi32, #tpu.memory_space<vmem>>
      %dma_wait3A_456 = tpu.memref_squeeze %dma_wait3A_455 : memref<1x50xi32, #tpu.memory_space<vmem>> -> memref<50xi32, #tpu.memory_space<vmem>>
      %dma_wait3A_457 = arith.constant 0 : i32
      %dma_wait3A_458 = arith.constant 0 : i32
      %dma_wait3A_459 = tpu.memref_slice %arg2[%dma_wait3A_457, %dma_wait3A_458] : memref<1000x16xf32, #tpu.memory_space<hbm>> -> memref<1000x16xf32, #tpu.memory_space<hbm>>
      tpu.wait_indirect_dma semaphore(%arg9 : memref<!tpu.dma_semaphore, #tpu.memory_space<semaphore_mem>>) src(%dma_wait3A_459 : memref<1000x16xf32, #tpu.memory_space<hbm>>) dst(%dma_wait3A_453 : memref<50x16xf32, #tpu.memory_space<vmem>>)
      %dma_wait3A_460 = arith.constant 13 : i32
      %dma_wait3A_461 = arith.constant 650 : i32
      %dma_wait3A_462 = arith.constant 0 : i32
      %dma_wait3A_463 = tpu.memref_slice %arg8[%dma_wait3A_461, %dma_wait3A_462] : memref<1600x16xf32, #tpu.memory_space<vmem>> -> memref<50x16xf32, #tpu.memory_space<vmem>>
      %dma_wait3A_464 = arith.constant 0 : i32
      %dma_wait3A_465 = tpu.memref_slice %arg7[%dma_wait3A_460, %dma_wait3A_464] : memref<32x50xi32, #tpu.memory_space<vmem>> -> memref<1x50xi32, #tpu.memory_space<vmem>>
      %dma_wait3A_466 = tpu.memref_squeeze %dma_wait3A_465 : memref<1x50xi32, #tpu.memory_space<vmem>> -> memref<50xi32, #tpu.memory_space<vmem>>
      %dma_wait3A_467 = arith.constant 0 : i32
      %dma_wait3A_468 = arith.constant 0 : i32
      %dma_wait3A_469 = tpu.memref_slice %arg2[%dma_wait3A_467, %dma_wait3A_468] : memref<1000x16xf32, #tpu.memory_space<hbm>> -> memref<1000x16xf32, #tpu.memory_space<hbm>>
      tpu.wait_indirect_dma semaphore(%arg9 : memref<!tpu.dma_semaphore, #tpu.memory_space<semaphore_mem>>) src(%dma_wait3A_469 : memref<1000x16xf32, #tpu.memory_space<hbm>>) dst(%dma_wait3A_463 : memref<50x16xf32, #tpu.memory_space<vmem>>)
      %dma_wait3A_470 = arith.constant 14 : i32
      %dma_wait3A_471 = arith.constant 700 : i32
      %dma_wait3A_472 = arith.constant 0 : i32
      %dma_wait3A_473 = tpu.memref_slice %arg8[%dma_wait3A_471, %dma_wait3A_472] : memref<1600x16xf32, #tpu.memory_space<vmem>> -> memref<50x16xf32, #tpu.memory_space<vmem>>
      %dma_wait3A_474 = arith.constant 0 : i32
      %dma_wait3A_475 = tpu.memref_slice %arg7[%dma_wait3A_470, %dma_wait3A_474] : memref<32x50xi32, #tpu.memory_space<vmem>> -> memref<1x50xi32, #tpu.memory_space<vmem>>
      %dma_wait3A_476 = tpu.memref_squeeze %dma_wait3A_475 : memref<1x50xi32, #tpu.memory_space<vmem>> -> memref<50xi32, #tpu.memory_space<vmem>>
      %dma_wait3A_477 = arith.constant 0 : i32
      %dma_wait3A_478 = arith.constant 0 : i32
      %dma_wait3A_479 = tpu.memref_slice %arg2[%dma_wait3A_477, %dma_wait3A_478] : memref<1000x16xf32, #tpu.memory_space<hbm>> -> memref<1000x16xf32, #tpu.memory_space<hbm>>
      tpu.wait_indirect_dma semaphore(%arg9 : memref<!tpu.dma_semaphore, #tpu.memory_space<semaphore_mem>>) src(%dma_wait3A_479 : memref<1000x16xf32, #tpu.memory_space<hbm>>) dst(%dma_wait3A_473 : memref<50x16xf32, #tpu.memory_space<vmem>>)
      %dma_wait3A_480 = arith.constant 15 : i32
      %dma_wait3A_481 = arith.constant 750 : i32
      %dma_wait3A_482 = arith.constant 0 : i32
      %dma_wait3A_483 = tpu.memref_slice %arg8[%dma_wait3A_481, %dma_wait3A_482] : memref<1600x16xf32, #tpu.memory_space<vmem>> -> memref<50x16xf32, #tpu.memory_space<vmem>>
      %dma_wait3A_484 = arith.constant 0 : i32
      %dma_wait3A_485 = tpu.memref_slice %arg7[%dma_wait3A_480, %dma_wait3A_484] : memref<32x50xi32, #tpu.memory_space<vmem>> -> memref<1x50xi32, #tpu.memory_space<vmem>>
      %dma_wait3A_486 = tpu.memref_squeeze %dma_wait3A_485 : memref<1x50xi32, #tpu.memory_space<vmem>> -> memref<50xi32, #tpu.memory_space<vmem>>
      %dma_wait3A_487 = arith.constant 0 : i32
      %dma_wait3A_488 = arith.constant 0 : i32
      %dma_wait3A_489 = tpu.memref_slice %arg2[%dma_wait3A_487, %dma_wait3A_488] : memref<1000x16xf32, #tpu.memory_space<hbm>> -> memref<1000x16xf32, #tpu.memory_space<hbm>>
      tpu.wait_indirect_dma semaphore(%arg9 : memref<!tpu.dma_semaphore, #tpu.memory_space<semaphore_mem>>) src(%dma_wait3A_489 : memref<1000x16xf32, #tpu.memory_space<hbm>>) dst(%dma_wait3A_483 : memref<50x16xf32, #tpu.memory_space<vmem>>)
      %dma_wait3A_490 = arith.constant 16 : i32
      %dma_wait3A_491 = arith.constant 800 : i32
      %dma_wait3A_492 = arith.constant 0 : i32
      %dma_wait3A_493 = tpu.memref_slice %arg8[%dma_wait3A_491, %dma_wait3A_492] : memref<1600x16xf32, #tpu.memory_space<vmem>> -> memref<50x16xf32, #tpu.memory_space<vmem>>
      %dma_wait3A_494 = arith.constant 0 : i32
      %dma_wait3A_495 = tpu.memref_slice %arg7[%dma_wait3A_490, %dma_wait3A_494] : memref<32x50xi32, #tpu.memory_space<vmem>> -> memref<1x50xi32, #tpu.memory_space<vmem>>
      %dma_wait3A_496 = tpu.memref_squeeze %dma_wait3A_495 : memref<1x50xi32, #tpu.memory_space<vmem>> -> memref<50xi32, #tpu.memory_space<vmem>>
      %dma_wait3A_497 = arith.constant 0 : i32
      %dma_wait3A_498 = arith.constant 0 : i32
      %dma_wait3A_499 = tpu.memref_slice %arg2[%dma_wait3A_497, %dma_wait3A_498] : memref<1000x16xf32, #tpu.memory_space<hbm>> -> memref<1000x16xf32, #tpu.memory_space<hbm>>
      tpu.wait_indirect_dma semaphore(%arg9 : memref<!tpu.dma_semaphore, #tpu.memory_space<semaphore_mem>>) src(%dma_wait3A_499 : memref<1000x16xf32, #tpu.memory_space<hbm>>) dst(%dma_wait3A_493 : memref<50x16xf32, #tpu.memory_space<vmem>>)
      %dma_wait3A_500 = arith.constant 17 : i32
      %dma_wait3A_501 = arith.constant 850 : i32
      %dma_wait3A_502 = arith.constant 0 : i32
      %dma_wait3A_503 = tpu.memref_slice %arg8[%dma_wait3A_501, %dma_wait3A_502] : memref<1600x16xf32, #tpu.memory_space<vmem>> -> memref<50x16xf32, #tpu.memory_space<vmem>>
      %dma_wait3A_504 = arith.constant 0 : i32
      %dma_wait3A_505 = tpu.memref_slice %arg7[%dma_wait3A_500, %dma_wait3A_504] : memref<32x50xi32, #tpu.memory_space<vmem>> -> memref<1x50xi32, #tpu.memory_space<vmem>>
      %dma_wait3A_506 = tpu.memref_squeeze %dma_wait3A_505 : memref<1x50xi32, #tpu.memory_space<vmem>> -> memref<50xi32, #tpu.memory_space<vmem>>
      %dma_wait3A_507 = arith.constant 0 : i32
      %dma_wait3A_508 = arith.constant 0 : i32
      %dma_wait3A_509 = tpu.memref_slice %arg2[%dma_wait3A_507, %dma_wait3A_508] : memref<1000x16xf32, #tpu.memory_space<hbm>> -> memref<1000x16xf32, #tpu.memory_space<hbm>>
      tpu.wait_indirect_dma semaphore(%arg9 : memref<!tpu.dma_semaphore, #tpu.memory_space<semaphore_mem>>) src(%dma_wait3A_509 : memref<1000x16xf32, #tpu.memory_space<hbm>>) dst(%dma_wait3A_503 : memref<50x16xf32, #tpu.memory_space<vmem>>)
      %dma_wait3A_510 = arith.constant 18 : i32
      %dma_wait3A_511 = arith.constant 900 : i32
      %dma_wait3A_512 = arith.constant 0 : i32
      %dma_wait3A_513 = tpu.memref_slice %arg8[%dma_wait3A_511, %dma_wait3A_512] : memref<1600x16xf32, #tpu.memory_space<vmem>> -> memref<50x16xf32, #tpu.memory_space<vmem>>
      %dma_wait3A_514 = arith.constant 0 : i32
      %dma_wait3A_515 = tpu.memref_slice %arg7[%dma_wait3A_510, %dma_wait3A_514] : memref<32x50xi32, #tpu.memory_space<vmem>> -> memref<1x50xi32, #tpu.memory_space<vmem>>
      %dma_wait3A_516 = tpu.memref_squeeze %dma_wait3A_515 : memref<1x50xi32, #tpu.memory_space<vmem>> -> memref<50xi32, #tpu.memory_space<vmem>>
      %dma_wait3A_517 = arith.constant 0 : i32
      %dma_wait3A_518 = arith.constant 0 : i32
      %dma_wait3A_519 = tpu.memref_slice %arg2[%dma_wait3A_517, %dma_wait3A_518] : memref<1000x16xf32, #tpu.memory_space<hbm>> -> memref<1000x16xf32, #tpu.memory_space<hbm>>
      tpu.wait_indirect_dma semaphore(%arg9 : memref<!tpu.dma_semaphore, #tpu.memory_space<semaphore_mem>>) src(%dma_wait3A_519 : memref<1000x16xf32, #tpu.memory_space<hbm>>) dst(%dma_wait3A_513 : memref<50x16xf32, #tpu.memory_space<vmem>>)
      %dma_wait3A_520 = arith.constant 19 : i32
      %dma_wait3A_521 = arith.constant 950 : i32
      %dma_wait3A_522 = arith.constant 0 : i32
      %dma_wait3A_523 = tpu.memref_slice %arg8[%dma_wait3A_521, %dma_wait3A_522] : memref<1600x16xf32, #tpu.memory_space<vmem>> -> memref<50x16xf32, #tpu.memory_space<vmem>>
      %dma_wait3A_524 = arith.constant 0 : i32
      %dma_wait3A_525 = tpu.memref_slice %arg7[%dma_wait3A_520, %dma_wait3A_524] : memref<32x50xi32, #tpu.memory_space<vmem>> -> memref<1x50xi32, #tpu.memory_space<vmem>>
      %dma_wait3A_526 = tpu.memref_squeeze %dma_wait3A_525 : memref<1x50xi32, #tpu.memory_space<vmem>> -> memref<50xi32, #tpu.memory_space<vmem>>
      %dma_wait3A_527 = arith.constant 0 : i32
      %dma_wait3A_528 = arith.constant 0 : i32
      %dma_wait3A_529 = tpu.memref_slice %arg2[%dma_wait3A_527, %dma_wait3A_528] : memref<1000x16xf32, #tpu.memory_space<hbm>> -> memref<1000x16xf32, #tpu.memory_space<hbm>>
      tpu.wait_indirect_dma semaphore(%arg9 : memref<!tpu.dma_semaphore, #tpu.memory_space<semaphore_mem>>) src(%dma_wait3A_529 : memref<1000x16xf32, #tpu.memory_space<hbm>>) dst(%dma_wait3A_523 : memref<50x16xf32, #tpu.memory_space<vmem>>)
      %dma_wait3A_530 = arith.constant 20 : i32
      %dma_wait3A_531 = arith.constant 1000 : i32
      %dma_wait3A_532 = arith.constant 0 : i32
      %dma_wait3A_533 = tpu.memref_slice %arg8[%dma_wait3A_531, %dma_wait3A_532] : memref<1600x16xf32, #tpu.memory_space<vmem>> -> memref<50x16xf32, #tpu.memory_space<vmem>>
      %dma_wait3A_534 = arith.constant 0 : i32
      %dma_wait3A_535 = tpu.memref_slice %arg7[%dma_wait3A_530, %dma_wait3A_534] : memref<32x50xi32, #tpu.memory_space<vmem>> -> memref<1x50xi32, #tpu.memory_space<vmem>>
      %dma_wait3A_536 = tpu.memref_squeeze %dma_wait3A_535 : memref<1x50xi32, #tpu.memory_space<vmem>> -> memref<50xi32, #tpu.memory_space<vmem>>
      %dma_wait3A_537 = arith.constant 0 : i32
      %dma_wait3A_538 = arith.constant 0 : i32
      %dma_wait3A_539 = tpu.memref_slice %arg2[%dma_wait3A_537, %dma_wait3A_538] : memref<1000x16xf32, #tpu.memory_space<hbm>> -> memref<1000x16xf32, #tpu.memory_space<hbm>>
      tpu.wait_indirect_dma semaphore(%arg9 : memref<!tpu.dma_semaphore, #tpu.memory_space<semaphore_mem>>) src(%dma_wait3A_539 : memref<1000x16xf32, #tpu.memory_space<hbm>>) dst(%dma_wait3A_533 : memref<50x16xf32, #tpu.memory_space<vmem>>)
      %dma_wait3A_540 = arith.constant 21 : i32
      %dma_wait3A_541 = arith.constant 1050 : i32
      %dma_wait3A_542 = arith.constant 0 : i32
      %dma_wait3A_543 = tpu.memref_slice %arg8[%dma_wait3A_541, %dma_wait3A_542] : memref<1600x16xf32, #tpu.memory_space<vmem>> -> memref<50x16xf32, #tpu.memory_space<vmem>>
      %dma_wait3A_544 = arith.constant 0 : i32
      %dma_wait3A_545 = tpu.memref_slice %arg7[%dma_wait3A_540, %dma_wait3A_544] : memref<32x50xi32, #tpu.memory_space<vmem>> -> memref<1x50xi32, #tpu.memory_space<vmem>>
      %dma_wait3A_546 = tpu.memref_squeeze %dma_wait3A_545 : memref<1x50xi32, #tpu.memory_space<vmem>> -> memref<50xi32, #tpu.memory_space<vmem>>
      %dma_wait3A_547 = arith.constant 0 : i32
      %dma_wait3A_548 = arith.constant 0 : i32
      %dma_wait3A_549 = tpu.memref_slice %arg2[%dma_wait3A_547, %dma_wait3A_548] : memref<1000x16xf32, #tpu.memory_space<hbm>> -> memref<1000x16xf32, #tpu.memory_space<hbm>>
      tpu.wait_indirect_dma semaphore(%arg9 : memref<!tpu.dma_semaphore, #tpu.memory_space<semaphore_mem>>) src(%dma_wait3A_549 : memref<1000x16xf32, #tpu.memory_space<hbm>>) dst(%dma_wait3A_543 : memref<50x16xf32, #tpu.memory_space<vmem>>)
      %dma_wait3A_550 = arith.constant 22 : i32
      %dma_wait3A_551 = arith.constant 1100 : i32
      %dma_wait3A_552 = arith.constant 0 : i32
      %dma_wait3A_553 = tpu.memref_slice %arg8[%dma_wait3A_551, %dma_wait3A_552] : memref<1600x16xf32, #tpu.memory_space<vmem>> -> memref<50x16xf32, #tpu.memory_space<vmem>>
      %dma_wait3A_554 = arith.constant 0 : i32
      %dma_wait3A_555 = tpu.memref_slice %arg7[%dma_wait3A_550, %dma_wait3A_554] : memref<32x50xi32, #tpu.memory_space<vmem>> -> memref<1x50xi32, #tpu.memory_space<vmem>>
      %dma_wait3A_556 = tpu.memref_squeeze %dma_wait3A_555 : memref<1x50xi32, #tpu.memory_space<vmem>> -> memref<50xi32, #tpu.memory_space<vmem>>
      %dma_wait3A_557 = arith.constant 0 : i32
      %dma_wait3A_558 = arith.constant 0 : i32
      %dma_wait3A_559 = tpu.memref_slice %arg2[%dma_wait3A_557, %dma_wait3A_558] : memref<1000x16xf32, #tpu.memory_space<hbm>> -> memref<1000x16xf32, #tpu.memory_space<hbm>>
      tpu.wait_indirect_dma semaphore(%arg9 : memref<!tpu.dma_semaphore, #tpu.memory_space<semaphore_mem>>) src(%dma_wait3A_559 : memref<1000x16xf32, #tpu.memory_space<hbm>>) dst(%dma_wait3A_553 : memref<50x16xf32, #tpu.memory_space<vmem>>)
      %dma_wait3A_560 = arith.constant 23 : i32
      %dma_wait3A_561 = arith.constant 1150 : i32
      %dma_wait3A_562 = arith.constant 0 : i32
      %dma_wait3A_563 = tpu.memref_slice %arg8[%dma_wait3A_561, %dma_wait3A_562] : memref<1600x16xf32, #tpu.memory_space<vmem>> -> memref<50x16xf32, #tpu.memory_space<vmem>>
      %dma_wait3A_564 = arith.constant 0 : i32
      %dma_wait3A_565 = tpu.memref_slice %arg7[%dma_wait3A_560, %dma_wait3A_564] : memref<32x50xi32, #tpu.memory_space<vmem>> -> memref<1x50xi32, #tpu.memory_space<vmem>>
      %dma_wait3A_566 = tpu.memref_squeeze %dma_wait3A_565 : memref<1x50xi32, #tpu.memory_space<vmem>> -> memref<50xi32, #tpu.memory_space<vmem>>
      %dma_wait3A_567 = arith.constant 0 : i32
      %dma_wait3A_568 = arith.constant 0 : i32
      %dma_wait3A_569 = tpu.memref_slice %arg2[%dma_wait3A_567, %dma_wait3A_568] : memref<1000x16xf32, #tpu.memory_space<hbm>> -> memref<1000x16xf32, #tpu.memory_space<hbm>>
      tpu.wait_indirect_dma semaphore(%arg9 : memref<!tpu.dma_semaphore, #tpu.memory_space<semaphore_mem>>) src(%dma_wait3A_569 : memref<1000x16xf32, #tpu.memory_space<hbm>>) dst(%dma_wait3A_563 : memref<50x16xf32, #tpu.memory_space<vmem>>)
      %dma_wait3A_570 = arith.constant 24 : i32
      %dma_wait3A_571 = arith.constant 1200 : i32
      %dma_wait3A_572 = arith.constant 0 : i32
      %dma_wait3A_573 = tpu.memref_slice %arg8[%dma_wait3A_571, %dma_wait3A_572] : memref<1600x16xf32, #tpu.memory_space<vmem>> -> memref<50x16xf32, #tpu.memory_space<vmem>>
      %dma_wait3A_574 = arith.constant 0 : i32
      %dma_wait3A_575 = tpu.memref_slice %arg7[%dma_wait3A_570, %dma_wait3A_574] : memref<32x50xi32, #tpu.memory_space<vmem>> -> memref<1x50xi32, #tpu.memory_space<vmem>>
      %dma_wait3A_576 = tpu.memref_squeeze %dma_wait3A_575 : memref<1x50xi32, #tpu.memory_space<vmem>> -> memref<50xi32, #tpu.memory_space<vmem>>
      %dma_wait3A_577 = arith.constant 0 : i32
      %dma_wait3A_578 = arith.constant 0 : i32
      %dma_wait3A_579 = tpu.memref_slice %arg2[%dma_wait3A_577, %dma_wait3A_578] : memref<1000x16xf32, #tpu.memory_space<hbm>> -> memref<1000x16xf32, #tpu.memory_space<hbm>>
      tpu.wait_indirect_dma semaphore(%arg9 : memref<!tpu.dma_semaphore, #tpu.memory_space<semaphore_mem>>) src(%dma_wait3A_579 : memref<1000x16xf32, #tpu.memory_space<hbm>>) dst(%dma_wait3A_573 : memref<50x16xf32, #tpu.memory_space<vmem>>)
      %dma_wait3A_580 = arith.constant 25 : i32
      %dma_wait3A_581 = arith.constant 1250 : i32
      %dma_wait3A_582 = arith.constant 0 : i32
      %dma_wait3A_583 = tpu.memref_slice %arg8[%dma_wait3A_581, %dma_wait3A_582] : memref<1600x16xf32, #tpu.memory_space<vmem>> -> memref<50x16xf32, #tpu.memory_space<vmem>>
      %dma_wait3A_584 = arith.constant 0 : i32
      %dma_wait3A_585 = tpu.memref_slice %arg7[%dma_wait3A_580, %dma_wait3A_584] : memref<32x50xi32, #tpu.memory_space<vmem>> -> memref<1x50xi32, #tpu.memory_space<vmem>>
      %dma_wait3A_586 = tpu.memref_squeeze %dma_wait3A_585 : memref<1x50xi32, #tpu.memory_space<vmem>> -> memref<50xi32, #tpu.memory_space<vmem>>
      %dma_wait3A_587 = arith.constant 0 : i32
      %dma_wait3A_588 = arith.constant 0 : i32
      %dma_wait3A_589 = tpu.memref_slice %arg2[%dma_wait3A_587, %dma_wait3A_588] : memref<1000x16xf32, #tpu.memory_space<hbm>> -> memref<1000x16xf32, #tpu.memory_space<hbm>>
      tpu.wait_indirect_dma semaphore(%arg9 : memref<!tpu.dma_semaphore, #tpu.memory_space<semaphore_mem>>) src(%dma_wait3A_589 : memref<1000x16xf32, #tpu.memory_space<hbm>>) dst(%dma_wait3A_583 : memref<50x16xf32, #tpu.memory_space<vmem>>)
      %dma_wait3A_590 = arith.constant 26 : i32
      %dma_wait3A_591 = arith.constant 1300 : i32
      %dma_wait3A_592 = arith.constant 0 : i32
      %dma_wait3A_593 = tpu.memref_slice %arg8[%dma_wait3A_591, %dma_wait3A_592] : memref<1600x16xf32, #tpu.memory_space<vmem>> -> memref<50x16xf32, #tpu.memory_space<vmem>>
      %dma_wait3A_594 = arith.constant 0 : i32
      %dma_wait3A_595 = tpu.memref_slice %arg7[%dma_wait3A_590, %dma_wait3A_594] : memref<32x50xi32, #tpu.memory_space<vmem>> -> memref<1x50xi32, #tpu.memory_space<vmem>>
      %dma_wait3A_596 = tpu.memref_squeeze %dma_wait3A_595 : memref<1x50xi32, #tpu.memory_space<vmem>> -> memref<50xi32, #tpu.memory_space<vmem>>
      %dma_wait3A_597 = arith.constant 0 : i32
      %dma_wait3A_598 = arith.constant 0 : i32
      %dma_wait3A_599 = tpu.memref_slice %arg2[%dma_wait3A_597, %dma_wait3A_598] : memref<1000x16xf32, #tpu.memory_space<hbm>> -> memref<1000x16xf32, #tpu.memory_space<hbm>>
      tpu.wait_indirect_dma semaphore(%arg9 : memref<!tpu.dma_semaphore, #tpu.memory_space<semaphore_mem>>) src(%dma_wait3A_599 : memref<1000x16xf32, #tpu.memory_space<hbm>>) dst(%dma_wait3A_593 : memref<50x16xf32, #tpu.memory_space<vmem>>)
      %dma_wait3A_600 = arith.constant 27 : i32
      %dma_wait3A_601 = arith.constant 1350 : i32
      %dma_wait3A_602 = arith.constant 0 : i32
      %dma_wait3A_603 = tpu.memref_slice %arg8[%dma_wait3A_601, %dma_wait3A_602] : memref<1600x16xf32, #tpu.memory_space<vmem>> -> memref<50x16xf32, #tpu.memory_space<vmem>>
      %dma_wait3A_604 = arith.constant 0 : i32
      %dma_wait3A_605 = tpu.memref_slice %arg7[%dma_wait3A_600, %dma_wait3A_604] : memref<32x50xi32, #tpu.memory_space<vmem>> -> memref<1x50xi32, #tpu.memory_space<vmem>>
      %dma_wait3A_606 = tpu.memref_squeeze %dma_wait3A_605 : memref<1x50xi32, #tpu.memory_space<vmem>> -> memref<50xi32, #tpu.memory_space<vmem>>
      %dma_wait3A_607 = arith.constant 0 : i32
      %dma_wait3A_608 = arith.constant 0 : i32
      %dma_wait3A_609 = tpu.memref_slice %arg2[%dma_wait3A_607, %dma_wait3A_608] : memref<1000x16xf32, #tpu.memory_space<hbm>> -> memref<1000x16xf32, #tpu.memory_space<hbm>>
      tpu.wait_indirect_dma semaphore(%arg9 : memref<!tpu.dma_semaphore, #tpu.memory_space<semaphore_mem>>) src(%dma_wait3A_609 : memref<1000x16xf32, #tpu.memory_space<hbm>>) dst(%dma_wait3A_603 : memref<50x16xf32, #tpu.memory_space<vmem>>)
      %dma_wait3A_610 = arith.constant 28 : i32
      %dma_wait3A_611 = arith.constant 1400 : i32
      %dma_wait3A_612 = arith.constant 0 : i32
      %dma_wait3A_613 = tpu.memref_slice %arg8[%dma_wait3A_611, %dma_wait3A_612] : memref<1600x16xf32, #tpu.memory_space<vmem>> -> memref<50x16xf32, #tpu.memory_space<vmem>>
      %dma_wait3A_614 = arith.constant 0 : i32
      %dma_wait3A_615 = tpu.memref_slice %arg7[%dma_wait3A_610, %dma_wait3A_614] : memref<32x50xi32, #tpu.memory_space<vmem>> -> memref<1x50xi32, #tpu.memory_space<vmem>>
      %dma_wait3A_616 = tpu.memref_squeeze %dma_wait3A_615 : memref<1x50xi32, #tpu.memory_space<vmem>> -> memref<50xi32, #tpu.memory_space<vmem>>
      %dma_wait3A_617 = arith.constant 0 : i32
      %dma_wait3A_618 = arith.constant 0 : i32
      %dma_wait3A_619 = tpu.memref_slice %arg2[%dma_wait3A_617, %dma_wait3A_618] : memref<1000x16xf32, #tpu.memory_space<hbm>> -> memref<1000x16xf32, #tpu.memory_space<hbm>>
      tpu.wait_indirect_dma semaphore(%arg9 : memref<!tpu.dma_semaphore, #tpu.memory_space<semaphore_mem>>) src(%dma_wait3A_619 : memref<1000x16xf32, #tpu.memory_space<hbm>>) dst(%dma_wait3A_613 : memref<50x16xf32, #tpu.memory_space<vmem>>)
      %dma_wait3A_620 = arith.constant 29 : i32
      %dma_wait3A_621 = arith.constant 1450 : i32
      %dma_wait3A_622 = arith.constant 0 : i32
      %dma_wait3A_623 = tpu.memref_slice %arg8[%dma_wait3A_621, %dma_wait3A_622] : memref<1600x16xf32, #tpu.memory_space<vmem>> -> memref<50x16xf32, #tpu.memory_space<vmem>>
      %dma_wait3A_624 = arith.constant 0 : i32
      %dma_wait3A_625 = tpu.memref_slice %arg7[%dma_wait3A_620, %dma_wait3A_624] : memref<32x50xi32, #tpu.memory_space<vmem>> -> memref<1x50xi32, #tpu.memory_space<vmem>>
      %dma_wait3A_626 = tpu.memref_squeeze %dma_wait3A_625 : memref<1x50xi32, #tpu.memory_space<vmem>> -> memref<50xi32, #tpu.memory_space<vmem>>
      %dma_wait3A_627 = arith.constant 0 : i32
      %dma_wait3A_628 = arith.constant 0 : i32
      %dma_wait3A_629 = tpu.memref_slice %arg2[%dma_wait3A_627, %dma_wait3A_628] : memref<1000x16xf32, #tpu.memory_space<hbm>> -> memref<1000x16xf32, #tpu.memory_space<hbm>>
      tpu.wait_indirect_dma semaphore(%arg9 : memref<!tpu.dma_semaphore, #tpu.memory_space<semaphore_mem>>) src(%dma_wait3A_629 : memref<1000x16xf32, #tpu.memory_space<hbm>>) dst(%dma_wait3A_623 : memref<50x16xf32, #tpu.memory_space<vmem>>)
      %dma_wait3A_630 = arith.constant 30 : i32
      %dma_wait3A_631 = arith.constant 1500 : i32
      %dma_wait3A_632 = arith.constant 0 : i32
      %dma_wait3A_633 = tpu.memref_slice %arg8[%dma_wait3A_631, %dma_wait3A_632] : memref<1600x16xf32, #tpu.memory_space<vmem>> -> memref<50x16xf32, #tpu.memory_space<vmem>>
      %dma_wait3A_634 = arith.constant 0 : i32
      %dma_wait3A_635 = tpu.memref_slice %arg7[%dma_wait3A_630, %dma_wait3A_634] : memref<32x50xi32, #tpu.memory_space<vmem>> -> memref<1x50xi32, #tpu.memory_space<vmem>>
      %dma_wait3A_636 = tpu.memref_squeeze %dma_wait3A_635 : memref<1x50xi32, #tpu.memory_space<vmem>> -> memref<50xi32, #tpu.memory_space<vmem>>
      %dma_wait3A_637 = arith.constant 0 : i32
      %dma_wait3A_638 = arith.constant 0 : i32
      %dma_wait3A_639 = tpu.memref_slice %arg2[%dma_wait3A_637, %dma_wait3A_638] : memref<1000x16xf32, #tpu.memory_space<hbm>> -> memref<1000x16xf32, #tpu.memory_space<hbm>>
      tpu.wait_indirect_dma semaphore(%arg9 : memref<!tpu.dma_semaphore, #tpu.memory_space<semaphore_mem>>) src(%dma_wait3A_639 : memref<1000x16xf32, #tpu.memory_space<hbm>>) dst(%dma_wait3A_633 : memref<50x16xf32, #tpu.memory_space<vmem>>)
      %dma_wait3A_640 = arith.constant 31 : i32
      %dma_wait3A_641 = arith.constant 1550 : i32
      %dma_wait3A_642 = arith.constant 0 : i32
      %dma_wait3A_643 = tpu.memref_slice %arg8[%dma_wait3A_641, %dma_wait3A_642] : memref<1600x16xf32, #tpu.memory_space<vmem>> -> memref<50x16xf32, #tpu.memory_space<vmem>>
      %dma_wait3A_644 = arith.constant 0 : i32
      %dma_wait3A_645 = tpu.memref_slice %arg7[%dma_wait3A_640, %dma_wait3A_644] : memref<32x50xi32, #tpu.memory_space<vmem>> -> memref<1x50xi32, #tpu.memory_space<vmem>>
      %dma_wait3A_646 = tpu.memref_squeeze %dma_wait3A_645 : memref<1x50xi32, #tpu.memory_space<vmem>> -> memref<50xi32, #tpu.memory_space<vmem>>
      %dma_wait3A_647 = arith.constant 0 : i32
      %dma_wait3A_648 = arith.constant 0 : i32
      %dma_wait3A_649 = tpu.memref_slice %arg2[%dma_wait3A_647, %dma_wait3A_648] : memref<1000x16xf32, #tpu.memory_space<hbm>> -> memref<1000x16xf32, #tpu.memory_space<hbm>>
      tpu.wait_indirect_dma semaphore(%arg9 : memref<!tpu.dma_semaphore, #tpu.memory_space<semaphore_mem>>) src(%dma_wait3A_649 : memref<1000x16xf32, #tpu.memory_space<hbm>>) dst(%dma_wait3A_643 : memref<50x16xf32, #tpu.memory_space<vmem>>)
    } else {
    }
    "tpu.region"() ({
      %run_scoped3A = tpu.sem_alloc : memref<!tpu.dma_semaphore, #tpu.memory_space<semaphore_mem>>
      %dma_start3A = arith.constant 0 : i32
      %dma_start3A_9 = tpu.memref_slice %arg5[%mul3A_2, %dma_start3A] : memref<51200x16xf32, #tpu.memory_space<hbm>> -> memref<1600x16xf32, #tpu.memory_space<hbm>>
      %dma_start3A_10 = arith.constant 0 : i32
      %dma_start3A_11 = tpu.memref_slice %arg5[%mul3A_2, %dma_start3A_10] : memref<51200x16xf32, #tpu.memory_space<hbm>> -> memref<1600x16xf32, #tpu.memory_space<hbm>>
      tpu.enqueue_dma source(%arg8 : memref<1600x16xf32, #tpu.memory_space<vmem>>) target(%dma_start3A_11 : memref<1600x16xf32, #tpu.memory_space<hbm>>) target_semaphore(%run_scoped3A : memref<!tpu.dma_semaphore, #tpu.memory_space<semaphore_mem>>)
      %dma_wait3A = arith.constant 0 : i32
      %dma_wait3A_12 = tpu.memref_slice %arg5[%mul3A_2, %dma_wait3A] : memref<51200x16xf32, #tpu.memory_space<hbm>> -> memref<1600x16xf32, #tpu.memory_space<hbm>>
      %dma_wait3A_13 = arith.constant 0 : i32
      %dma_wait3A_14 = tpu.memref_slice %arg5[%mul3A_2, %dma_wait3A_13] : memref<51200x16xf32, #tpu.memory_space<hbm>> -> memref<1600x16xf32, #tpu.memory_space<hbm>>
      tpu.wait_dma2 semaphore(%run_scoped3A : memref<!tpu.dma_semaphore, #tpu.memory_space<semaphore_mem>>) src(%arg8 : memref<1600x16xf32, #tpu.memory_space<vmem>>) dst(%dma_wait3A_14 : memref<1600x16xf32, #tpu.memory_space<hbm>>)
      tpu.yield
    }) : () -> ()
    return
  }
}

</mosaic_0001>

<sc_bundles>
// kernel: kernel.4.cloned.1.call-start
scs
__scs_entry_jumppad:
0x0: {  	(pc) =	sbr.rel $0x88, $3  }
0x1: {  	(tag) =	ssettag $0x0;
	lr =	simm.s32 $0x1  }
0x2: {  	[smem:$0x3F9F] =	sst lr;
	_ =	strace $0xD0000000  }
0x3: {  	_ = 	snop  }
0x4: {  	_ = 	snop  }
0x5: {  	_ = 	snop  }
0x6: {  	_ = 	snop  }
0x7: {  	_ = 	snop  }
__scs_overlays_trampoline_lowered:
0x8: {  	[smem:$0x3FAE] =	sst s0  }
0x9: {  	[smem:$0x3FAF] =	sst s1  }
0xa: {  	[smem:$0x3FB0] =	sst s2  }
0xb: {  	[smem:$0x3FB1] =	sst s3  }
0xc: {  	[smem:$0x3FB2] =	sst s4  }
0xd: {  	[smem:$0x3FB3] =	sst s5  }
0xe: {  	[smem:$0x3FB4] =	sst s6  }
0xf: {  	[smem:$0x3FB5] =	sst s7  }
0x10: {  	[smem:$0x3FB6] =	sst s8  }
0x11: {  	[smem:$0x3FB7] =	sst s9;
	s0 =	simm.s32 @!p0 $0x0  }
0x12: {  	s1 =	sld [smem:$0x3F9D];
	s0 =	simm.s32 @p0 $0x1  }
0x13: {  	[smem:$0x3FB8] =	sst s0;
	s0 =	simm.s32 @!p1 $0x0  }
0x14: {  	s2 =	sld [smem:$0x3F9C];
	s0 =	simm.s32 @p1 $0x1  }
0x15: {  	[smem:$0x3FB9] =	sst s0;
	s0 =	simm.s32 @!p2 $0x0  }
0x16: {  	s3 =	sld [smem:$0x3FDB];
	s0 =	simm.s32 @p2 $0x1  }
0x17: {  	s4 =	simm.s32 $0x1BF5;
	[smem:$0x3FBB] =	sst s0  }
0x18: {  	s0 =	sld [smem:$0x3F9E];
	_ =	swait.ge [sflag:s4], $0x0  }
0x19: {  	s7 =	sld [smem:$0x3F9F]  }
0x1a: {  	s8 =	sadd.s32 $0xFFFFE003, lr  }
0x1b: {  	s9 =	sadd.s32 $0xFFFFFEF7, lr;
	s5 =	simm.s32 $0xFFFFFFFF;
	p2 =	slt.u32 s8, $0xFFFFF086  }
0x1c: {  	p1 =	slt.u32 s9, $0xF7A;
	s5 =	simm.s32 @!p2 $0x0  }
0x1d: {  	s5 =	simm.s32 @p1 $0x1;
	p0 =	seq.s32 s7, s2  }
0x1e: {  	s7 =	smul.u32 @!p0 $0xF7A, s2;
	p2 =	seq.s32 @!p0 s5, $0x0  }
0x1f: {  	s9 =	smul.u32 $0xF7A, s1;
	s8 =	simm.s32 @!p0 $0x1BF5;
	p2 =	por !p2, p0  }
0x20: {  	[sflag:s8] =	ssyncset.s32 @!p0 $0xFFFFF086;
	s6 =	sadd.s32 @!p0 s3, s7;
	s7 =	simm.s32 @!p0 $0x108  }
0x21: {  	s3 =	sadd.s32 s3, s9;
	s6 =	sadd.s32 @!p0 $0x88, s6;
	s7 =	simm.s32 @p2 $0x1082  }
0x22: {  	[simem:s7], [sflag:s8] =	dma.local @!p0 [hbm:s6], $0xF7A  }
0x23: {  	s9 =	sor.u32 $0xD0000000, s2;
	s6 =	simm.s32 $0x108;
	_ =	swait.ge @!p0 [sflag:s8], $0x0  }
0x24: {  	s3 =	sadd.s32 $0x88, s3;
	s6 =	simm.s32 @!p1 $0x1082;
	[sflag:s4] =	ssyncset.s32 $0xFFFFF086  }
0x25: {  	[simem:s6], [sflag:s4] =	dma.local [hbm:s3], $0xF7A  }
0x26: {  	[smem:$0x3F9F] =	sst s1;
	(tag) =	ssettag s2;
	_ =	strace s9  }
0x27: {  	s1 =	sld [smem:$0x3FAF]  }
0x28: {  	s2 =	sld [smem:$0x3FB0]  }
0x29: {  	s4 =	sld [smem:$0x3FB2]  }
0x2a: {  	p0 =	seq.s32 s5, $0x0;
	s5 =	sld [smem:$0x3FB3]  }
0x2b: {  	s6 =	sld [smem:$0x3FB4]  }
0x2c: {  	s7 =	sld [smem:$0x3FB5]  }
0x2d: {  	s3 =	simm.s32 $0x108;
	s8 =	sld [smem:$0x3FB6]  }
0x2e: {  	s3 =	simm.s32 @!p0 $0x1082;
	s9 =	sld [smem:$0x3FB7]  }
0x2f: {  	lr =	sadd.s32 s0, s3;
	s0 =	sld [smem:$0x3FAE]  }
0x30: {  	s3 =	sld [smem:$0x3FB1]  }
0x31: {  	[smem:$0x3FBA] =	sst s10  }
0x32: {  	s10 =	sld [smem:$0x3FB8];
	_ =	sdelay $0x3  }
0x33: {  	p0 =	seq.s32 s10, $0x1;
	s10 =	sld [smem:$0x3FBA];
	_ =	sdelay $0x3  }
0x34: {  	[smem:$0x3FBA] =	sst s10  }
0x35: {  	s10 =	sld [smem:$0x3FB9];
	_ =	sdelay $0x3  }
0x36: {  	p1 =	seq.s32 s10, $0x1;
	s10 =	sld [smem:$0x3FBA];
	_ =	sdelay $0x3  }
0x37: {  	[smem:$0x3FBA] =	sst s10  }
0x38: {  	s10 =	sld [smem:$0x3FBB]  }
0x39: {  	_ = 	snop;
	(pc) =	sbr.ind lr, $3  }
0x3a: {  	_ = 	snop  }
0x3b: {  	_ = 	snop  }
0x3c: {  	p2 =	seq.s32 s10, $0x1;
	s10 =	sld [smem:$0x3FBA]  }
0x3d: {  	_ =	shalt  }
0x3e: {  	_ =	shalt  }
0x3f: {  	_ =	shalt  }
0x40: {  	_ =	shalt  }
0x41: {  	_ =	shalt  }
0x42: {  	_ =	shalt  }
0x43: {  	_ =	shalt  }
0x44: {  	_ =	shalt  }
0x45: {  	_ =	shalt  }
0x46: {  	_ =	shalt  }
0x47: {  	_ =	shalt  }
0x48: {  	_ =	shalt  }
0x49: {  	_ =	shalt  }
0x4a: {  	_ =	shalt  }
0x4b: {  	_ =	shalt  }
0x4c: {  	_ =	shalt  }
0x4d: {  	_ =	shalt  }
0x4e: {  	_ =	shalt  }
0x4f: {  	_ =	shalt  }
0x50: {  	_ =	shalt  }
0x51: {  	_ =	shalt  }
0x52: {  	_ =	shalt  }
0x53: {  	_ =	shalt  }
0x54: {  	_ =	shalt  }
0x55: {  	_ =	shalt  }
0x56: {  	_ =	shalt  }
0x57: {  	_ =	shalt  }
0x58: {  	_ =	shalt  }
0x59: {  	_ =	shalt  }
0x5a: {  	_ =	shalt  }
0x5b: {  	_ =	shalt  }
0x5c: {  	_ =	shalt  }
0x5d: {  	_ =	shalt  }
0x5e: {  	_ =	shalt  }
0x5f: {  	_ =	shalt  }
0x60: {  	_ =	shalt  }
0x61: {  	_ =	shalt  }
0x62: {  	_ =	shalt  }
0x63: {  	_ =	shalt  }
0x64: {  	_ =	shalt  }
0x65: {  	_ =	shalt  }
0x66: {  	_ =	shalt  }
0x67: {  	_ =	shalt  }
0x68: {  	_ =	shalt  }
0x69: {  	_ =	shalt  }
0x6a: {  	_ =	shalt  }
0x6b: {  	_ =	shalt  }
0x6c: {  	_ =	shalt  }
0x6d: {  	_ =	shalt  }
0x6e: {  	_ =	shalt  }
0x6f: {  	_ =	shalt  }
0x70: {  	_ =	shalt  }
0x71: {  	_ =	shalt  }
0x72: {  	_ =	shalt  }
0x73: {  	_ =	shalt  }
0x74: {  	_ =	shalt  }
0x75: {  	_ =	shalt  }
0x76: {  	_ =	shalt  }
0x77: {  	_ =	shalt  }
0x78: {  	_ =	shalt  }
0x79: {  	_ =	shalt  }
0x7a: {  	_ =	shalt  }
0x7b: {  	_ =	shalt  }
0x7c: {  	_ =	shalt  }
0x7d: {  	_ =	shalt  }
0x7e: {  	_ =	shalt  }
0x7f: {  	_ =	shalt  }
0x80: {  	_ =	shalt  }
0x81: {  	_ =	shalt  }
0x82: {  	_ =	shalt  }
0x83: {  	_ =	shalt  }
0x84: {  	_ =	shalt  }
0x85: {  	_ =	shalt  }
0x86: {  	_ =	shalt  }
0x87: {  	_ =	shalt  }
.Lfunc_end0:
.L_simem_size_0:
called_computation_lowered:
.L_overlay_start_0:
0x88: {  	s2 =	sld [smem:$0x3FD9]  }
0x89: {  	s3 =	sld [smem:$0x3FFE];
	_ =	sdelay $0x1  }
0x8a: {  	s1 =	srdreg.scid  }
0x8b: {  	s0 =	sand.u32 $0x1, s1  }
0x8c: {  	s16 =	sshll.u32 s0, $0xA;
	s2 =	sadd.s32 s3, s2  }
0x8d: {  	s2 =	sadd.s32 s2, s16  }
0x8e: {  	[smem:$0x3FC6] =	sst s2  }
0x8f: {  	_ = 	snop  }
0x90: {  	(tm) =	ssettm $0x1  }
0x91: {  	s17 =	sld [smem:$0x3FFB];
	_ =	sdelay $0x3  }
0x92: {  	_ =	strace s17  }
0x93: {  	s2 =	sld [smem:$0x3FFC];
	_ =	sdelay $0x3  }
0x94: {  	_ =	strace s2  }
0x95: {  	s2 =	sld [smem:$0x3FFD];
	_ =	sdelay $0x3  }
0x96: {  	_ =	strace s2  }
0x97: {  	_ =	strace $0x8FFFFFFF  }
0x98: {  	s18 =	sld [smem:$0x3FDB];
	_ =	sdelay $0x1  }
0x99: {  	s19 =	simm.s32 $_scs_section_size  }
0x9a: {  	s4 =	simm.s32 $_size__tile_overlayer_lowered;
	s5 =	simm.s32 $_tile_overlayer_lowered  }
0x9b: {  	s22 =	simm.s32 $0x1BFF;
	s21 =	sshll.u32 s5, $0x1;
	s2 =	sadd.s32 s19, s18  }
0x9c: {  	s6 =	simm.s32 $0x0;
	s20 =	sshll.u32 s4, $0x1;
	s4 =	sadd.s32 s21, s2  }
0x9d: {  	[timem:s6], [sflag:s22] =	dma.local [hbm:s4], s20  }
0x9e: {  	_ =	swait.ge [sflag:s22], s20  }
0x9f: {  	s3 =	ssub.s32 $0x0, s20;
	[sflag:s22] =	ssyncset.done $0x0  }
0xa0: {  	[sflag:s22] =	ssyncadd.s32 s3;
	_ =	sdelay $0x1  }
0xa1: {  	s23 =	simm.s32 $0x1B8B  }
0xa2: {  	_ =	swait.ge [sflag:s23], $0x1  }
0xa3: {  	[sflag:s23] =	ssyncset.done $0x0  }
0xa4: {  	s25 =	simm.s32 $0x1B8E;
	s24 =	sld [smem:$0x3FFE];
	[sflag:s23] =	ssyncadd.s32 $0xFFFFFFFF  }
0xa5: {  	s26 =	simm.s32 $execute0_lowered;
	[smem:$0x3FD2] =	sst s25  }
0xa6: {  	s4 =	sshll.u32 s26, $0x1;
	_ =	strace $0x80000046;
	[dreg:$0x1] =	wrdreg $0xFFFFFFFF  }
0xa7: {  	s28 =	simm.s32 $_size_execute0_lowered;
	s2 =	sadd.s32 s2, s4;
	[dreg:$0x0] =	wrdreg $0x0  }
0xa8: {  	s4 =	sshll.u32 s28, $0x1;
	[dreg:$0x2] =	wrdreg s2  }
0xa9: {  	[dreg:$0x3] =	wrdreg s4  }
0xaa: {  	[dreg:$0x4] =	wrdreg $0xC0  }
0xab: {  	_ =	task [dreg:s6], $0x5FFFF  }
0xac: {  	[dreg:$0x1] =	wrdreg $0xFFFFFFFF  }
0xad: {  	[dreg:$0x0] =	wrdreg $0x60  }
0xae: {  	[dreg:$0x2] =	wrdreg s24  }
0xaf: {  	[dreg:$0x3] =	wrdreg $0x9  }
0xb0: {  	_ =	task.clear_ibuf [dreg:s6], $0x4FFFF;
	_ =	strace $0x90000046  }
0xb1: {  	s29 =	simm.s32 $0x9;
	_ =	strace $0x80000048  }
0xb2: {  	_ =	swait.ge [sflag:s29], $0x1  }
0xb3: {  	[sflag:s29] =	ssyncadd.s32 $0xFFFFFFFF  }
0xb4: {  	_ =	strace $0x90000048  }
0xb5: {  	_ =	sfence  }
0xb6: {  	s30 =	sld [smem:$0x0];
	_ =	sdelay $0x2  }
0xb7: {  	s31 =	sshll.u32 s1, $0xD;
	s1 =	sshrl.u32 s1, $0x2  }
0xb8: {  	s3 =	sand.u32 $0x4000, s31;
	s1 =	sadd.s32 s1, s30  }
0xb9: {  	s0 =	sor.u32 s3, s0;
	s1 =	sshll.u32 s1, $0x11  }
0xba: {  	s0 =	sor.u32 s1, s0  }
0xbb: {  	s0 =	sadd.s32 $0x8F2B, s0  }
0xbc: {  	[sflag:s0] =	ssyncadd.remote.s32 $0x1  }
0xbd: {  	_ =	sfence.sel $0xFFFF  }
0xbe: {  	[dreg:$0x0] =	wrdreg $0xFFFFFFFF;
	(pc) =	sbr.abs _section_cstart, $3  }
0xbf: {  	[dreg:$0x1] =	wrdreg $0xFFFFFFFF  }
0xc0: {  	_ =	task.clear_ibuf [dreg:s6], $0x2FFFF;
	_ =	strace $0x9FFFFFFF  }
0xc1: {  	(tm) =	ssettm $0x7FFFFFFF  }
tec
execute0_lowered:
.L_overlay_start_1:
0x0: {  	(tag) =	ssettag $0x1  }
0x1: {  	v2 =	vlaneseq.u32  }
0x2: {  	v1 =	vor.u32 $0x20, v2  }
0x3: {  	v63 =	vor.u32 $0x30, v2;
	[tilespmem:$0x1FC80] =	vst v1  }
0x4: {  	v4 =	vor.u32 $0x40, v2;
	[tilespmem:$0x1FC90] =	vst v63  }
0x5: {  	v5 =	vor.u32 $0x50, v2;
	[tilespmem:$0x1FCA0] =	vst v4  }
0x6: {  	v18 =	vor.u32 $0x60, v2;
	[tilespmem:$0x1FCB0] =	vst v5  }
0x7: {  	v19 =	vor.u32 $0x70, v2;
	[tilespmem:$0x1FCC0] =	vst v18  }
0x8: {  	v20 =	vor.u32 $0x80, v2;
	[tilespmem:$0x1FCD0] =	vst v19  }
0x9: {  	v21 =	vor.u32 $0x90, v2;
	[tilespmem:$0x1FCE0] =	vst v20  }
0xa: {  	v22 =	vor.u32 $0xA0, v2;
	[tilespmem:$0x1FCF0] =	vst v21  }
0xb: {  	v23 =	vor.u32 $0xB0, v2;
	[tilespmem:$0x1FD00] =	vst v22  }
0xc: {  	v24 =	vor.u32 $0xC0, v2;
	[tilespmem:$0x1FD10] =	vst v23  }
0xd: {  	v25 =	vor.u32 $0xD0, v2;
	[tilespmem:$0x1FD20] =	vst v24  }
0xe: {  	v26 =	vor.u32 $0xE0, v2;
	[tilespmem:$0x1FD30] =	vst v25  }
0xf: {  	v27 =	vor.u32 $0xF0, v2;
	[tilespmem:$0x1FD40] =	vst v26  }
0x10: {  	v28 =	vor.u32 $0x100, v2;
	[tilespmem:$0x1FD50] =	vst v27  }
0x11: {  	v29 =	vor.u32 $0x110, v2;
	[tilespmem:$0x1FD60] =	vst v28  }
0x12: {  	v30 =	vor.u32 $0x120, v2;
	[tilespmem:$0x1FD70] =	vst v29  }
0x13: {  	v31 =	vor.u32 $0x130, v2;
	[tilespmem:$0x1FD80] =	vst v30  }
0x14: {  	v32 =	vor.u32 $0x140, v2;
	[tilespmem:$0x1FD90] =	vst v31  }
0x15: {  	v33 =	vor.u32 $0x150, v2;
	[tilespmem:$0x1FDA0] =	vst v32  }
0x16: {  	v34 =	vor.u32 $0x160, v2;
	[tilespmem:$0x1FDB0] =	vst v33  }
0x17: {  	v35 =	vor.u32 $0x170, v2;
	[tilespmem:$0x1FDC0] =	vst v34  }
0x18: {  	v36 =	vor.u32 $0x180, v2;
	[tilespmem:$0x1FDD0] =	vst v35  }
0x19: {  	v37 =	vor.u32 $0x190, v2;
	[tilespmem:$0x1FDE0] =	vst v36  }
0x1a: {  	v38 =	vor.u32 $0x1A0, v2;
	[tilespmem:$0x1FDF0] =	vst v37  }
0x1b: {  	v39 =	vor.u32 $0x1B0, v2;
	[tilespmem:$0x1FE00] =	vst v38  }
0x1c: {  	v40 =	vor.u32 $0x1C0, v2;
	[tilespmem:$0x1FE10] =	vst v39  }
0x1d: {  	v41 =	vor.u32 $0x1D0, v2;
	[tilespmem:$0x1FE20] =	vst v40  }
0x1e: {  	v42 =	vor.u32 $0x1E0, v2;
	[tilespmem:$0x1FE30] =	vst v41  }
0x1f: {  	v43 =	vor.u32 $0x1F0, v2;
	[tilespmem:$0x1FE40] =	vst v42  }
0x20: {  	v44 =	vor.u32 $0x210, v2;
	[tilespmem:$0x1FE50] =	vst v43  }
0x21: {  	v45 =	vor.u32 $0x220, v2;
	[tilespmem:$0x1FE60] =	vst v44  }
0x22: {  	v46 =	vor.u32 $0x230, v2;
	[tilespmem:$0x1FE70] =	vst v45  }
0x23: {  	v47 =	vor.u32 $0x260, v2;
	[tilespmem:$0x1FE80] =	vst v46  }
0x24: {  	s4 =	rddreg [dreg:$0x0];
	s2 =	simm.s32 $0x0;
	v48 =	vor.u32 $0x270, v2;
	[tilespmem:$0x1FE90] =	vst v47  }
0x25: {  	s1 =	srdreg.scid;
	[smem:$0x7FF] =	sst s2;
	v49 =	vor.u32 $0x2A0, v2;
	[tilespmem:$0x1FEA0] =	vst v48  }
0x26: {  	s5 =	sand.u32 $0x1, s1;
	s1 =	rddreg [dreg:$0x1];
	v50 =	vor.u32 $0x2B0, v2;
	_ =	strace $0x80000047;
	[tilespmem:$0x1FEB0] =	vst v49  }
0x27: {  	v51 =	vor.u32 $0x2D0, v2;
	[tilespmem:$0x1FEC0] =	vst v50  }
0x28: {  	v52 =	vor.u32 $0x2E0, v2;
	[tilespmem:$0x1FED0] =	vst v51  }
0x29: {  	v53 =	vor.u32 $0x2F0, v2;
	[tilespmem:$0x1FEE0] =	vst v52  }
0x2a: {  	v54 =	vor.u32 $0x310, v2;
	[tilespmem:$0x1FEF0] =	vst v53  }
0x2b: {  	v55 =	vor.u32 $0x320, v2;
	[tilespmem:$0x1FF00] =	vst v54  }
0x2c: {  	v14 =	vor.u32 $0x10, v2;
	v56 =	vor.u32 $0x330, v2;
	[tilespmem:$0x1FF10] =	vst v55  }
0x2d: {  	v11 =	vor.u32 $0x200, v2;
	v10 =	vor.u32 $0x240, v2;
	v57 =	vor.u32 $0x360, v2;
	[tilespmem:$0x1FF20] =	vst v56  }
0x2e: {  	v12 =	vor.u32 $0x250, v2;
	v13 =	vor.u32 $0x280, v2;
	v58 =	vor.u32 $0x370, v2;
	[tilespmem:$0x1FF30] =	vst v57  }
0x2f: {  	v15 =	vor.u32 $0x290, v2;
	v9 =	vor.u32 $0x300, v2;
	v59 =	vor.u32 $0x390, v2;
	[tilespmem:$0x1FF40] =	vst v58  }
0x30: {  	v0 =	vor.u32 $0x350, v2;
	v8 =	vor.u32 $0x380, v2;
	v60 =	vor.u32 $0x3A0, v2;
	[tilespmem:$0x1FF50] =	vst v59  }
0x31: {  	s0 =	stileid.u32;
	v61 =	vor.u32 $0x3B0, v2;
	v62 =	vor.u32 $0x3D0, v2;
	v63 =	vor.u32 $0x2C0, v2;
	[tilespmem:$0x1FF60] =	vst v60  }
0x32: {  	s3 =	sshll.u32 s0, $0x1;
	v21 =	vor.u32 $0x340, v2;
	v5 =	vor.u32 $0x3C0, v2;
	v2 =	vadd.s32 $0x3D8, v2;
	[tilespmem:$0x1FF70] =	vst v61  }
0x33: {  	s6 =	sor.u32 s5, s3;
	[tilespmem:$0x1FF80] =	vst v2  }
0x34: {  	s12 =	simm.s32 $0x1C000;
	s13 =	simm.s32 $0x2;
	s7 =	smul.u32 $0xC8, s6;
	[tilespmem:$0x1FF90] =	vst v21  }
0x35: {  	s14 =	simm.s32 $0x3;
	s5 =	ssub.s32 $0x2, s5;
	s8 =	smul.u32 $0x38000, s6;
	[tilespmem:$0x1FFA0] =	vst v62  }
.Ltmp0:
0x36: {  	s15 =	simm.s32 $0x0;
	s31 =	sshrl.u32 s5, $0x1;
	[tilespmem:$0x1FFB0] =	vst v0;
	(pc) =	sbr.rel .LBB2_1-.Ltmp0, $4  }
0x37: {  	s3 =	sadd.s32 $0xA00, s4;
	s10 =	sshll.u32 s6, $0x5;
	[tilespmem:$0x1FFC0] =	vst v63;
	s11 =	ssub.s32 s5, s31  }
0x38: {  	[tilespmem:$0x1FFD0] =	vst v9;
	s6 =	sor.u32 $0x2, s10;
	s9 =	sadd.s32 s7, s4;
	s4 =	sadd.s32 s3, s8  }
0x39: {  	[tilespmem:$0x1FFE0] =	vst v11;
	s7 =	sor.u32 $0x3, s10;
	s10 =	simm.s32 $0xE000;
	s5 =	sadd.s32 $0x1C00, s4  }
0x3a: {  	[tilespmem:$0x1FFF0] =	vst v5;
	s8 =	sadd.s32 $0x700A00, s9;
	s9 =	smax.u32 s11, $0x1;
	s11 =	simm.s32 $0x1  }
.LBB2_8:
0x3b: {  	s15 =	sadd.s32 $0x1, s15  }
0x3c: {  	p0 =	sne.s32 s15, s9  }
.Ltmp1:
0x3d: {  	_ = 	snop;
	(pc) =	sbr.rel @!p0 .LBB2_9-.Ltmp1, $4  }
0x3e: {  	[hbm4b:s8+s2] =	stream.linear.scatter [tilespmem:s12], [sflag:$0x3], $0x640, $0x38;
	[tilespmem:$0x1C680] =	vst v63  }
0x3f: {  	_ =	swait.ge [sflag:s14], $0x640  }
0x40: {  	[sflag:s14] =	ssyncset.done $0x0  }
0x41: {  	[sflag:s14] =	ssyncadd.s32 $0xFFFFF9C0  }
.LBB2_1:
0x42: {  	[tilespmem:s2], [sflag:$0x1] =	stream.linear.gather [hbm4b:s4+s2], $0xE000, $0x38;
	[tilespmem:$0x1C680] =	vst v63  }
0x43: {  	s16 =	simm.s32 $0x32;
	s17 =	simm.s32 $0x0;
	s18 =	simm.s32 $0x0  }
0x44: {  	[tilespmem:s10], [sflag:$0x2] =	stream.linear.gather [hbm4b:s5+s2], $0xE000, $0x38;
	[tilespmem:$0x1C680] =	vst v63  }
.LBB2_2:
0x45: {  	_ =	swait.ge [sflag:s11], $0xE000  }
0x46: {  	v31 =	vld [tilespmem:$0x1FC80]  }
0x47: {  	v32 =	vld [tilespmem:$0x1FC90]  }
0x48: {  	v33 =	vld [tilespmem:$0x1FCA0]  }
0x49: {  	v34 =	vld [tilespmem:$0x1FCB0]  }
0x4a: {  	v35 =	vld [tilespmem:$0x1FCC0]  }
0x4b: {  	v36 =	vld [tilespmem:$0x1FCD0]  }
0x4c: {  	v37 =	vld [tilespmem:$0x1FCE0]  }
0x4d: {  	v38 =	vld [tilespmem:$0x1FCF0]  }
0x4e: {  	v39 =	vld [tilespmem:$0x1FD00]  }
0x4f: {  	v40 =	vld [tilespmem:$0x1FD10]  }
0x50: {  	v41 =	vld [tilespmem:$0x1FD20]  }
0x51: {  	v42 =	vld [tilespmem:$0x1FD30]  }
0x52: {  	v43 =	vld [tilespmem:$0x1FD40]  }
0x53: {  	v44 =	vld [tilespmem:$0x1FD50]  }
0x54: {  	v45 =	vld [tilespmem:$0x1FD60]  }
0x55: {  	v46 =	vld [tilespmem:$0x1FD70]  }
0x56: {  	v48 =	vld [tilespmem:$0x1FD80]  }
0x57: {  	v49 =	vld [tilespmem:$0x1FD90]  }
0x58: {  	v50 =	vld [tilespmem:$0x1FDA0]  }
0x59: {  	v53 =	vld [tilespmem:$0x1FDB0]  }
0x5a: {  	v54 =	vld [tilespmem:$0x1FDC0]  }
0x5b: {  	v57 =	vld [tilespmem:$0x1FDD0]  }
0x5c: {  	v58 =	vld [tilespmem:$0x1FDE0]  }
0x5d: {  	v60 =	vld [tilespmem:$0x1FDF0]  }
0x5e: {  	v61 =	vld [tilespmem:$0x1FE00]  }
0x5f: {  	v62 =	vld [tilespmem:$0x1FE10]  }
0x60: {  	v18 =	vld [tilespmem:$0x1FE20]  }
0x61: {  	v19 =	vld [tilespmem:$0x1FE30]  }
0x62: {  	v20 =	vld [tilespmem:$0x1FE40]  }
0x63: {  	v23 =	vld [tilespmem:$0x1FE50]  }
0x64: {  	v24 =	vld [tilespmem:$0x1FE60]  }
0x65: {  	v26 =	vld [tilespmem:$0x1FE70]  }
0x66: {  	v27 =	vld [tilespmem:$0x1FE80]  }
0x67: {  	v28 =	vld [tilespmem:$0x1FE90]  }
0x68: {  	v29 =	vld [tilespmem:$0x1FEA0]  }
0x69: {  	v0 =	vld [tilespmem:$0x1FEC0]  }
0x6a: {  	v59 =	vld [tilespmem:$0x1FF60]  }
0x6b: {  	s19 =	simm.s32 $0x0;
	v17 =	vld [tilespmem:$0x1FF70]  }
0x6c: {  	s20 =	simm.s32 $0xFFFF3800;
	s21 =	simm.s32 $0x0;
	[sflag:s11] =	ssyncset.done $0x0;
	v30 =	vld [tilespmem:$0x1FFA0]  }
0x6d: {  	s22 =	smov.u32 s17;
	s23 =	simm.s32 $0x0;
	v21 =	vlaneseq.u32;
	v47 =	vld [tilespmem:$0x1FF80];
	[sflag:s11] =	ssyncadd.s32 $0xFFFF2000  }
.LBB2_3:
0x6e: {  	s24 =	sadd.s32 $0xC800, s20  }
0x6f: {  	s25 =	sand.u32 $0x380, s23;
	s24 =	sand.u32 $0xE000, s24  }
0x70: {  	s24 =	sor.u32 s25, s24  }
0x71: {  	v63 =	vld [tilespmem:s24+$0x0]  }
0x72: {  	v1 =	vld [tilespmem:s24+$0x10]  }
0x73: {  	v2 =	vld [tilespmem:s24+$0x20]  }
0x74: {  	v3 =	vld [tilespmem:s24+$0x30]  }
0x75: {  	v4 =	vld [tilespmem:s24+$0x40]  }
0x76: {  	v5 =	vld [tilespmem:s24+$0x50]  }
0x77: {  	v6 =	vld [tilespmem:s24+$0x60]  }
0x78: {  	v22 =	vimm.s32 $0x0;
	v7 =	vld [tilespmem:s24+$0x70];
	vm0 =	vlt.f32 v1, $-Inf;
	vm1 =	vgt.f32 v1, $-Inf  }
0x79: {  	v25 =	vmovc v8;
	v8 =	vld [tilespmem:s24+$0x400];
	vm2 =	vgt.f32 v63, $-Inf;
	vm9 =	vlt.f32 v2, $-Inf;
	vm10 =	vgt.f32 v2, $-Inf  }
0x7a: {  	v9 =	vld [tilespmem:s24+$0x410];
	vm3 =	vlt.f32 v3, $-Inf;
	vm4 =	vgt.f32 v3, $-Inf;
	vm0 =	vmor vm1, vm0  }
0x7b: {  	v51 =	vmovc v10;
	v10 =	vld [tilespmem:s24+$0x420];
	v63 =	vnsel vm2, $0xFF800000, v63;
	vm11 =	vmor vm10, vm9;
	vm15 =	vmor vm4, vm3  }
0x7c: {  	v55 =	vmovc v13;
	v11 =	vld [tilespmem:s24+$0x430];
	v1 =	vnsel vm0, $0xFF800000, v1;
	v13 =	vsel vm0, v14, v21;
	vm12 =	vgt.f32 v4, v63  }
0x7d: {  	v52 =	vmovc v12;
	v12 =	vld [tilespmem:s24+$0x440];
	v2 =	vnsel vm11, $0xFF800000, v2;
	v3 =	vnsel vm15, $0xFF800000, v3;
	v4 =	vsel vm12, v4, v63  }
0x7e: {  	v56 =	vmovc v15;
	v15 =	vld [tilespmem:s24+$0x460];
	vm13 =	vgt.f32 v5, v1;
	vm14 =	vgt.f32 v6, v2;
	vm5 =	vgt.f32 v7, v3  }
0x7f: {  	v16 =	vmovc v14;
	v14 =	vld [tilespmem:s24+$0x450];
	v1 =	vsel vm13, v5, v1;
	v2 =	vsel vm14, v6, v2;
	v6 =	vsel vm11, v31, v21  }
0x80: {  	v63 =	vld [tilespmem:s24+$0x470];
	v3 =	vsel vm5, v7, v3;
	vm6 =	vgt.f32 v8, v4;
	v13 =	vsel vm13, v34, v13  }
0x81: {  	v5 =	vld [tilespmem:s24+$0x800];
	v4 =	vsel vm6, v8, v4;
	vm7 =	vgt.f32 v9, v1;
	vm8 =	vgt.f32 v10, v2  }
0x82: {  	v8 =	vld [tilespmem:s24+$0x820];
	vm9 =	vgt.f32 v11, v3;
	v6 =	vsel vm14, v35, v6;
	v1 =	vsel vm7, v9, v1  }
0x83: {  	v7 =	vld [tilespmem:s24+$0x810];
	v2 =	vsel vm8, v10, v2;
	v10 =	vsel vm15, v32, v21;
	v3 =	vsel vm9, v11, v3  }
0x84: {  	v9 =	vld [tilespmem:s24+$0x830];
	vm10 =	vgt.f32 v12, v4;
	v13 =	vsel vm7, v38, v13;
	v6 =	vsel vm8, v39, v6  }
0x85: {  	v11 =	vld [tilespmem:s24+$0x840];
	v4 =	vsel vm10, v12, v4;
	vm11 =	vgt.f32 v14, v1;
	vm15 =	vgt.f32 v15, v2  }
0x86: {  	v1 =	vsel vm11, v14, v1;
	v2 =	vsel vm15, v15, v2;
	v14 =	vld [tilespmem:s24+$0x860];
	vm2 =	vgt.f32 v5, v4  }
0x87: {  	v10 =	vsel vm5, v36, v10;
	v4 =	vsel vm2, v5, v4;
	v5 =	vld [tilespmem:s24+$0xC00];
	vm4 =	vgt.f32 v8, v2  }
0x88: {  	vm1 =	vgt.f32 v63, v3;
	v15 =	vsel vm12, v33, v21;
	v2 =	vsel vm4, v8, v2;
	v8 =	vld [tilespmem:s24+$0xC20]  }
0x89: {  	v12 =	vld [tilespmem:s24+$0x850];
	v10 =	vsel vm9, v40, v10;
	v13 =	vsel vm11, v42, v13;
	v6 =	vsel vm15, v43, v6  }
0x8a: {  	v3 =	vsel vm1, v63, v3;
	v63 =	vld [tilespmem:s24+$0x870];
	v15 =	vsel vm6, v37, v15;
	vm6 =	vgt.f32 v11, v4  }
0x8b: {  	vm3 =	vgt.f32 v7, v1;
	v4 =	vsel vm6, v11, v4;
	v11 =	vld [tilespmem:s24+$0xC40];
	vm8 =	vgt.f32 v14, v2  }
0x8c: {  	v15 =	vsel vm10, v41, v15;
	v2 =	vsel vm8, v14, v2;
	v14 =	vld [tilespmem:s24+$0xC60];
	vm10 =	vgt.f32 v5, v4  }
0x8d: {  	v10 =	vsel vm1, v44, v10;
	v4 =	vsel vm10, v5, v4;
	v5 =	vld [tilespmem:s24+$0x1000];
	vm12 =	vgt.f32 v8, v2  }
0x8e: {  	v1 =	vsel vm3, v7, v1;
	vm5 =	vgt.f32 v9, v3;
	v2 =	vsel vm12, v8, v2;
	v8 =	vld [tilespmem:s24+$0x1020]  }
0x8f: {  	v7 =	vld [tilespmem:s24+$0xC10];
	v15 =	vsel vm2, v45, v15;
	v3 =	vsel vm5, v9, v3;
	vm7 =	vgt.f32 v12, v1  }
0x90: {  	v9 =	vld [tilespmem:s24+$0xC30];
	v15 =	vsel vm6, v50, v15;
	v1 =	vsel vm7, v12, v1;
	vm2 =	vgt.f32 v11, v4  }
0x91: {  	v12 =	vld [tilespmem:s24+$0xC50];
	vm9 =	vgt.f32 v63, v3;
	v4 =	vsel vm2, v11, v4;
	vm14 =	vgt.f32 v14, v2  }
0x92: {  	v3 =	vsel vm9, v63, v3;
	v2 =	vsel vm14, v14, v2;
	v14 =	vld [tilespmem:s24+$0x1060];
	vm6 =	vgt.f32 v5, v4  }
0x93: {  	v63 =	vld [tilespmem:s24+$0xC70];
	v22 =	vsel vm6, $0xFFFFFFFF, v22;
	v4 =	vsel vm6, v5, v4;
	vm6 =	vgt.f32 v8, v2  }
0x94: {  	v13 =	vsel vm3, v46, v13;
	vm11 =	vgt.f32 v7, v1;
	v2 =	vsel vm6, v8, v2;
	v8 =	vld [tilespmem:s24+$0x1420]  }
0x95: {  	v6 =	vsel vm4, v48, v6;
	v1 =	vsel vm11, v7, v1;
	v7 =	vld [tilespmem:s24+$0x1010];
	vm13 =	vgt.f32 v9, v3  }
0x96: {  	v10 =	vsel vm5, v49, v10;
	v6 =	vsel vm8, v54, v6;
	v3 =	vsel vm13, v9, v3;
	v9 =	vld [tilespmem:s24+$0x1030]  }
0x97: {  	v13 =	vsel vm7, v53, v13;
	v6 =	vsel vm12, v61, v6;
	v11 =	vld [tilespmem:s24+$0x1040];
	vm12 =	vgt.f32 v14, v2  }
0x98: {  	v10 =	vsel vm9, v57, v10;
	vm3 =	vgt.f32 v12, v1;
	v2 =	vsel vm12, v14, v2;
	v14 =	vld [tilespmem:s24+$0x1460]  }
0x99: {  	v15 =	vsel vm10, v58, v15;
	v1 =	vsel vm3, v12, v1;
	v12 =	vld [tilespmem:s24+$0x1050];
	vm10 =	vgt.f32 v8, v2  }
0x9a: {  	v13 =	vsel vm11, v60, v13;
	vm15 =	vgt.f32 v63, v3;
	v2 =	vsel vm10, v8, v2;
	v8 =	vld [tilespmem:s24+$0x1820]  }
0x9b: {  	v10 =	vsel vm13, v62, v10;
	v3 =	vsel vm15, v63, v3;
	v63 =	vld [tilespmem:s24+$0x1070];
	vm0 =	vgt.f32 v7, v1  }
0x9c: {  	v13 =	vsel vm3, v19, v13;
	v1 =	vsel vm0, v7, v1;
	v7 =	vld [tilespmem:s24+$0x1410];
	vm7 =	vgt.f32 v9, v3  }
0x9d: {  	v13 =	vsel vm0, v24, v13;
	v3 =	vsel vm7, v9, v3;
	v9 =	vld [tilespmem:s24+$0x1430];
	vm0 =	vgt.f32 v14, v2  }
0x9e: {  	v15 =	vsel vm2, v18, v15;
	v5 =	vld [tilespmem:s24+$0x1400];
	vm5 =	vgt.f32 v12, v1;
	v2 =	vsel vm0, v14, v2  }
0x9f: {  	v6 =	vsel vm14, v20, v6;
	v1 =	vsel vm5, v12, v1;
	v12 =	vld [tilespmem:s24+$0x1450];
	vm13 =	vgt.f32 v8, v2  }
0xa0: {  	v10 =	vsel vm15, v23, v10;
	vm8 =	vgt.f32 v63, v3;
	v2 =	vsel vm13, v8, v2;
	v8 =	vld [tilespmem:$0x1FEB0]  }
0xa1: {  	vm1 =	vgt.f32 v11, v4;
	v3 =	vsel vm8, v63, v3;
	v63 =	vld [tilespmem:s24+$0x1470];
	vm4 =	vgt.f32 v7, v1  }
0xa2: {  	v6 =	vsel vm6, v26, v6;
	v1 =	vsel vm4, v7, v1;
	v7 =	vld [tilespmem:s24+$0x1810];
	vm11 =	vgt.f32 v9, v3  }
0xa3: {  	v4 =	vsel vm1, v11, v4;
	v10 =	vsel vm7, v27, v10;
	v3 =	vsel vm11, v9, v3;
	v9 =	vld [tilespmem:s24+$0x1830]  }
0xa4: {  	s28 =	sand.u32 $0x7, s19;
	v11 =	vld [tilespmem:s24+$0x1440];
	v6 =	vsel vm12, v28, v6;
	vm2 =	vgt.f32 v5, v4;
	v10 =	vsel vm8, v29, v10  }
0xa5: {  	s25 =	sshll.u32 s28, $0x7;
	vm6 =	vgt.f32 v12, v1;
	v6 =	vsel vm10, v8, v6;
	v8 =	vsel vm11, v0, v10;
	v10 =	vld [tilespmem:$0x1FEF0]  }
0xa6: {  	s25 =	sadd.s32 s25, s21;
	v4 =	vsel vm2, v5, v4;
	v5 =	vld [tilespmem:s24+$0x1800];
	v1 =	vsel vm6, v12, v1;
	vm12 =	vgt.f32 v63, v3  }
0xa7: {  	s30 =	sor.u32 $0x1C30, s25;
	v3 =	vsel vm12, v63, v3;
	vm9 =	vgt.f32 v7, v1;
	v63 =	vld [tilespmem:s24+$0x1870]  }
0xa8: {  	v1 =	vsel vm9, v7, v1;
	v7 =	vld [tilespmem:s30+$0x0];
	vm14 =	vgt.f32 v9, v3  }
0xa9: {  	v3 =	vsel vm14, v9, v3;
	v9 =	vld [tilespmem:$0x1FEE0]  }
0xaa: {  	v8 =	vsel vm12, v10, v8;
	v10 =	vld [tilespmem:$0x1FF10];
	_ =	sdelay $0x1  }
0xab: {  	vm3 =	vgt.f32 v11, v4  }
0xac: {  	v4 =	vsel vm3, v11, v4;
	v14 =	vld [tilespmem:s24+$0x1860];
	vm11 =	vgt.f32 v63, v3  }
0xad: {  	s29 =	sor.u32 $0x1C20, s25;
	vm7 =	vgt.f32 v5, v4;
	v6 =	vsel vm0, v9, v6;
	v3 =	vsel vm11, v63, v3  }
0xae: {  	v4 =	vsel vm7, v5, v4;
	v5 =	vld [tilespmem:s29+$0x0];
	v6 =	vsel vm13, v10, v6;
	vm13 =	vgt.f32 v7, v3  }
0xaf: {  	v3 =	vsel vm13, v7, v3;
	v7 =	vld [tilespmem:$0x1FF20];
	_ =	sdelay $0x1  }
0xb0: {  	[tilespmem:$0x1FC70] =	vst v22;
	v22 =	vld [tilespmem:$0x1FED0];
	vm10 =	vgt.f32 v14, v2  }
0xb1: {  	v2 =	vsel vm10, v14, v2  }
0xb2: {  	vm12 =	vgt.f32 v5, v2  }
0xb3: {  	v2 =	vsel vm12, v5, v2;
	v5 =	vsel vm5, v52, v13;
	v7 =	vsel vm14, v7, v8;
	v8 =	vld [tilespmem:$0x1FF30]  }
0xb4: {  	v11 =	vld [tilespmem:s24+$0x1840];
	v5 =	vsel vm4, v56, v5  }
0xb5: {  	s26 =	sor.u32 $0x1C00, s25;
	v5 =	vsel vm6, v22, v5;
	v22 =	vld [tilespmem:$0x1FF00]  }
0xb6: {  	v10 =	vld [tilespmem:s26+$0x0]  }
0xb7: {  	v12 =	vld [tilespmem:s24+$0x1850]  }
0xb8: {  	s31 =	sor.u32 $0x1C58, s25;
	v6 =	vsel vm10, v8, v6;
	v8 =	vld [tilespmem:$0x1FF40]  }
0xb9: {  	vm8 =	vgt.f32 v11, v4;
	v9 =	vld [tilespmem:s31+$0x0]  }
0xba: {  	v4 =	vsel vm8, v11, v4  }
0xbb: {  	v5 =	vsel vm9, v22, v5;
	v22 =	vmov v0;
	v0 =	vld [tilespmem:$0x1FFB0];
	vm5 =	vgt.f32 v10, v4  }
0xbc: {  	s28 =	sor.u32 $0x1C10, s25;
	v4 =	vsel vm5, v10, v4;
	v10 =	vld [tilespmem:$0x1FC70]  }
0xbd: {  	v7 =	vsel vm11, v8, v7;
	v8 =	vld [tilespmem:s28+$0x0]  }
0xbe: {  	s29 =	sor.u32 $0x1C50, s25;
	v11 =	vld [tilespmem:$0x1FFE0];
	vm0 =	vgt.f32 v12, v1;
	v6 =	vsel vm12, v59, v6;
	vm12 =	vgt.f32 v9, v2  }
0xbf: {  	v1 =	vsel vm0, v12, v1;
	v2 =	vsel vm12, v9, v2;
	v9 =	vld [tilespmem:s29+$0x0]  }
0xc0: {  	v5 =	vsel vm0, v0, v5;
	v0 =	vld [tilespmem:$0x1FF50];
	v6 =	vsel vm12, v47, v6;
	v7 =	vsel vm13, v17, v7  }
0xc1: {  	v63 =	vld [tilespmem:$0x1FFC0];
	vm12 =	vnez.u8 v10;
	vm13 =	veq.f32 v3, v2;
	vm14 =	vlt.u32 v7, v6  }
0xc2: {  	vm11 =	vgt.f32 v3, v2;
	vm10 =	vmand vm13, vm14;
	vm4 =	vgt.f32 v8, v1  }
0xc3: {  	v10 =	vsel vm12, v11, v15;
	vm15 =	vmor vm11, vm10;
	v1 =	vsel vm4, v8, v1  }
0xc4: {  	v2 =	vsel vm15, v3, v2;
	v3 =	vsel vm1, v51, v10;
	vm6 =	vgt.f32 v9, v1  }
0xc5: {  	v3 =	vsel vm2, v55, v3;
	v5 =	vsel vm4, v0, v5;
	v1 =	vsel vm6, v9, v1;
	v9 =	vld [tilespmem:$0x1FFD0]  }
0xc6: {  	v3 =	vsel vm3, v63, v3;
	v63 =	vmovc v31;
	v31 =	vmov v30;
	v5 =	vsel vm6, v30, v5;
	v30 =	vld [tilespmem:$0x1FF90];
	_ =	sdelay $0x1  }
0xc7: {  	s30 =	sor.u32 $0x1C40, s25  }
0xc8: {  	v6 =	vsel vm15, v7, v6;
	v7 =	vld [tilespmem:s30+$0x0]  }
0xc9: {  	v3 =	vsel vm7, v9, v3  }
0xca: {  	v3 =	vsel vm8, v30, v3;
	v30 =	vmov v31;
	v31 =	vmov v63;
	v63 =	vld [tilespmem:$0x1FFF0];
	_ =	sdelay $0x1  }
0xcb: {  	vm9 =	vlt.u32 v6, v5;
	vm8 =	veq.f32 v2, v1  }
0xcc: {  	vm11 =	vgt.f32 v2, v1;
	vm10 =	vgt.f32 v7, v4;
	vm0 =	vmand vm8, vm9  }
0xcd: {  	v4 =	vsel vm10, v7, v4;
	v3 =	vsel vm5, v25, v3;
	vm0 =	vmor vm11, vm0  }
0xce: {  	v1 =	vsel vm0, v2, v1;
	v2 =	vsel vm0, v6, v5;
	v3 =	vsel vm10, v63, v3  }
0xcf: {  	vm12 =	veq.f32 v1, v4;
	vm13 =	vlt.u32 v2, v3  }
0xd0: {  	vm14 =	vgt.f32 v1, v4;
	vm0 =	vmand vm12, vm13  }
0xd1: {  	vm0 =	vmor vm14, vm0  }
0xd2: {  	v1 =	vsel vm0, v1, v4  }
0xd3: {  	(xrf0) =	vmax.scan.msk.f32 $0xffff, v1;
	_ =	sdelay $0x5  }
0xd4: {  	v63, _, _ =	vpop (xrf0)  }
0xd5: {  	v4 =	vbroadcast v63, $0xF  }
0xd6: {  	v2 =	vsel vm0, v2, v3  }
0xd7: {  	vm15 =	veq.f32 v1, v4;
	v1 =	vxor.u32 $0x80000000, v2  }
0xd8: {  	v1 =	vnsel vm15, $0x800003E8, v1  }
0xd9: {  	(xrf0) =	vmin.scan.msk.u32 $0xffff, v1;
	_ =	sdelay $0x5  }
0xda: {  	v1, _, _ =	vpop (xrf0)  }
0xdb: {  	(v2sf) =	vpush v1, $0xF;
	_ =	sdelay $0x1  }
0xdc: {  	v0 =	vmovc v29;
	v29 =	vmov v28;
	v28 =	vmov v27;
	v27 =	vmov v26  }
0xdd: {  	v26 =	vmovc v24;
	v24 =	vmovc v23;
	v23 =	vmov v20;
	v20 =	vmov v19;
	v19 =	vmov v18  }
0xde: {  	v18 =	vmovc v62;
	v62 =	vmovc v61;
	v61 =	vmov v60;
	v60 =	vmov v58;
	v58 =	vmov v57  }
0xdf: {  	v57 =	vmovc v54;
	v54 =	vmovc v53;
	v53 =	vmov v50;
	v50 =	vmov v49;
	v49 =	vmov v48  }
0xe0: {  	v48 =	vmovc v46;
	v46 =	vmovc v45;
	v45 =	vmov v44;
	v44 =	vmov v43;
	v43 =	vmov v42  }
0xe1: {  	v42 =	vmovc v41;
	v41 =	vmovc v40;
	v40 =	vmov v39;
	v39 =	vmov v38;
	v38 =	vmov v37  }
0xe2: {  	v37 =	vmovc v36;
	v36 =	vmovc v35;
	v35 =	vmov v34;
	v34 =	vmov v33;
	v33 =	vmov v32;
	_ =	sdelay $0x1  }
0xe3: {  	v14 =	vmov v16;
	v12 =	vmov v52;
	v13 =	vmov v55  }
0xe4: {  	v15 =	vmovc v56;
	v10 =	vmovc v51;
	v8 =	vmov v25;
	v32 =	vmov v33;
	v33 =	vmov v34  }
0xe5: {  	v34 =	vmovc v35;
	v35 =	vmovc v36;
	v36 =	vmov v37;
	v37 =	vmov v38;
	v38 =	vmov v39  }
0xe6: {  	p0 =	sne.s32 s23, $0x1880;
	v39 =	vmovc v40;
	v40 =	vmovc v41;
	v41 =	vmov v42;
	v42 =	vmov v43;
	v1 =	vmov s22  }
.Ltmp2:
0xe7: {  	v43 =	vmovc v44;
	v44 =	vmovc v45;
	v45 =	vmov v46;
	v46 =	vmov v48;
	v48 =	vmov v49;
	(pc) =	sbr.rel @p0 .LBB2_3-.Ltmp2, $4  }
0xe8: {  	v49 =	vmovc v50;
	v50 =	vmovc v53;
	v53 =	vmov v54;
	v54 =	vmov v57;
	v57 =	vmov v58;
	s31 =	spop (v2sf)  }
0xe9: {  	v58 =	vmovc v60;
	v60 =	vmovc v61;
	v61 =	vmov v62;
	v62 =	vmov v18;
	v18 =	vmov v19;
	s24 =	sxor.u32 $0x80000000, s31  }
0xea: {  	s19 =	sadd.s32 $0x1, s19;
	s20 =	sadd.s32 $0x400, s20;
	v19 =	vmovc v20;
	v20 =	vmovc v23;
	v23 =	vmov v24;
	v24 =	vmov v26;
	v2 =	vmov s24  }
0xeb: {  	s23 =	sadd.s32 $0x80, s23;
	s21 =	sadd.s32 $0x400, s21;
	v26 =	vmovc v27;
	v27 =	vmovc v28;
	v28 =	vmov v29;
	v29 =	vmov v0;
	v0 =	vmov v22;
	s22 =	sadd.s32 $0x1, s22;
	[tilespmem:v1+s12+$0x0] =	vst.idx.msk $0x1, v2  }
0xec: {  	s19 =	sshll.u32 s18, $0x1;
	p0 =	seq.s32 s18, $0xF  }
0xed: {  	s20 =	sadd.s32 @!p0 s19, s6  }
0xee: {  	s20 =	smul.u32 @!p0 $0x1C00, s20;
	_ =	sdelay $0x1  }
0xef: {  	s21 =	simm.s32 @!p0 $0x0;
	s20 =	sadd.s32 @!p0 s3, s20  }
0xf0: {  	[tilespmem:s21], [sflag:$0x1] =	stream.linear.gather @!p0 [hbm4b:s20+s21], $0xE000, $0x38;
	[tilespmem:$0x1C680] =	vst v63  }
0xf1: {  	s22 =	simm.s32 $0x0;
	_ =	swait.ge [sflag:s13], $0xE000  }
0xf2: {  	s23 =	smov.u32 s16;
	s24 =	simm.s32 $0x0;
	[sflag:s13] =	ssyncset.done $0x0  }
0xf3: {  	s20 =	simm.s32 $0x0;
	s21 =	simm.s32 $0xFFFF3800;
	[sflag:s13] =	ssyncadd.s32 $0xFFFF2000  }
.LBB2_5:
0xf4: {  	s25 =	sadd.s32 $0xC800, s21  }
0xf5: {  	s26 =	sand.u32 $0x380, s24;
	s25 =	sand.u32 $0xE000, s25  }
0xf6: {  	s25 =	sor.u32 s26, s25  }
0xf7: {  	v1 =	vld [tilespmem:s25+$0xE000]  }
0xf8: {  	v2 =	vld [tilespmem:s25+$0xE010]  }
0xf9: {  	v3 =	vld [tilespmem:s25+$0xE020]  }
0xfa: {  	v4 =	vld [tilespmem:s25+$0xE030]  }
0xfb: {  	v5 =	vld [tilespmem:s25+$0xE040]  }
0xfc: {  	v6 =	vld [tilespmem:s25+$0xE050]  }
0xfd: {  	v7 =	vld [tilespmem:s25+$0xE060]  }
0xfe: {  	v8 =	vld [tilespmem:s25+$0xE070];
	vm0 =	vlt.f32 v2, $-Inf;
	vm1 =	vgt.f32 v2, $-Inf;
	vm2 =	vgt.f32 v1, $-Inf  }
0xff: {  	v9 =	vld [tilespmem:s25+$0xE400];
	vm9 =	vlt.f32 v3, $-Inf;
	vm10 =	vgt.f32 v3, $-Inf;
	vm3 =	vlt.f32 v4, $-Inf  }
0x100: {  	v10 =	vld [tilespmem:s25+$0xE410];
	vm4 =	vgt.f32 v4, $-Inf;
	vm0 =	vmor vm1, vm0;
	v1 =	vnsel vm2, $0xFF800000, v1  }
0x101: {  	v11 =	vld [tilespmem:s25+$0xE420];
	vm11 =	vmor vm10, vm9;
	vm15 =	vmor vm4, vm3;
	v2 =	vnsel vm0, $0xFF800000, v2  }
0x102: {  	v12 =	vld [tilespmem:s25+$0xE430];
	v14 =	vsel vm0, v16, v21;
	v3 =	vnsel vm11, $0xFF800000, v3;
	vm12 =	vgt.f32 v5, v1  }
0x103: {  	v13 =	vld [tilespmem:s25+$0xE440];
	v4 =	vnsel vm15, $0xFF800000, v4;
	v1 =	vsel vm12, v5, v1;
	vm13 =	vgt.f32 v6, v2  }
0x104: {  	v15 =	vld [tilespmem:s25+$0xE450];
	vm14 =	vgt.f32 v7, v3;
	vm5 =	vgt.f32 v8, v4;
	v2 =	vsel vm13, v6, v2  }
0x105: {  	v63 =	vld [tilespmem:s25+$0xE460];
	v3 =	vsel vm14, v7, v3;
	v7 =	vsel vm11, v31, v21;
	vm6 =	vgt.f32 v9, v1  }
0x106: {  	v6 =	vld [tilespmem:s25+$0xE800];
	v4 =	vsel vm5, v8, v4;
	v14 =	vsel vm13, v34, v14;
	v1 =	vsel vm6, v9, v1  }
0x107: {  	v5 =	vld [tilespmem:s25+$0xE470];
	vm7 =	vgt.f32 v10, v2;
	vm8 =	vgt.f32 v11, v3;
	vm9 =	vgt.f32 v12, v4  }
0x108: {  	v7 =	vsel vm14, v35, v7;
	v2 =	vsel vm7, v10, v2;
	v4 =	vsel vm9, v12, v4;
	v12 =	vld [tilespmem:s25+$0xE840]  }
0x109: {  	v8 =	vld [tilespmem:s25+$0xE810];
	v3 =	vsel vm8, v11, v3;
	v11 =	vsel vm15, v32, v21;
	vm10 =	vgt.f32 v13, v1  }
0x10a: {  	v9 =	vld [tilespmem:s25+$0xE820];
	v14 =	vsel vm7, v38, v14;
	v7 =	vsel vm8, v39, v7;
	v1 =	vsel vm10, v13, v1  }
0x10b: {  	v10 =	vld [tilespmem:s25+$0xE830];
	vm11 =	vgt.f32 v15, v2;
	vm15 =	vgt.f32 v63, v3;
	vm2 =	vgt.f32 v6, v1  }
0x10c: {  	v3 =	vsel vm15, v63, v3;
	v63 =	vsel vm12, v33, v21;
	v1 =	vsel vm2, v6, v1;
	v6 =	vld [tilespmem:s25+$0xEC00]  }
0x10d: {  	v13 =	vld [tilespmem:s25+$0xE850];
	v11 =	vsel vm5, v36, v11;
	v63 =	vsel vm6, v37, v63;
	vm6 =	vgt.f32 v12, v1  }
0x10e: {  	v2 =	vsel vm11, v15, v2;
	vm1 =	vgt.f32 v5, v4;
	v1 =	vsel vm6, v12, v1;
	v12 =	vld [tilespmem:s25+$0xEC40]  }
0x10f: {  	v15 =	vld [tilespmem:s25+$0xE860];
	v11 =	vsel vm9, v40, v11;
	v14 =	vsel vm11, v42, v14;
	v7 =	vsel vm15, v43, v7  }
0x110: {  	v4 =	vsel vm1, v5, v4;
	v5 =	vld [tilespmem:s25+$0xE870];
	vm3 =	vgt.f32 v8, v2;
	v11 =	vsel vm1, v44, v11  }
0x111: {  	v2 =	vsel vm3, v8, v2;
	v8 =	vld [tilespmem:s25+$0xEC10];
	v63 =	vsel vm10, v41, v63;
	vm10 =	vgt.f32 v6, v1  }
0x112: {  	vm4 =	vgt.f32 v9, v3;
	v14 =	vsel vm3, v46, v14;
	v1 =	vsel vm10, v6, v1;
	v6 =	vld [tilespmem:s25+$0xF000]  }
0x113: {  	v3 =	vsel vm4, v9, v3;
	v9 =	vld [tilespmem:s25+$0xEC20];
	v63 =	vsel vm2, v45, v63;
	vm2 =	vgt.f32 v12, v1  }
0x114: {  	vm5 =	vgt.f32 v10, v4;
	v7 =	vsel vm4, v48, v7;
	v1 =	vsel vm2, v12, v1;
	v12 =	vld [tilespmem:s25+$0xF040]  }
0x115: {  	v4 =	vsel vm5, v10, v4;
	v10 =	vld [tilespmem:s25+$0xEC30];
	vm7 =	vgt.f32 v13, v2;
	v11 =	vsel vm5, v49, v11  }
0x116: {  	v63 =	vsel vm6, v50, v63;
	v2 =	vsel vm7, v13, v2;
	vm9 =	vgt.f32 v5, v4  }
0x117: {  	vm8 =	vgt.f32 v15, v3;
	v4 =	vsel vm9, v5, v4;
	v5 =	vld [tilespmem:s25+$0xEC70];
	vm6 =	vgt.f32 v6, v1  }
0x118: {  	v14 =	vsel vm7, v53, v14;
	vm11 =	vgt.f32 v8, v2;
	v1 =	vsel vm6, v6, v1;
	v6 =	vld [tilespmem:s25+$0xF400]  }
0x119: {  	v13 =	vld [tilespmem:s25+$0xEC50];
	v3 =	vsel vm8, v15, v3;
	v2 =	vsel vm11, v8, v2;
	vm1 =	vgt.f32 v12, v1  }
0x11a: {  	vm12 =	vgt.f32 v9, v3;
	vm13 =	vgt.f32 v10, v4;
	v1 =	vsel vm1, v12, v1;
	v12 =	vld [tilespmem:s25+$0xF440]  }
0x11b: {  	v15 =	vld [tilespmem:s25+$0xEC60];
	v63 =	vsel vm10, v58, v63;
	v14 =	vsel vm11, v60, v14;
	v4 =	vsel vm13, v10, v4  }
0x11c: {  	v3 =	vsel vm12, v9, v3;
	v9 =	vld [tilespmem:s25+$0xF020];
	v63 =	vsel vm2, v18, v63;
	vm15 =	vgt.f32 v5, v4  }
0x11d: {  	v10 =	vld [tilespmem:s25+$0xF030];
	v4 =	vsel vm15, v5, v4;
	v5 =	vimm.s32 $0x0;
	vm2 =	vgt.f32 v6, v1  }
0x11e: {  	vm3 =	vgt.f32 v13, v2;
	v5 =	vsel vm6, $0xFFFFFFFF, v5;
	v1 =	vsel vm2, v6, v1;
	v6 =	vld [tilespmem:s25+$0xF800]  }
0x11f: {  	v2 =	vsel vm3, v13, v2;
	v14 =	vsel vm3, v19, v14;
	[tilespmem:$0x1FC60] =	vst v5;
	v5 =	vld [tilespmem:s25+$0xF070];
	vm3 =	vgt.f32 v12, v1  }
0x120: {  	v11 =	vsel vm9, v57, v11;
	vm14 =	vgt.f32 v15, v3;
	v1 =	vsel vm3, v12, v1;
	v12 =	vld [tilespmem:s25+$0xF840]  }
0x121: {  	v7 =	vsel vm8, v54, v7;
	v11 =	vsel vm13, v62, v11;
	v3 =	vsel vm14, v15, v3  }
0x122: {  	v11 =	vsel vm15, v23, v11;
	vm6 =	vgt.f32 v9, v3;
	vm7 =	vgt.f32 v10, v4  }
0x123: {  	v15 =	vld [tilespmem:s25+$0xF060];
	v4 =	vsel vm7, v10, v4;
	v11 =	vsel vm7, v27, v11;
	vm7 =	vgt.f32 v6, v1  }
0x124: {  	v3 =	vsel vm6, v9, v3;
	v9 =	vld [tilespmem:s25+$0xF420];
	vm8 =	vgt.f32 v5, v4;
	v1 =	vsel vm7, v6, v1  }
0x125: {  	v10 =	vld [tilespmem:s25+$0xF430];
	v4 =	vsel vm8, v5, v4;
	v11 =	vsel vm8, v29, v11;
	vm8 =	vgt.f32 v12, v1  }
0x126: {  	v1 =	vsel vm8, v12, v1;
	v12 =	vld [tilespmem:$0x1FEB0]  }
0x127: {  	v7 =	vsel vm12, v61, v7  }
0x128: {  	v7 =	vsel vm14, v20, v7;
	vm12 =	vgt.f32 v15, v3  }
0x129: {  	v8 =	vld [tilespmem:s25+$0xF010];
	v7 =	vsel vm6, v26, v7;
	v3 =	vsel vm12, v15, v3  }
0x12a: {  	v15 =	vld [tilespmem:s25+$0xF460];
	v7 =	vsel vm12, v28, v7;
	vm10 =	vgt.f32 v9, v3;
	vm11 =	vgt.f32 v10, v4  }
0x12b: {  	v7 =	vsel vm10, v12, v7;
	v12 =	vsel vm11, v0, v11;
	v0 =	vld [tilespmem:$0x1FEE0];
	_ =	sdelay $0x1  }
0x12c: {  	v13 =	vld [tilespmem:s25+$0xF050]  }
0x12d: {  	vm0 =	vgt.f32 v8, v2;
	v5 =	vld [tilespmem:s25+$0xF470];
	v3 =	vsel vm10, v9, v3  }
0x12e: {  	v2 =	vsel vm0, v8, v2;
	v14 =	vsel vm0, v24, v14;
	v9 =	vld [tilespmem:s25+$0xF820];
	vm0 =	vgt.f32 v15, v3  }
0x12f: {  	v7 =	vsel vm0, v0, v7;
	v0 =	vld [tilespmem:$0x1FEF0]  }
0x130: {  	v8 =	vld [tilespmem:s25+$0xF410]  }
0x131: {  	vm5 =	vgt.f32 v13, v2  }
0x132: {  	v2 =	vsel vm5, v13, v2;
	v13 =	vld [tilespmem:s25+$0xF450];
	v4 =	vsel vm11, v10, v4;
	v3 =	vsel vm0, v15, v3  }
0x133: {  	vm12 =	vgt.f32 v5, v4;
	vm13 =	vgt.f32 v9, v3  }
0x134: {  	v3 =	vsel vm13, v9, v3;
	v9 =	vsel vm12, v0, v12;
	v0 =	vld [tilespmem:$0x1FF10]  }
0x135: {  	vm4 =	vgt.f32 v8, v2  }
0x136: {  	v2 =	vsel vm4, v8, v2;
	v8 =	vld [tilespmem:s25+$0xF810]  }
0x137: {  	vm6 =	vgt.f32 v13, v2;
	v10 =	vld [tilespmem:s25+$0xF830]  }
0x138: {  	v2 =	vsel vm6, v13, v2;
	v13 =	vld [tilespmem:s25+$0xF850]  }
0x139: {  	v7 =	vsel vm13, v0, v7;
	v0 =	vld [tilespmem:$0x1FF20];
	_ =	sdelay $0x1  }
0x13a: {  	vm9 =	vgt.f32 v8, v2  }
0x13b: {  	v2 =	vsel vm9, v8, v2;
	v4 =	vsel vm12, v5, v4  }
0x13c: {  	v15 =	vld [tilespmem:s25+$0xF860];
	vm14 =	vgt.f32 v10, v4;
	vm0 =	vgt.f32 v13, v2  }
0x13d: {  	s31 =	sand.u32 $0x7, s20;
	v2 =	vsel vm0, v13, v2;
	v13 =	vsel vm14, v0, v9;
	v0 =	vld [tilespmem:$0x1FF30]  }
0x13e: {  	s26 =	sshll.u32 s31, $0x7  }
0x13f: {  	s26 =	sadd.s32 s26, s22;
	v5 =	vld [tilespmem:s25+$0xF870]  }
0x140: {  	s29 =	sor.u32 $0x1C30, s26  }
0x141: {  	v8 =	vld [tilespmem:s29+$0xE000];
	vm10 =	vgt.f32 v15, v3  }
0x142: {  	v7 =	vsel vm10, v0, v7;
	v0 =	vld [tilespmem:$0x1FF40]  }
0x143: {  	s28 =	sor.u32 $0x1C20, s26;
	v4 =	vsel vm14, v10, v4  }
0x144: {  	v6 =	vld [tilespmem:s28+$0xE000];
	vm11 =	vgt.f32 v5, v4  }
0x145: {  	s30 =	sor.u32 $0x1C58, s26;
	v4 =	vsel vm11, v5, v4  }
0x146: {  	v10 =	vld [tilespmem:s30+$0xE000];
	vm13 =	vgt.f32 v8, v4  }
0x147: {  	v4 =	vsel vm13, v8, v4;
	v8 =	vsel vm11, v0, v13;
	v0 =	vld [tilespmem:$0x1FC60]  }
0x148: {  	v3 =	vsel vm10, v15, v3  }
0x149: {  	vm12 =	vgt.f32 v6, v3  }
0x14a: {  	s31 =	sor.u32 $0x1C00, s26;
	v3 =	vsel vm12, v6, v3  }
0x14b: {  	v12 =	vld [tilespmem:s31+$0xE000];
	v7 =	vsel vm12, v59, v7;
	vm12 =	vgt.f32 v10, v3  }
0x14c: {  	v3 =	vsel vm12, v10, v3;
	v7 =	vsel vm12, v47, v7;
	vm12 =	vnez.u8 v0;
	v0 =	vld [tilespmem:$0x1FED0];
	_ =	sdelay $0x1  }
0x14d: {  	v11 =	vld [tilespmem:$0x1FFE0]  }
0x14e: {  	v6 =	vsel vm5, v52, v14  }
0x14f: {  	v6 =	vsel vm4, v56, v6  }
0x150: {  	vm5 =	vgt.f32 v12, v1;
	v6 =	vsel vm6, v0, v6;
	v0 =	vld [tilespmem:$0x1FF00]  }
0x151: {  	s29 =	sor.u32 $0x1C50, s26;
	v1 =	vsel vm5, v12, v1;
	v12 =	vld [tilespmem:$0x1FFC0];
	v8 =	vsel vm13, v17, v8  }
0x152: {  	v5 =	vld [tilespmem:s29+$0xE000];
	vm13 =	veq.f32 v4, v3;
	vm14 =	vlt.u32 v8, v7;
	v14 =	vsel vm12, v11, v63  }
0x153: {  	s28 =	sor.u32 $0x1C10, s26;
	vm11 =	vgt.f32 v4, v3;
	vm10 =	vmand vm13, vm14;
	v13 =	vsel vm1, v51, v14;
	v14 =	vld [tilespmem:$0x1FFD0]  }
0x154: {  	v9 =	vld [tilespmem:s28+$0xE000];
	vm15 =	vmor vm11, vm10  }
0x155: {  	v3 =	vsel vm15, v4, v3;
	v4 =	vsel vm2, v55, v13;
	v6 =	vsel vm9, v0, v6;
	v0 =	vld [tilespmem:$0x1FFB0]  }
0x156: {  	v4 =	vsel vm3, v12, v4;
	v12 =	vld [tilespmem:$0x1FF50];
	_ =	sdelay $0x1  }
0x157: {  	s30 =	sor.u32 $0x1C40, s26;
	v4 =	vsel vm7, v14, v4;
	v14 =	vld [tilespmem:$0x1FF90]  }
0x158: {  	vm4 =	vgt.f32 v9, v2;
	v7 =	vsel vm15, v8, v7;
	v8 =	vld [tilespmem:s30+$0xE000]  }
0x159: {  	v2 =	vsel vm4, v9, v2;
	v6 =	vsel vm0, v0, v6  }
0x15a: {  	v63 =	vld [tilespmem:$0x1FFF0];
	vm6 =	vgt.f32 v5, v2;
	v6 =	vsel vm4, v12, v6  }
0x15b: {  	v2 =	vsel vm6, v5, v2;
	v13 =	vsel vm6, v30, v6  }
0x15c: {  	v4 =	vsel vm8, v14, v4;
	vm8 =	veq.f32 v3, v2;
	vm9 =	vlt.u32 v7, v13  }
0x15d: {  	vm10 =	vgt.f32 v8, v1;
	vm11 =	vgt.f32 v3, v2;
	vm0 =	vmand vm8, vm9  }
0x15e: {  	v1 =	vsel vm10, v8, v1;
	v4 =	vsel vm5, v25, v4;
	vm0 =	vmor vm11, vm0  }
0x15f: {  	v4 =	vsel vm10, v63, v4;
	v2 =	vsel vm0, v3, v2;
	v3 =	vsel vm0, v7, v13  }
0x160: {  	vm12 =	veq.f32 v2, v1;
	vm13 =	vlt.u32 v3, v4  }
0x161: {  	vm14 =	vgt.f32 v2, v1;
	vm0 =	vmand vm12, vm13  }
0x162: {  	vm0 =	vmor vm14, vm0  }
0x163: {  	v1 =	vsel vm0, v2, v1  }
0x164: {  	(xrf0) =	vmax.scan.msk.f32 $0xffff, v1;
	_ =	sdelay $0x5  }
0x165: {  	v2, _, _ =	vpop (xrf0)  }
0x166: {  	v2 =	vbroadcast v2, $0xF  }
0x167: {  	v3 =	vsel vm0, v3, v4  }
0x168: {  	vm15 =	veq.f32 v1, v2;
	v1 =	vxor.u32 $0x80000000, v3  }
0x169: {  	v1 =	vnsel vm15, $0x800003E8, v1  }
0x16a: {  	(xrf0) =	vmin.scan.msk.u32 $0xffff, v1;
	_ =	sdelay $0x5  }
0x16b: {  	v1, _, _ =	vpop (xrf0)  }
0x16c: {  	(v2sf) =	vpush v1, $0xF;
	_ =	sdelay $0xc  }
0x16d: {  	p1 =	sne.s32 s24, $0x1880;
	v1 =	vmov s23  }
.Ltmp3:
0x16e: {  	_ = 	snop;
	(pc) =	sbr.rel @p1 .LBB2_5-.Ltmp3, $4  }
0x16f: {  	v11 =	vmov v17;
	v17 =	vmov v59;
	s31 =	spop (v2sf)  }
0x170: {  	s25 =	sxor.u32 $0x80000000, s31  }
0x171: {  	s20 =	sadd.s32 $0x1, s20;
	s21 =	sadd.s32 $0x400, s21;
	v21 =	vmov v47;
	v2 =	vmov s25  }
0x172: {  	s24 =	sadd.s32 $0x80, s24;
	s22 =	sadd.s32 $0x400, s22;
	v47 =	vmovc v21;
	v21 =	vlaneseq.u32;
	v59 =	vmovc v17;
	v17 =	vmov v11;
	v0 =	vmov v22;
	s23 =	sadd.s32 $0x1, s23;
	[tilespmem:v1+s12+$0x0] =	vst.idx.msk $0x1, v2  }
.Ltmp4:
0x173: {  	(pc) =	sbr.rel @p0 .LBB2_8-.Ltmp4, $3  }
0x174: {  	_ =	sdelay $0x1  }
0x175: {  	v12 =	vmov v52  }
0x176: {  	v15 =	vmovc v56;
	v13 =	vmovc v55;
	v14 =	vmov v16;
	v10 =	vmov v51;
	v8 =	vmov v25  }
.Ltmp5:
0x177: {  	s19 =	sadd.s32 s19, s7;
	(pc) =	sbr.rel .LBB2_2-.Ltmp5, $4  }
0x178: {  	s19 =	smul.u32 $0x1C00, s19  }
0x179: {  	s18 =	sadd.s32 $0x1, s18  }
0x17a: {  	s17 =	sadd.s32 $0x64, s17;
	s16 =	sadd.s32 $0x64, s16;
	s19 =	sadd.s32 s3, s19  }
0x17b: {  	[tilespmem:s10], [sflag:$0x2] =	stream.linear.gather [hbm4b:s19+s2], $0xE000, $0x38;
	[tilespmem:$0x1C680] =	vst v63  }
.LBB2_9:
0x17c: {  	_ =	sfence.sel $0x180000  }
0x17d: {  	[bflag:$0x0] =	sbarrier.arrive $0xFFFF  }
0x17e: {  	p0 =	sne.s32 s0, $0x0;
	_ =	strace $0x90000047  }
0x17f: {  	s0 =	sadd.s32 @!p0 $0x100000, s1;
	[bflag:$0x2] =	sbarrier.arrive $0xFFFF  }
0x180: {  	[sflag:s0] =	ssyncadd.tile.s32 @!p0 $0x1;
	_ =	shalt  }
.Lfunc_end2:
_tile_overlayer_lowered:
.L_overlay_start_2:
0x181: {  	(tag) =	ssettag $0x2  }
0x182: {  	s0 =	rddreg [dreg:$0x0];
	s2 =	stileid.u32  }
0x183: {  	s1 =	rddreg [dreg:$0x1];
	p0 =	sne.s32 s2, $0x0  }
0x184: {  	s3 =	rddreg [dreg:$0x2];
	[bflag:$0x3] =	sbarrier.arrive $0xFFFF;
	s2 =	simm.s32 @!p0 $0x1C03  }
0x185: {  	[timem:s3], [sflag:s2] =	dma.local @!p0 [hbm:s0], s1  }
0x186: {  	s0 =	simm.s32 @!p0 $0x3  }
0x187: {  	_ =	swait.ge @!p0 [sflag:s0], s1  }
0x188: {  	s1 =	ssub.s32 @!p0 $0x0, s1;
	[sflag:s0] =	ssyncset.done @!p0 $0x0  }
0x189: {  	[sflag:s0] =	ssyncadd.s32 @!p0 s1  }
0x18a: {  	[bflag:$0x3] =	sbarrier.arrive $0xFFFF  }
0x18b: {  	_ =	shalt  }

// kernel: kernel.7.cloned.1.call-start
scs
__scs_entry_jumppad:
0x0: {  	(pc) =	sbr.rel $0x88, $3  }
0x1: {  	(tag) =	ssettag $0x0;
	lr =	simm.s32 $0x1  }
0x2: {  	[smem:$0x3F9F] =	sst lr;
	_ =	strace $0xD0000000  }
0x3: {  	_ = 	snop  }
0x4: {  	_ = 	snop  }
0x5: {  	_ = 	snop  }
0x6: {  	_ = 	snop  }
0x7: {  	_ = 	snop  }
__scs_overlays_trampoline_lowered:
0x8: {  	[smem:$0x3FAE] =	sst s0  }
0x9: {  	[smem:$0x3FAF] =	sst s1  }
0xa: {  	[smem:$0x3FB0] =	sst s2  }
0xb: {  	[smem:$0x3FB1] =	sst s3  }
0xc: {  	[smem:$0x3FB2] =	sst s4  }
0xd: {  	[smem:$0x3FB3] =	sst s5  }
0xe: {  	[smem:$0x3FB4] =	sst s6  }
0xf: {  	[smem:$0x3FB5] =	sst s7  }
0x10: {  	[smem:$0x3FB6] =	sst s8  }
0x11: {  	[smem:$0x3FB7] =	sst s9;
	s0 =	simm.s32 @!p0 $0x0  }
0x12: {  	s1 =	sld [smem:$0x3F9D];
	s0 =	simm.s32 @p0 $0x1  }
0x13: {  	[smem:$0x3FB8] =	sst s0;
	s0 =	simm.s32 @!p1 $0x0  }
0x14: {  	s2 =	sld [smem:$0x3F9C];
	s0 =	simm.s32 @p1 $0x1  }
0x15: {  	[smem:$0x3FB9] =	sst s0;
	s0 =	simm.s32 @!p2 $0x0  }
0x16: {  	s3 =	sld [smem:$0x3FDB];
	s0 =	simm.s32 @p2 $0x1  }
0x17: {  	s4 =	simm.s32 $0x1BF5;
	[smem:$0x3FBB] =	sst s0  }
0x18: {  	s0 =	sld [smem:$0x3F9E];
	_ =	swait.ge [sflag:s4], $0x0  }
0x19: {  	s7 =	sld [smem:$0x3F9F]  }
0x1a: {  	s8 =	sadd.s32 $0xFFFFE003, lr  }
0x1b: {  	s9 =	sadd.s32 $0xFFFFFEF7, lr;
	s5 =	simm.s32 $0xFFFFFFFF;
	p2 =	slt.u32 s8, $0xFFFFF086  }
0x1c: {  	p1 =	slt.u32 s9, $0xF7A;
	s5 =	simm.s32 @!p2 $0x0  }
0x1d: {  	s5 =	simm.s32 @p1 $0x1;
	p0 =	seq.s32 s7, s2  }
0x1e: {  	s7 =	smul.u32 @!p0 $0xF7A, s2;
	p2 =	seq.s32 @!p0 s5, $0x0  }
0x1f: {  	s9 =	smul.u32 $0xF7A, s1;
	s8 =	simm.s32 @!p0 $0x1BF5;
	p2 =	por !p2, p0  }
0x20: {  	[sflag:s8] =	ssyncset.s32 @!p0 $0xFFFFF086;
	s6 =	sadd.s32 @!p0 s3, s7;
	s7 =	simm.s32 @!p0 $0x108  }
0x21: {  	s3 =	sadd.s32 s3, s9;
	s6 =	sadd.s32 @!p0 $0x88, s6;
	s7 =	simm.s32 @p2 $0x1082  }
0x22: {  	[simem:s7], [sflag:s8] =	dma.local @!p0 [hbm:s6], $0xF7A  }
0x23: {  	s9 =	sor.u32 $0xD0000000, s2;
	s6 =	simm.s32 $0x108;
	_ =	swait.ge @!p0 [sflag:s8], $0x0  }
0x24: {  	s3 =	sadd.s32 $0x88, s3;
	s6 =	simm.s32 @!p1 $0x1082;
	[sflag:s4] =	ssyncset.s32 $0xFFFFF086  }
0x25: {  	[simem:s6], [sflag:s4] =	dma.local [hbm:s3], $0xF7A  }
0x26: {  	[smem:$0x3F9F] =	sst s1;
	(tag) =	ssettag s2;
	_ =	strace s9  }
0x27: {  	s1 =	sld [smem:$0x3FAF]  }
0x28: {  	s2 =	sld [smem:$0x3FB0]  }
0x29: {  	s4 =	sld [smem:$0x3FB2]  }
0x2a: {  	p0 =	seq.s32 s5, $0x0;
	s5 =	sld [smem:$0x3FB3]  }
0x2b: {  	s6 =	sld [smem:$0x3FB4]  }
0x2c: {  	s7 =	sld [smem:$0x3FB5]  }
0x2d: {  	s3 =	simm.s32 $0x108;
	s8 =	sld [smem:$0x3FB6]  }
0x2e: {  	s3 =	simm.s32 @!p0 $0x1082;
	s9 =	sld [smem:$0x3FB7]  }
0x2f: {  	lr =	sadd.s32 s0, s3;
	s0 =	sld [smem:$0x3FAE]  }
0x30: {  	s3 =	sld [smem:$0x3FB1]  }
0x31: {  	[smem:$0x3FBA] =	sst s10  }
0x32: {  	s10 =	sld [smem:$0x3FB8];
	_ =	sdelay $0x3  }
0x33: {  	p0 =	seq.s32 s10, $0x1;
	s10 =	sld [smem:$0x3FBA];
	_ =	sdelay $0x3  }
0x34: {  	[smem:$0x3FBA] =	sst s10  }
0x35: {  	s10 =	sld [smem:$0x3FB9];
	_ =	sdelay $0x3  }
0x36: {  	p1 =	seq.s32 s10, $0x1;
	s10 =	sld [smem:$0x3FBA];
	_ =	sdelay $0x3  }
0x37: {  	[smem:$0x3FBA] =	sst s10  }
0x38: {  	s10 =	sld [smem:$0x3FBB]  }
0x39: {  	_ = 	snop;
	(pc) =	sbr.ind lr, $3  }
0x3a: {  	_ = 	snop  }
0x3b: {  	_ = 	snop  }
0x3c: {  	p2 =	seq.s32 s10, $0x1;
	s10 =	sld [smem:$0x3FBA]  }
0x3d: {  	_ =	shalt  }
0x3e: {  	_ =	shalt  }
0x3f: {  	_ =	shalt  }
0x40: {  	_ =	shalt  }
0x41: {  	_ =	shalt  }
0x42: {  	_ =	shalt  }
0x43: {  	_ =	shalt  }
0x44: {  	_ =	shalt  }
0x45: {  	_ =	shalt  }
0x46: {  	_ =	shalt  }
0x47: {  	_ =	shalt  }
0x48: {  	_ =	shalt  }
0x49: {  	_ =	shalt  }
0x4a: {  	_ =	shalt  }
0x4b: {  	_ =	shalt  }
0x4c: {  	_ =	shalt  }
0x4d: {  	_ =	shalt  }
0x4e: {  	_ =	shalt  }
0x4f: {  	_ =	shalt  }
0x50: {  	_ =	shalt  }
0x51: {  	_ =	shalt  }
0x52: {  	_ =	shalt  }
0x53: {  	_ =	shalt  }
0x54: {  	_ =	shalt  }
0x55: {  	_ =	shalt  }
0x56: {  	_ =	shalt  }
0x57: {  	_ =	shalt  }
0x58: {  	_ =	shalt  }
0x59: {  	_ =	shalt  }
0x5a: {  	_ =	shalt  }
0x5b: {  	_ =	shalt  }
0x5c: {  	_ =	shalt  }
0x5d: {  	_ =	shalt  }
0x5e: {  	_ =	shalt  }
0x5f: {  	_ =	shalt  }
0x60: {  	_ =	shalt  }
0x61: {  	_ =	shalt  }
0x62: {  	_ =	shalt  }
0x63: {  	_ =	shalt  }
0x64: {  	_ =	shalt  }
0x65: {  	_ =	shalt  }
0x66: {  	_ =	shalt  }
0x67: {  	_ =	shalt  }
0x68: {  	_ =	shalt  }
0x69: {  	_ =	shalt  }
0x6a: {  	_ =	shalt  }
0x6b: {  	_ =	shalt  }
0x6c: {  	_ =	shalt  }
0x6d: {  	_ =	shalt  }
0x6e: {  	_ =	shalt  }
0x6f: {  	_ =	shalt  }
0x70: {  	_ =	shalt  }
0x71: {  	_ =	shalt  }
0x72: {  	_ =	shalt  }
0x73: {  	_ =	shalt  }
0x74: {  	_ =	shalt  }
0x75: {  	_ =	shalt  }
0x76: {  	_ =	shalt  }
0x77: {  	_ =	shalt  }
0x78: {  	_ =	shalt  }
0x79: {  	_ =	shalt  }
0x7a: {  	_ =	shalt  }
0x7b: {  	_ =	shalt  }
0x7c: {  	_ =	shalt  }
0x7d: {  	_ =	shalt  }
0x7e: {  	_ =	shalt  }
0x7f: {  	_ =	shalt  }
0x80: {  	_ =	shalt  }
0x81: {  	_ =	shalt  }
0x82: {  	_ =	shalt  }
0x83: {  	_ =	shalt  }
0x84: {  	_ =	shalt  }
0x85: {  	_ =	shalt  }
0x86: {  	_ =	shalt  }
0x87: {  	_ =	shalt  }
.Lfunc_end0:
.L_simem_size_0:
called_computation.1_lowered:
.L_overlay_start_0:
0x88: {  	s2 =	sld [smem:$0x3FD9]  }
0x89: {  	s3 =	sld [smem:$0x3FFE];
	_ =	sdelay $0x1  }
0x8a: {  	s1 =	srdreg.scid  }
0x8b: {  	s0 =	sand.u32 $0x1, s1  }
0x8c: {  	s17 =	sshll.u32 s0, $0xA;
	s2 =	sadd.s32 s3, s2  }
0x8d: {  	s2 =	sadd.s32 s2, s17  }
0x8e: {  	[smem:$0x3FC6] =	sst s2  }
0x8f: {  	_ = 	snop  }
0x90: {  	s2 =	sld [smem:$0x3FD0];
	(tm) =	ssettm $0x1  }
0x91: {  	s18 =	sld [smem:$0x3FFB];
	_ =	sdelay $0x3  }
0x92: {  	_ =	strace s18  }
0x93: {  	s3 =	sld [smem:$0x3FFC];
	_ =	sdelay $0x3  }
0x94: {  	_ =	strace s3  }
0x95: {  	s3 =	sld [smem:$0x3FFD];
	_ =	sdelay $0x3  }
0x96: {  	_ =	strace s3  }
0x97: {  	_ =	strace $0x8FFFFFFF  }
0x98: {  	s19 =	sld [smem:$0x3FDB];
	_ =	sdelay $0x1  }
0x99: {  	s4 =	simm.s32 $_scs_section_size  }
0x9a: {  	s5 =	simm.s32 $_size__tile_overlayer_lowered;
	s6 =	simm.s32 $_tile_overlayer_lowered  }
0x9b: {  	s22 =	simm.s32 $0x1BFF;
	s21 =	sshll.u32 s6, $0x1;
	s3 =	sadd.s32 s4, s19  }
0x9c: {  	s7 =	simm.s32 $0x0;
	s20 =	sshll.u32 s5, $0x1;
	s5 =	sadd.s32 s21, s3  }
0x9d: {  	[timem:s7], [sflag:s22] =	dma.local [hbm:s5], s20  }
0x9e: {  	_ =	swait.ge [sflag:s22], s20  }
0x9f: {  	s4 =	ssub.s32 $0x0, s20;
	[sflag:s22] =	ssyncset.done $0x0  }
0xa0: {  	[sflag:s22] =	ssyncadd.s32 s4;
	_ =	sdelay $0x1  }
0xa1: {  	s23 =	simm.s32 $0x1B8B  }
0xa2: {  	_ =	swait.ge [sflag:s23], $0x1  }
0xa3: {  	[sflag:s23] =	ssyncset.done $0x0  }
0xa4: {  	s25 =	simm.s32 $0x1B8E;
	s24 =	sld [smem:$0x3FFE];
	[sflag:s23] =	ssyncadd.s32 $0xFFFFFFFF  }
0xa5: {  	s26 =	simm.s32 $execute0_lowered;
	[smem:$0x3FD2] =	sst s25  }
0xa6: {  	s5 =	sshll.u32 s26, $0x1;
	_ =	strace $0x80000049;
	[dreg:$0x1] =	wrdreg $0xFFFFFFFF  }
0xa7: {  	s28 =	simm.s32 $_size_execute0_lowered;
	s3 =	sadd.s32 s3, s5;
	[dreg:$0x0] =	wrdreg $0x0  }
0xa8: {  	s5 =	sshll.u32 s28, $0x1;
	[dreg:$0x2] =	wrdreg s3  }
0xa9: {  	[dreg:$0x3] =	wrdreg s5  }
0xaa: {  	[dreg:$0x4] =	wrdreg $0xC0  }
0xab: {  	_ =	task [dreg:s7], $0x5FFFF  }
0xac: {  	[dreg:$0x1] =	wrdreg $0xFFFFFFFF  }
0xad: {  	[dreg:$0x0] =	wrdreg $0x60  }
0xae: {  	[dreg:$0x2] =	wrdreg s24  }
0xaf: {  	[dreg:$0x3] =	wrdreg s2  }
0xb0: {  	[dreg:$0x4] =	wrdreg $0x9  }
0xb1: {  	_ =	task.clear_ibuf [dreg:s7], $0x5FFFF;
	_ =	strace $0x90000049  }
0xb2: {  	s29 =	simm.s32 $0x9;
	_ =	strace $0x8000004B  }
0xb3: {  	_ =	swait.ge [sflag:s29], $0x1  }
0xb4: {  	[sflag:s29] =	ssyncadd.s32 $0xFFFFFFFF  }
0xb5: {  	_ =	strace $0x9000004B  }
0xb6: {  	_ =	sfence  }
0xb7: {  	s30 =	sld [smem:$0x0];
	_ =	sdelay $0x2  }
0xb8: {  	s31 =	sshll.u32 s1, $0xD;
	s1 =	sshrl.u32 s1, $0x2  }
0xb9: {  	s3 =	sand.u32 $0x4000, s31;
	s1 =	sadd.s32 s1, s30  }
0xba: {  	s0 =	sor.u32 s3, s0;
	s1 =	sshll.u32 s1, $0x11  }
0xbb: {  	s0 =	sor.u32 s1, s0  }
0xbc: {  	s0 =	sadd.s32 $0x8F2B, s0  }
0xbd: {  	[sflag:s0] =	ssyncadd.remote.s32 $0x1  }
0xbe: {  	_ =	sfence.sel $0xFFFF  }
0xbf: {  	[dreg:$0x0] =	wrdreg $0xFFFFFFFF;
	(pc) =	sbr.abs _section_cstart, $3  }
0xc0: {  	[dreg:$0x1] =	wrdreg $0xFFFFFFFF  }
0xc1: {  	_ =	task.clear_ibuf [dreg:s7], $0x2FFFF;
	_ =	strace $0x9FFFFFFF  }
0xc2: {  	(tm) =	ssettm $0x7FFFFFFF  }
0xc3: {  	_ =	shalt  }
tec
execute0_lowered:
.L_overlay_start_1:
0x0: {  	(tag) =	ssettag $0x1  }
0x1: {  	s0 =	srdreg.scid;
	s1 =	rddreg [dreg:$0x0]  }
0x2: {  	s2 =	stileid.u32;
	s3 =	rddreg [dreg:$0x1];
	s7 =	simm.s32 $0x80  }
0x3: {  	s26 =	simm.s32 $0x1540;
	s8 =	simm.s32 $0x100;
	s9 =	simm.s32 $0x1D40  }
0x4: {  	s10 =	simm.s32 $0x180;
	s11 =	simm.s32 $0x2540;
	s12 =	simm.s32 $0x200  }
0x5: {  	s13 =	simm.s32 $0x2D40;
	s14 =	simm.s32 $0x280;
	s15 =	simm.s32 $0x3540  }
0x6: {  	s16 =	simm.s32 $0x300;
	s17 =	simm.s32 $0x3D40;
	s18 =	simm.s32 $0x380  }
0x7: {  	s19 =	simm.s32 $0x4540;
	s20 =	simm.s32 $0x400;
	s21 =	simm.s32 $0x4D40  }
0x8: {  	s22 =	simm.s32 $0x480;
	s23 =	simm.s32 $0x5540;
	s24 =	simm.s32 $0x500  }
0x9: {  	s25 =	simm.s32 $0x5D40;
	s0 =	sand.u32 $0x1, s0;
	s2 =	sshll.u32 s2, $0x1  }
0xa: {  	p0 =	por $0x0, $0x0;
	s4 =	sor.u32 s0, s2;
	s0 =	ssub.s32 $0x2, s0  }
0xb: {  	s28 =	simm.s32 $0x6540;
	s29 =	simm.s32 $0x40;
	s6 =	sshrl.u32 s0, $0x1  }
0xc: {  	s30 =	simm.s32 $0x600;
	s31 =	simm.s32 $0x6D40;
	s0 =	ssub.s32 s0, s6  }
0xd: {  	s2 =	simm.s32 $0x0;
	s5 =	smul.u32 $0xC8, s4;
	s0 =	smax.u32 s0, $0x1  }
0xe: {  	[smem:$0x7FF] =	sst s2;
	s4 =	smul.u32 $0xC80, s4;
	p1 =	sne.s32 s0, $0x1  }
.Ltmp0:
0xf: {  	_ =	strace $0x8000004A;
	s6 =	sadd.s32 $0x704000, s1;
	(pc) =	sbr.rel @!p1 .LBB2_3-.Ltmp0, $4  }
0x10: {  	[dreg:$0x5] =	wrdreg s26;
	s5 =	sadd.s32 s5, s1;
	s3 =	sadd.s32 s3, s4  }
0x11: {  	s26 =	simm.s32 $0x580;
	s5 =	sadd.s32 $0x700A00, s5;
	[dreg:$0x4] =	wrdreg s3  }
0x12: {  	s4 =	simm.s32 $0xD40;
	s3 =	simm.s32 $0x2;
	[dreg:$0x3] =	wrdreg s5  }
0x13: {  	s1 =	sadd.s32 $0xFFFFFFFF, s0;
	s5 =	simm.s32 $0x1;
	s0 =	rddreg [dreg:$0x3]  }
0x14: {  	[tilespmem:s2], [sflag:$0x2] =	stream.linear.gather [hbm4b:s0+s2], $0x640, $0x38;
	[tilespmem:$0x7140] =	vst v63  }
0x15: {  	_ =	swait.ge [sflag:s3], $0x640  }
0x16: {  	[sflag:s3] =	ssyncset.done $0x0  }
0x17: {  	[sflag:s3] =	ssyncadd.s32 $0xFFFFF9C0  }
0x18: {  	[tilespmem:s4], [sflag:$0x1] =	stream.indirect.gather [hbm4b:s6+s7], $0x10, s2, s7, $0xb8;
	[tilespmem:$0x7140] =	vst v63  }
0x19: {  	s0 =	rddreg [dreg:$0x5]  }
0x1a: {  	[tilespmem:s0], [sflag:$0x1] =	stream.indirect.gather [hbm4b:s6+s7], $0x10, s7, s7, $0xb8;
	[tilespmem:$0x7140] =	vst v63  }
0x1b: {  	_ = 	snop  }
0x1c: {  	[tilespmem:s9], [sflag:$0x1] =	stream.indirect.gather [hbm4b:s6+s7], $0x10, s8, s7, $0xb8;
	[tilespmem:$0x7140] =	vst v63  }
0x1d: {  	_ = 	snop  }
0x1e: {  	[tilespmem:s11], [sflag:$0x1] =	stream.indirect.gather [hbm4b:s6+s7], $0x10, s10, s7, $0xb8;
	[tilespmem:$0x7140] =	vst v63  }
0x1f: {  	_ = 	snop  }
0x20: {  	[tilespmem:s13], [sflag:$0x1] =	stream.indirect.gather [hbm4b:s6+s7], $0x10, s12, s7, $0xb8;
	[tilespmem:$0x7140] =	vst v63  }
0x21: {  	_ = 	snop  }
0x22: {  	[tilespmem:s15], [sflag:$0x1] =	stream.indirect.gather [hbm4b:s6+s7], $0x10, s14, s7, $0xb8;
	[tilespmem:$0x7140] =	vst v63  }
0x23: {  	_ = 	snop  }
0x24: {  	[tilespmem:s17], [sflag:$0x1] =	stream.indirect.gather [hbm4b:s6+s7], $0x10, s16, s7, $0xb8;
	[tilespmem:$0x7140] =	vst v63  }
0x25: {  	_ = 	snop  }
0x26: {  	[tilespmem:s19], [sflag:$0x1] =	stream.indirect.gather [hbm4b:s6+s7], $0x10, s18, s7, $0xb8;
	[tilespmem:$0x7140] =	vst v63  }
0x27: {  	_ = 	snop  }
0x28: {  	[tilespmem:s21], [sflag:$0x1] =	stream.indirect.gather [hbm4b:s6+s7], $0x10, s20, s7, $0xb8;
	[tilespmem:$0x7140] =	vst v63  }
0x29: {  	_ = 	snop  }
0x2a: {  	[tilespmem:s23], [sflag:$0x1] =	stream.indirect.gather [hbm4b:s6+s7], $0x10, s22, s7, $0xb8;
	[tilespmem:$0x7140] =	vst v63  }
0x2b: {  	_ = 	snop  }
0x2c: {  	[tilespmem:s25], [sflag:$0x1] =	stream.indirect.gather [hbm4b:s6+s7], $0x10, s24, s7, $0xb8;
	[tilespmem:$0x7140] =	vst v63  }
0x2d: {  	_ = 	snop  }
0x2e: {  	[tilespmem:s28], [sflag:$0x1] =	stream.indirect.gather [hbm4b:s6+s7], $0x10, s26, s7, $0xb8;
	[tilespmem:$0x7140] =	vst v63  }
0x2f: {  	_ = 	snop  }
0x30: {  	[tilespmem:s31], [sflag:$0x1] =	stream.indirect.gather [hbm4b:s6+s29], $0x10, s30, s29, $0xb8;
	[tilespmem:$0x7140] =	vst v63  }
0x31: {  	_ =	swait.ge [sflag:s5], $0x800  }
0x32: {  	[sflag:s5] =	ssyncset.done $0x0  }
0x33: {  	[sflag:s5] =	ssyncadd.s32 $0xFFFFF800  }
0x34: {  	_ =	swait.ge [sflag:s5], $0x800  }
0x35: {  	[sflag:s5] =	ssyncset.done $0x0  }
0x36: {  	[sflag:s5] =	ssyncadd.s32 $0xFFFFF800  }
0x37: {  	_ =	swait.ge [sflag:s5], $0x800  }
0x38: {  	[sflag:s5] =	ssyncset.done $0x0  }
0x39: {  	[sflag:s5] =	ssyncadd.s32 $0xFFFFF800  }
0x3a: {  	_ =	swait.ge [sflag:s5], $0x800  }
0x3b: {  	[sflag:s5] =	ssyncset.done $0x0  }
0x3c: {  	[sflag:s5] =	ssyncadd.s32 $0xFFFFF800  }
0x3d: {  	_ =	swait.ge [sflag:s5], $0x800  }
0x3e: {  	[sflag:s5] =	ssyncset.done $0x0  }
0x3f: {  	[sflag:s5] =	ssyncadd.s32 $0xFFFFF800  }
0x40: {  	_ =	swait.ge [sflag:s5], $0x800  }
0x41: {  	[sflag:s5] =	ssyncset.done $0x0  }
0x42: {  	[sflag:s5] =	ssyncadd.s32 $0xFFFFF800  }
0x43: {  	_ =	swait.ge [sflag:s5], $0x800  }
0x44: {  	[sflag:s5] =	ssyncset.done $0x0  }
0x45: {  	[sflag:s5] =	ssyncadd.s32 $0xFFFFF800  }
0x46: {  	_ =	swait.ge [sflag:s5], $0x800  }
0x47: {  	[sflag:s5] =	ssyncset.done $0x0  }
0x48: {  	[sflag:s5] =	ssyncadd.s32 $0xFFFFF800  }
0x49: {  	_ =	swait.ge [sflag:s5], $0x800  }
0x4a: {  	[sflag:s5] =	ssyncset.done $0x0  }
0x4b: {  	[sflag:s5] =	ssyncadd.s32 $0xFFFFF800  }
0x4c: {  	_ =	swait.ge [sflag:s5], $0x800  }
0x4d: {  	[sflag:s5] =	ssyncset.done $0x0  }
0x4e: {  	[sflag:s5] =	ssyncadd.s32 $0xFFFFF800  }
0x4f: {  	_ =	swait.ge [sflag:s5], $0x800  }
0x50: {  	[sflag:s5] =	ssyncset.done $0x0  }
0x51: {  	[sflag:s5] =	ssyncadd.s32 $0xFFFFF800  }
0x52: {  	_ =	swait.ge [sflag:s5], $0x800  }
0x53: {  	[sflag:s5] =	ssyncset.done $0x0  }
0x54: {  	[sflag:s5] =	ssyncadd.s32 $0xFFFFF800  }
0x55: {  	p1 =	sne.s32 s1, $0x1;
	_ =	swait.ge [sflag:s5], $0x400  }
.Ltmp1:
0x56: {  	[sflag:s5] =	ssyncset.done $0x0;
	(pc) =	sbr.rel @!p1 .LBB2_3-.Ltmp1, $4  }
0x57: {  	s0 =	rddreg [dreg:$0x4];
	[sflag:s5] =	ssyncadd.s32 $0xFFFFFC00  }
0x58: {  	[hbm4b:s0+s2] =	stream.linear.scatter [tilespmem:s4], [sflag:$0x2], $0x6400, $0x38;
	[tilespmem:$0x7140] =	vst v63  }
0x59: {  	s1 =	sadd.s32 $0xFFFFFFFF, s1;
	_ =	swait.ge [sflag:s3], $0x6400  }
0x5a: {  	p0 =	por $0x1, $0x1;
	s0 =	rddreg [dreg:$0x3];
	[sflag:s3] =	ssyncset.done $0x0  }
.LBB2_2:
0x5b: {  	[sflag:s3] =	ssyncadd.s32 $0xFFFF9C00  }
0x5c: {  	[tilespmem:s2], [sflag:$0x2] =	stream.linear.gather [hbm4b:s0+s2], $0x640, $0x38;
	[tilespmem:$0x7140] =	vst v63  }
0x5d: {  	_ =	swait.ge [sflag:s3], $0x640  }
0x5e: {  	[sflag:s3] =	ssyncset.done $0x0  }
0x5f: {  	[sflag:s3] =	ssyncadd.s32 $0xFFFFF9C0  }
0x60: {  	[tilespmem:s4], [sflag:$0x1] =	stream.indirect.gather [hbm4b:s6+s7], $0x10, s2, s7, $0xb8;
	[tilespmem:$0x7140] =	vst v63  }
0x61: {  	s0 =	rddreg [dreg:$0x5]  }
0x62: {  	[tilespmem:s0], [sflag:$0x1] =	stream.indirect.gather [hbm4b:s6+s7], $0x10, s7, s7, $0xb8;
	[tilespmem:$0x7140] =	vst v63  }
0x63: {  	_ = 	snop  }
0x64: {  	[tilespmem:s9], [sflag:$0x1] =	stream.indirect.gather [hbm4b:s6+s7], $0x10, s8, s7, $0xb8;
	[tilespmem:$0x7140] =	vst v63  }
0x65: {  	_ = 	snop  }
0x66: {  	[tilespmem:s11], [sflag:$0x1] =	stream.indirect.gather [hbm4b:s6+s7], $0x10, s10, s7, $0xb8;
	[tilespmem:$0x7140] =	vst v63  }
0x67: {  	_ = 	snop  }
0x68: {  	[tilespmem:s13], [sflag:$0x1] =	stream.indirect.gather [hbm4b:s6+s7], $0x10, s12, s7, $0xb8;
	[tilespmem:$0x7140] =	vst v63  }
0x69: {  	_ = 	snop  }
0x6a: {  	[tilespmem:s15], [sflag:$0x1] =	stream.indirect.gather [hbm4b:s6+s7], $0x10, s14, s7, $0xb8;
	[tilespmem:$0x7140] =	vst v63  }
0x6b: {  	_ = 	snop  }
0x6c: {  	[tilespmem:s17], [sflag:$0x1] =	stream.indirect.gather [hbm4b:s6+s7], $0x10, s16, s7, $0xb8;
	[tilespmem:$0x7140] =	vst v63  }
0x6d: {  	_ = 	snop  }
0x6e: {  	[tilespmem:s19], [sflag:$0x1] =	stream.indirect.gather [hbm4b:s6+s7], $0x10, s18, s7, $0xb8;
	[tilespmem:$0x7140] =	vst v63  }
0x6f: {  	_ = 	snop  }
0x70: {  	[tilespmem:s21], [sflag:$0x1] =	stream.indirect.gather [hbm4b:s6+s7], $0x10, s20, s7, $0xb8;
	[tilespmem:$0x7140] =	vst v63  }
0x71: {  	_ = 	snop  }
0x72: {  	[tilespmem:s23], [sflag:$0x1] =	stream.indirect.gather [hbm4b:s6+s7], $0x10, s22, s7, $0xb8;
	[tilespmem:$0x7140] =	vst v63  }
0x73: {  	_ = 	snop  }
0x74: {  	[tilespmem:s25], [sflag:$0x1] =	stream.indirect.gather [hbm4b:s6+s7], $0x10, s24, s7, $0xb8;
	[tilespmem:$0x7140] =	vst v63  }
0x75: {  	_ = 	snop  }
0x76: {  	[tilespmem:s28], [sflag:$0x1] =	stream.indirect.gather [hbm4b:s6+s7], $0x10, s26, s7, $0xb8;
	[tilespmem:$0x7140] =	vst v63  }
0x77: {  	_ = 	snop  }
0x78: {  	[tilespmem:s31], [sflag:$0x1] =	stream.indirect.gather [hbm4b:s6+s29], $0x10, s30, s29, $0xb8;
	[tilespmem:$0x7140] =	vst v63  }
0x79: {  	_ =	swait.ge [sflag:s5], $0x800  }
0x7a: {  	[sflag:s5] =	ssyncset.done $0x0  }
0x7b: {  	[sflag:s5] =	ssyncadd.s32 $0xFFFFF800  }
0x7c: {  	_ =	swait.ge [sflag:s5], $0x800  }
0x7d: {  	[sflag:s5] =	ssyncset.done $0x0  }
0x7e: {  	[sflag:s5] =	ssyncadd.s32 $0xFFFFF800  }
0x7f: {  	_ =	swait.ge [sflag:s5], $0x800  }
0x80: {  	[sflag:s5] =	ssyncset.done $0x0  }
0x81: {  	[sflag:s5] =	ssyncadd.s32 $0xFFFFF800  }
0x82: {  	_ =	swait.ge [sflag:s5], $0x800  }
0x83: {  	[sflag:s5] =	ssyncset.done $0x0  }
0x84: {  	[sflag:s5] =	ssyncadd.s32 $0xFFFFF800  }
0x85: {  	_ =	swait.ge [sflag:s5], $0x800  }
0x86: {  	[sflag:s5] =	ssyncset.done $0x0  }
0x87: {  	[sflag:s5] =	ssyncadd.s32 $0xFFFFF800  }
0x88: {  	_ =	swait.ge [sflag:s5], $0x800  }
0x89: {  	[sflag:s5] =	ssyncset.done $0x0  }
0x8a: {  	[sflag:s5] =	ssyncadd.s32 $0xFFFFF800  }
0x8b: {  	_ =	swait.ge [sflag:s5], $0x800  }
0x8c: {  	[sflag:s5] =	ssyncset.done $0x0  }
0x8d: {  	[sflag:s5] =	ssyncadd.s32 $0xFFFFF800  }
0x8e: {  	_ =	swait.ge [sflag:s5], $0x800  }
0x8f: {  	[sflag:s5] =	ssyncset.done $0x0  }
0x90: {  	[sflag:s5] =	ssyncadd.s32 $0xFFFFF800  }
0x91: {  	_ =	swait.ge [sflag:s5], $0x800  }
0x92: {  	[sflag:s5] =	ssyncset.done $0x0  }
0x93: {  	[sflag:s5] =	ssyncadd.s32 $0xFFFFF800  }
0x94: {  	_ =	swait.ge [sflag:s5], $0x800  }
0x95: {  	[sflag:s5] =	ssyncset.done $0x0  }
0x96: {  	[sflag:s5] =	ssyncadd.s32 $0xFFFFF800  }
0x97: {  	_ =	swait.ge [sflag:s5], $0x800  }
0x98: {  	[sflag:s5] =	ssyncset.done $0x0  }
0x99: {  	[sflag:s5] =	ssyncadd.s32 $0xFFFFF800  }
0x9a: {  	_ =	swait.ge [sflag:s5], $0x800  }
0x9b: {  	[sflag:s5] =	ssyncset.done $0x0  }
0x9c: {  	[sflag:s5] =	ssyncadd.s32 $0xFFFFF800  }
0x9d: {  	p1 =	sne.s32 s1, $0x1;
	_ =	swait.ge [sflag:s5], $0x400  }
.Ltmp2:
0x9e: {  	[sflag:s5] =	ssyncset.done $0x0;
	(pc) =	sbr.rel @p1 .LBB2_2-.Ltmp2, $4  }
0x9f: {  	s0 =	rddreg [dreg:$0x4];
	[sflag:s5] =	ssyncadd.s32 $0xFFFFFC00  }
0xa0: {  	[hbm4b:s0+s2] =	stream.linear.scatter [tilespmem:s4], [sflag:$0x2], $0x6400, $0x38;
	[tilespmem:$0x7140] =	vst v63  }
0xa1: {  	_ =	swait.ge [sflag:s3], $0x6400  }
0xa2: {  	s1 =	sadd.s32 $0xFFFFFFFF, s1;
	s0 =	rddreg [dreg:$0x3];
	[sflag:s3] =	ssyncset.done $0x0  }
.LBB2_3:
0xa3: {  	[sflag:s3] =	ssyncadd.s32 @p0 $0xFFFF9C00  }
0xa4: {  	[tilespmem:s2], [sflag:$0x2] =	stream.linear.gather [hbm4b:s0+s2], $0x640, $0x38;
	[tilespmem:$0x7140] =	vst v63  }
0xa5: {  	_ =	swait.ge [sflag:s3], $0x640  }
0xa6: {  	[sflag:s3] =	ssyncset.done $0x0  }
0xa7: {  	[sflag:s3] =	ssyncadd.s32 $0xFFFFF9C0  }
0xa8: {  	[tilespmem:s4], [sflag:$0x1] =	stream.indirect.gather [hbm4b:s6+s7], $0x10, s2, s7, $0xb8;
	[tilespmem:$0x7140] =	vst v63  }
0xa9: {  	s1 =	rddreg [dreg:$0x5]  }
0xaa: {  	[tilespmem:s1], [sflag:$0x1] =	stream.indirect.gather [hbm4b:s6+s7], $0x10, s7, s7, $0xb8;
	[tilespmem:$0x7140] =	vst v63  }
0xab: {  	_ = 	snop  }
0xac: {  	[tilespmem:s9], [sflag:$0x1] =	stream.indirect.gather [hbm4b:s6+s7], $0x10, s8, s7, $0xb8;
	[tilespmem:$0x7140] =	vst v63  }
0xad: {  	_ = 	snop  }
0xae: {  	[tilespmem:s11], [sflag:$0x1] =	stream.indirect.gather [hbm4b:s6+s7], $0x10, s10, s7, $0xb8;
	[tilespmem:$0x7140] =	vst v63  }
0xaf: {  	_ = 	snop  }
0xb0: {  	[tilespmem:s13], [sflag:$0x1] =	stream.indirect.gather [hbm4b:s6+s7], $0x10, s12, s7, $0xb8;
	[tilespmem:$0x7140] =	vst v63  }
0xb1: {  	_ = 	snop  }
0xb2: {  	[tilespmem:s15], [sflag:$0x1] =	stream.indirect.gather [hbm4b:s6+s7], $0x10, s14, s7, $0xb8;
	[tilespmem:$0x7140] =	vst v63  }
0xb3: {  	_ = 	snop  }
0xb4: {  	[tilespmem:s17], [sflag:$0x1] =	stream.indirect.gather [hbm4b:s6+s7], $0x10, s16, s7, $0xb8;
	[tilespmem:$0x7140] =	vst v63  }
0xb5: {  	_ = 	snop  }
0xb6: {  	[tilespmem:s19], [sflag:$0x1] =	stream.indirect.gather [hbm4b:s6+s7], $0x10, s18, s7, $0xb8;
	[tilespmem:$0x7140] =	vst v63  }
0xb7: {  	_ = 	snop  }
0xb8: {  	[tilespmem:s21], [sflag:$0x1] =	stream.indirect.gather [hbm4b:s6+s7], $0x10, s20, s7, $0xb8;
	[tilespmem:$0x7140] =	vst v63  }
0xb9: {  	_ = 	snop  }
0xba: {  	[tilespmem:s23], [sflag:$0x1] =	stream.indirect.gather [hbm4b:s6+s7], $0x10, s22, s7, $0xb8;
	[tilespmem:$0x7140] =	vst v63  }
0xbb: {  	_ = 	snop  }
0xbc: {  	[tilespmem:s25], [sflag:$0x1] =	stream.indirect.gather [hbm4b:s6+s7], $0x10, s24, s7, $0xb8;
	[tilespmem:$0x7140] =	vst v63  }
0xbd: {  	_ = 	snop  }
0xbe: {  	[tilespmem:s28], [sflag:$0x1] =	stream.indirect.gather [hbm4b:s6+s7], $0x10, s26, s7, $0xb8;
	[tilespmem:$0x7140] =	vst v63  }
0xbf: {  	_ = 	snop  }
0xc0: {  	[tilespmem:s31], [sflag:$0x1] =	stream.indirect.gather [hbm4b:s6+s29], $0x10, s30, s29, $0xb8;
	[tilespmem:$0x7140] =	vst v63  }
0xc1: {  	_ =	swait.ge [sflag:s5], $0x800  }
0xc2: {  	[sflag:s5] =	ssyncset.done $0x0  }
0xc3: {  	[sflag:s5] =	ssyncadd.s32 $0xFFFFF800  }
0xc4: {  	_ =	swait.ge [sflag:s5], $0x800  }
0xc5: {  	[sflag:s5] =	ssyncset.done $0x0  }
0xc6: {  	[sflag:s5] =	ssyncadd.s32 $0xFFFFF800  }
0xc7: {  	_ =	swait.ge [sflag:s5], $0x800  }
0xc8: {  	[sflag:s5] =	ssyncset.done $0x0  }
0xc9: {  	[sflag:s5] =	ssyncadd.s32 $0xFFFFF800  }
0xca: {  	_ =	swait.ge [sflag:s5], $0x800  }
0xcb: {  	[sflag:s5] =	ssyncset.done $0x0  }
0xcc: {  	[sflag:s5] =	ssyncadd.s32 $0xFFFFF800  }
0xcd: {  	_ =	swait.ge [sflag:s5], $0x800  }
0xce: {  	[sflag:s5] =	ssyncset.done $0x0  }
0xcf: {  	[sflag:s5] =	ssyncadd.s32 $0xFFFFF800  }
0xd0: {  	_ =	swait.ge [sflag:s5], $0x800  }
0xd1: {  	[sflag:s5] =	ssyncset.done $0x0  }
0xd2: {  	[sflag:s5] =	ssyncadd.s32 $0xFFFFF800  }
0xd3: {  	_ =	swait.ge [sflag:s5], $0x800  }
0xd4: {  	[sflag:s5] =	ssyncset.done $0x0  }
0xd5: {  	[sflag:s5] =	ssyncadd.s32 $0xFFFFF800  }
0xd6: {  	_ =	swait.ge [sflag:s5], $0x800  }
0xd7: {  	[sflag:s5] =	ssyncset.done $0x0  }
0xd8: {  	[sflag:s5] =	ssyncadd.s32 $0xFFFFF800  }
0xd9: {  	_ =	swait.ge [sflag:s5], $0x800  }
0xda: {  	[sflag:s5] =	ssyncset.done $0x0  }
0xdb: {  	[sflag:s5] =	ssyncadd.s32 $0xFFFFF800  }
0xdc: {  	_ =	swait.ge [sflag:s5], $0x800  }
0xdd: {  	[sflag:s5] =	ssyncset.done $0x0  }
0xde: {  	[sflag:s5] =	ssyncadd.s32 $0xFFFFF800  }
0xdf: {  	_ =	swait.ge [sflag:s5], $0x800  }
0xe0: {  	[sflag:s5] =	ssyncset.done $0x0  }
0xe1: {  	[sflag:s5] =	ssyncadd.s32 $0xFFFFF800  }
0xe2: {  	_ =	swait.ge [sflag:s5], $0x800  }
0xe3: {  	[sflag:s5] =	ssyncset.done $0x0  }
0xe4: {  	[sflag:s5] =	ssyncadd.s32 $0xFFFFF800  }
0xe5: {  	_ =	swait.ge [sflag:s5], $0x400  }
0xe6: {  	[sflag:s5] =	ssyncset.done $0x0  }
0xe7: {  	s30 =	rddreg [dreg:$0x4];
	[sflag:s5] =	ssyncadd.s32 $0xFFFFFC00  }
0xe8: {  	[hbm4b:s30+s2] =	stream.linear.scatter [tilespmem:s4], [sflag:$0x2], $0x6400, $0x38;
	[tilespmem:$0x7140] =	vst v63  }
0xe9: {  	_ =	swait.ge [sflag:s3], $0x6400  }
0xea: {  	[sflag:s3] =	ssyncset.done $0x0  }
0xeb: {  	[sflag:s3] =	ssyncadd.s32 $0xFFFF9C00  }
0xec: {  	_ =	sfence.sel $0x180000  }
0xed: {  	[bflag:$0x0] =	sbarrier.arrive $0xFFFF  }
0xee: {  	_ =	strace $0x9000004A  }
0xef: {  	s31 =	stileid.u32;
	[bflag:$0x2] =	sbarrier.arrive $0xFFFF  }
0xf0: {  	p0 =	sne.s32 s31, $0x0;
	s0 =	rddreg [dreg:$0x2]  }
0xf1: {  	s0 =	sadd.s32 @!p0 $0x100000, s0  }
0xf2: {  	[sflag:s0] =	ssyncadd.tile.s32 @!p0 $0x1;
	_ =	shalt  }
.Lfunc_end2:
_tile_overlayer_lowered:
.L_overlay_start_2:
0xf3: {  	(tag) =	ssettag $0x2  }
0xf4: {  	s0 =	rddreg [dreg:$0x0];
	s2 =	stileid.u32  }
0xf5: {  	s1 =	rddreg [dreg:$0x1];
	p0 =	sne.s32 s2, $0x0  }
0xf6: {  	s3 =	rddreg [dreg:$0x2];
	[bflag:$0x3] =	sbarrier.arrive $0xFFFF;
	s2 =	simm.s32 @!p0 $0x1C02  }
0xf7: {  	[timem:s3], [sflag:s2] =	dma.local @!p0 [hbm:s0], s1  }
0xf8: {  	s0 =	simm.s32 @!p0 $0x2  }
0xf9: {  	_ =	swait.ge @!p0 [sflag:s0], s1  }
0xfa: {  	s1 =	ssub.s32 @!p0 $0x0, s1;
	[sflag:s0] =	ssyncset.done @!p0 $0x0  }
0xfb: {  	[sflag:s0] =	ssyncadd.s32 @!p0 s1  }
0xfc: {  	[bflag:$0x3] =	sbarrier.arrive $0xFFFF  }
0xfd: {  	_ =	shalt  }

</sc_bundles>
